<compile_context>
chip_gen: v7x
topology: tpu7x:2x2x1
jax: 0.10.2.dev20260603
libtpu: 0.0.44.dev20260713+nightly
codegen_flags: <defaults>
</compile_context>

<pallas_src>
import functools

import jax
import jax.numpy as jnp
from jax import lax
from jax.experimental import pallas as pl
from jax.experimental.pallas import tpu as pltpu
from jax.experimental.pallas import tpu_sc as plsc

N = 10000
E = 320000
D = 128

NC = 2
NS = 16
NW = NC * NS
CHUNK = 128
CW = -(-E // (NW * CHUNK))
CW += CW % 2
EPW = CW * CHUNK
E_PAD = NW * EPW
RPS = 640
N_PAD = NS * RPS
RB = RPS // CHUNK
G = 8
NG = CW // G


def _mesh():
    return plsc.VectorSubcoreMesh(
        core_axis_name="c", subcore_axis_name="s",
        num_cores=NC, num_subcores=NS,
    )


@functools.cache
def _sc_agg():

    def body(x_hbm, src_hbm, dst_hbm, zr_hbm, iota_hbm, agg_hbm,
             src_a, dst_a, idx_v, rows_a, rows_b, sem_a, sem_b, agg_sh):
        c = lax.axis_index("c")
        s = lax.axis_index("s")
        w = c * NS + s
        r0 = s * RPS

        pltpu.sync_copy(zr_hbm, rows_a)
        for b in range(RB):
            pltpu.sync_copy(iota_hbm.at[pl.ds(r0 + b * CHUNK, CHUNK)], idx_v)
            pltpu.sync_copy(rows_a, agg_sh.at[idx_v])
        plsc.subcore_barrier()

        def group(g, carry):
            pltpu.sync_copy(src_hbm.at[w * NG + g], src_a)
            pltpu.sync_copy(dst_hbm.at[w * NG + g], dst_a)
            pltpu.async_copy(x_hbm.at[src_a.at[0]], rows_a, sem_a)
            for m in range(G):
                buf, sem = (rows_a, sem_a) if m % 2 == 0 else (rows_b, sem_b)
                if m < G - 1:
                    nbuf, nsem = ((rows_b, sem_b) if m % 2 == 0
                                  else (rows_a, sem_a))
                    pltpu.async_copy(x_hbm.at[src_a.at[m + 1]], nbuf, nsem)
                pltpu.make_async_copy(x_hbm.at[src_a.at[m]], buf, sem).wait()
                pltpu.sync_copy(buf, agg_sh.at[dst_a.at[m]], add=True)
            return carry

        lax.fori_loop(0, NG, group, 0)
        plsc.subcore_barrier()

        for b in range(RB):
            pltpu.sync_copy(iota_hbm.at[pl.ds(r0 + b * CHUNK, CHUNK)], idx_v)
            pltpu.sync_copy(agg_sh.at[idx_v], rows_a)
            pltpu.sync_copy(rows_a, agg_hbm.at[c, pl.ds(r0 + b * CHUNK, CHUNK)])

    return pl.kernel(
        body,
        out_type=[jax.ShapeDtypeStruct((NC, N_PAD, D), jnp.float32)],
        mesh=_mesh(),
        scratch_types=[
            pltpu.VMEM((G, CHUNK), jnp.int32),
            pltpu.VMEM((G, CHUNK), jnp.int32),
            pltpu.VMEM((CHUNK,), jnp.int32),
            pltpu.VMEM((CHUNK, D), jnp.float32),
            pltpu.VMEM((CHUNK, D), jnp.float32),
            pltpu.SemaphoreType.DMA,
            pltpu.SemaphoreType.DMA,
            pltpu.VMEM_SHARED((N_PAD, D), jnp.float32),
        ],
    )


@functools.cache
def _sc_cnt():

    def body(dst_hbm, zr_hbm, ones_hbm, iota_hbm,
             cnt_hbm, dst8, idx_v, rows_v, sem, cnt_sh):
        c = lax.axis_index("c")
        s = lax.axis_index("s")
        w = c * NS + s
        r0 = s * RPS

        pltpu.sync_copy(zr_hbm, rows_v)
        for b in range(RB):
            pltpu.sync_copy(iota_hbm.at[pl.ds(r0 + b * CHUNK, CHUNK)], idx_v)
            pltpu.sync_copy(rows_v, cnt_sh.at[idx_v])
        pltpu.sync_copy(ones_hbm, rows_v)
        plsc.subcore_barrier()

        def group(g, carry):
            pltpu.sync_copy(dst_hbm.at[w * NG + g], dst8)
            for m in range(G):
                pltpu.async_copy(rows_v, cnt_sh.at[dst8.at[m]], sem, add=True)
            for m in range(G):
                pltpu.make_async_copy(
                    rows_v, cnt_sh.at[dst8.at[m]], sem).wait()
            return carry

        lax.fori_loop(0, NG, group, 0)
        plsc.subcore_barrier()

        for b in range(RB):
            pltpu.sync_copy(iota_hbm.at[pl.ds(r0 + b * CHUNK, CHUNK)], idx_v)
            pltpu.sync_copy(cnt_sh.at[idx_v], rows_v)
            pltpu.sync_copy(rows_v, cnt_hbm.at[c, pl.ds(r0 + b * CHUNK, CHUNK)])

    return pl.kernel(
        body,
        out_type=[jax.ShapeDtypeStruct((NC, N_PAD, D), jnp.float32)],
        mesh=_mesh(),
        scratch_types=[
            pltpu.VMEM((G, CHUNK), jnp.int32),
            pltpu.VMEM((CHUNK,), jnp.int32),
            pltpu.VMEM((CHUNK, D), jnp.float32),
            pltpu.SemaphoreType.DMA,
            pltpu.VMEM_SHARED((N_PAD, D), jnp.float32),
        ],
    )


def _tc_dense_body(relu, agg_ref, cnt_ref, x_ref, wl_ref, wr_ref, b_ref, o_ref):
    agg = agg_ref[0] + agg_ref[1]
    cnt = cnt_ref[0, :, 0:1] + cnt_ref[1, :, 0:1]
    mean = agg / jnp.maximum(cnt, 1.0)
    acc = jnp.dot(mean, wl_ref[...], preferred_element_type=jnp.float32)
    acc += jnp.dot(x_ref[...], wr_ref[...], preferred_element_type=jnp.float32)
    acc += b_ref[...]
    if relu:
        acc = jnp.maximum(acc, 0.0)
    o_ref[...] = acc


_TC_BLK = 1000


def _tc_dense(agg, cnt, x, wl, wr, b, relu):
    grid = N // _TC_BLK
    return pl.pallas_call(
        functools.partial(_tc_dense_body, relu),
        grid=(grid,),
        in_specs=[
            pl.BlockSpec((NC, _TC_BLK, D), lambda i: (0, i, 0)),
            pl.BlockSpec((NC, _TC_BLK, D), lambda i: (0, i, 0)),
            pl.BlockSpec((_TC_BLK, D), lambda i: (i, 0)),
            pl.BlockSpec((D, D), lambda i: (0, 0)),
            pl.BlockSpec((D, D), lambda i: (0, 0)),
            pl.BlockSpec((1, D), lambda i: (0, 0)),
        ],
        out_specs=pl.BlockSpec((_TC_BLK, D), lambda i: (i, 0)),
        out_shape=jax.ShapeDtypeStruct((N, D), jnp.float32),
    )(agg, cnt, x, wl, wr, b)


@jax.jit
def kernel(x, edge_index, W1l, W1r, b1, W2l, W2r, b2):
    src = edge_index[0]
    dst = edge_index[1]
    pad = E_PAD - E
    pad_ids = jnp.arange(pad, dtype=jnp.int32)
    src_p = jnp.concatenate([src, pad_ids % N]).reshape(NW * NG, G, CHUNK)
    dst_p = jnp.concatenate([dst, N + (pad_ids % (N_PAD - N))]).reshape(
        NW * NG, G, CHUNK)

    zr = jnp.zeros((CHUNK, D), jnp.float32)
    onesr = jnp.ones((CHUNK, D), jnp.float32)
    iota = jnp.arange(N_PAD, dtype=jnp.int32)

    (cnt,) = _sc_cnt()(dst_p, zr, onesr, iota)
    (agg1,) = _sc_agg()(x, src_p, dst_p, zr, iota)
    h = _tc_dense(agg1, cnt, x, W1l, W1r, b1.reshape(1, D), relu=True)
    (agg2,) = _sc_agg()(h, src_p, dst_p, zr, iota)
    out = _tc_dense(agg2, cnt, h, W2l, W2r, b2.reshape(1, D), relu=False)
    return out

# --- scband reference (transcript-rebuilt; emitter-appended) ---
"""Pipeline reference for scband-simple-gnn-61933428416928 (READ-ONLY COPY).

The authoritative reference and input builder live on the scoring server;
editing this copy changes nothing except your own understanding.
"""

import jax, jax.numpy as jnp
import numpy as np

N = 10000
E = 320000
D_IN = 128
D_HID = 128
D_OUT = 128


def setup_inputs(seed: int = 0) -> dict:
    key = jax.random.key(seed)
    ks = jax.random.split(key, 8)
    x = jax.random.normal(ks[0], (N, D_IN), dtype=jnp.float32)
    edge_index = jax.random.randint(ks[1], (2, E), 0, N, dtype=jnp.int32)
    s1 = 1.0 / np.sqrt(D_IN)
    s2 = 1.0 / np.sqrt(D_HID)
    W1l = jax.random.uniform(ks[2], (D_IN, D_HID), jnp.float32, -s1, s1)
    W1r = jax.random.uniform(ks[3], (D_IN, D_HID), jnp.float32, -s1, s1)
    b1 = jnp.zeros((D_HID,), jnp.float32)
    W2l = jax.random.uniform(ks[4], (D_HID, D_OUT), jnp.float32, -s2, s2)
    W2r = jax.random.uniform(ks[5], (D_HID, D_OUT), jnp.float32, -s2, s2)
    b2 = jnp.zeros((D_OUT,), jnp.float32)
    return {"x": x, "edge_index": edge_index, "W1l": W1l, "W1r": W1r, "b1": b1, "W2l": W2l, "W2r": W2r, "b2": b2}


def _sage_conv(x, edge_index, Wl, Wr, b):
    # PyG SAGEConv (aggr='mean', root_weight=True):
    #   out = lin_l(mean_{j in N(i)} x_j) + lin_r(x_i) + bias
    src = edge_index[0]
    dst = edge_index[1]
    msgs = jnp.take(x, src, axis=0)                      # gather (SparseCore)
    agg = jnp.zeros_like(x).at[dst].add(msgs)            # scatter-add
    cnt = jnp.zeros((x.shape[0], 1), x.dtype).at[dst].add(1.0)
    mean = agg / jnp.maximum(cnt, 1.0)
    return mean @ Wl + x @ Wr + b


def reference(x, edge_index, W1l, W1r, b1, W2l, W2r, b2):
    # Layer 1 + ReLU (dropout is identity in eval mode)
    h = jax.nn.relu(_sage_conv(x, edge_index, W1l, W1r, b1))
    # Layer 2 (no activation)
    out = _sage_conv(h, edge_index, W2l, W2r, b2)
    return out

if __name__ == "__main__":
    import jax
    _d = setup_inputs()
    print(jax.jit(kernel)(*tuple(_d.values())))

</pallas_src>

<mosaic_0001>
#map = affine_map<(d0, d1) -> (0, 0)>
#map1 = affine_map<(d0, d1) -> (0, 0, 0)>
#map2 = affine_map<(d0, d1) -> (0)>
module attributes {stable_mosaic.version = 14 : i64} {
  func.func @body(%arg0: i32, %arg1: i32, %arg2: memref<10000x128xf32, #tpu.memory_space<hbm>>, %arg3: memref<320x8x128xi32, #tpu.memory_space<hbm>>, %arg4: memref<320x8x128xi32, #tpu.memory_space<hbm>>, %arg5: memref<128x128xf32, #tpu.memory_space<hbm>>, %arg6: memref<10240xi32, #tpu.memory_space<hbm>>, %arg7: memref<2x10240x128xf32, #tpu.memory_space<hbm>>, %arg8: memref<8x128xi32, #tpu.memory_space<vmem>>, %arg9: memref<8x128xi32, #tpu.memory_space<vmem>>, %arg10: memref<128xi32, #tpu.memory_space<vmem>>, %arg11: memref<128x128xf32, #tpu.memory_space<vmem>>, %arg12: memref<128x128xf32, #tpu.memory_space<vmem>>, %arg13: memref<!tpu.dma_semaphore, #tpu.memory_space<semaphore_mem>>, %arg14: memref<!tpu.dma_semaphore, #tpu.memory_space<semaphore_mem>>, %arg15: memref<10240x128xf32, #tpu.memory_space<vmem_shared>>) attributes {dimension_semantics = [#tpu.dimension_semantics<core_parallel>, #tpu.dimension_semantics<subcore_parallel>], iteration_bounds = array<i64: 2, 16>, scalar_prefetch = 0 : i64, scratch_operands = 8 : i64, tpu.core_type = #tpu.core_type<sc_vector_subcore>, window_params = [{transform_indices = #map}, {transform_indices = #map1}, {transform_indices = #map1}, {transform_indices = #map}, {transform_indices = #map2}, {transform_indices = #map1}]} {
    %mul3A = arith.constant 16 : i32
    %mul3A_0 = arith.muli %arg0, %mul3A : i32
    %add3A = arith.addi %mul3A_0, %arg1 : i32
    %mul3A_1 = arith.constant 640 : i32
    %mul3A_2 = arith.muli %arg1, %mul3A_1 : i32
    "tpu.region"() ({
      %run_scoped3A = tpu.sem_alloc : memref<!tpu.dma_semaphore, #tpu.memory_space<semaphore_mem>>
      tpu.enqueue_dma source(%arg5 : memref<128x128xf32, #tpu.memory_space<hbm>>) target(%arg11 : memref<128x128xf32, #tpu.memory_space<vmem>>) target_semaphore(%run_scoped3A : memref<!tpu.dma_semaphore, #tpu.memory_space<semaphore_mem>>)
      tpu.wait_dma2 semaphore(%run_scoped3A : memref<!tpu.dma_semaphore, #tpu.memory_space<semaphore_mem>>) src(%arg5 : memref<128x128xf32, #tpu.memory_space<hbm>>) dst(%arg11 : memref<128x128xf32, #tpu.memory_space<vmem>>)
      tpu.yield
    }) : () -> ()
    %add3A_3 = arith.constant 0 : i32
    %add3A_4 = arith.addi %mul3A_2, %add3A_3 : i32
    "tpu.region"() ({
      %run_scoped3A = tpu.sem_alloc : memref<!tpu.dma_semaphore, #tpu.memory_space<semaphore_mem>>
      %dma_start3A = tpu.memref_slice %arg6[%add3A_4] : memref<10240xi32, #tpu.memory_space<hbm>> -> memref<128xi32, #tpu.memory_space<hbm>>
      %dma_start3A_39 = tpu.memref_slice %arg6[%add3A_4] : memref<10240xi32, #tpu.memory_space<hbm>> -> memref<128xi32, #tpu.memory_space<hbm>>
      tpu.enqueue_dma source(%dma_start3A_39 : memref<128xi32, #tpu.memory_space<hbm>>) target(%arg10 : memref<128xi32, #tpu.memory_space<vmem>>) target_semaphore(%run_scoped3A : memref<!tpu.dma_semaphore, #tpu.memory_space<semaphore_mem>>)
      %dma_wait3A = tpu.memref_slice %arg6[%add3A_4] : memref<10240xi32, #tpu.memory_space<hbm>> -> memref<128xi32, #tpu.memory_space<hbm>>
      %dma_wait3A_40 = tpu.memref_slice %arg6[%add3A_4] : memref<10240xi32, #tpu.memory_space<hbm>> -> memref<128xi32, #tpu.memory_space<hbm>>
      tpu.wait_dma2 semaphore(%run_scoped3A : memref<!tpu.dma_semaphore, #tpu.memory_space<semaphore_mem>>) src(%dma_wait3A_40 : memref<128xi32, #tpu.memory_space<hbm>>) dst(%arg10 : memref<128xi32, #tpu.memory_space<vmem>>)
      tpu.yield
    }) : () -> ()
    "tpu.region"() ({
      %run_scoped3A = tpu.sem_alloc : memref<!tpu.dma_semaphore, #tpu.memory_space<semaphore_mem>>
      %dma_start3A = arith.constant 0 : i32
      %dma_start3A_39 = arith.constant 0 : i32
      %dma_start3A_40 = tpu.memref_slice %arg15[%dma_start3A, %dma_start3A_39] : memref<10240x128xf32, #tpu.memory_space<vmem_shared>> -> memref<10240x128xf32, #tpu.memory_space<vmem_shared>>
      tpu.enqueue_indirect_dma source(%arg11 : memref<128x128xf32, #tpu.memory_space<vmem>>) target(%dma_start3A_40 : memref<10240x128xf32, #tpu.memory_space<vmem_shared>>) offsets(%arg10 : memref<128xi32, #tpu.memory_space<vmem>>) semaphore(%run_scoped3A : memref<!tpu.dma_semaphore, #tpu.memory_space<semaphore_mem>>)
      %dma_wait3A = arith.constant 0 : i32
      %dma_wait3A_41 = arith.constant 0 : i32
      %dma_wait3A_42 = tpu.memref_slice %arg15[%dma_wait3A, %dma_wait3A_41] : memref<10240x128xf32, #tpu.memory_space<vmem_shared>> -> memref<10240x128xf32, #tpu.memory_space<vmem_shared>>
      tpu.wait_indirect_dma semaphore(%run_scoped3A : memref<!tpu.dma_semaphore, #tpu.memory_space<semaphore_mem>>) src(%arg11 : memref<128x128xf32, #tpu.memory_space<vmem>>) dst(%dma_wait3A_42 : memref<10240x128xf32, #tpu.memory_space<vmem_shared>>)
      tpu.yield
    }) : () -> ()
    %add3A_5 = arith.constant 128 : i32
    %add3A_6 = arith.addi %mul3A_2, %add3A_5 : i32
    "tpu.region"() ({
      %run_scoped3A = tpu.sem_alloc : memref<!tpu.dma_semaphore, #tpu.memory_space<semaphore_mem>>
      %dma_start3A = tpu.memref_slice %arg6[%add3A_6] : memref<10240xi32, #tpu.memory_space<hbm>> -> memref<128xi32, #tpu.memory_space<hbm>>
      %dma_start3A_39 = tpu.memref_slice %arg6[%add3A_6] : memref<10240xi32, #tpu.memory_space<hbm>> -> memref<128xi32, #tpu.memory_space<hbm>>
      tpu.enqueue_dma source(%dma_start3A_39 : memref<128xi32, #tpu.memory_space<hbm>>) target(%arg10 : memref<128xi32, #tpu.memory_space<vmem>>) target_semaphore(%run_scoped3A : memref<!tpu.dma_semaphore, #tpu.memory_space<semaphore_mem>>)
      %dma_wait3A = tpu.memref_slice %arg6[%add3A_6] : memref<10240xi32, #tpu.memory_space<hbm>> -> memref<128xi32, #tpu.memory_space<hbm>>
      %dma_wait3A_40 = tpu.memref_slice %arg6[%add3A_6] : memref<10240xi32, #tpu.memory_space<hbm>> -> memref<128xi32, #tpu.memory_space<hbm>>
      tpu.wait_dma2 semaphore(%run_scoped3A : memref<!tpu.dma_semaphore, #tpu.memory_space<semaphore_mem>>) src(%dma_wait3A_40 : memref<128xi32, #tpu.memory_space<hbm>>) dst(%arg10 : memref<128xi32, #tpu.memory_space<vmem>>)
      tpu.yield
    }) : () -> ()
    "tpu.region"() ({
      %run_scoped3A = tpu.sem_alloc : memref<!tpu.dma_semaphore, #tpu.memory_space<semaphore_mem>>
      %dma_start3A = arith.constant 0 : i32
      %dma_start3A_39 = arith.constant 0 : i32
      %dma_start3A_40 = tpu.memref_slice %arg15[%dma_start3A, %dma_start3A_39] : memref<10240x128xf32, #tpu.memory_space<vmem_shared>> -> memref<10240x128xf32, #tpu.memory_space<vmem_shared>>
      tpu.enqueue_indirect_dma source(%arg11 : memref<128x128xf32, #tpu.memory_space<vmem>>) target(%dma_start3A_40 : memref<10240x128xf32, #tpu.memory_space<vmem_shared>>) offsets(%arg10 : memref<128xi32, #tpu.memory_space<vmem>>) semaphore(%run_scoped3A : memref<!tpu.dma_semaphore, #tpu.memory_space<semaphore_mem>>)
      %dma_wait3A = arith.constant 0 : i32
      %dma_wait3A_41 = arith.constant 0 : i32
      %dma_wait3A_42 = tpu.memref_slice %arg15[%dma_wait3A, %dma_wait3A_41] : memref<10240x128xf32, #tpu.memory_space<vmem_shared>> -> memref<10240x128xf32, #tpu.memory_space<vmem_shared>>
      tpu.wait_indirect_dma semaphore(%run_scoped3A : memref<!tpu.dma_semaphore, #tpu.memory_space<semaphore_mem>>) src(%arg11 : memref<128x128xf32, #tpu.memory_space<vmem>>) dst(%dma_wait3A_42 : memref<10240x128xf32, #tpu.memory_space<vmem_shared>>)
      tpu.yield
    }) : () -> ()
    %add3A_7 = arith.constant 256 : i32
    %add3A_8 = arith.addi %mul3A_2, %add3A_7 : i32
    "tpu.region"() ({
      %run_scoped3A = tpu.sem_alloc : memref<!tpu.dma_semaphore, #tpu.memory_space<semaphore_mem>>
      %dma_start3A = tpu.memref_slice %arg6[%add3A_8] : memref<10240xi32, #tpu.memory_space<hbm>> -> memref<128xi32, #tpu.memory_space<hbm>>
      %dma_start3A_39 = tpu.memref_slice %arg6[%add3A_8] : memref<10240xi32, #tpu.memory_space<hbm>> -> memref<128xi32, #tpu.memory_space<hbm>>
      tpu.enqueue_dma source(%dma_start3A_39 : memref<128xi32, #tpu.memory_space<hbm>>) target(%arg10 : memref<128xi32, #tpu.memory_space<vmem>>) target_semaphore(%run_scoped3A : memref<!tpu.dma_semaphore, #tpu.memory_space<semaphore_mem>>)
      %dma_wait3A = tpu.memref_slice %arg6[%add3A_8] : memref<10240xi32, #tpu.memory_space<hbm>> -> memref<128xi32, #tpu.memory_space<hbm>>
      %dma_wait3A_40 = tpu.memref_slice %arg6[%add3A_8] : memref<10240xi32, #tpu.memory_space<hbm>> -> memref<128xi32, #tpu.memory_space<hbm>>
      tpu.wait_dma2 semaphore(%run_scoped3A : memref<!tpu.dma_semaphore, #tpu.memory_space<semaphore_mem>>) src(%dma_wait3A_40 : memref<128xi32, #tpu.memory_space<hbm>>) dst(%arg10 : memref<128xi32, #tpu.memory_space<vmem>>)
      tpu.yield
    }) : () -> ()
    "tpu.region"() ({
      %run_scoped3A = tpu.sem_alloc : memref<!tpu.dma_semaphore, #tpu.memory_space<semaphore_mem>>
      %dma_start3A = arith.constant 0 : i32
      %dma_start3A_39 = arith.constant 0 : i32
      %dma_start3A_40 = tpu.memref_slice %arg15[%dma_start3A, %dma_start3A_39] : memref<10240x128xf32, #tpu.memory_space<vmem_shared>> -> memref<10240x128xf32, #tpu.memory_space<vmem_shared>>
      tpu.enqueue_indirect_dma source(%arg11 : memref<128x128xf32, #tpu.memory_space<vmem>>) target(%dma_start3A_40 : memref<10240x128xf32, #tpu.memory_space<vmem_shared>>) offsets(%arg10 : memref<128xi32, #tpu.memory_space<vmem>>) semaphore(%run_scoped3A : memref<!tpu.dma_semaphore, #tpu.memory_space<semaphore_mem>>)
      %dma_wait3A = arith.constant 0 : i32
      %dma_wait3A_41 = arith.constant 0 : i32
      %dma_wait3A_42 = tpu.memref_slice %arg15[%dma_wait3A, %dma_wait3A_41] : memref<10240x128xf32, #tpu.memory_space<vmem_shared>> -> memref<10240x128xf32, #tpu.memory_space<vmem_shared>>
      tpu.wait_indirect_dma semaphore(%run_scoped3A : memref<!tpu.dma_semaphore, #tpu.memory_space<semaphore_mem>>) src(%arg11 : memref<128x128xf32, #tpu.memory_space<vmem>>) dst(%dma_wait3A_42 : memref<10240x128xf32, #tpu.memory_space<vmem_shared>>)
      tpu.yield
    }) : () -> ()
    %add3A_9 = arith.constant 384 : i32
    %add3A_10 = arith.addi %mul3A_2, %add3A_9 : i32
    "tpu.region"() ({
      %run_scoped3A = tpu.sem_alloc : memref<!tpu.dma_semaphore, #tpu.memory_space<semaphore_mem>>
      %dma_start3A = tpu.memref_slice %arg6[%add3A_10] : memref<10240xi32, #tpu.memory_space<hbm>> -> memref<128xi32, #tpu.memory_space<hbm>>
      %dma_start3A_39 = tpu.memref_slice %arg6[%add3A_10] : memref<10240xi32, #tpu.memory_space<hbm>> -> memref<128xi32, #tpu.memory_space<hbm>>
      tpu.enqueue_dma source(%dma_start3A_39 : memref<128xi32, #tpu.memory_space<hbm>>) target(%arg10 : memref<128xi32, #tpu.memory_space<vmem>>) target_semaphore(%run_scoped3A : memref<!tpu.dma_semaphore, #tpu.memory_space<semaphore_mem>>)
      %dma_wait3A = tpu.memref_slice %arg6[%add3A_10] : memref<10240xi32, #tpu.memory_space<hbm>> -> memref<128xi32, #tpu.memory_space<hbm>>
      %dma_wait3A_40 = tpu.memref_slice %arg6[%add3A_10] : memref<10240xi32, #tpu.memory_space<hbm>> -> memref<128xi32, #tpu.memory_space<hbm>>
      tpu.wait_dma2 semaphore(%run_scoped3A : memref<!tpu.dma_semaphore, #tpu.memory_space<semaphore_mem>>) src(%dma_wait3A_40 : memref<128xi32, #tpu.memory_space<hbm>>) dst(%arg10 : memref<128xi32, #tpu.memory_space<vmem>>)
      tpu.yield
    }) : () -> ()
    "tpu.region"() ({
      %run_scoped3A = tpu.sem_alloc : memref<!tpu.dma_semaphore, #tpu.memory_space<semaphore_mem>>
      %dma_start3A = arith.constant 0 : i32
      %dma_start3A_39 = arith.constant 0 : i32
      %dma_start3A_40 = tpu.memref_slice %arg15[%dma_start3A, %dma_start3A_39] : memref<10240x128xf32, #tpu.memory_space<vmem_shared>> -> memref<10240x128xf32, #tpu.memory_space<vmem_shared>>
      tpu.enqueue_indirect_dma source(%arg11 : memref<128x128xf32, #tpu.memory_space<vmem>>) target(%dma_start3A_40 : memref<10240x128xf32, #tpu.memory_space<vmem_shared>>) offsets(%arg10 : memref<128xi32, #tpu.memory_space<vmem>>) semaphore(%run_scoped3A : memref<!tpu.dma_semaphore, #tpu.memory_space<semaphore_mem>>)
      %dma_wait3A = arith.constant 0 : i32
      %dma_wait3A_41 = arith.constant 0 : i32
      %dma_wait3A_42 = tpu.memref_slice %arg15[%dma_wait3A, %dma_wait3A_41] : memref<10240x128xf32, #tpu.memory_space<vmem_shared>> -> memref<10240x128xf32, #tpu.memory_space<vmem_shared>>
      tpu.wait_indirect_dma semaphore(%run_scoped3A : memref<!tpu.dma_semaphore, #tpu.memory_space<semaphore_mem>>) src(%arg11 : memref<128x128xf32, #tpu.memory_space<vmem>>) dst(%dma_wait3A_42 : memref<10240x128xf32, #tpu.memory_space<vmem_shared>>)
      tpu.yield
    }) : () -> ()
    %add3A_11 = arith.constant 512 : i32
    %add3A_12 = arith.addi %mul3A_2, %add3A_11 : i32
    "tpu.region"() ({
      %run_scoped3A = tpu.sem_alloc : memref<!tpu.dma_semaphore, #tpu.memory_space<semaphore_mem>>
      %dma_start3A = tpu.memref_slice %arg6[%add3A_12] : memref<10240xi32, #tpu.memory_space<hbm>> -> memref<128xi32, #tpu.memory_space<hbm>>
      %dma_start3A_39 = tpu.memref_slice %arg6[%add3A_12] : memref<10240xi32, #tpu.memory_space<hbm>> -> memref<128xi32, #tpu.memory_space<hbm>>
      tpu.enqueue_dma source(%dma_start3A_39 : memref<128xi32, #tpu.memory_space<hbm>>) target(%arg10 : memref<128xi32, #tpu.memory_space<vmem>>) target_semaphore(%run_scoped3A : memref<!tpu.dma_semaphore, #tpu.memory_space<semaphore_mem>>)
      %dma_wait3A = tpu.memref_slice %arg6[%add3A_12] : memref<10240xi32, #tpu.memory_space<hbm>> -> memref<128xi32, #tpu.memory_space<hbm>>
      %dma_wait3A_40 = tpu.memref_slice %arg6[%add3A_12] : memref<10240xi32, #tpu.memory_space<hbm>> -> memref<128xi32, #tpu.memory_space<hbm>>
      tpu.wait_dma2 semaphore(%run_scoped3A : memref<!tpu.dma_semaphore, #tpu.memory_space<semaphore_mem>>) src(%dma_wait3A_40 : memref<128xi32, #tpu.memory_space<hbm>>) dst(%arg10 : memref<128xi32, #tpu.memory_space<vmem>>)
      tpu.yield
    }) : () -> ()
    "tpu.region"() ({
      %run_scoped3A = tpu.sem_alloc : memref<!tpu.dma_semaphore, #tpu.memory_space<semaphore_mem>>
      %dma_start3A = arith.constant 0 : i32
      %dma_start3A_39 = arith.constant 0 : i32
      %dma_start3A_40 = tpu.memref_slice %arg15[%dma_start3A, %dma_start3A_39] : memref<10240x128xf32, #tpu.memory_space<vmem_shared>> -> memref<10240x128xf32, #tpu.memory_space<vmem_shared>>
      tpu.enqueue_indirect_dma source(%arg11 : memref<128x128xf32, #tpu.memory_space<vmem>>) target(%dma_start3A_40 : memref<10240x128xf32, #tpu.memory_space<vmem_shared>>) offsets(%arg10 : memref<128xi32, #tpu.memory_space<vmem>>) semaphore(%run_scoped3A : memref<!tpu.dma_semaphore, #tpu.memory_space<semaphore_mem>>)
      %dma_wait3A = arith.constant 0 : i32
      %dma_wait3A_41 = arith.constant 0 : i32
      %dma_wait3A_42 = tpu.memref_slice %arg15[%dma_wait3A, %dma_wait3A_41] : memref<10240x128xf32, #tpu.memory_space<vmem_shared>> -> memref<10240x128xf32, #tpu.memory_space<vmem_shared>>
      tpu.wait_indirect_dma semaphore(%run_scoped3A : memref<!tpu.dma_semaphore, #tpu.memory_space<semaphore_mem>>) src(%arg11 : memref<128x128xf32, #tpu.memory_space<vmem>>) dst(%dma_wait3A_42 : memref<10240x128xf32, #tpu.memory_space<vmem_shared>>)
      tpu.yield
    }) : () -> ()
    %barrier3A = arith.constant 0 : index
    tpu.barrier barrier_id(%barrier3A)
    %scan3A = arith.constant 0 : i32
    %scan3A_13 = arith.constant 0 : i32
    %scan3A_14 = arith.constant 10 : i32
    %scan3A_15 = arith.addi %scan3A_13, %scan3A_14 : i32
    %scan3A_16 = arith.constant 1 : i32
    scf.for %scan3A_39 = %scan3A_13 to %scan3A_15 step %scan3A_16  : i32 {
      %mul3A_40 = arith.constant 10 : i32
      %mul3A_41 = arith.muli %add3A, %mul3A_40 : i32
      %add3A_42 = arith.addi %mul3A_41, %scan3A_39 : i32
      "tpu.region"() ({
        %run_scoped3A_163 = tpu.sem_alloc : memref<!tpu.dma_semaphore, #tpu.memory_space<semaphore_mem>>
        %dma_start3A_164 = arith.constant 0 : i32
        %dma_start3A_165 = arith.constant 0 : i32
        %dma_start3A_166 = tpu.memref_slice %arg3[%add3A_42, %dma_start3A_164, %dma_start3A_165] : memref<320x8x128xi32, #tpu.memory_space<hbm>> -> memref<1x8x128xi32, #tpu.memory_space<hbm>>
        %dma_start3A_167 = tpu.memref_squeeze %dma_start3A_166 : memref<1x8x128xi32, #tpu.memory_space<hbm>> -> memref<8x128xi32, #tpu.memory_space<hbm>>
        %dma_start3A_168 = arith.constant 0 : i32
        %dma_start3A_169 = arith.constant 0 : i32
        %dma_start3A_170 = tpu.memref_slice %arg3[%add3A_42, %dma_start3A_168, %dma_start3A_169] : memref<320x8x128xi32, #tpu.memory_space<hbm>> -> memref<1x8x128xi32, #tpu.memory_space<hbm>>
        %dma_start3A_171 = tpu.memref_squeeze %dma_start3A_170 : memref<1x8x128xi32, #tpu.memory_space<hbm>> -> memref<8x128xi32, #tpu.memory_space<hbm>>
        tpu.enqueue_dma source(%dma_start3A_171 : memref<8x128xi32, #tpu.memory_space<hbm>>) target(%arg8 : memref<8x128xi32, #tpu.memory_space<vmem>>) target_semaphore(%run_scoped3A_163 : memref<!tpu.dma_semaphore, #tpu.memory_space<semaphore_mem>>)
        %dma_wait3A_172 = arith.constant 0 : i32
        %dma_wait3A_173 = arith.constant 0 : i32
        %dma_wait3A_174 = tpu.memref_slice %arg3[%add3A_42, %dma_wait3A_172, %dma_wait3A_173] : memref<320x8x128xi32, #tpu.memory_space<hbm>> -> memref<1x8x128xi32, #tpu.memory_space<hbm>>
        %dma_wait3A_175 = tpu.memref_squeeze %dma_wait3A_174 : memref<1x8x128xi32, #tpu.memory_space<hbm>> -> memref<8x128xi32, #tpu.memory_space<hbm>>
        %dma_wait3A_176 = arith.constant 0 : i32
        %dma_wait3A_177 = arith.constant 0 : i32
        %dma_wait3A_178 = tpu.memref_slice %arg3[%add3A_42, %dma_wait3A_176, %dma_wait3A_177] : memref<320x8x128xi32, #tpu.memory_space<hbm>> -> memref<1x8x128xi32, #tpu.memory_space<hbm>>
        %dma_wait3A_179 = tpu.memref_squeeze %dma_wait3A_178 : memref<1x8x128xi32, #tpu.memory_space<hbm>> -> memref<8x128xi32, #tpu.memory_space<hbm>>
        tpu.wait_dma2 semaphore(%run_scoped3A_163 : memref<!tpu.dma_semaphore, #tpu.memory_space<semaphore_mem>>) src(%dma_wait3A_179 : memref<8x128xi32, #tpu.memory_space<hbm>>) dst(%arg8 : memref<8x128xi32, #tpu.memory_space<vmem>>)
        tpu.yield
      }) : () -> ()
      %mul3A_43 = arith.constant 10 : i32
      %mul3A_44 = arith.muli %add3A, %mul3A_43 : i32
      %add3A_45 = arith.addi %mul3A_44, %scan3A_39 : i32
      "tpu.region"() ({
        %run_scoped3A_163 = tpu.sem_alloc : memref<!tpu.dma_semaphore, #tpu.memory_space<semaphore_mem>>
        %dma_start3A_164 = arith.constant 0 : i32
        %dma_start3A_165 = arith.constant 0 : i32
        %dma_start3A_166 = tpu.memref_slice %arg4[%add3A_45, %dma_start3A_164, %dma_start3A_165] : memref<320x8x128xi32, #tpu.memory_space<hbm>> -> memref<1x8x128xi32, #tpu.memory_space<hbm>>
        %dma_start3A_167 = tpu.memref_squeeze %dma_start3A_166 : memref<1x8x128xi32, #tpu.memory_space<hbm>> -> memref<8x128xi32, #tpu.memory_space<hbm>>
        %dma_start3A_168 = arith.constant 0 : i32
        %dma_start3A_169 = arith.constant 0 : i32
        %dma_start3A_170 = tpu.memref_slice %arg4[%add3A_45, %dma_start3A_168, %dma_start3A_169] : memref<320x8x128xi32, #tpu.memory_space<hbm>> -> memref<1x8x128xi32, #tpu.memory_space<hbm>>
        %dma_start3A_171 = tpu.memref_squeeze %dma_start3A_170 : memref<1x8x128xi32, #tpu.memory_space<hbm>> -> memref<8x128xi32, #tpu.memory_space<hbm>>
        tpu.enqueue_dma source(%dma_start3A_171 : memref<8x128xi32, #tpu.memory_space<hbm>>) target(%arg9 : memref<8x128xi32, #tpu.memory_space<vmem>>) target_semaphore(%run_scoped3A_163 : memref<!tpu.dma_semaphore, #tpu.memory_space<semaphore_mem>>)
        %dma_wait3A_172 = arith.constant 0 : i32
        %dma_wait3A_173 = arith.constant 0 : i32
        %dma_wait3A_174 = tpu.memref_slice %arg4[%add3A_45, %dma_wait3A_172, %dma_wait3A_173] : memref<320x8x128xi32, #tpu.memory_space<hbm>> -> memref<1x8x128xi32, #tpu.memory_space<hbm>>
        %dma_wait3A_175 = tpu.memref_squeeze %dma_wait3A_174 : memref<1x8x128xi32, #tpu.memory_space<hbm>> -> memref<8x128xi32, #tpu.memory_space<hbm>>
        %dma_wait3A_176 = arith.constant 0 : i32
        %dma_wait3A_177 = arith.constant 0 : i32
        %dma_wait3A_178 = tpu.memref_slice %arg4[%add3A_45, %dma_wait3A_176, %dma_wait3A_177] : memref<320x8x128xi32, #tpu.memory_space<hbm>> -> memref<1x8x128xi32, #tpu.memory_space<hbm>>
        %dma_wait3A_179 = tpu.memref_squeeze %dma_wait3A_178 : memref<1x8x128xi32, #tpu.memory_space<hbm>> -> memref<8x128xi32, #tpu.memory_space<hbm>>
        tpu.wait_dma2 semaphore(%run_scoped3A_163 : memref<!tpu.dma_semaphore, #tpu.memory_space<semaphore_mem>>) src(%dma_wait3A_179 : memref<8x128xi32, #tpu.memory_space<hbm>>) dst(%arg9 : memref<8x128xi32, #tpu.memory_space<vmem>>)
        tpu.yield
      }) : () -> ()
      %dma_start3A = arith.constant 0 : i32
      %dma_start3A_46 = arith.constant 0 : i32
      %dma_start3A_47 = tpu.memref_slice %arg8[%dma_start3A, %dma_start3A_46] : memref<8x128xi32, #tpu.memory_space<vmem>> -> memref<1x128xi32, #tpu.memory_space<vmem>>
      %dma_start3A_48 = tpu.memref_squeeze %dma_start3A_47 : memref<1x128xi32, #tpu.memory_space<vmem>> -> memref<128xi32, #tpu.memory_space<vmem>>
      %dma_start3A_49 = arith.constant 0 : i32
      %dma_start3A_50 = arith.constant 0 : i32
      %dma_start3A_51 = tpu.memref_slice %arg2[%dma_start3A_49, %dma_start3A_50] : memref<10000x128xf32, #tpu.memory_space<hbm>> -> memref<10000x128xf32, #tpu.memory_space<hbm>>
      tpu.enqueue_indirect_dma source(%dma_start3A_51 : memref<10000x128xf32, #tpu.memory_space<hbm>>) target(%arg11 : memref<128x128xf32, #tpu.memory_space<vmem>>) offsets(%dma_start3A_48 : memref<128xi32, #tpu.memory_space<vmem>>) semaphore(%arg13 : memref<!tpu.dma_semaphore, #tpu.memory_space<semaphore_mem>>)
      %dma_start3A_52 = arith.constant 1 : i32
      %dma_start3A_53 = arith.constant 0 : i32
      %dma_start3A_54 = tpu.memref_slice %arg8[%dma_start3A_52, %dma_start3A_53] : memref<8x128xi32, #tpu.memory_space<vmem>> -> memref<1x128xi32, #tpu.memory_space<vmem>>
      %dma_start3A_55 = tpu.memref_squeeze %dma_start3A_54 : memref<1x128xi32, #tpu.memory_space<vmem>> -> memref<128xi32, #tpu.memory_space<vmem>>
      %dma_start3A_56 = arith.constant 0 : i32
      %dma_start3A_57 = arith.constant 0 : i32
      %dma_start3A_58 = tpu.memref_slice %arg2[%dma_start3A_56, %dma_start3A_57] : memref<10000x128xf32, #tpu.memory_space<hbm>> -> memref<10000x128xf32, #tpu.memory_space<hbm>>
      tpu.enqueue_indirect_dma source(%dma_start3A_58 : memref<10000x128xf32, #tpu.memory_space<hbm>>) target(%arg12 : memref<128x128xf32, #tpu.memory_space<vmem>>) offsets(%dma_start3A_55 : memref<128xi32, #tpu.memory_space<vmem>>) semaphore(%arg14 : memref<!tpu.dma_semaphore, #tpu.memory_space<semaphore_mem>>)
      %dma_wait3A = arith.constant 0 : i32
      %dma_wait3A_59 = arith.constant 0 : i32
      %dma_wait3A_60 = tpu.memref_slice %arg8[%dma_wait3A, %dma_wait3A_59] : memref<8x128xi32, #tpu.memory_space<vmem>> -> memref<1x128xi32, #tpu.memory_space<vmem>>
      %dma_wait3A_61 = tpu.memref_squeeze %dma_wait3A_60 : memref<1x128xi32, #tpu.memory_space<vmem>> -> memref<128xi32, #tpu.memory_space<vmem>>
      %dma_wait3A_62 = arith.constant 0 : i32
      %dma_wait3A_63 = arith.constant 0 : i32
      %dma_wait3A_64 = tpu.memref_slice %arg2[%dma_wait3A_62, %dma_wait3A_63] : memref<10000x128xf32, #tpu.memory_space<hbm>> -> memref<10000x128xf32, #tpu.memory_space<hbm>>
      tpu.wait_indirect_dma semaphore(%arg13 : memref<!tpu.dma_semaphore, #tpu.memory_space<semaphore_mem>>) src(%dma_wait3A_64 : memref<10000x128xf32, #tpu.memory_space<hbm>>) dst(%arg11 : memref<128x128xf32, #tpu.memory_space<vmem>>)
      %run_scoped3A = arith.constant 0 : i32
      "tpu.region"() ({
        %run_scoped3A_163 = tpu.sem_alloc : memref<!tpu.dma_semaphore, #tpu.memory_space<semaphore_mem>>
        %dma_start3A_164 = arith.constant 0 : i32
        %dma_start3A_165 = tpu.memref_slice %arg9[%run_scoped3A, %dma_start3A_164] : memref<8x128xi32, #tpu.memory_space<vmem>> -> memref<1x128xi32, #tpu.memory_space<vmem>>
        %dma_start3A_166 = tpu.memref_squeeze %dma_start3A_165 : memref<1x128xi32, #tpu.memory_space<vmem>> -> memref<128xi32, #tpu.memory_space<vmem>>
        %dma_start3A_167 = arith.constant 0 : i32
        %dma_start3A_168 = arith.constant 0 : i32
        %dma_start3A_169 = tpu.memref_slice %arg15[%dma_start3A_167, %dma_start3A_168] : memref<10240x128xf32, #tpu.memory_space<vmem_shared>> -> memref<10240x128xf32, #tpu.memory_space<vmem_shared>>
        tpu.enqueue_indirect_dma source(%arg11 : memref<128x128xf32, #tpu.memory_space<vmem>>) target(%dma_start3A_169 : memref<10240x128xf32, #tpu.memory_space<vmem_shared>>) offsets(%dma_start3A_166 : memref<128xi32, #tpu.memory_space<vmem>>) semaphore(%run_scoped3A_163 : memref<!tpu.dma_semaphore, #tpu.memory_space<semaphore_mem>>) {add = true}
        %dma_wait3A_170 = arith.constant 0 : i32
        %dma_wait3A_171 = tpu.memref_slice %arg9[%run_scoped3A, %dma_wait3A_170] : memref<8x128xi32, #tpu.memory_space<vmem>> -> memref<1x128xi32, #tpu.memory_space<vmem>>
        %dma_wait3A_172 = tpu.memref_squeeze %dma_wait3A_171 : memref<1x128xi32, #tpu.memory_space<vmem>> -> memref<128xi32, #tpu.memory_space<vmem>>
        %dma_wait3A_173 = arith.constant 0 : i32
        %dma_wait3A_174 = arith.constant 0 : i32
        %dma_wait3A_175 = tpu.memref_slice %arg15[%dma_wait3A_173, %dma_wait3A_174] : memref<10240x128xf32, #tpu.memory_space<vmem_shared>> -> memref<10240x128xf32, #tpu.memory_space<vmem_shared>>
        tpu.wait_indirect_dma semaphore(%run_scoped3A_163 : memref<!tpu.dma_semaphore, #tpu.memory_space<semaphore_mem>>) src(%arg11 : memref<128x128xf32, #tpu.memory_space<vmem>>) dst(%dma_wait3A_175 : memref<10240x128xf32, #tpu.memory_space<vmem_shared>>)
        tpu.yield
      }) : () -> ()
      %dma_start3A_65 = arith.constant 2 : i32
      %dma_start3A_66 = arith.constant 0 : i32
      %dma_start3A_67 = tpu.memref_slice %arg8[%dma_start3A_65, %dma_start3A_66] : memref<8x128xi32, #tpu.memory_space<vmem>> -> memref<1x128xi32, #tpu.memory_space<vmem>>
      %dma_start3A_68 = tpu.memref_squeeze %dma_start3A_67 : memref<1x128xi32, #tpu.memory_space<vmem>> -> memref<128xi32, #tpu.memory_space<vmem>>
      %dma_start3A_69 = arith.constant 0 : i32
      %dma_start3A_70 = arith.constant 0 : i32
      %dma_start3A_71 = tpu.memref_slice %arg2[%dma_start3A_69, %dma_start3A_70] : memref<10000x128xf32, #tpu.memory_space<hbm>> -> memref<10000x128xf32, #tpu.memory_space<hbm>>
      tpu.enqueue_indirect_dma source(%dma_start3A_71 : memref<10000x128xf32, #tpu.memory_space<hbm>>) target(%arg11 : memref<128x128xf32, #tpu.memory_space<vmem>>) offsets(%dma_start3A_68 : memref<128xi32, #tpu.memory_space<vmem>>) semaphore(%arg13 : memref<!tpu.dma_semaphore, #tpu.memory_space<semaphore_mem>>)
      %dma_wait3A_72 = arith.constant 1 : i32
      %dma_wait3A_73 = arith.constant 0 : i32
      %dma_wait3A_74 = tpu.memref_slice %arg8[%dma_wait3A_72, %dma_wait3A_73] : memref<8x128xi32, #tpu.memory_space<vmem>> -> memref<1x128xi32, #tpu.memory_space<vmem>>
      %dma_wait3A_75 = tpu.memref_squeeze %dma_wait3A_74 : memref<1x128xi32, #tpu.memory_space<vmem>> -> memref<128xi32, #tpu.memory_space<vmem>>
      %dma_wait3A_76 = arith.constant 0 : i32
      %dma_wait3A_77 = arith.constant 0 : i32
      %dma_wait3A_78 = tpu.memref_slice %arg2[%dma_wait3A_76, %dma_wait3A_77] : memref<10000x128xf32, #tpu.memory_space<hbm>> -> memref<10000x128xf32, #tpu.memory_space<hbm>>
      tpu.wait_indirect_dma semaphore(%arg14 : memref<!tpu.dma_semaphore, #tpu.memory_space<semaphore_mem>>) src(%dma_wait3A_78 : memref<10000x128xf32, #tpu.memory_space<hbm>>) dst(%arg12 : memref<128x128xf32, #tpu.memory_space<vmem>>)
      %run_scoped3A_79 = arith.constant 1 : i32
      "tpu.region"() ({
        %run_scoped3A_163 = tpu.sem_alloc : memref<!tpu.dma_semaphore, #tpu.memory_space<semaphore_mem>>
        %dma_start3A_164 = arith.constant 0 : i32
        %dma_start3A_165 = tpu.memref_slice %arg9[%run_scoped3A_79, %dma_start3A_164] : memref<8x128xi32, #tpu.memory_space<vmem>> -> memref<1x128xi32, #tpu.memory_space<vmem>>
        %dma_start3A_166 = tpu.memref_squeeze %dma_start3A_165 : memref<1x128xi32, #tpu.memory_space<vmem>> -> memref<128xi32, #tpu.memory_space<vmem>>
        %dma_start3A_167 = arith.constant 0 : i32
        %dma_start3A_168 = arith.constant 0 : i32
        %dma_start3A_169 = tpu.memref_slice %arg15[%dma_start3A_167, %dma_start3A_168] : memref<10240x128xf32, #tpu.memory_space<vmem_shared>> -> memref<10240x128xf32, #tpu.memory_space<vmem_shared>>
        tpu.enqueue_indirect_dma source(%arg12 : memref<128x128xf32, #tpu.memory_space<vmem>>) target(%dma_start3A_169 : memref<10240x128xf32, #tpu.memory_space<vmem_shared>>) offsets(%dma_start3A_166 : memref<128xi32, #tpu.memory_space<vmem>>) semaphore(%run_scoped3A_163 : memref<!tpu.dma_semaphore, #tpu.memory_space<semaphore_mem>>) {add = true}
        %dma_wait3A_170 = arith.constant 0 : i32
        %dma_wait3A_171 = tpu.memref_slice %arg9[%run_scoped3A_79, %dma_wait3A_170] : memref<8x128xi32, #tpu.memory_space<vmem>> -> memref<1x128xi32, #tpu.memory_space<vmem>>
        %dma_wait3A_172 = tpu.memref_squeeze %dma_wait3A_171 : memref<1x128xi32, #tpu.memory_space<vmem>> -> memref<128xi32, #tpu.memory_space<vmem>>
        %dma_wait3A_173 = arith.constant 0 : i32
        %dma_wait3A_174 = arith.constant 0 : i32
        %dma_wait3A_175 = tpu.memref_slice %arg15[%dma_wait3A_173, %dma_wait3A_174] : memref<10240x128xf32, #tpu.memory_space<vmem_shared>> -> memref<10240x128xf32, #tpu.memory_space<vmem_shared>>
        tpu.wait_indirect_dma semaphore(%run_scoped3A_163 : memref<!tpu.dma_semaphore, #tpu.memory_space<semaphore_mem>>) src(%arg12 : memref<128x128xf32, #tpu.memory_space<vmem>>) dst(%dma_wait3A_175 : memref<10240x128xf32, #tpu.memory_space<vmem_shared>>)
        tpu.yield
      }) : () -> ()
      %dma_start3A_80 = arith.constant 3 : i32
      %dma_start3A_81 = arith.constant 0 : i32
      %dma_start3A_82 = tpu.memref_slice %arg8[%dma_start3A_80, %dma_start3A_81] : memref<8x128xi32, #tpu.memory_space<vmem>> -> memref<1x128xi32, #tpu.memory_space<vmem>>
      %dma_start3A_83 = tpu.memref_squeeze %dma_start3A_82 : memref<1x128xi32, #tpu.memory_space<vmem>> -> memref<128xi32, #tpu.memory_space<vmem>>
      %dma_start3A_84 = arith.constant 0 : i32
      %dma_start3A_85 = arith.constant 0 : i32
      %dma_start3A_86 = tpu.memref_slice %arg2[%dma_start3A_84, %dma_start3A_85] : memref<10000x128xf32, #tpu.memory_space<hbm>> -> memref<10000x128xf32, #tpu.memory_space<hbm>>
      tpu.enqueue_indirect_dma source(%dma_start3A_86 : memref<10000x128xf32, #tpu.memory_space<hbm>>) target(%arg12 : memref<128x128xf32, #tpu.memory_space<vmem>>) offsets(%dma_start3A_83 : memref<128xi32, #tpu.memory_space<vmem>>) semaphore(%arg14 : memref<!tpu.dma_semaphore, #tpu.memory_space<semaphore_mem>>)
      %dma_wait3A_87 = arith.constant 2 : i32
      %dma_wait3A_88 = arith.constant 0 : i32
      %dma_wait3A_89 = tpu.memref_slice %arg8[%dma_wait3A_87, %dma_wait3A_88] : memref<8x128xi32, #tpu.memory_space<vmem>> -> memref<1x128xi32, #tpu.memory_space<vmem>>
      %dma_wait3A_90 = tpu.memref_squeeze %dma_wait3A_89 : memref<1x128xi32, #tpu.memory_space<vmem>> -> memref<128xi32, #tpu.memory_space<vmem>>
      %dma_wait3A_91 = arith.constant 0 : i32
      %dma_wait3A_92 = arith.constant 0 : i32
      %dma_wait3A_93 = tpu.memref_slice %arg2[%dma_wait3A_91, %dma_wait3A_92] : memref<10000x128xf32, #tpu.memory_space<hbm>> -> memref<10000x128xf32, #tpu.memory_space<hbm>>
      tpu.wait_indirect_dma semaphore(%arg13 : memref<!tpu.dma_semaphore, #tpu.memory_space<semaphore_mem>>) src(%dma_wait3A_93 : memref<10000x128xf32, #tpu.memory_space<hbm>>) dst(%arg11 : memref<128x128xf32, #tpu.memory_space<vmem>>)
      %run_scoped3A_94 = arith.constant 2 : i32
      "tpu.region"() ({
        %run_scoped3A_163 = tpu.sem_alloc : memref<!tpu.dma_semaphore, #tpu.memory_space<semaphore_mem>>
        %dma_start3A_164 = arith.constant 0 : i32
        %dma_start3A_165 = tpu.memref_slice %arg9[%run_scoped3A_94, %dma_start3A_164] : memref<8x128xi32, #tpu.memory_space<vmem>> -> memref<1x128xi32, #tpu.memory_space<vmem>>
        %dma_start3A_166 = tpu.memref_squeeze %dma_start3A_165 : memref<1x128xi32, #tpu.memory_space<vmem>> -> memref<128xi32, #tpu.memory_space<vmem>>
        %dma_start3A_167 = arith.constant 0 : i32
        %dma_start3A_168 = arith.constant 0 : i32
        %dma_start3A_169 = tpu.memref_slice %arg15[%dma_start3A_167, %dma_start3A_168] : memref<10240x128xf32, #tpu.memory_space<vmem_shared>> -> memref<10240x128xf32, #tpu.memory_space<vmem_shared>>
        tpu.enqueue_indirect_dma source(%arg11 : memref<128x128xf32, #tpu.memory_space<vmem>>) target(%dma_start3A_169 : memref<10240x128xf32, #tpu.memory_space<vmem_shared>>) offsets(%dma_start3A_166 : memref<128xi32, #tpu.memory_space<vmem>>) semaphore(%run_scoped3A_163 : memref<!tpu.dma_semaphore, #tpu.memory_space<semaphore_mem>>) {add = true}
        %dma_wait3A_170 = arith.constant 0 : i32
        %dma_wait3A_171 = tpu.memref_slice %arg9[%run_scoped3A_94, %dma_wait3A_170] : memref<8x128xi32, #tpu.memory_space<vmem>> -> memref<1x128xi32, #tpu.memory_space<vmem>>
        %dma_wait3A_172 = tpu.memref_squeeze %dma_wait3A_171 : memref<1x128xi32, #tpu.memory_space<vmem>> -> memref<128xi32, #tpu.memory_space<vmem>>
        %dma_wait3A_173 = arith.constant 0 : i32
        %dma_wait3A_174 = arith.constant 0 : i32
        %dma_wait3A_175 = tpu.memref_slice %arg15[%dma_wait3A_173, %dma_wait3A_174] : memref<10240x128xf32, #tpu.memory_space<vmem_shared>> -> memref<10240x128xf32, #tpu.memory_space<vmem_shared>>
        tpu.wait_indirect_dma semaphore(%run_scoped3A_163 : memref<!tpu.dma_semaphore, #tpu.memory_space<semaphore_mem>>) src(%arg11 : memref<128x128xf32, #tpu.memory_space<vmem>>) dst(%dma_wait3A_175 : memref<10240x128xf32, #tpu.memory_space<vmem_shared>>)
        tpu.yield
      }) : () -> ()
      %dma_start3A_95 = arith.constant 4 : i32
      %dma_start3A_96 = arith.constant 0 : i32
      %dma_start3A_97 = tpu.memref_slice %arg8[%dma_start3A_95, %dma_start3A_96] : memref<8x128xi32, #tpu.memory_space<vmem>> -> memref<1x128xi32, #tpu.memory_space<vmem>>
      %dma_start3A_98 = tpu.memref_squeeze %dma_start3A_97 : memref<1x128xi32, #tpu.memory_space<vmem>> -> memref<128xi32, #tpu.memory_space<vmem>>
      %dma_start3A_99 = arith.constant 0 : i32
      %dma_start3A_100 = arith.constant 0 : i32
      %dma_start3A_101 = tpu.memref_slice %arg2[%dma_start3A_99, %dma_start3A_100] : memref<10000x128xf32, #tpu.memory_space<hbm>> -> memref<10000x128xf32, #tpu.memory_space<hbm>>
      tpu.enqueue_indirect_dma source(%dma_start3A_101 : memref<10000x128xf32, #tpu.memory_space<hbm>>) target(%arg11 : memref<128x128xf32, #tpu.memory_space<vmem>>) offsets(%dma_start3A_98 : memref<128xi32, #tpu.memory_space<vmem>>) semaphore(%arg13 : memref<!tpu.dma_semaphore, #tpu.memory_space<semaphore_mem>>)
      %dma_wait3A_102 = arith.constant 3 : i32
      %dma_wait3A_103 = arith.constant 0 : i32
      %dma_wait3A_104 = tpu.memref_slice %arg8[%dma_wait3A_102, %dma_wait3A_103] : memref<8x128xi32, #tpu.memory_space<vmem>> -> memref<1x128xi32, #tpu.memory_space<vmem>>
      %dma_wait3A_105 = tpu.memref_squeeze %dma_wait3A_104 : memref<1x128xi32, #tpu.memory_space<vmem>> -> memref<128xi32, #tpu.memory_space<vmem>>
      %dma_wait3A_106 = arith.constant 0 : i32
      %dma_wait3A_107 = arith.constant 0 : i32
      %dma_wait3A_108 = tpu.memref_slice %arg2[%dma_wait3A_106, %dma_wait3A_107] : memref<10000x128xf32, #tpu.memory_space<hbm>> -> memref<10000x128xf32, #tpu.memory_space<hbm>>
      tpu.wait_indirect_dma semaphore(%arg14 : memref<!tpu.dma_semaphore, #tpu.memory_space<semaphore_mem>>) src(%dma_wait3A_108 : memref<10000x128xf32, #tpu.memory_space<hbm>>) dst(%arg12 : memref<128x128xf32, #tpu.memory_space<vmem>>)
      %run_scoped3A_109 = arith.constant 3 : i32
      "tpu.region"() ({
        %run_scoped3A_163 = tpu.sem_alloc : memref<!tpu.dma_semaphore, #tpu.memory_space<semaphore_mem>>
        %dma_start3A_164 = arith.constant 0 : i32
        %dma_start3A_165 = tpu.memref_slice %arg9[%run_scoped3A_109, %dma_start3A_164] : memref<8x128xi32, #tpu.memory_space<vmem>> -> memref<1x128xi32, #tpu.memory_space<vmem>>
        %dma_start3A_166 = tpu.memref_squeeze %dma_start3A_165 : memref<1x128xi32, #tpu.memory_space<vmem>> -> memref<128xi32, #tpu.memory_space<vmem>>
        %dma_start3A_167 = arith.constant 0 : i32
        %dma_start3A_168 = arith.constant 0 : i32
        %dma_start3A_169 = tpu.memref_slice %arg15[%dma_start3A_167, %dma_start3A_168] : memref<10240x128xf32, #tpu.memory_space<vmem_shared>> -> memref<10240x128xf32, #tpu.memory_space<vmem_shared>>
        tpu.enqueue_indirect_dma source(%arg12 : memref<128x128xf32, #tpu.memory_space<vmem>>) target(%dma_start3A_169 : memref<10240x128xf32, #tpu.memory_space<vmem_shared>>) offsets(%dma_start3A_166 : memref<128xi32, #tpu.memory_space<vmem>>) semaphore(%run_scoped3A_163 : memref<!tpu.dma_semaphore, #tpu.memory_space<semaphore_mem>>) {add = true}
        %dma_wait3A_170 = arith.constant 0 : i32
        %dma_wait3A_171 = tpu.memref_slice %arg9[%run_scoped3A_109, %dma_wait3A_170] : memref<8x128xi32, #tpu.memory_space<vmem>> -> memref<1x128xi32, #tpu.memory_space<vmem>>
        %dma_wait3A_172 = tpu.memref_squeeze %dma_wait3A_171 : memref<1x128xi32, #tpu.memory_space<vmem>> -> memref<128xi32, #tpu.memory_space<vmem>>
        %dma_wait3A_173 = arith.constant 0 : i32
        %dma_wait3A_174 = arith.constant 0 : i32
        %dma_wait3A_175 = tpu.memref_slice %arg15[%dma_wait3A_173, %dma_wait3A_174] : memref<10240x128xf32, #tpu.memory_space<vmem_shared>> -> memref<10240x128xf32, #tpu.memory_space<vmem_shared>>
        tpu.wait_indirect_dma semaphore(%run_scoped3A_163 : memref<!tpu.dma_semaphore, #tpu.memory_space<semaphore_mem>>) src(%arg12 : memref<128x128xf32, #tpu.memory_space<vmem>>) dst(%dma_wait3A_175 : memref<10240x128xf32, #tpu.memory_space<vmem_shared>>)
        tpu.yield
      }) : () -> ()
      %dma_start3A_110 = arith.constant 5 : i32
      %dma_start3A_111 = arith.constant 0 : i32
      %dma_start3A_112 = tpu.memref_slice %arg8[%dma_start3A_110, %dma_start3A_111] : memref<8x128xi32, #tpu.memory_space<vmem>> -> memref<1x128xi32, #tpu.memory_space<vmem>>
      %dma_start3A_113 = tpu.memref_squeeze %dma_start3A_112 : memref<1x128xi32, #tpu.memory_space<vmem>> -> memref<128xi32, #tpu.memory_space<vmem>>
      %dma_start3A_114 = arith.constant 0 : i32
      %dma_start3A_115 = arith.constant 0 : i32
      %dma_start3A_116 = tpu.memref_slice %arg2[%dma_start3A_114, %dma_start3A_115] : memref<10000x128xf32, #tpu.memory_space<hbm>> -> memref<10000x128xf32, #tpu.memory_space<hbm>>
      tpu.enqueue_indirect_dma source(%dma_start3A_116 : memref<10000x128xf32, #tpu.memory_space<hbm>>) target(%arg12 : memref<128x128xf32, #tpu.memory_space<vmem>>) offsets(%dma_start3A_113 : memref<128xi32, #tpu.memory_space<vmem>>) semaphore(%arg14 : memref<!tpu.dma_semaphore, #tpu.memory_space<semaphore_mem>>)
      %dma_wait3A_117 = arith.constant 4 : i32
      %dma_wait3A_118 = arith.constant 0 : i32
      %dma_wait3A_119 = tpu.memref_slice %arg8[%dma_wait3A_117, %dma_wait3A_118] : memref<8x128xi32, #tpu.memory_space<vmem>> -> memref<1x128xi32, #tpu.memory_space<vmem>>
      %dma_wait3A_120 = tpu.memref_squeeze %dma_wait3A_119 : memref<1x128xi32, #tpu.memory_space<vmem>> -> memref<128xi32, #tpu.memory_space<vmem>>
      %dma_wait3A_121 = arith.constant 0 : i32
      %dma_wait3A_122 = arith.constant 0 : i32
      %dma_wait3A_123 = tpu.memref_slice %arg2[%dma_wait3A_121, %dma_wait3A_122] : memref<10000x128xf32, #tpu.memory_space<hbm>> -> memref<10000x128xf32, #tpu.memory_space<hbm>>
      tpu.wait_indirect_dma semaphore(%arg13 : memref<!tpu.dma_semaphore, #tpu.memory_space<semaphore_mem>>) src(%dma_wait3A_123 : memref<10000x128xf32, #tpu.memory_space<hbm>>) dst(%arg11 : memref<128x128xf32, #tpu.memory_space<vmem>>)
      %run_scoped3A_124 = arith.constant 4 : i32
      "tpu.region"() ({
        %run_scoped3A_163 = tpu.sem_alloc : memref<!tpu.dma_semaphore, #tpu.memory_space<semaphore_mem>>
        %dma_start3A_164 = arith.constant 0 : i32
        %dma_start3A_165 = tpu.memref_slice %arg9[%run_scoped3A_124, %dma_start3A_164] : memref<8x128xi32, #tpu.memory_space<vmem>> -> memref<1x128xi32, #tpu.memory_space<vmem>>
        %dma_start3A_166 = tpu.memref_squeeze %dma_start3A_165 : memref<1x128xi32, #tpu.memory_space<vmem>> -> memref<128xi32, #tpu.memory_space<vmem>>
        %dma_start3A_167 = arith.constant 0 : i32
        %dma_start3A_168 = arith.constant 0 : i32
        %dma_start3A_169 = tpu.memref_slice %arg15[%dma_start3A_167, %dma_start3A_168] : memref<10240x128xf32, #tpu.memory_space<vmem_shared>> -> memref<10240x128xf32, #tpu.memory_space<vmem_shared>>
        tpu.enqueue_indirect_dma source(%arg11 : memref<128x128xf32, #tpu.memory_space<vmem>>) target(%dma_start3A_169 : memref<10240x128xf32, #tpu.memory_space<vmem_shared>>) offsets(%dma_start3A_166 : memref<128xi32, #tpu.memory_space<vmem>>) semaphore(%run_scoped3A_163 : memref<!tpu.dma_semaphore, #tpu.memory_space<semaphore_mem>>) {add = true}
        %dma_wait3A_170 = arith.constant 0 : i32
        %dma_wait3A_171 = tpu.memref_slice %arg9[%run_scoped3A_124, %dma_wait3A_170] : memref<8x128xi32, #tpu.memory_space<vmem>> -> memref<1x128xi32, #tpu.memory_space<vmem>>
        %dma_wait3A_172 = tpu.memref_squeeze %dma_wait3A_171 : memref<1x128xi32, #tpu.memory_space<vmem>> -> memref<128xi32, #tpu.memory_space<vmem>>
        %dma_wait3A_173 = arith.constant 0 : i32
        %dma_wait3A_174 = arith.constant 0 : i32
        %dma_wait3A_175 = tpu.memref_slice %arg15[%dma_wait3A_173, %dma_wait3A_174] : memref<10240x128xf32, #tpu.memory_space<vmem_shared>> -> memref<10240x128xf32, #tpu.memory_space<vmem_shared>>
        tpu.wait_indirect_dma semaphore(%run_scoped3A_163 : memref<!tpu.dma_semaphore, #tpu.memory_space<semaphore_mem>>) src(%arg11 : memref<128x128xf32, #tpu.memory_space<vmem>>) dst(%dma_wait3A_175 : memref<10240x128xf32, #tpu.memory_space<vmem_shared>>)
        tpu.yield
      }) : () -> ()
      %dma_start3A_125 = arith.constant 6 : i32
      %dma_start3A_126 = arith.constant 0 : i32
      %dma_start3A_127 = tpu.memref_slice %arg8[%dma_start3A_125, %dma_start3A_126] : memref<8x128xi32, #tpu.memory_space<vmem>> -> memref<1x128xi32, #tpu.memory_space<vmem>>
      %dma_start3A_128 = tpu.memref_squeeze %dma_start3A_127 : memref<1x128xi32, #tpu.memory_space<vmem>> -> memref<128xi32, #tpu.memory_space<vmem>>
      %dma_start3A_129 = arith.constant 0 : i32
      %dma_start3A_130 = arith.constant 0 : i32
      %dma_start3A_131 = tpu.memref_slice %arg2[%dma_start3A_129, %dma_start3A_130] : memref<10000x128xf32, #tpu.memory_space<hbm>> -> memref<10000x128xf32, #tpu.memory_space<hbm>>
      tpu.enqueue_indirect_dma source(%dma_start3A_131 : memref<10000x128xf32, #tpu.memory_space<hbm>>) target(%arg11 : memref<128x128xf32, #tpu.memory_space<vmem>>) offsets(%dma_start3A_128 : memref<128xi32, #tpu.memory_space<vmem>>) semaphore(%arg13 : memref<!tpu.dma_semaphore, #tpu.memory_space<semaphore_mem>>)
      %dma_wait3A_132 = arith.constant 5 : i32
      %dma_wait3A_133 = arith.constant 0 : i32
      %dma_wait3A_134 = tpu.memref_slice %arg8[%dma_wait3A_132, %dma_wait3A_133] : memref<8x128xi32, #tpu.memory_space<vmem>> -> memref<1x128xi32, #tpu.memory_space<vmem>>
      %dma_wait3A_135 = tpu.memref_squeeze %dma_wait3A_134 : memref<1x128xi32, #tpu.memory_space<vmem>> -> memref<128xi32, #tpu.memory_space<vmem>>
      %dma_wait3A_136 = arith.constant 0 : i32
      %dma_wait3A_137 = arith.constant 0 : i32
      %dma_wait3A_138 = tpu.memref_slice %arg2[%dma_wait3A_136, %dma_wait3A_137] : memref<10000x128xf32, #tpu.memory_space<hbm>> -> memref<10000x128xf32, #tpu.memory_space<hbm>>
      tpu.wait_indirect_dma semaphore(%arg14 : memref<!tpu.dma_semaphore, #tpu.memory_space<semaphore_mem>>) src(%dma_wait3A_138 : memref<10000x128xf32, #tpu.memory_space<hbm>>) dst(%arg12 : memref<128x128xf32, #tpu.memory_space<vmem>>)
      %run_scoped3A_139 = arith.constant 5 : i32
      "tpu.region"() ({
        %run_scoped3A_163 = tpu.sem_alloc : memref<!tpu.dma_semaphore, #tpu.memory_space<semaphore_mem>>
        %dma_start3A_164 = arith.constant 0 : i32
        %dma_start3A_165 = tpu.memref_slice %arg9[%run_scoped3A_139, %dma_start3A_164] : memref<8x128xi32, #tpu.memory_space<vmem>> -> memref<1x128xi32, #tpu.memory_space<vmem>>
        %dma_start3A_166 = tpu.memref_squeeze %dma_start3A_165 : memref<1x128xi32, #tpu.memory_space<vmem>> -> memref<128xi32, #tpu.memory_space<vmem>>
        %dma_start3A_167 = arith.constant 0 : i32
        %dma_start3A_168 = arith.constant 0 : i32
        %dma_start3A_169 = tpu.memref_slice %arg15[%dma_start3A_167, %dma_start3A_168] : memref<10240x128xf32, #tpu.memory_space<vmem_shared>> -> memref<10240x128xf32, #tpu.memory_space<vmem_shared>>
        tpu.enqueue_indirect_dma source(%arg12 : memref<128x128xf32, #tpu.memory_space<vmem>>) target(%dma_start3A_169 : memref<10240x128xf32, #tpu.memory_space<vmem_shared>>) offsets(%dma_start3A_166 : memref<128xi32, #tpu.memory_space<vmem>>) semaphore(%run_scoped3A_163 : memref<!tpu.dma_semaphore, #tpu.memory_space<semaphore_mem>>) {add = true}
        %dma_wait3A_170 = arith.constant 0 : i32
        %dma_wait3A_171 = tpu.memref_slice %arg9[%run_scoped3A_139, %dma_wait3A_170] : memref<8x128xi32, #tpu.memory_space<vmem>> -> memref<1x128xi32, #tpu.memory_space<vmem>>
        %dma_wait3A_172 = tpu.memref_squeeze %dma_wait3A_171 : memref<1x128xi32, #tpu.memory_space<vmem>> -> memref<128xi32, #tpu.memory_space<vmem>>
        %dma_wait3A_173 = arith.constant 0 : i32
        %dma_wait3A_174 = arith.constant 0 : i32
        %dma_wait3A_175 = tpu.memref_slice %arg15[%dma_wait3A_173, %dma_wait3A_174] : memref<10240x128xf32, #tpu.memory_space<vmem_shared>> -> memref<10240x128xf32, #tpu.memory_space<vmem_shared>>
        tpu.wait_indirect_dma semaphore(%run_scoped3A_163 : memref<!tpu.dma_semaphore, #tpu.memory_space<semaphore_mem>>) src(%arg12 : memref<128x128xf32, #tpu.memory_space<vmem>>) dst(%dma_wait3A_175 : memref<10240x128xf32, #tpu.memory_space<vmem_shared>>)
        tpu.yield
      }) : () -> ()
      %dma_start3A_140 = arith.constant 7 : i32
      %dma_start3A_141 = arith.constant 0 : i32
      %dma_start3A_142 = tpu.memref_slice %arg8[%dma_start3A_140, %dma_start3A_141] : memref<8x128xi32, #tpu.memory_space<vmem>> -> memref<1x128xi32, #tpu.memory_space<vmem>>
      %dma_start3A_143 = tpu.memref_squeeze %dma_start3A_142 : memref<1x128xi32, #tpu.memory_space<vmem>> -> memref<128xi32, #tpu.memory_space<vmem>>
      %dma_start3A_144 = arith.constant 0 : i32
      %dma_start3A_145 = arith.constant 0 : i32
      %dma_start3A_146 = tpu.memref_slice %arg2[%dma_start3A_144, %dma_start3A_145] : memref<10000x128xf32, #tpu.memory_space<hbm>> -> memref<10000x128xf32, #tpu.memory_space<hbm>>
      tpu.enqueue_indirect_dma source(%dma_start3A_146 : memref<10000x128xf32, #tpu.memory_space<hbm>>) target(%arg12 : memref<128x128xf32, #tpu.memory_space<vmem>>) offsets(%dma_start3A_143 : memref<128xi32, #tpu.memory_space<vmem>>) semaphore(%arg14 : memref<!tpu.dma_semaphore, #tpu.memory_space<semaphore_mem>>)
      %dma_wait3A_147 = arith.constant 6 : i32
      %dma_wait3A_148 = arith.constant 0 : i32
      %dma_wait3A_149 = tpu.memref_slice %arg8[%dma_wait3A_147, %dma_wait3A_148] : memref<8x128xi32, #tpu.memory_space<vmem>> -> memref<1x128xi32, #tpu.memory_space<vmem>>
      %dma_wait3A_150 = tpu.memref_squeeze %dma_wait3A_149 : memref<1x128xi32, #tpu.memory_space<vmem>> -> memref<128xi32, #tpu.memory_space<vmem>>
      %dma_wait3A_151 = arith.constant 0 : i32
      %dma_wait3A_152 = arith.constant 0 : i32
      %dma_wait3A_153 = tpu.memref_slice %arg2[%dma_wait3A_151, %dma_wait3A_152] : memref<10000x128xf32, #tpu.memory_space<hbm>> -> memref<10000x128xf32, #tpu.memory_space<hbm>>
      tpu.wait_indirect_dma semaphore(%arg13 : memref<!tpu.dma_semaphore, #tpu.memory_space<semaphore_mem>>) src(%dma_wait3A_153 : memref<10000x128xf32, #tpu.memory_space<hbm>>) dst(%arg11 : memref<128x128xf32, #tpu.memory_space<vmem>>)
      %run_scoped3A_154 = arith.constant 6 : i32
      "tpu.region"() ({
        %run_scoped3A_163 = tpu.sem_alloc : memref<!tpu.dma_semaphore, #tpu.memory_space<semaphore_mem>>
        %dma_start3A_164 = arith.constant 0 : i32
        %dma_start3A_165 = tpu.memref_slice %arg9[%run_scoped3A_154, %dma_start3A_164] : memref<8x128xi32, #tpu.memory_space<vmem>> -> memref<1x128xi32, #tpu.memory_space<vmem>>
        %dma_start3A_166 = tpu.memref_squeeze %dma_start3A_165 : memref<1x128xi32, #tpu.memory_space<vmem>> -> memref<128xi32, #tpu.memory_space<vmem>>
        %dma_start3A_167 = arith.constant 0 : i32
        %dma_start3A_168 = arith.constant 0 : i32
        %dma_start3A_169 = tpu.memref_slice %arg15[%dma_start3A_167, %dma_start3A_168] : memref<10240x128xf32, #tpu.memory_space<vmem_shared>> -> memref<10240x128xf32, #tpu.memory_space<vmem_shared>>
        tpu.enqueue_indirect_dma source(%arg11 : memref<128x128xf32, #tpu.memory_space<vmem>>) target(%dma_start3A_169 : memref<10240x128xf32, #tpu.memory_space<vmem_shared>>) offsets(%dma_start3A_166 : memref<128xi32, #tpu.memory_space<vmem>>) semaphore(%run_scoped3A_163 : memref<!tpu.dma_semaphore, #tpu.memory_space<semaphore_mem>>) {add = true}
        %dma_wait3A_170 = arith.constant 0 : i32
        %dma_wait3A_171 = tpu.memref_slice %arg9[%run_scoped3A_154, %dma_wait3A_170] : memref<8x128xi32, #tpu.memory_space<vmem>> -> memref<1x128xi32, #tpu.memory_space<vmem>>
        %dma_wait3A_172 = tpu.memref_squeeze %dma_wait3A_171 : memref<1x128xi32, #tpu.memory_space<vmem>> -> memref<128xi32, #tpu.memory_space<vmem>>
        %dma_wait3A_173 = arith.constant 0 : i32
        %dma_wait3A_174 = arith.constant 0 : i32
        %dma_wait3A_175 = tpu.memref_slice %arg15[%dma_wait3A_173, %dma_wait3A_174] : memref<10240x128xf32, #tpu.memory_space<vmem_shared>> -> memref<10240x128xf32, #tpu.memory_space<vmem_shared>>
        tpu.wait_indirect_dma semaphore(%run_scoped3A_163 : memref<!tpu.dma_semaphore, #tpu.memory_space<semaphore_mem>>) src(%arg11 : memref<128x128xf32, #tpu.memory_space<vmem>>) dst(%dma_wait3A_175 : memref<10240x128xf32, #tpu.memory_space<vmem_shared>>)
        tpu.yield
      }) : () -> ()
      %dma_wait3A_155 = arith.constant 7 : i32
      %dma_wait3A_156 = arith.constant 0 : i32
      %dma_wait3A_157 = tpu.memref_slice %arg8[%dma_wait3A_155, %dma_wait3A_156] : memref<8x128xi32, #tpu.memory_space<vmem>> -> memref<1x128xi32, #tpu.memory_space<vmem>>
      %dma_wait3A_158 = tpu.memref_squeeze %dma_wait3A_157 : memref<1x128xi32, #tpu.memory_space<vmem>> -> memref<128xi32, #tpu.memory_space<vmem>>
      %dma_wait3A_159 = arith.constant 0 : i32
      %dma_wait3A_160 = arith.constant 0 : i32
      %dma_wait3A_161 = tpu.memref_slice %arg2[%dma_wait3A_159, %dma_wait3A_160] : memref<10000x128xf32, #tpu.memory_space<hbm>> -> memref<10000x128xf32, #tpu.memory_space<hbm>>
      tpu.wait_indirect_dma semaphore(%arg14 : memref<!tpu.dma_semaphore, #tpu.memory_space<semaphore_mem>>) src(%dma_wait3A_161 : memref<10000x128xf32, #tpu.memory_space<hbm>>) dst(%arg12 : memref<128x128xf32, #tpu.memory_space<vmem>>)
      %run_scoped3A_162 = arith.constant 7 : i32
      "tpu.region"() ({
        %run_scoped3A_163 = tpu.sem_alloc : memref<!tpu.dma_semaphore, #tpu.memory_space<semaphore_mem>>
        %dma_start3A_164 = arith.constant 0 : i32
        %dma_start3A_165 = tpu.memref_slice %arg9[%run_scoped3A_162, %dma_start3A_164] : memref<8x128xi32, #tpu.memory_space<vmem>> -> memref<1x128xi32, #tpu.memory_space<vmem>>
        %dma_start3A_166 = tpu.memref_squeeze %dma_start3A_165 : memref<1x128xi32, #tpu.memory_space<vmem>> -> memref<128xi32, #tpu.memory_space<vmem>>
        %dma_start3A_167 = arith.constant 0 : i32
        %dma_start3A_168 = arith.constant 0 : i32
        %dma_start3A_169 = tpu.memref_slice %arg15[%dma_start3A_167, %dma_start3A_168] : memref<10240x128xf32, #tpu.memory_space<vmem_shared>> -> memref<10240x128xf32, #tpu.memory_space<vmem_shared>>
        tpu.enqueue_indirect_dma source(%arg12 : memref<128x128xf32, #tpu.memory_space<vmem>>) target(%dma_start3A_169 : memref<10240x128xf32, #tpu.memory_space<vmem_shared>>) offsets(%dma_start3A_166 : memref<128xi32, #tpu.memory_space<vmem>>) semaphore(%run_scoped3A_163 : memref<!tpu.dma_semaphore, #tpu.memory_space<semaphore_mem>>) {add = true}
        %dma_wait3A_170 = arith.constant 0 : i32
        %dma_wait3A_171 = tpu.memref_slice %arg9[%run_scoped3A_162, %dma_wait3A_170] : memref<8x128xi32, #tpu.memory_space<vmem>> -> memref<1x128xi32, #tpu.memory_space<vmem>>
        %dma_wait3A_172 = tpu.memref_squeeze %dma_wait3A_171 : memref<1x128xi32, #tpu.memory_space<vmem>> -> memref<128xi32, #tpu.memory_space<vmem>>
        %dma_wait3A_173 = arith.constant 0 : i32
        %dma_wait3A_174 = arith.constant 0 : i32
        %dma_wait3A_175 = tpu.memref_slice %arg15[%dma_wait3A_173, %dma_wait3A_174] : memref<10240x128xf32, #tpu.memory_space<vmem_shared>> -> memref<10240x128xf32, #tpu.memory_space<vmem_shared>>
        tpu.wait_indirect_dma semaphore(%run_scoped3A_163 : memref<!tpu.dma_semaphore, #tpu.memory_space<semaphore_mem>>) src(%arg12 : memref<128x128xf32, #tpu.memory_space<vmem>>) dst(%dma_wait3A_175 : memref<10240x128xf32, #tpu.memory_space<vmem_shared>>)
        tpu.yield
      }) : () -> ()
    }
    %scan3A_17 = arith.constant 10 : i32
    %barrier3A_18 = arith.constant 0 : index
    tpu.barrier barrier_id(%barrier3A_18)
    %add3A_19 = arith.constant 0 : i32
    %add3A_20 = arith.addi %mul3A_2, %add3A_19 : i32
    "tpu.region"() ({
      %run_scoped3A = tpu.sem_alloc : memref<!tpu.dma_semaphore, #tpu.memory_space<semaphore_mem>>
      %dma_start3A = tpu.memref_slice %arg6[%add3A_20] : memref<10240xi32, #tpu.memory_space<hbm>> -> memref<128xi32, #tpu.memory_space<hbm>>
      %dma_start3A_39 = tpu.memref_slice %arg6[%add3A_20] : memref<10240xi32, #tpu.memory_space<hbm>> -> memref<128xi32, #tpu.memory_space<hbm>>
      tpu.enqueue_dma source(%dma_start3A_39 : memref<128xi32, #tpu.memory_space<hbm>>) target(%arg10 : memref<128xi32, #tpu.memory_space<vmem>>) target_semaphore(%run_scoped3A : memref<!tpu.dma_semaphore, #tpu.memory_space<semaphore_mem>>)
      %dma_wait3A = tpu.memref_slice %arg6[%add3A_20] : memref<10240xi32, #tpu.memory_space<hbm>> -> memref<128xi32, #tpu.memory_space<hbm>>
      %dma_wait3A_40 = tpu.memref_slice %arg6[%add3A_20] : memref<10240xi32, #tpu.memory_space<hbm>> -> memref<128xi32, #tpu.memory_space<hbm>>
      tpu.wait_dma2 semaphore(%run_scoped3A : memref<!tpu.dma_semaphore, #tpu.memory_space<semaphore_mem>>) src(%dma_wait3A_40 : memref<128xi32, #tpu.memory_space<hbm>>) dst(%arg10 : memref<128xi32, #tpu.memory_space<vmem>>)
      tpu.yield
    }) : () -> ()
    "tpu.region"() ({
      %run_scoped3A = tpu.sem_alloc : memref<!tpu.dma_semaphore, #tpu.memory_space<semaphore_mem>>
      %dma_start3A = arith.constant 0 : i32
      %dma_start3A_39 = arith.constant 0 : i32
      %dma_start3A_40 = tpu.memref_slice %arg15[%dma_start3A, %dma_start3A_39] : memref<10240x128xf32, #tpu.memory_space<vmem_shared>> -> memref<10240x128xf32, #tpu.memory_space<vmem_shared>>
      tpu.enqueue_indirect_dma source(%dma_start3A_40 : memref<10240x128xf32, #tpu.memory_space<vmem_shared>>) target(%arg11 : memref<128x128xf32, #tpu.memory_space<vmem>>) offsets(%arg10 : memref<128xi32, #tpu.memory_space<vmem>>) semaphore(%run_scoped3A : memref<!tpu.dma_semaphore, #tpu.memory_space<semaphore_mem>>)
      %dma_wait3A = arith.constant 0 : i32
      %dma_wait3A_41 = arith.constant 0 : i32
      %dma_wait3A_42 = tpu.memref_slice %arg15[%dma_wait3A, %dma_wait3A_41] : memref<10240x128xf32, #tpu.memory_space<vmem_shared>> -> memref<10240x128xf32, #tpu.memory_space<vmem_shared>>
      tpu.wait_indirect_dma semaphore(%run_scoped3A : memref<!tpu.dma_semaphore, #tpu.memory_space<semaphore_mem>>) src(%dma_wait3A_42 : memref<10240x128xf32, #tpu.memory_space<vmem_shared>>) dst(%arg11 : memref<128x128xf32, #tpu.memory_space<vmem>>)
      tpu.yield
    }) : () -> ()
    %add3A_21 = arith.constant 0 : i32
    %add3A_22 = arith.addi %mul3A_2, %add3A_21 : i32
    "tpu.region"() ({
      %run_scoped3A = tpu.sem_alloc : memref<!tpu.dma_semaphore, #tpu.memory_space<semaphore_mem>>
      %dma_start3A = arith.constant 0 : i32
      %dma_start3A_39 = tpu.memref_slice %arg7[%arg0, %add3A_22, %dma_start3A] : memref<2x10240x128xf32, #tpu.memory_space<hbm>> -> memref<1x128x128xf32, #tpu.memory_space<hbm>>
      %dma_start3A_40 = tpu.memref_squeeze %dma_start3A_39 : memref<1x128x128xf32, #tpu.memory_space<hbm>> -> memref<128x128xf32, #tpu.memory_space<hbm>>
      %dma_start3A_41 = arith.constant 0 : i32
      %dma_start3A_42 = tpu.memref_slice %arg7[%arg0, %add3A_22, %dma_start3A_41] : memref<2x10240x128xf32, #tpu.memory_space<hbm>> -> memref<1x128x128xf32, #tpu.memory_space<hbm>>
      %dma_start3A_43 = tpu.memref_squeeze %dma_start3A_42 : memref<1x128x128xf32, #tpu.memory_space<hbm>> -> memref<128x128xf32, #tpu.memory_space<hbm>>
      tpu.enqueue_dma source(%arg11 : memref<128x128xf32, #tpu.memory_space<vmem>>) target(%dma_start3A_43 : memref<128x128xf32, #tpu.memory_space<hbm>>) target_semaphore(%run_scoped3A : memref<!tpu.dma_semaphore, #tpu.memory_space<semaphore_mem>>)
      %dma_wait3A = arith.constant 0 : i32
      %dma_wait3A_44 = tpu.memref_slice %arg7[%arg0, %add3A_22, %dma_wait3A] : memref<2x10240x128xf32, #tpu.memory_space<hbm>> -> memref<1x128x128xf32, #tpu.memory_space<hbm>>
      %dma_wait3A_45 = tpu.memref_squeeze %dma_wait3A_44 : memref<1x128x128xf32, #tpu.memory_space<hbm>> -> memref<128x128xf32, #tpu.memory_space<hbm>>
      %dma_wait3A_46 = arith.constant 0 : i32
      %dma_wait3A_47 = tpu.memref_slice %arg7[%arg0, %add3A_22, %dma_wait3A_46] : memref<2x10240x128xf32, #tpu.memory_space<hbm>> -> memref<1x128x128xf32, #tpu.memory_space<hbm>>
      %dma_wait3A_48 = tpu.memref_squeeze %dma_wait3A_47 : memref<1x128x128xf32, #tpu.memory_space<hbm>> -> memref<128x128xf32, #tpu.memory_space<hbm>>
      tpu.wait_dma2 semaphore(%run_scoped3A : memref<!tpu.dma_semaphore, #tpu.memory_space<semaphore_mem>>) src(%arg11 : memref<128x128xf32, #tpu.memory_space<vmem>>) dst(%dma_wait3A_48 : memref<128x128xf32, #tpu.memory_space<hbm>>)
      tpu.yield
    }) : () -> ()
    %add3A_23 = arith.constant 128 : i32
    %add3A_24 = arith.addi %mul3A_2, %add3A_23 : i32
    "tpu.region"() ({
      %run_scoped3A = tpu.sem_alloc : memref<!tpu.dma_semaphore, #tpu.memory_space<semaphore_mem>>
      %dma_start3A = tpu.memref_slice %arg6[%add3A_24] : memref<10240xi32, #tpu.memory_space<hbm>> -> memref<128xi32, #tpu.memory_space<hbm>>
      %dma_start3A_39 = tpu.memref_slice %arg6[%add3A_24] : memref<10240xi32, #tpu.memory_space<hbm>> -> memref<128xi32, #tpu.memory_space<hbm>>
      tpu.enqueue_dma source(%dma_start3A_39 : memref<128xi32, #tpu.memory_space<hbm>>) target(%arg10 : memref<128xi32, #tpu.memory_space<vmem>>) target_semaphore(%run_scoped3A : memref<!tpu.dma_semaphore, #tpu.memory_space<semaphore_mem>>)
      %dma_wait3A = tpu.memref_slice %arg6[%add3A_24] : memref<10240xi32, #tpu.memory_space<hbm>> -> memref<128xi32, #tpu.memory_space<hbm>>
      %dma_wait3A_40 = tpu.memref_slice %arg6[%add3A_24] : memref<10240xi32, #tpu.memory_space<hbm>> -> memref<128xi32, #tpu.memory_space<hbm>>
      tpu.wait_dma2 semaphore(%run_scoped3A : memref<!tpu.dma_semaphore, #tpu.memory_space<semaphore_mem>>) src(%dma_wait3A_40 : memref<128xi32, #tpu.memory_space<hbm>>) dst(%arg10 : memref<128xi32, #tpu.memory_space<vmem>>)
      tpu.yield
    }) : () -> ()
    "tpu.region"() ({
      %run_scoped3A = tpu.sem_alloc : memref<!tpu.dma_semaphore, #tpu.memory_space<semaphore_mem>>
      %dma_start3A = arith.constant 0 : i32
      %dma_start3A_39 = arith.constant 0 : i32
      %dma_start3A_40 = tpu.memref_slice %arg15[%dma_start3A, %dma_start3A_39] : memref<10240x128xf32, #tpu.memory_space<vmem_shared>> -> memref<10240x128xf32, #tpu.memory_space<vmem_shared>>
      tpu.enqueue_indirect_dma source(%dma_start3A_40 : memref<10240x128xf32, #tpu.memory_space<vmem_shared>>) target(%arg11 : memref<128x128xf32, #tpu.memory_space<vmem>>) offsets(%arg10 : memref<128xi32, #tpu.memory_space<vmem>>) semaphore(%run_scoped3A : memref<!tpu.dma_semaphore, #tpu.memory_space<semaphore_mem>>)
      %dma_wait3A = arith.constant 0 : i32
      %dma_wait3A_41 = arith.constant 0 : i32
      %dma_wait3A_42 = tpu.memref_slice %arg15[%dma_wait3A, %dma_wait3A_41] : memref<10240x128xf32, #tpu.memory_space<vmem_shared>> -> memref<10240x128xf32, #tpu.memory_space<vmem_shared>>
      tpu.wait_indirect_dma semaphore(%run_scoped3A : memref<!tpu.dma_semaphore, #tpu.memory_space<semaphore_mem>>) src(%dma_wait3A_42 : memref<10240x128xf32, #tpu.memory_space<vmem_shared>>) dst(%arg11 : memref<128x128xf32, #tpu.memory_space<vmem>>)
      tpu.yield
    }) : () -> ()
    %add3A_25 = arith.constant 128 : i32
    %add3A_26 = arith.addi %mul3A_2, %add3A_25 : i32
    "tpu.region"() ({
      %run_scoped3A = tpu.sem_alloc : memref<!tpu.dma_semaphore, #tpu.memory_space<semaphore_mem>>
      %dma_start3A = arith.constant 0 : i32
      %dma_start3A_39 = tpu.memref_slice %arg7[%arg0, %add3A_26, %dma_start3A] : memref<2x10240x128xf32, #tpu.memory_space<hbm>> -> memref<1x128x128xf32, #tpu.memory_space<hbm>>
      %dma_start3A_40 = tpu.memref_squeeze %dma_start3A_39 : memref<1x128x128xf32, #tpu.memory_space<hbm>> -> memref<128x128xf32, #tpu.memory_space<hbm>>
      %dma_start3A_41 = arith.constant 0 : i32
      %dma_start3A_42 = tpu.memref_slice %arg7[%arg0, %add3A_26, %dma_start3A_41] : memref<2x10240x128xf32, #tpu.memory_space<hbm>> -> memref<1x128x128xf32, #tpu.memory_space<hbm>>
      %dma_start3A_43 = tpu.memref_squeeze %dma_start3A_42 : memref<1x128x128xf32, #tpu.memory_space<hbm>> -> memref<128x128xf32, #tpu.memory_space<hbm>>
      tpu.enqueue_dma source(%arg11 : memref<128x128xf32, #tpu.memory_space<vmem>>) target(%dma_start3A_43 : memref<128x128xf32, #tpu.memory_space<hbm>>) target_semaphore(%run_scoped3A : memref<!tpu.dma_semaphore, #tpu.memory_space<semaphore_mem>>)
      %dma_wait3A = arith.constant 0 : i32
      %dma_wait3A_44 = tpu.memref_slice %arg7[%arg0, %add3A_26, %dma_wait3A] : memref<2x10240x128xf32, #tpu.memory_space<hbm>> -> memref<1x128x128xf32, #tpu.memory_space<hbm>>
      %dma_wait3A_45 = tpu.memref_squeeze %dma_wait3A_44 : memref<1x128x128xf32, #tpu.memory_space<hbm>> -> memref<128x128xf32, #tpu.memory_space<hbm>>
      %dma_wait3A_46 = arith.constant 0 : i32
      %dma_wait3A_47 = tpu.memref_slice %arg7[%arg0, %add3A_26, %dma_wait3A_46] : memref<2x10240x128xf32, #tpu.memory_space<hbm>> -> memref<1x128x128xf32, #tpu.memory_space<hbm>>
      %dma_wait3A_48 = tpu.memref_squeeze %dma_wait3A_47 : memref<1x128x128xf32, #tpu.memory_space<hbm>> -> memref<128x128xf32, #tpu.memory_space<hbm>>
      tpu.wait_dma2 semaphore(%run_scoped3A : memref<!tpu.dma_semaphore, #tpu.memory_space<semaphore_mem>>) src(%arg11 : memref<128x128xf32, #tpu.memory_space<vmem>>) dst(%dma_wait3A_48 : memref<128x128xf32, #tpu.memory_space<hbm>>)
      tpu.yield
    }) : () -> ()
    %add3A_27 = arith.constant 256 : i32
    %add3A_28 = arith.addi %mul3A_2, %add3A_27 : i32
    "tpu.region"() ({
      %run_scoped3A = tpu.sem_alloc : memref<!tpu.dma_semaphore, #tpu.memory_space<semaphore_mem>>
      %dma_start3A = tpu.memref_slice %arg6[%add3A_28] : memref<10240xi32, #tpu.memory_space<hbm>> -> memref<128xi32, #tpu.memory_space<hbm>>
      %dma_start3A_39 = tpu.memref_slice %arg6[%add3A_28] : memref<10240xi32, #tpu.memory_space<hbm>> -> memref<128xi32, #tpu.memory_space<hbm>>
      tpu.enqueue_dma source(%dma_start3A_39 : memref<128xi32, #tpu.memory_space<hbm>>) target(%arg10 : memref<128xi32, #tpu.memory_space<vmem>>) target_semaphore(%run_scoped3A : memref<!tpu.dma_semaphore, #tpu.memory_space<semaphore_mem>>)
      %dma_wait3A = tpu.memref_slice %arg6[%add3A_28] : memref<10240xi32, #tpu.memory_space<hbm>> -> memref<128xi32, #tpu.memory_space<hbm>>
      %dma_wait3A_40 = tpu.memref_slice %arg6[%add3A_28] : memref<10240xi32, #tpu.memory_space<hbm>> -> memref<128xi32, #tpu.memory_space<hbm>>
      tpu.wait_dma2 semaphore(%run_scoped3A : memref<!tpu.dma_semaphore, #tpu.memory_space<semaphore_mem>>) src(%dma_wait3A_40 : memref<128xi32, #tpu.memory_space<hbm>>) dst(%arg10 : memref<128xi32, #tpu.memory_space<vmem>>)
      tpu.yield
    }) : () -> ()
    "tpu.region"() ({
      %run_scoped3A = tpu.sem_alloc : memref<!tpu.dma_semaphore, #tpu.memory_space<semaphore_mem>>
      %dma_start3A = arith.constant 0 : i32
      %dma_start3A_39 = arith.constant 0 : i32
      %dma_start3A_40 = tpu.memref_slice %arg15[%dma_start3A, %dma_start3A_39] : memref<10240x128xf32, #tpu.memory_space<vmem_shared>> -> memref<10240x128xf32, #tpu.memory_space<vmem_shared>>
      tpu.enqueue_indirect_dma source(%dma_start3A_40 : memref<10240x128xf32, #tpu.memory_space<vmem_shared>>) target(%arg11 : memref<128x128xf32, #tpu.memory_space<vmem>>) offsets(%arg10 : memref<128xi32, #tpu.memory_space<vmem>>) semaphore(%run_scoped3A : memref<!tpu.dma_semaphore, #tpu.memory_space<semaphore_mem>>)
      %dma_wait3A = arith.constant 0 : i32
      %dma_wait3A_41 = arith.constant 0 : i32
      %dma_wait3A_42 = tpu.memref_slice %arg15[%dma_wait3A, %dma_wait3A_41] : memref<10240x128xf32, #tpu.memory_space<vmem_shared>> -> memref<10240x128xf32, #tpu.memory_space<vmem_shared>>
      tpu.wait_indirect_dma semaphore(%run_scoped3A : memref<!tpu.dma_semaphore, #tpu.memory_space<semaphore_mem>>) src(%dma_wait3A_42 : memref<10240x128xf32, #tpu.memory_space<vmem_shared>>) dst(%arg11 : memref<128x128xf32, #tpu.memory_space<vmem>>)
      tpu.yield
    }) : () -> ()
    %add3A_29 = arith.constant 256 : i32
    %add3A_30 = arith.addi %mul3A_2, %add3A_29 : i32
    "tpu.region"() ({
      %run_scoped3A = tpu.sem_alloc : memref<!tpu.dma_semaphore, #tpu.memory_space<semaphore_mem>>
      %dma_start3A = arith.constant 0 : i32
      %dma_start3A_39 = tpu.memref_slice %arg7[%arg0, %add3A_30, %dma_start3A] : memref<2x10240x128xf32, #tpu.memory_space<hbm>> -> memref<1x128x128xf32, #tpu.memory_space<hbm>>
      %dma_start3A_40 = tpu.memref_squeeze %dma_start3A_39 : memref<1x128x128xf32, #tpu.memory_space<hbm>> -> memref<128x128xf32, #tpu.memory_space<hbm>>
      %dma_start3A_41 = arith.constant 0 : i32
      %dma_start3A_42 = tpu.memref_slice %arg7[%arg0, %add3A_30, %dma_start3A_41] : memref<2x10240x128xf32, #tpu.memory_space<hbm>> -> memref<1x128x128xf32, #tpu.memory_space<hbm>>
      %dma_start3A_43 = tpu.memref_squeeze %dma_start3A_42 : memref<1x128x128xf32, #tpu.memory_space<hbm>> -> memref<128x128xf32, #tpu.memory_space<hbm>>
      tpu.enqueue_dma source(%arg11 : memref<128x128xf32, #tpu.memory_space<vmem>>) target(%dma_start3A_43 : memref<128x128xf32, #tpu.memory_space<hbm>>) target_semaphore(%run_scoped3A : memref<!tpu.dma_semaphore, #tpu.memory_space<semaphore_mem>>)
      %dma_wait3A = arith.constant 0 : i32
      %dma_wait3A_44 = tpu.memref_slice %arg7[%arg0, %add3A_30, %dma_wait3A] : memref<2x10240x128xf32, #tpu.memory_space<hbm>> -> memref<1x128x128xf32, #tpu.memory_space<hbm>>
      %dma_wait3A_45 = tpu.memref_squeeze %dma_wait3A_44 : memref<1x128x128xf32, #tpu.memory_space<hbm>> -> memref<128x128xf32, #tpu.memory_space<hbm>>
      %dma_wait3A_46 = arith.constant 0 : i32
      %dma_wait3A_47 = tpu.memref_slice %arg7[%arg0, %add3A_30, %dma_wait3A_46] : memref<2x10240x128xf32, #tpu.memory_space<hbm>> -> memref<1x128x128xf32, #tpu.memory_space<hbm>>
      %dma_wait3A_48 = tpu.memref_squeeze %dma_wait3A_47 : memref<1x128x128xf32, #tpu.memory_space<hbm>> -> memref<128x128xf32, #tpu.memory_space<hbm>>
      tpu.wait_dma2 semaphore(%run_scoped3A : memref<!tpu.dma_semaphore, #tpu.memory_space<semaphore_mem>>) src(%arg11 : memref<128x128xf32, #tpu.memory_space<vmem>>) dst(%dma_wait3A_48 : memref<128x128xf32, #tpu.memory_space<hbm>>)
      tpu.yield
    }) : () -> ()
    %add3A_31 = arith.constant 384 : i32
    %add3A_32 = arith.addi %mul3A_2, %add3A_31 : i32
    "tpu.region"() ({
      %run_scoped3A = tpu.sem_alloc : memref<!tpu.dma_semaphore, #tpu.memory_space<semaphore_mem>>
      %dma_start3A = tpu.memref_slice %arg6[%add3A_32] : memref<10240xi32, #tpu.memory_space<hbm>> -> memref<128xi32, #tpu.memory_space<hbm>>
      %dma_start3A_39 = tpu.memref_slice %arg6[%add3A_32] : memref<10240xi32, #tpu.memory_space<hbm>> -> memref<128xi32, #tpu.memory_space<hbm>>
      tpu.enqueue_dma source(%dma_start3A_39 : memref<128xi32, #tpu.memory_space<hbm>>) target(%arg10 : memref<128xi32, #tpu.memory_space<vmem>>) target_semaphore(%run_scoped3A : memref<!tpu.dma_semaphore, #tpu.memory_space<semaphore_mem>>)
      %dma_wait3A = tpu.memref_slice %arg6[%add3A_32] : memref<10240xi32, #tpu.memory_space<hbm>> -> memref<128xi32, #tpu.memory_space<hbm>>
      %dma_wait3A_40 = tpu.memref_slice %arg6[%add3A_32] : memref<10240xi32, #tpu.memory_space<hbm>> -> memref<128xi32, #tpu.memory_space<hbm>>
      tpu.wait_dma2 semaphore(%run_scoped3A : memref<!tpu.dma_semaphore, #tpu.memory_space<semaphore_mem>>) src(%dma_wait3A_40 : memref<128xi32, #tpu.memory_space<hbm>>) dst(%arg10 : memref<128xi32, #tpu.memory_space<vmem>>)
      tpu.yield
    }) : () -> ()
    "tpu.region"() ({
      %run_scoped3A = tpu.sem_alloc : memref<!tpu.dma_semaphore, #tpu.memory_space<semaphore_mem>>
      %dma_start3A = arith.constant 0 : i32
      %dma_start3A_39 = arith.constant 0 : i32
      %dma_start3A_40 = tpu.memref_slice %arg15[%dma_start3A, %dma_start3A_39] : memref<10240x128xf32, #tpu.memory_space<vmem_shared>> -> memref<10240x128xf32, #tpu.memory_space<vmem_shared>>
      tpu.enqueue_indirect_dma source(%dma_start3A_40 : memref<10240x128xf32, #tpu.memory_space<vmem_shared>>) target(%arg11 : memref<128x128xf32, #tpu.memory_space<vmem>>) offsets(%arg10 : memref<128xi32, #tpu.memory_space<vmem>>) semaphore(%run_scoped3A : memref<!tpu.dma_semaphore, #tpu.memory_space<semaphore_mem>>)
      %dma_wait3A = arith.constant 0 : i32
      %dma_wait3A_41 = arith.constant 0 : i32
      %dma_wait3A_42 = tpu.memref_slice %arg15[%dma_wait3A, %dma_wait3A_41] : memref<10240x128xf32, #tpu.memory_space<vmem_shared>> -> memref<10240x128xf32, #tpu.memory_space<vmem_shared>>
      tpu.wait_indirect_dma semaphore(%run_scoped3A : memref<!tpu.dma_semaphore, #tpu.memory_space<semaphore_mem>>) src(%dma_wait3A_42 : memref<10240x128xf32, #tpu.memory_space<vmem_shared>>) dst(%arg11 : memref<128x128xf32, #tpu.memory_space<vmem>>)
      tpu.yield
    }) : () -> ()
    %add3A_33 = arith.constant 384 : i32
    %add3A_34 = arith.addi %mul3A_2, %add3A_33 : i32
    "tpu.region"() ({
      %run_scoped3A = tpu.sem_alloc : memref<!tpu.dma_semaphore, #tpu.memory_space<semaphore_mem>>
      %dma_start3A = arith.constant 0 : i32
      %dma_start3A_39 = tpu.memref_slice %arg7[%arg0, %add3A_34, %dma_start3A] : memref<2x10240x128xf32, #tpu.memory_space<hbm>> -> memref<1x128x128xf32, #tpu.memory_space<hbm>>
      %dma_start3A_40 = tpu.memref_squeeze %dma_start3A_39 : memref<1x128x128xf32, #tpu.memory_space<hbm>> -> memref<128x128xf32, #tpu.memory_space<hbm>>
      %dma_start3A_41 = arith.constant 0 : i32
      %dma_start3A_42 = tpu.memref_slice %arg7[%arg0, %add3A_34, %dma_start3A_41] : memref<2x10240x128xf32, #tpu.memory_space<hbm>> -> memref<1x128x128xf32, #tpu.memory_space<hbm>>
      %dma_start3A_43 = tpu.memref_squeeze %dma_start3A_42 : memref<1x128x128xf32, #tpu.memory_space<hbm>> -> memref<128x128xf32, #tpu.memory_space<hbm>>
      tpu.enqueue_dma source(%arg11 : memref<128x128xf32, #tpu.memory_space<vmem>>) target(%dma_start3A_43 : memref<128x128xf32, #tpu.memory_space<hbm>>) target_semaphore(%run_scoped3A : memref<!tpu.dma_semaphore, #tpu.memory_space<semaphore_mem>>)
      %dma_wait3A = arith.constant 0 : i32
      %dma_wait3A_44 = tpu.memref_slice %arg7[%arg0, %add3A_34, %dma_wait3A] : memref<2x10240x128xf32, #tpu.memory_space<hbm>> -> memref<1x128x128xf32, #tpu.memory_space<hbm>>
      %dma_wait3A_45 = tpu.memref_squeeze %dma_wait3A_44 : memref<1x128x128xf32, #tpu.memory_space<hbm>> -> memref<128x128xf32, #tpu.memory_space<hbm>>
      %dma_wait3A_46 = arith.constant 0 : i32
      %dma_wait3A_47 = tpu.memref_slice %arg7[%arg0, %add3A_34, %dma_wait3A_46] : memref<2x10240x128xf32, #tpu.memory_space<hbm>> -> memref<1x128x128xf32, #tpu.memory_space<hbm>>
      %dma_wait3A_48 = tpu.memref_squeeze %dma_wait3A_47 : memref<1x128x128xf32, #tpu.memory_space<hbm>> -> memref<128x128xf32, #tpu.memory_space<hbm>>
      tpu.wait_dma2 semaphore(%run_scoped3A : memref<!tpu.dma_semaphore, #tpu.memory_space<semaphore_mem>>) src(%arg11 : memref<128x128xf32, #tpu.memory_space<vmem>>) dst(%dma_wait3A_48 : memref<128x128xf32, #tpu.memory_space<hbm>>)
      tpu.yield
    }) : () -> ()
    %add3A_35 = arith.constant 512 : i32
    %add3A_36 = arith.addi %mul3A_2, %add3A_35 : i32
    "tpu.region"() ({
      %run_scoped3A = tpu.sem_alloc : memref<!tpu.dma_semaphore, #tpu.memory_space<semaphore_mem>>
      %dma_start3A = tpu.memref_slice %arg6[%add3A_36] : memref<10240xi32, #tpu.memory_space<hbm>> -> memref<128xi32, #tpu.memory_space<hbm>>
      %dma_start3A_39 = tpu.memref_slice %arg6[%add3A_36] : memref<10240xi32, #tpu.memory_space<hbm>> -> memref<128xi32, #tpu.memory_space<hbm>>
      tpu.enqueue_dma source(%dma_start3A_39 : memref<128xi32, #tpu.memory_space<hbm>>) target(%arg10 : memref<128xi32, #tpu.memory_space<vmem>>) target_semaphore(%run_scoped3A : memref<!tpu.dma_semaphore, #tpu.memory_space<semaphore_mem>>)
      %dma_wait3A = tpu.memref_slice %arg6[%add3A_36] : memref<10240xi32, #tpu.memory_space<hbm>> -> memref<128xi32, #tpu.memory_space<hbm>>
      %dma_wait3A_40 = tpu.memref_slice %arg6[%add3A_36] : memref<10240xi32, #tpu.memory_space<hbm>> -> memref<128xi32, #tpu.memory_space<hbm>>
      tpu.wait_dma2 semaphore(%run_scoped3A : memref<!tpu.dma_semaphore, #tpu.memory_space<semaphore_mem>>) src(%dma_wait3A_40 : memref<128xi32, #tpu.memory_space<hbm>>) dst(%arg10 : memref<128xi32, #tpu.memory_space<vmem>>)
      tpu.yield
    }) : () -> ()
    "tpu.region"() ({
      %run_scoped3A = tpu.sem_alloc : memref<!tpu.dma_semaphore, #tpu.memory_space<semaphore_mem>>
      %dma_start3A = arith.constant 0 : i32
      %dma_start3A_39 = arith.constant 0 : i32
      %dma_start3A_40 = tpu.memref_slice %arg15[%dma_start3A, %dma_start3A_39] : memref<10240x128xf32, #tpu.memory_space<vmem_shared>> -> memref<10240x128xf32, #tpu.memory_space<vmem_shared>>
      tpu.enqueue_indirect_dma source(%dma_start3A_40 : memref<10240x128xf32, #tpu.memory_space<vmem_shared>>) target(%arg11 : memref<128x128xf32, #tpu.memory_space<vmem>>) offsets(%arg10 : memref<128xi32, #tpu.memory_space<vmem>>) semaphore(%run_scoped3A : memref<!tpu.dma_semaphore, #tpu.memory_space<semaphore_mem>>)
      %dma_wait3A = arith.constant 0 : i32
      %dma_wait3A_41 = arith.constant 0 : i32
      %dma_wait3A_42 = tpu.memref_slice %arg15[%dma_wait3A, %dma_wait3A_41] : memref<10240x128xf32, #tpu.memory_space<vmem_shared>> -> memref<10240x128xf32, #tpu.memory_space<vmem_shared>>
      tpu.wait_indirect_dma semaphore(%run_scoped3A : memref<!tpu.dma_semaphore, #tpu.memory_space<semaphore_mem>>) src(%dma_wait3A_42 : memref<10240x128xf32, #tpu.memory_space<vmem_shared>>) dst(%arg11 : memref<128x128xf32, #tpu.memory_space<vmem>>)
      tpu.yield
    }) : () -> ()
    %add3A_37 = arith.constant 512 : i32
    %add3A_38 = arith.addi %mul3A_2, %add3A_37 : i32
    "tpu.region"() ({
      %run_scoped3A = tpu.sem_alloc : memref<!tpu.dma_semaphore, #tpu.memory_space<semaphore_mem>>
      %dma_start3A = arith.constant 0 : i32
      %dma_start3A_39 = tpu.memref_slice %arg7[%arg0, %add3A_38, %dma_start3A] : memref<2x10240x128xf32, #tpu.memory_space<hbm>> -> memref<1x128x128xf32, #tpu.memory_space<hbm>>
      %dma_start3A_40 = tpu.memref_squeeze %dma_start3A_39 : memref<1x128x128xf32, #tpu.memory_space<hbm>> -> memref<128x128xf32, #tpu.memory_space<hbm>>
      %dma_start3A_41 = arith.constant 0 : i32
      %dma_start3A_42 = tpu.memref_slice %arg7[%arg0, %add3A_38, %dma_start3A_41] : memref<2x10240x128xf32, #tpu.memory_space<hbm>> -> memref<1x128x128xf32, #tpu.memory_space<hbm>>
      %dma_start3A_43 = tpu.memref_squeeze %dma_start3A_42 : memref<1x128x128xf32, #tpu.memory_space<hbm>> -> memref<128x128xf32, #tpu.memory_space<hbm>>
      tpu.enqueue_dma source(%arg11 : memref<128x128xf32, #tpu.memory_space<vmem>>) target(%dma_start3A_43 : memref<128x128xf32, #tpu.memory_space<hbm>>) target_semaphore(%run_scoped3A : memref<!tpu.dma_semaphore, #tpu.memory_space<semaphore_mem>>)
      %dma_wait3A = arith.constant 0 : i32
      %dma_wait3A_44 = tpu.memref_slice %arg7[%arg0, %add3A_38, %dma_wait3A] : memref<2x10240x128xf32, #tpu.memory_space<hbm>> -> memref<1x128x128xf32, #tpu.memory_space<hbm>>
      %dma_wait3A_45 = tpu.memref_squeeze %dma_wait3A_44 : memref<1x128x128xf32, #tpu.memory_space<hbm>> -> memref<128x128xf32, #tpu.memory_space<hbm>>
      %dma_wait3A_46 = arith.constant 0 : i32
      %dma_wait3A_47 = tpu.memref_slice %arg7[%arg0, %add3A_38, %dma_wait3A_46] : memref<2x10240x128xf32, #tpu.memory_space<hbm>> -> memref<1x128x128xf32, #tpu.memory_space<hbm>>
      %dma_wait3A_48 = tpu.memref_squeeze %dma_wait3A_47 : memref<1x128x128xf32, #tpu.memory_space<hbm>> -> memref<128x128xf32, #tpu.memory_space<hbm>>
      tpu.wait_dma2 semaphore(%run_scoped3A : memref<!tpu.dma_semaphore, #tpu.memory_space<semaphore_mem>>) src(%arg11 : memref<128x128xf32, #tpu.memory_space<vmem>>) dst(%dma_wait3A_48 : memref<128x128xf32, #tpu.memory_space<hbm>>)
      tpu.yield
    }) : () -> ()
    return
  }
}

#map = affine_map<(d0, d1) -> (0, 0)>
#map1 = affine_map<(d0, d1) -> (0, 0, 0)>
#map2 = affine_map<(d0, d1) -> (0)>
module attributes {stable_mosaic.version = 14 : i64} {
  func.func @body(%arg0: i32, %arg1: i32, %arg2: memref<10000x128xf32, #tpu.memory_space<hbm>>, %arg3: memref<320x8x128xi32, #tpu.memory_space<hbm>>, %arg4: memref<320x8x128xi32, #tpu.memory_space<hbm>>, %arg5: memref<128x128xf32, #tpu.memory_space<hbm>>, %arg6: memref<10240xi32, #tpu.memory_space<hbm>>, %arg7: memref<2x10240x128xf32, #tpu.memory_space<hbm>>, %arg8: memref<8x128xi32, #tpu.memory_space<vmem>>, %arg9: memref<8x128xi32, #tpu.memory_space<vmem>>, %arg10: memref<128xi32, #tpu.memory_space<vmem>>, %arg11: memref<128x128xf32, #tpu.memory_space<vmem>>, %arg12: memref<128x128xf32, #tpu.memory_space<vmem>>, %arg13: memref<!tpu.dma_semaphore, #tpu.memory_space<semaphore_mem>>, %arg14: memref<!tpu.dma_semaphore, #tpu.memory_space<semaphore_mem>>, %arg15: memref<10240x128xf32, #tpu.memory_space<vmem_shared>>) attributes {dimension_semantics = [#tpu.dimension_semantics<core_parallel>, #tpu.dimension_semantics<subcore_parallel>], iteration_bounds = array<i64: 2, 16>, scalar_prefetch = 0 : i64, scratch_operands = 8 : i64, tpu.core_type = #tpu.core_type<sc_vector_subcore>, window_params = [{transform_indices = #map}, {transform_indices = #map1}, {transform_indices = #map1}, {transform_indices = #map}, {transform_indices = #map2}, {transform_indices = #map1}]} {
    %mul3A = arith.constant 16 : i32
    %mul3A_0 = arith.muli %arg0, %mul3A : i32
    %add3A = arith.addi %mul3A_0, %arg1 : i32
    %mul3A_1 = arith.constant 640 : i32
    %mul3A_2 = arith.muli %arg1, %mul3A_1 : i32
    "tpu.region"() ({
      %run_scoped3A = tpu.sem_alloc : memref<!tpu.dma_semaphore, #tpu.memory_space<semaphore_mem>>
      tpu.enqueue_dma source(%arg5 : memref<128x128xf32, #tpu.memory_space<hbm>>) target(%arg11 : memref<128x128xf32, #tpu.memory_space<vmem>>) target_semaphore(%run_scoped3A : memref<!tpu.dma_semaphore, #tpu.memory_space<semaphore_mem>>)
      tpu.wait_dma2 semaphore(%run_scoped3A : memref<!tpu.dma_semaphore, #tpu.memory_space<semaphore_mem>>) src(%arg5 : memref<128x128xf32, #tpu.memory_space<hbm>>) dst(%arg11 : memref<128x128xf32, #tpu.memory_space<vmem>>)
      tpu.yield
    }) : () -> ()
    %add3A_3 = arith.constant 0 : i32
    %add3A_4 = arith.addi %mul3A_2, %add3A_3 : i32
    "tpu.region"() ({
      %run_scoped3A = tpu.sem_alloc : memref<!tpu.dma_semaphore, #tpu.memory_space<semaphore_mem>>
      %dma_start3A = tpu.memref_slice %arg6[%add3A_4] : memref<10240xi32, #tpu.memory_space<hbm>> -> memref<128xi32, #tpu.memory_space<hbm>>
      %dma_start3A_39 = tpu.memref_slice %arg6[%add3A_4] : memref<10240xi32, #tpu.memory_space<hbm>> -> memref<128xi32, #tpu.memory_space<hbm>>
      tpu.enqueue_dma source(%dma_start3A_39 : memref<128xi32, #tpu.memory_space<hbm>>) target(%arg10 : memref<128xi32, #tpu.memory_space<vmem>>) target_semaphore(%run_scoped3A : memref<!tpu.dma_semaphore, #tpu.memory_space<semaphore_mem>>)
      %dma_wait3A = tpu.memref_slice %arg6[%add3A_4] : memref<10240xi32, #tpu.memory_space<hbm>> -> memref<128xi32, #tpu.memory_space<hbm>>
      %dma_wait3A_40 = tpu.memref_slice %arg6[%add3A_4] : memref<10240xi32, #tpu.memory_space<hbm>> -> memref<128xi32, #tpu.memory_space<hbm>>
      tpu.wait_dma2 semaphore(%run_scoped3A : memref<!tpu.dma_semaphore, #tpu.memory_space<semaphore_mem>>) src(%dma_wait3A_40 : memref<128xi32, #tpu.memory_space<hbm>>) dst(%arg10 : memref<128xi32, #tpu.memory_space<vmem>>)
      tpu.yield
    }) : () -> ()
    "tpu.region"() ({
      %run_scoped3A = tpu.sem_alloc : memref<!tpu.dma_semaphore, #tpu.memory_space<semaphore_mem>>
      %dma_start3A = arith.constant 0 : i32
      %dma_start3A_39 = arith.constant 0 : i32
      %dma_start3A_40 = tpu.memref_slice %arg15[%dma_start3A, %dma_start3A_39] : memref<10240x128xf32, #tpu.memory_space<vmem_shared>> -> memref<10240x128xf32, #tpu.memory_space<vmem_shared>>
      tpu.enqueue_indirect_dma source(%arg11 : memref<128x128xf32, #tpu.memory_space<vmem>>) target(%dma_start3A_40 : memref<10240x128xf32, #tpu.memory_space<vmem_shared>>) offsets(%arg10 : memref<128xi32, #tpu.memory_space<vmem>>) semaphore(%run_scoped3A : memref<!tpu.dma_semaphore, #tpu.memory_space<semaphore_mem>>)
      %dma_wait3A = arith.constant 0 : i32
      %dma_wait3A_41 = arith.constant 0 : i32
      %dma_wait3A_42 = tpu.memref_slice %arg15[%dma_wait3A, %dma_wait3A_41] : memref<10240x128xf32, #tpu.memory_space<vmem_shared>> -> memref<10240x128xf32, #tpu.memory_space<vmem_shared>>
      tpu.wait_indirect_dma semaphore(%run_scoped3A : memref<!tpu.dma_semaphore, #tpu.memory_space<semaphore_mem>>) src(%arg11 : memref<128x128xf32, #tpu.memory_space<vmem>>) dst(%dma_wait3A_42 : memref<10240x128xf32, #tpu.memory_space<vmem_shared>>)
      tpu.yield
    }) : () -> ()
    %add3A_5 = arith.constant 128 : i32
    %add3A_6 = arith.addi %mul3A_2, %add3A_5 : i32
    "tpu.region"() ({
      %run_scoped3A = tpu.sem_alloc : memref<!tpu.dma_semaphore, #tpu.memory_space<semaphore_mem>>
      %dma_start3A = tpu.memref_slice %arg6[%add3A_6] : memref<10240xi32, #tpu.memory_space<hbm>> -> memref<128xi32, #tpu.memory_space<hbm>>
      %dma_start3A_39 = tpu.memref_slice %arg6[%add3A_6] : memref<10240xi32, #tpu.memory_space<hbm>> -> memref<128xi32, #tpu.memory_space<hbm>>
      tpu.enqueue_dma source(%dma_start3A_39 : memref<128xi32, #tpu.memory_space<hbm>>) target(%arg10 : memref<128xi32, #tpu.memory_space<vmem>>) target_semaphore(%run_scoped3A : memref<!tpu.dma_semaphore, #tpu.memory_space<semaphore_mem>>)
      %dma_wait3A = tpu.memref_slice %arg6[%add3A_6] : memref<10240xi32, #tpu.memory_space<hbm>> -> memref<128xi32, #tpu.memory_space<hbm>>
      %dma_wait3A_40 = tpu.memref_slice %arg6[%add3A_6] : memref<10240xi32, #tpu.memory_space<hbm>> -> memref<128xi32, #tpu.memory_space<hbm>>
      tpu.wait_dma2 semaphore(%run_scoped3A : memref<!tpu.dma_semaphore, #tpu.memory_space<semaphore_mem>>) src(%dma_wait3A_40 : memref<128xi32, #tpu.memory_space<hbm>>) dst(%arg10 : memref<128xi32, #tpu.memory_space<vmem>>)
      tpu.yield
    }) : () -> ()
    "tpu.region"() ({
      %run_scoped3A = tpu.sem_alloc : memref<!tpu.dma_semaphore, #tpu.memory_space<semaphore_mem>>
      %dma_start3A = arith.constant 0 : i32
      %dma_start3A_39 = arith.constant 0 : i32
      %dma_start3A_40 = tpu.memref_slice %arg15[%dma_start3A, %dma_start3A_39] : memref<10240x128xf32, #tpu.memory_space<vmem_shared>> -> memref<10240x128xf32, #tpu.memory_space<vmem_shared>>
      tpu.enqueue_indirect_dma source(%arg11 : memref<128x128xf32, #tpu.memory_space<vmem>>) target(%dma_start3A_40 : memref<10240x128xf32, #tpu.memory_space<vmem_shared>>) offsets(%arg10 : memref<128xi32, #tpu.memory_space<vmem>>) semaphore(%run_scoped3A : memref<!tpu.dma_semaphore, #tpu.memory_space<semaphore_mem>>)
      %dma_wait3A = arith.constant 0 : i32
      %dma_wait3A_41 = arith.constant 0 : i32
      %dma_wait3A_42 = tpu.memref_slice %arg15[%dma_wait3A, %dma_wait3A_41] : memref<10240x128xf32, #tpu.memory_space<vmem_shared>> -> memref<10240x128xf32, #tpu.memory_space<vmem_shared>>
      tpu.wait_indirect_dma semaphore(%run_scoped3A : memref<!tpu.dma_semaphore, #tpu.memory_space<semaphore_mem>>) src(%arg11 : memref<128x128xf32, #tpu.memory_space<vmem>>) dst(%dma_wait3A_42 : memref<10240x128xf32, #tpu.memory_space<vmem_shared>>)
      tpu.yield
    }) : () -> ()
    %add3A_7 = arith.constant 256 : i32
    %add3A_8 = arith.addi %mul3A_2, %add3A_7 : i32
    "tpu.region"() ({
      %run_scoped3A = tpu.sem_alloc : memref<!tpu.dma_semaphore, #tpu.memory_space<semaphore_mem>>
      %dma_start3A = tpu.memref_slice %arg6[%add3A_8] : memref<10240xi32, #tpu.memory_space<hbm>> -> memref<128xi32, #tpu.memory_space<hbm>>
      %dma_start3A_39 = tpu.memref_slice %arg6[%add3A_8] : memref<10240xi32, #tpu.memory_space<hbm>> -> memref<128xi32, #tpu.memory_space<hbm>>
      tpu.enqueue_dma source(%dma_start3A_39 : memref<128xi32, #tpu.memory_space<hbm>>) target(%arg10 : memref<128xi32, #tpu.memory_space<vmem>>) target_semaphore(%run_scoped3A : memref<!tpu.dma_semaphore, #tpu.memory_space<semaphore_mem>>)
      %dma_wait3A = tpu.memref_slice %arg6[%add3A_8] : memref<10240xi32, #tpu.memory_space<hbm>> -> memref<128xi32, #tpu.memory_space<hbm>>
      %dma_wait3A_40 = tpu.memref_slice %arg6[%add3A_8] : memref<10240xi32, #tpu.memory_space<hbm>> -> memref<128xi32, #tpu.memory_space<hbm>>
      tpu.wait_dma2 semaphore(%run_scoped3A : memref<!tpu.dma_semaphore, #tpu.memory_space<semaphore_mem>>) src(%dma_wait3A_40 : memref<128xi32, #tpu.memory_space<hbm>>) dst(%arg10 : memref<128xi32, #tpu.memory_space<vmem>>)
      tpu.yield
    }) : () -> ()
    "tpu.region"() ({
      %run_scoped3A = tpu.sem_alloc : memref<!tpu.dma_semaphore, #tpu.memory_space<semaphore_mem>>
      %dma_start3A = arith.constant 0 : i32
      %dma_start3A_39 = arith.constant 0 : i32
      %dma_start3A_40 = tpu.memref_slice %arg15[%dma_start3A, %dma_start3A_39] : memref<10240x128xf32, #tpu.memory_space<vmem_shared>> -> memref<10240x128xf32, #tpu.memory_space<vmem_shared>>
      tpu.enqueue_indirect_dma source(%arg11 : memref<128x128xf32, #tpu.memory_space<vmem>>) target(%dma_start3A_40 : memref<10240x128xf32, #tpu.memory_space<vmem_shared>>) offsets(%arg10 : memref<128xi32, #tpu.memory_space<vmem>>) semaphore(%run_scoped3A : memref<!tpu.dma_semaphore, #tpu.memory_space<semaphore_mem>>)
      %dma_wait3A = arith.constant 0 : i32
      %dma_wait3A_41 = arith.constant 0 : i32
      %dma_wait3A_42 = tpu.memref_slice %arg15[%dma_wait3A, %dma_wait3A_41] : memref<10240x128xf32, #tpu.memory_space<vmem_shared>> -> memref<10240x128xf32, #tpu.memory_space<vmem_shared>>
      tpu.wait_indirect_dma semaphore(%run_scoped3A : memref<!tpu.dma_semaphore, #tpu.memory_space<semaphore_mem>>) src(%arg11 : memref<128x128xf32, #tpu.memory_space<vmem>>) dst(%dma_wait3A_42 : memref<10240x128xf32, #tpu.memory_space<vmem_shared>>)
      tpu.yield
    }) : () -> ()
    %add3A_9 = arith.constant 384 : i32
    %add3A_10 = arith.addi %mul3A_2, %add3A_9 : i32
    "tpu.region"() ({
      %run_scoped3A = tpu.sem_alloc : memref<!tpu.dma_semaphore, #tpu.memory_space<semaphore_mem>>
      %dma_start3A = tpu.memref_slice %arg6[%add3A_10] : memref<10240xi32, #tpu.memory_space<hbm>> -> memref<128xi32, #tpu.memory_space<hbm>>
      %dma_start3A_39 = tpu.memref_slice %arg6[%add3A_10] : memref<10240xi32, #tpu.memory_space<hbm>> -> memref<128xi32, #tpu.memory_space<hbm>>
      tpu.enqueue_dma source(%dma_start3A_39 : memref<128xi32, #tpu.memory_space<hbm>>) target(%arg10 : memref<128xi32, #tpu.memory_space<vmem>>) target_semaphore(%run_scoped3A : memref<!tpu.dma_semaphore, #tpu.memory_space<semaphore_mem>>)
      %dma_wait3A = tpu.memref_slice %arg6[%add3A_10] : memref<10240xi32, #tpu.memory_space<hbm>> -> memref<128xi32, #tpu.memory_space<hbm>>
      %dma_wait3A_40 = tpu.memref_slice %arg6[%add3A_10] : memref<10240xi32, #tpu.memory_space<hbm>> -> memref<128xi32, #tpu.memory_space<hbm>>
      tpu.wait_dma2 semaphore(%run_scoped3A : memref<!tpu.dma_semaphore, #tpu.memory_space<semaphore_mem>>) src(%dma_wait3A_40 : memref<128xi32, #tpu.memory_space<hbm>>) dst(%arg10 : memref<128xi32, #tpu.memory_space<vmem>>)
      tpu.yield
    }) : () -> ()
    "tpu.region"() ({
      %run_scoped3A = tpu.sem_alloc : memref<!tpu.dma_semaphore, #tpu.memory_space<semaphore_mem>>
      %dma_start3A = arith.constant 0 : i32
      %dma_start3A_39 = arith.constant 0 : i32
      %dma_start3A_40 = tpu.memref_slice %arg15[%dma_start3A, %dma_start3A_39] : memref<10240x128xf32, #tpu.memory_space<vmem_shared>> -> memref<10240x128xf32, #tpu.memory_space<vmem_shared>>
      tpu.enqueue_indirect_dma source(%arg11 : memref<128x128xf32, #tpu.memory_space<vmem>>) target(%dma_start3A_40 : memref<10240x128xf32, #tpu.memory_space<vmem_shared>>) offsets(%arg10 : memref<128xi32, #tpu.memory_space<vmem>>) semaphore(%run_scoped3A : memref<!tpu.dma_semaphore, #tpu.memory_space<semaphore_mem>>)
      %dma_wait3A = arith.constant 0 : i32
      %dma_wait3A_41 = arith.constant 0 : i32
      %dma_wait3A_42 = tpu.memref_slice %arg15[%dma_wait3A, %dma_wait3A_41] : memref<10240x128xf32, #tpu.memory_space<vmem_shared>> -> memref<10240x128xf32, #tpu.memory_space<vmem_shared>>
      tpu.wait_indirect_dma semaphore(%run_scoped3A : memref<!tpu.dma_semaphore, #tpu.memory_space<semaphore_mem>>) src(%arg11 : memref<128x128xf32, #tpu.memory_space<vmem>>) dst(%dma_wait3A_42 : memref<10240x128xf32, #tpu.memory_space<vmem_shared>>)
      tpu.yield
    }) : () -> ()
    %add3A_11 = arith.constant 512 : i32
    %add3A_12 = arith.addi %mul3A_2, %add3A_11 : i32
    "tpu.region"() ({
      %run_scoped3A = tpu.sem_alloc : memref<!tpu.dma_semaphore, #tpu.memory_space<semaphore_mem>>
      %dma_start3A = tpu.memref_slice %arg6[%add3A_12] : memref<10240xi32, #tpu.memory_space<hbm>> -> memref<128xi32, #tpu.memory_space<hbm>>
      %dma_start3A_39 = tpu.memref_slice %arg6[%add3A_12] : memref<10240xi32, #tpu.memory_space<hbm>> -> memref<128xi32, #tpu.memory_space<hbm>>
      tpu.enqueue_dma source(%dma_start3A_39 : memref<128xi32, #tpu.memory_space<hbm>>) target(%arg10 : memref<128xi32, #tpu.memory_space<vmem>>) target_semaphore(%run_scoped3A : memref<!tpu.dma_semaphore, #tpu.memory_space<semaphore_mem>>)
      %dma_wait3A = tpu.memref_slice %arg6[%add3A_12] : memref<10240xi32, #tpu.memory_space<hbm>> -> memref<128xi32, #tpu.memory_space<hbm>>
      %dma_wait3A_40 = tpu.memref_slice %arg6[%add3A_12] : memref<10240xi32, #tpu.memory_space<hbm>> -> memref<128xi32, #tpu.memory_space<hbm>>
      tpu.wait_dma2 semaphore(%run_scoped3A : memref<!tpu.dma_semaphore, #tpu.memory_space<semaphore_mem>>) src(%dma_wait3A_40 : memref<128xi32, #tpu.memory_space<hbm>>) dst(%arg10 : memref<128xi32, #tpu.memory_space<vmem>>)
      tpu.yield
    }) : () -> ()
    "tpu.region"() ({
      %run_scoped3A = tpu.sem_alloc : memref<!tpu.dma_semaphore, #tpu.memory_space<semaphore_mem>>
      %dma_start3A = arith.constant 0 : i32
      %dma_start3A_39 = arith.constant 0 : i32
      %dma_start3A_40 = tpu.memref_slice %arg15[%dma_start3A, %dma_start3A_39] : memref<10240x128xf32, #tpu.memory_space<vmem_shared>> -> memref<10240x128xf32, #tpu.memory_space<vmem_shared>>
      tpu.enqueue_indirect_dma source(%arg11 : memref<128x128xf32, #tpu.memory_space<vmem>>) target(%dma_start3A_40 : memref<10240x128xf32, #tpu.memory_space<vmem_shared>>) offsets(%arg10 : memref<128xi32, #tpu.memory_space<vmem>>) semaphore(%run_scoped3A : memref<!tpu.dma_semaphore, #tpu.memory_space<semaphore_mem>>)
      %dma_wait3A = arith.constant 0 : i32
      %dma_wait3A_41 = arith.constant 0 : i32
      %dma_wait3A_42 = tpu.memref_slice %arg15[%dma_wait3A, %dma_wait3A_41] : memref<10240x128xf32, #tpu.memory_space<vmem_shared>> -> memref<10240x128xf32, #tpu.memory_space<vmem_shared>>
      tpu.wait_indirect_dma semaphore(%run_scoped3A : memref<!tpu.dma_semaphore, #tpu.memory_space<semaphore_mem>>) src(%arg11 : memref<128x128xf32, #tpu.memory_space<vmem>>) dst(%dma_wait3A_42 : memref<10240x128xf32, #tpu.memory_space<vmem_shared>>)
      tpu.yield
    }) : () -> ()
    %barrier3A = arith.constant 0 : index
    tpu.barrier barrier_id(%barrier3A)
    %scan3A = arith.constant 0 : i32
    %scan3A_13 = arith.constant 0 : i32
    %scan3A_14 = arith.constant 10 : i32
    %scan3A_15 = arith.addi %scan3A_13, %scan3A_14 : i32
    %scan3A_16 = arith.constant 1 : i32
    scf.for %scan3A_39 = %scan3A_13 to %scan3A_15 step %scan3A_16  : i32 {
      %mul3A_40 = arith.constant 10 : i32
      %mul3A_41 = arith.muli %add3A, %mul3A_40 : i32
      %add3A_42 = arith.addi %mul3A_41, %scan3A_39 : i32
      "tpu.region"() ({
        %run_scoped3A_163 = tpu.sem_alloc : memref<!tpu.dma_semaphore, #tpu.memory_space<semaphore_mem>>
        %dma_start3A_164 = arith.constant 0 : i32
        %dma_start3A_165 = arith.constant 0 : i32
        %dma_start3A_166 = tpu.memref_slice %arg3[%add3A_42, %dma_start3A_164, %dma_start3A_165] : memref<320x8x128xi32, #tpu.memory_space<hbm>> -> memref<1x8x128xi32, #tpu.memory_space<hbm>>
        %dma_start3A_167 = tpu.memref_squeeze %dma_start3A_166 : memref<1x8x128xi32, #tpu.memory_space<hbm>> -> memref<8x128xi32, #tpu.memory_space<hbm>>
        %dma_start3A_168 = arith.constant 0 : i32
        %dma_start3A_169 = arith.constant 0 : i32
        %dma_start3A_170 = tpu.memref_slice %arg3[%add3A_42, %dma_start3A_168, %dma_start3A_169] : memref<320x8x128xi32, #tpu.memory_space<hbm>> -> memref<1x8x128xi32, #tpu.memory_space<hbm>>
        %dma_start3A_171 = tpu.memref_squeeze %dma_start3A_170 : memref<1x8x128xi32, #tpu.memory_space<hbm>> -> memref<8x128xi32, #tpu.memory_space<hbm>>
        tpu.enqueue_dma source(%dma_start3A_171 : memref<8x128xi32, #tpu.memory_space<hbm>>) target(%arg8 : memref<8x128xi32, #tpu.memory_space<vmem>>) target_semaphore(%run_scoped3A_163 : memref<!tpu.dma_semaphore, #tpu.memory_space<semaphore_mem>>)
        %dma_wait3A_172 = arith.constant 0 : i32
        %dma_wait3A_173 = arith.constant 0 : i32
        %dma_wait3A_174 = tpu.memref_slice %arg3[%add3A_42, %dma_wait3A_172, %dma_wait3A_173] : memref<320x8x128xi32, #tpu.memory_space<hbm>> -> memref<1x8x128xi32, #tpu.memory_space<hbm>>
        %dma_wait3A_175 = tpu.memref_squeeze %dma_wait3A_174 : memref<1x8x128xi32, #tpu.memory_space<hbm>> -> memref<8x128xi32, #tpu.memory_space<hbm>>
        %dma_wait3A_176 = arith.constant 0 : i32
        %dma_wait3A_177 = arith.constant 0 : i32
        %dma_wait3A_178 = tpu.memref_slice %arg3[%add3A_42, %dma_wait3A_176, %dma_wait3A_177] : memref<320x8x128xi32, #tpu.memory_space<hbm>> -> memref<1x8x128xi32, #tpu.memory_space<hbm>>
        %dma_wait3A_179 = tpu.memref_squeeze %dma_wait3A_178 : memref<1x8x128xi32, #tpu.memory_space<hbm>> -> memref<8x128xi32, #tpu.memory_space<hbm>>
        tpu.wait_dma2 semaphore(%run_scoped3A_163 : memref<!tpu.dma_semaphore, #tpu.memory_space<semaphore_mem>>) src(%dma_wait3A_179 : memref<8x128xi32, #tpu.memory_space<hbm>>) dst(%arg8 : memref<8x128xi32, #tpu.memory_space<vmem>>)
        tpu.yield
      }) : () -> ()
      %mul3A_43 = arith.constant 10 : i32
      %mul3A_44 = arith.muli %add3A, %mul3A_43 : i32
      %add3A_45 = arith.addi %mul3A_44, %scan3A_39 : i32
      "tpu.region"() ({
        %run_scoped3A_163 = tpu.sem_alloc : memref<!tpu.dma_semaphore, #tpu.memory_space<semaphore_mem>>
        %dma_start3A_164 = arith.constant 0 : i32
        %dma_start3A_165 = arith.constant 0 : i32
        %dma_start3A_166 = tpu.memref_slice %arg4[%add3A_45, %dma_start3A_164, %dma_start3A_165] : memref<320x8x128xi32, #tpu.memory_space<hbm>> -> memref<1x8x128xi32, #tpu.memory_space<hbm>>
        %dma_start3A_167 = tpu.memref_squeeze %dma_start3A_166 : memref<1x8x128xi32, #tpu.memory_space<hbm>> -> memref<8x128xi32, #tpu.memory_space<hbm>>
        %dma_start3A_168 = arith.constant 0 : i32
        %dma_start3A_169 = arith.constant 0 : i32
        %dma_start3A_170 = tpu.memref_slice %arg4[%add3A_45, %dma_start3A_168, %dma_start3A_169] : memref<320x8x128xi32, #tpu.memory_space<hbm>> -> memref<1x8x128xi32, #tpu.memory_space<hbm>>
        %dma_start3A_171 = tpu.memref_squeeze %dma_start3A_170 : memref<1x8x128xi32, #tpu.memory_space<hbm>> -> memref<8x128xi32, #tpu.memory_space<hbm>>
        tpu.enqueue_dma source(%dma_start3A_171 : memref<8x128xi32, #tpu.memory_space<hbm>>) target(%arg9 : memref<8x128xi32, #tpu.memory_space<vmem>>) target_semaphore(%run_scoped3A_163 : memref<!tpu.dma_semaphore, #tpu.memory_space<semaphore_mem>>)
        %dma_wait3A_172 = arith.constant 0 : i32
        %dma_wait3A_173 = arith.constant 0 : i32
        %dma_wait3A_174 = tpu.memref_slice %arg4[%add3A_45, %dma_wait3A_172, %dma_wait3A_173] : memref<320x8x128xi32, #tpu.memory_space<hbm>> -> memref<1x8x128xi32, #tpu.memory_space<hbm>>
        %dma_wait3A_175 = tpu.memref_squeeze %dma_wait3A_174 : memref<1x8x128xi32, #tpu.memory_space<hbm>> -> memref<8x128xi32, #tpu.memory_space<hbm>>
        %dma_wait3A_176 = arith.constant 0 : i32
        %dma_wait3A_177 = arith.constant 0 : i32
        %dma_wait3A_178 = tpu.memref_slice %arg4[%add3A_45, %dma_wait3A_176, %dma_wait3A_177] : memref<320x8x128xi32, #tpu.memory_space<hbm>> -> memref<1x8x128xi32, #tpu.memory_space<hbm>>
        %dma_wait3A_179 = tpu.memref_squeeze %dma_wait3A_178 : memref<1x8x128xi32, #tpu.memory_space<hbm>> -> memref<8x128xi32, #tpu.memory_space<hbm>>
        tpu.wait_dma2 semaphore(%run_scoped3A_163 : memref<!tpu.dma_semaphore, #tpu.memory_space<semaphore_mem>>) src(%dma_wait3A_179 : memref<8x128xi32, #tpu.memory_space<hbm>>) dst(%arg9 : memref<8x128xi32, #tpu.memory_space<vmem>>)
        tpu.yield
      }) : () -> ()
      %dma_start3A = arith.constant 0 : i32
      %dma_start3A_46 = arith.constant 0 : i32
      %dma_start3A_47 = tpu.memref_slice %arg8[%dma_start3A, %dma_start3A_46] : memref<8x128xi32, #tpu.memory_space<vmem>> -> memref<1x128xi32, #tpu.memory_space<vmem>>
      %dma_start3A_48 = tpu.memref_squeeze %dma_start3A_47 : memref<1x128xi32, #tpu.memory_space<vmem>> -> memref<128xi32, #tpu.memory_space<vmem>>
      %dma_start3A_49 = arith.constant 0 : i32
      %dma_start3A_50 = arith.constant 0 : i32
      %dma_start3A_51 = tpu.memref_slice %arg2[%dma_start3A_49, %dma_start3A_50] : memref<10000x128xf32, #tpu.memory_space<hbm>> -> memref<10000x128xf32, #tpu.memory_space<hbm>>
      tpu.enqueue_indirect_dma source(%dma_start3A_51 : memref<10000x128xf32, #tpu.memory_space<hbm>>) target(%arg11 : memref<128x128xf32, #tpu.memory_space<vmem>>) offsets(%dma_start3A_48 : memref<128xi32, #tpu.memory_space<vmem>>) semaphore(%arg13 : memref<!tpu.dma_semaphore, #tpu.memory_space<semaphore_mem>>)
      %dma_start3A_52 = arith.constant 1 : i32
      %dma_start3A_53 = arith.constant 0 : i32
      %dma_start3A_54 = tpu.memref_slice %arg8[%dma_start3A_52, %dma_start3A_53] : memref<8x128xi32, #tpu.memory_space<vmem>> -> memref<1x128xi32, #tpu.memory_space<vmem>>
      %dma_start3A_55 = tpu.memref_squeeze %dma_start3A_54 : memref<1x128xi32, #tpu.memory_space<vmem>> -> memref<128xi32, #tpu.memory_space<vmem>>
      %dma_start3A_56 = arith.constant 0 : i32
      %dma_start3A_57 = arith.constant 0 : i32
      %dma_start3A_58 = tpu.memref_slice %arg2[%dma_start3A_56, %dma_start3A_57] : memref<10000x128xf32, #tpu.memory_space<hbm>> -> memref<10000x128xf32, #tpu.memory_space<hbm>>
      tpu.enqueue_indirect_dma source(%dma_start3A_58 : memref<10000x128xf32, #tpu.memory_space<hbm>>) target(%arg12 : memref<128x128xf32, #tpu.memory_space<vmem>>) offsets(%dma_start3A_55 : memref<128xi32, #tpu.memory_space<vmem>>) semaphore(%arg14 : memref<!tpu.dma_semaphore, #tpu.memory_space<semaphore_mem>>)
      %dma_wait3A = arith.constant 0 : i32
      %dma_wait3A_59 = arith.constant 0 : i32
      %dma_wait3A_60 = tpu.memref_slice %arg8[%dma_wait3A, %dma_wait3A_59] : memref<8x128xi32, #tpu.memory_space<vmem>> -> memref<1x128xi32, #tpu.memory_space<vmem>>
      %dma_wait3A_61 = tpu.memref_squeeze %dma_wait3A_60 : memref<1x128xi32, #tpu.memory_space<vmem>> -> memref<128xi32, #tpu.memory_space<vmem>>
      %dma_wait3A_62 = arith.constant 0 : i32
      %dma_wait3A_63 = arith.constant 0 : i32
      %dma_wait3A_64 = tpu.memref_slice %arg2[%dma_wait3A_62, %dma_wait3A_63] : memref<10000x128xf32, #tpu.memory_space<hbm>> -> memref<10000x128xf32, #tpu.memory_space<hbm>>
      tpu.wait_indirect_dma semaphore(%arg13 : memref<!tpu.dma_semaphore, #tpu.memory_space<semaphore_mem>>) src(%dma_wait3A_64 : memref<10000x128xf32, #tpu.memory_space<hbm>>) dst(%arg11 : memref<128x128xf32, #tpu.memory_space<vmem>>)
      %run_scoped3A = arith.constant 0 : i32
      "tpu.region"() ({
        %run_scoped3A_163 = tpu.sem_alloc : memref<!tpu.dma_semaphore, #tpu.memory_space<semaphore_mem>>
        %dma_start3A_164 = arith.constant 0 : i32
        %dma_start3A_165 = tpu.memref_slice %arg9[%run_scoped3A, %dma_start3A_164] : memref<8x128xi32, #tpu.memory_space<vmem>> -> memref<1x128xi32, #tpu.memory_space<vmem>>
        %dma_start3A_166 = tpu.memref_squeeze %dma_start3A_165 : memref<1x128xi32, #tpu.memory_space<vmem>> -> memref<128xi32, #tpu.memory_space<vmem>>
        %dma_start3A_167 = arith.constant 0 : i32
        %dma_start3A_168 = arith.constant 0 : i32
        %dma_start3A_169 = tpu.memref_slice %arg15[%dma_start3A_167, %dma_start3A_168] : memref<10240x128xf32, #tpu.memory_space<vmem_shared>> -> memref<10240x128xf32, #tpu.memory_space<vmem_shared>>
        tpu.enqueue_indirect_dma source(%arg11 : memref<128x128xf32, #tpu.memory_space<vmem>>) target(%dma_start3A_169 : memref<10240x128xf32, #tpu.memory_space<vmem_shared>>) offsets(%dma_start3A_166 : memref<128xi32, #tpu.memory_space<vmem>>) semaphore(%run_scoped3A_163 : memref<!tpu.dma_semaphore, #tpu.memory_space<semaphore_mem>>) {add = true}
        %dma_wait3A_170 = arith.constant 0 : i32
        %dma_wait3A_171 = tpu.memref_slice %arg9[%run_scoped3A, %dma_wait3A_170] : memref<8x128xi32, #tpu.memory_space<vmem>> -> memref<1x128xi32, #tpu.memory_space<vmem>>
        %dma_wait3A_172 = tpu.memref_squeeze %dma_wait3A_171 : memref<1x128xi32, #tpu.memory_space<vmem>> -> memref<128xi32, #tpu.memory_space<vmem>>
        %dma_wait3A_173 = arith.constant 0 : i32
        %dma_wait3A_174 = arith.constant 0 : i32
        %dma_wait3A_175 = tpu.memref_slice %arg15[%dma_wait3A_173, %dma_wait3A_174] : memref<10240x128xf32, #tpu.memory_space<vmem_shared>> -> memref<10240x128xf32, #tpu.memory_space<vmem_shared>>
        tpu.wait_indirect_dma semaphore(%run_scoped3A_163 : memref<!tpu.dma_semaphore, #tpu.memory_space<semaphore_mem>>) src(%arg11 : memref<128x128xf32, #tpu.memory_space<vmem>>) dst(%dma_wait3A_175 : memref<10240x128xf32, #tpu.memory_space<vmem_shared>>)
        tpu.yield
      }) : () -> ()
      %dma_start3A_65 = arith.constant 2 : i32
      %dma_start3A_66 = arith.constant 0 : i32
      %dma_start3A_67 = tpu.memref_slice %arg8[%dma_start3A_65, %dma_start3A_66] : memref<8x128xi32, #tpu.memory_space<vmem>> -> memref<1x128xi32, #tpu.memory_space<vmem>>
      %dma_start3A_68 = tpu.memref_squeeze %dma_start3A_67 : memref<1x128xi32, #tpu.memory_space<vmem>> -> memref<128xi32, #tpu.memory_space<vmem>>
      %dma_start3A_69 = arith.constant 0 : i32
      %dma_start3A_70 = arith.constant 0 : i32
      %dma_start3A_71 = tpu.memref_slice %arg2[%dma_start3A_69, %dma_start3A_70] : memref<10000x128xf32, #tpu.memory_space<hbm>> -> memref<10000x128xf32, #tpu.memory_space<hbm>>
      tpu.enqueue_indirect_dma source(%dma_start3A_71 : memref<10000x128xf32, #tpu.memory_space<hbm>>) target(%arg11 : memref<128x128xf32, #tpu.memory_space<vmem>>) offsets(%dma_start3A_68 : memref<128xi32, #tpu.memory_space<vmem>>) semaphore(%arg13 : memref<!tpu.dma_semaphore, #tpu.memory_space<semaphore_mem>>)
      %dma_wait3A_72 = arith.constant 1 : i32
      %dma_wait3A_73 = arith.constant 0 : i32
      %dma_wait3A_74 = tpu.memref_slice %arg8[%dma_wait3A_72, %dma_wait3A_73] : memref<8x128xi32, #tpu.memory_space<vmem>> -> memref<1x128xi32, #tpu.memory_space<vmem>>
      %dma_wait3A_75 = tpu.memref_squeeze %dma_wait3A_74 : memref<1x128xi32, #tpu.memory_space<vmem>> -> memref<128xi32, #tpu.memory_space<vmem>>
      %dma_wait3A_76 = arith.constant 0 : i32
      %dma_wait3A_77 = arith.constant 0 : i32
      %dma_wait3A_78 = tpu.memref_slice %arg2[%dma_wait3A_76, %dma_wait3A_77] : memref<10000x128xf32, #tpu.memory_space<hbm>> -> memref<10000x128xf32, #tpu.memory_space<hbm>>
      tpu.wait_indirect_dma semaphore(%arg14 : memref<!tpu.dma_semaphore, #tpu.memory_space<semaphore_mem>>) src(%dma_wait3A_78 : memref<10000x128xf32, #tpu.memory_space<hbm>>) dst(%arg12 : memref<128x128xf32, #tpu.memory_space<vmem>>)
      %run_scoped3A_79 = arith.constant 1 : i32
      "tpu.region"() ({
        %run_scoped3A_163 = tpu.sem_alloc : memref<!tpu.dma_semaphore, #tpu.memory_space<semaphore_mem>>
        %dma_start3A_164 = arith.constant 0 : i32
        %dma_start3A_165 = tpu.memref_slice %arg9[%run_scoped3A_79, %dma_start3A_164] : memref<8x128xi32, #tpu.memory_space<vmem>> -> memref<1x128xi32, #tpu.memory_space<vmem>>
        %dma_start3A_166 = tpu.memref_squeeze %dma_start3A_165 : memref<1x128xi32, #tpu.memory_space<vmem>> -> memref<128xi32, #tpu.memory_space<vmem>>
        %dma_start3A_167 = arith.constant 0 : i32
        %dma_start3A_168 = arith.constant 0 : i32
        %dma_start3A_169 = tpu.memref_slice %arg15[%dma_start3A_167, %dma_start3A_168] : memref<10240x128xf32, #tpu.memory_space<vmem_shared>> -> memref<10240x128xf32, #tpu.memory_space<vmem_shared>>
        tpu.enqueue_indirect_dma source(%arg12 : memref<128x128xf32, #tpu.memory_space<vmem>>) target(%dma_start3A_169 : memref<10240x128xf32, #tpu.memory_space<vmem_shared>>) offsets(%dma_start3A_166 : memref<128xi32, #tpu.memory_space<vmem>>) semaphore(%run_scoped3A_163 : memref<!tpu.dma_semaphore, #tpu.memory_space<semaphore_mem>>) {add = true}
        %dma_wait3A_170 = arith.constant 0 : i32
        %dma_wait3A_171 = tpu.memref_slice %arg9[%run_scoped3A_79, %dma_wait3A_170] : memref<8x128xi32, #tpu.memory_space<vmem>> -> memref<1x128xi32, #tpu.memory_space<vmem>>
        %dma_wait3A_172 = tpu.memref_squeeze %dma_wait3A_171 : memref<1x128xi32, #tpu.memory_space<vmem>> -> memref<128xi32, #tpu.memory_space<vmem>>
        %dma_wait3A_173 = arith.constant 0 : i32
        %dma_wait3A_174 = arith.constant 0 : i32
        %dma_wait3A_175 = tpu.memref_slice %arg15[%dma_wait3A_173, %dma_wait3A_174] : memref<10240x128xf32, #tpu.memory_space<vmem_shared>> -> memref<10240x128xf32, #tpu.memory_space<vmem_shared>>
        tpu.wait_indirect_dma semaphore(%run_scoped3A_163 : memref<!tpu.dma_semaphore, #tpu.memory_space<semaphore_mem>>) src(%arg12 : memref<128x128xf32, #tpu.memory_space<vmem>>) dst(%dma_wait3A_175 : memref<10240x128xf32, #tpu.memory_space<vmem_shared>>)
        tpu.yield
      }) : () -> ()
      %dma_start3A_80 = arith.constant 3 : i32
      %dma_start3A_81 = arith.constant 0 : i32
      %dma_start3A_82 = tpu.memref_slice %arg8[%dma_start3A_80, %dma_start3A_81] : memref<8x128xi32, #tpu.memory_space<vmem>> -> memref<1x128xi32, #tpu.memory_space<vmem>>
      %dma_start3A_83 = tpu.memref_squeeze %dma_start3A_82 : memref<1x128xi32, #tpu.memory_space<vmem>> -> memref<128xi32, #tpu.memory_space<vmem>>
      %dma_start3A_84 = arith.constant 0 : i32
      %dma_start3A_85 = arith.constant 0 : i32
      %dma_start3A_86 = tpu.memref_slice %arg2[%dma_start3A_84, %dma_start3A_85] : memref<10000x128xf32, #tpu.memory_space<hbm>> -> memref<10000x128xf32, #tpu.memory_space<hbm>>
      tpu.enqueue_indirect_dma source(%dma_start3A_86 : memref<10000x128xf32, #tpu.memory_space<hbm>>) target(%arg12 : memref<128x128xf32, #tpu.memory_space<vmem>>) offsets(%dma_start3A_83 : memref<128xi32, #tpu.memory_space<vmem>>) semaphore(%arg14 : memref<!tpu.dma_semaphore, #tpu.memory_space<semaphore_mem>>)
      %dma_wait3A_87 = arith.constant 2 : i32
      %dma_wait3A_88 = arith.constant 0 : i32
      %dma_wait3A_89 = tpu.memref_slice %arg8[%dma_wait3A_87, %dma_wait3A_88] : memref<8x128xi32, #tpu.memory_space<vmem>> -> memref<1x128xi32, #tpu.memory_space<vmem>>
      %dma_wait3A_90 = tpu.memref_squeeze %dma_wait3A_89 : memref<1x128xi32, #tpu.memory_space<vmem>> -> memref<128xi32, #tpu.memory_space<vmem>>
      %dma_wait3A_91 = arith.constant 0 : i32
      %dma_wait3A_92 = arith.constant 0 : i32
      %dma_wait3A_93 = tpu.memref_slice %arg2[%dma_wait3A_91, %dma_wait3A_92] : memref<10000x128xf32, #tpu.memory_space<hbm>> -> memref<10000x128xf32, #tpu.memory_space<hbm>>
      tpu.wait_indirect_dma semaphore(%arg13 : memref<!tpu.dma_semaphore, #tpu.memory_space<semaphore_mem>>) src(%dma_wait3A_93 : memref<10000x128xf32, #tpu.memory_space<hbm>>) dst(%arg11 : memref<128x128xf32, #tpu.memory_space<vmem>>)
      %run_scoped3A_94 = arith.constant 2 : i32
      "tpu.region"() ({
        %run_scoped3A_163 = tpu.sem_alloc : memref<!tpu.dma_semaphore, #tpu.memory_space<semaphore_mem>>
        %dma_start3A_164 = arith.constant 0 : i32
        %dma_start3A_165 = tpu.memref_slice %arg9[%run_scoped3A_94, %dma_start3A_164] : memref<8x128xi32, #tpu.memory_space<vmem>> -> memref<1x128xi32, #tpu.memory_space<vmem>>
        %dma_start3A_166 = tpu.memref_squeeze %dma_start3A_165 : memref<1x128xi32, #tpu.memory_space<vmem>> -> memref<128xi32, #tpu.memory_space<vmem>>
        %dma_start3A_167 = arith.constant 0 : i32
        %dma_start3A_168 = arith.constant 0 : i32
        %dma_start3A_169 = tpu.memref_slice %arg15[%dma_start3A_167, %dma_start3A_168] : memref<10240x128xf32, #tpu.memory_space<vmem_shared>> -> memref<10240x128xf32, #tpu.memory_space<vmem_shared>>
        tpu.enqueue_indirect_dma source(%arg11 : memref<128x128xf32, #tpu.memory_space<vmem>>) target(%dma_start3A_169 : memref<10240x128xf32, #tpu.memory_space<vmem_shared>>) offsets(%dma_start3A_166 : memref<128xi32, #tpu.memory_space<vmem>>) semaphore(%run_scoped3A_163 : memref<!tpu.dma_semaphore, #tpu.memory_space<semaphore_mem>>) {add = true}
        %dma_wait3A_170 = arith.constant 0 : i32
        %dma_wait3A_171 = tpu.memref_slice %arg9[%run_scoped3A_94, %dma_wait3A_170] : memref<8x128xi32, #tpu.memory_space<vmem>> -> memref<1x128xi32, #tpu.memory_space<vmem>>
        %dma_wait3A_172 = tpu.memref_squeeze %dma_wait3A_171 : memref<1x128xi32, #tpu.memory_space<vmem>> -> memref<128xi32, #tpu.memory_space<vmem>>
        %dma_wait3A_173 = arith.constant 0 : i32
        %dma_wait3A_174 = arith.constant 0 : i32
        %dma_wait3A_175 = tpu.memref_slice %arg15[%dma_wait3A_173, %dma_wait3A_174] : memref<10240x128xf32, #tpu.memory_space<vmem_shared>> -> memref<10240x128xf32, #tpu.memory_space<vmem_shared>>
        tpu.wait_indirect_dma semaphore(%run_scoped3A_163 : memref<!tpu.dma_semaphore, #tpu.memory_space<semaphore_mem>>) src(%arg11 : memref<128x128xf32, #tpu.memory_space<vmem>>) dst(%dma_wait3A_175 : memref<10240x128xf32, #tpu.memory_space<vmem_shared>>)
        tpu.yield
      }) : () -> ()
      %dma_start3A_95 = arith.constant 4 : i32
      %dma_start3A_96 = arith.constant 0 : i32
      %dma_start3A_97 = tpu.memref_slice %arg8[%dma_start3A_95, %dma_start3A_96] : memref<8x128xi32, #tpu.memory_space<vmem>> -> memref<1x128xi32, #tpu.memory_space<vmem>>
      %dma_start3A_98 = tpu.memref_squeeze %dma_start3A_97 : memref<1x128xi32, #tpu.memory_space<vmem>> -> memref<128xi32, #tpu.memory_space<vmem>>
      %dma_start3A_99 = arith.constant 0 : i32
      %dma_start3A_100 = arith.constant 0 : i32
      %dma_start3A_101 = tpu.memref_slice %arg2[%dma_start3A_99, %dma_start3A_100] : memref<10000x128xf32, #tpu.memory_space<hbm>> -> memref<10000x128xf32, #tpu.memory_space<hbm>>
      tpu.enqueue_indirect_dma source(%dma_start3A_101 : memref<10000x128xf32, #tpu.memory_space<hbm>>) target(%arg11 : memref<128x128xf32, #tpu.memory_space<vmem>>) offsets(%dma_start3A_98 : memref<128xi32, #tpu.memory_space<vmem>>) semaphore(%arg13 : memref<!tpu.dma_semaphore, #tpu.memory_space<semaphore_mem>>)
      %dma_wait3A_102 = arith.constant 3 : i32
      %dma_wait3A_103 = arith.constant 0 : i32
      %dma_wait3A_104 = tpu.memref_slice %arg8[%dma_wait3A_102, %dma_wait3A_103] : memref<8x128xi32, #tpu.memory_space<vmem>> -> memref<1x128xi32, #tpu.memory_space<vmem>>
      %dma_wait3A_105 = tpu.memref_squeeze %dma_wait3A_104 : memref<1x128xi32, #tpu.memory_space<vmem>> -> memref<128xi32, #tpu.memory_space<vmem>>
      %dma_wait3A_106 = arith.constant 0 : i32
      %dma_wait3A_107 = arith.constant 0 : i32
      %dma_wait3A_108 = tpu.memref_slice %arg2[%dma_wait3A_106, %dma_wait3A_107] : memref<10000x128xf32, #tpu.memory_space<hbm>> -> memref<10000x128xf32, #tpu.memory_space<hbm>>
      tpu.wait_indirect_dma semaphore(%arg14 : memref<!tpu.dma_semaphore, #tpu.memory_space<semaphore_mem>>) src(%dma_wait3A_108 : memref<10000x128xf32, #tpu.memory_space<hbm>>) dst(%arg12 : memref<128x128xf32, #tpu.memory_space<vmem>>)
      %run_scoped3A_109 = arith.constant 3 : i32
      "tpu.region"() ({
        %run_scoped3A_163 = tpu.sem_alloc : memref<!tpu.dma_semaphore, #tpu.memory_space<semaphore_mem>>
        %dma_start3A_164 = arith.constant 0 : i32
        %dma_start3A_165 = tpu.memref_slice %arg9[%run_scoped3A_109, %dma_start3A_164] : memref<8x128xi32, #tpu.memory_space<vmem>> -> memref<1x128xi32, #tpu.memory_space<vmem>>
        %dma_start3A_166 = tpu.memref_squeeze %dma_start3A_165 : memref<1x128xi32, #tpu.memory_space<vmem>> -> memref<128xi32, #tpu.memory_space<vmem>>
        %dma_start3A_167 = arith.constant 0 : i32
        %dma_start3A_168 = arith.constant 0 : i32
        %dma_start3A_169 = tpu.memref_slice %arg15[%dma_start3A_167, %dma_start3A_168] : memref<10240x128xf32, #tpu.memory_space<vmem_shared>> -> memref<10240x128xf32, #tpu.memory_space<vmem_shared>>
        tpu.enqueue_indirect_dma source(%arg12 : memref<128x128xf32, #tpu.memory_space<vmem>>) target(%dma_start3A_169 : memref<10240x128xf32, #tpu.memory_space<vmem_shared>>) offsets(%dma_start3A_166 : memref<128xi32, #tpu.memory_space<vmem>>) semaphore(%run_scoped3A_163 : memref<!tpu.dma_semaphore, #tpu.memory_space<semaphore_mem>>) {add = true}
        %dma_wait3A_170 = arith.constant 0 : i32
        %dma_wait3A_171 = tpu.memref_slice %arg9[%run_scoped3A_109, %dma_wait3A_170] : memref<8x128xi32, #tpu.memory_space<vmem>> -> memref<1x128xi32, #tpu.memory_space<vmem>>
        %dma_wait3A_172 = tpu.memref_squeeze %dma_wait3A_171 : memref<1x128xi32, #tpu.memory_space<vmem>> -> memref<128xi32, #tpu.memory_space<vmem>>
        %dma_wait3A_173 = arith.constant 0 : i32
        %dma_wait3A_174 = arith.constant 0 : i32
        %dma_wait3A_175 = tpu.memref_slice %arg15[%dma_wait3A_173, %dma_wait3A_174] : memref<10240x128xf32, #tpu.memory_space<vmem_shared>> -> memref<10240x128xf32, #tpu.memory_space<vmem_shared>>
        tpu.wait_indirect_dma semaphore(%run_scoped3A_163 : memref<!tpu.dma_semaphore, #tpu.memory_space<semaphore_mem>>) src(%arg12 : memref<128x128xf32, #tpu.memory_space<vmem>>) dst(%dma_wait3A_175 : memref<10240x128xf32, #tpu.memory_space<vmem_shared>>)
        tpu.yield
      }) : () -> ()
      %dma_start3A_110 = arith.constant 5 : i32
      %dma_start3A_111 = arith.constant 0 : i32
      %dma_start3A_112 = tpu.memref_slice %arg8[%dma_start3A_110, %dma_start3A_111] : memref<8x128xi32, #tpu.memory_space<vmem>> -> memref<1x128xi32, #tpu.memory_space<vmem>>
      %dma_start3A_113 = tpu.memref_squeeze %dma_start3A_112 : memref<1x128xi32, #tpu.memory_space<vmem>> -> memref<128xi32, #tpu.memory_space<vmem>>
      %dma_start3A_114 = arith.constant 0 : i32
      %dma_start3A_115 = arith.constant 0 : i32
      %dma_start3A_116 = tpu.memref_slice %arg2[%dma_start3A_114, %dma_start3A_115] : memref<10000x128xf32, #tpu.memory_space<hbm>> -> memref<10000x128xf32, #tpu.memory_space<hbm>>
      tpu.enqueue_indirect_dma source(%dma_start3A_116 : memref<10000x128xf32, #tpu.memory_space<hbm>>) target(%arg12 : memref<128x128xf32, #tpu.memory_space<vmem>>) offsets(%dma_start3A_113 : memref<128xi32, #tpu.memory_space<vmem>>) semaphore(%arg14 : memref<!tpu.dma_semaphore, #tpu.memory_space<semaphore_mem>>)
      %dma_wait3A_117 = arith.constant 4 : i32
      %dma_wait3A_118 = arith.constant 0 : i32
      %dma_wait3A_119 = tpu.memref_slice %arg8[%dma_wait3A_117, %dma_wait3A_118] : memref<8x128xi32, #tpu.memory_space<vmem>> -> memref<1x128xi32, #tpu.memory_space<vmem>>
      %dma_wait3A_120 = tpu.memref_squeeze %dma_wait3A_119 : memref<1x128xi32, #tpu.memory_space<vmem>> -> memref<128xi32, #tpu.memory_space<vmem>>
      %dma_wait3A_121 = arith.constant 0 : i32
      %dma_wait3A_122 = arith.constant 0 : i32
      %dma_wait3A_123 = tpu.memref_slice %arg2[%dma_wait3A_121, %dma_wait3A_122] : memref<10000x128xf32, #tpu.memory_space<hbm>> -> memref<10000x128xf32, #tpu.memory_space<hbm>>
      tpu.wait_indirect_dma semaphore(%arg13 : memref<!tpu.dma_semaphore, #tpu.memory_space<semaphore_mem>>) src(%dma_wait3A_123 : memref<10000x128xf32, #tpu.memory_space<hbm>>) dst(%arg11 : memref<128x128xf32, #tpu.memory_space<vmem>>)
      %run_scoped3A_124 = arith.constant 4 : i32
      "tpu.region"() ({
        %run_scoped3A_163 = tpu.sem_alloc : memref<!tpu.dma_semaphore, #tpu.memory_space<semaphore_mem>>
        %dma_start3A_164 = arith.constant 0 : i32
        %dma_start3A_165 = tpu.memref_slice %arg9[%run_scoped3A_124, %dma_start3A_164] : memref<8x128xi32, #tpu.memory_space<vmem>> -> memref<1x128xi32, #tpu.memory_space<vmem>>
        %dma_start3A_166 = tpu.memref_squeeze %dma_start3A_165 : memref<1x128xi32, #tpu.memory_space<vmem>> -> memref<128xi32, #tpu.memory_space<vmem>>
        %dma_start3A_167 = arith.constant 0 : i32
        %dma_start3A_168 = arith.constant 0 : i32
        %dma_start3A_169 = tpu.memref_slice %arg15[%dma_start3A_167, %dma_start3A_168] : memref<10240x128xf32, #tpu.memory_space<vmem_shared>> -> memref<10240x128xf32, #tpu.memory_space<vmem_shared>>
        tpu.enqueue_indirect_dma source(%arg11 : memref<128x128xf32, #tpu.memory_space<vmem>>) target(%dma_start3A_169 : memref<10240x128xf32, #tpu.memory_space<vmem_shared>>) offsets(%dma_start3A_166 : memref<128xi32, #tpu.memory_space<vmem>>) semaphore(%run_scoped3A_163 : memref<!tpu.dma_semaphore, #tpu.memory_space<semaphore_mem>>) {add = true}
        %dma_wait3A_170 = arith.constant 0 : i32
        %dma_wait3A_171 = tpu.memref_slice %arg9[%run_scoped3A_124, %dma_wait3A_170] : memref<8x128xi32, #tpu.memory_space<vmem>> -> memref<1x128xi32, #tpu.memory_space<vmem>>
        %dma_wait3A_172 = tpu.memref_squeeze %dma_wait3A_171 : memref<1x128xi32, #tpu.memory_space<vmem>> -> memref<128xi32, #tpu.memory_space<vmem>>
        %dma_wait3A_173 = arith.constant 0 : i32
        %dma_wait3A_174 = arith.constant 0 : i32
        %dma_wait3A_175 = tpu.memref_slice %arg15[%dma_wait3A_173, %dma_wait3A_174] : memref<10240x128xf32, #tpu.memory_space<vmem_shared>> -> memref<10240x128xf32, #tpu.memory_space<vmem_shared>>
        tpu.wait_indirect_dma semaphore(%run_scoped3A_163 : memref<!tpu.dma_semaphore, #tpu.memory_space<semaphore_mem>>) src(%arg11 : memref<128x128xf32, #tpu.memory_space<vmem>>) dst(%dma_wait3A_175 : memref<10240x128xf32, #tpu.memory_space<vmem_shared>>)
        tpu.yield
      }) : () -> ()
      %dma_start3A_125 = arith.constant 6 : i32
      %dma_start3A_126 = arith.constant 0 : i32
      %dma_start3A_127 = tpu.memref_slice %arg8[%dma_start3A_125, %dma_start3A_126] : memref<8x128xi32, #tpu.memory_space<vmem>> -> memref<1x128xi32, #tpu.memory_space<vmem>>
      %dma_start3A_128 = tpu.memref_squeeze %dma_start3A_127 : memref<1x128xi32, #tpu.memory_space<vmem>> -> memref<128xi32, #tpu.memory_space<vmem>>
      %dma_start3A_129 = arith.constant 0 : i32
      %dma_start3A_130 = arith.constant 0 : i32
      %dma_start3A_131 = tpu.memref_slice %arg2[%dma_start3A_129, %dma_start3A_130] : memref<10000x128xf32, #tpu.memory_space<hbm>> -> memref<10000x128xf32, #tpu.memory_space<hbm>>
      tpu.enqueue_indirect_dma source(%dma_start3A_131 : memref<10000x128xf32, #tpu.memory_space<hbm>>) target(%arg11 : memref<128x128xf32, #tpu.memory_space<vmem>>) offsets(%dma_start3A_128 : memref<128xi32, #tpu.memory_space<vmem>>) semaphore(%arg13 : memref<!tpu.dma_semaphore, #tpu.memory_space<semaphore_mem>>)
      %dma_wait3A_132 = arith.constant 5 : i32
      %dma_wait3A_133 = arith.constant 0 : i32
      %dma_wait3A_134 = tpu.memref_slice %arg8[%dma_wait3A_132, %dma_wait3A_133] : memref<8x128xi32, #tpu.memory_space<vmem>> -> memref<1x128xi32, #tpu.memory_space<vmem>>
      %dma_wait3A_135 = tpu.memref_squeeze %dma_wait3A_134 : memref<1x128xi32, #tpu.memory_space<vmem>> -> memref<128xi32, #tpu.memory_space<vmem>>
      %dma_wait3A_136 = arith.constant 0 : i32
      %dma_wait3A_137 = arith.constant 0 : i32
      %dma_wait3A_138 = tpu.memref_slice %arg2[%dma_wait3A_136, %dma_wait3A_137] : memref<10000x128xf32, #tpu.memory_space<hbm>> -> memref<10000x128xf32, #tpu.memory_space<hbm>>
      tpu.wait_indirect_dma semaphore(%arg14 : memref<!tpu.dma_semaphore, #tpu.memory_space<semaphore_mem>>) src(%dma_wait3A_138 : memref<10000x128xf32, #tpu.memory_space<hbm>>) dst(%arg12 : memref<128x128xf32, #tpu.memory_space<vmem>>)
      %run_scoped3A_139 = arith.constant 5 : i32
      "tpu.region"() ({
        %run_scoped3A_163 = tpu.sem_alloc : memref<!tpu.dma_semaphore, #tpu.memory_space<semaphore_mem>>
        %dma_start3A_164 = arith.constant 0 : i32
        %dma_start3A_165 = tpu.memref_slice %arg9[%run_scoped3A_139, %dma_start3A_164] : memref<8x128xi32, #tpu.memory_space<vmem>> -> memref<1x128xi32, #tpu.memory_space<vmem>>
        %dma_start3A_166 = tpu.memref_squeeze %dma_start3A_165 : memref<1x128xi32, #tpu.memory_space<vmem>> -> memref<128xi32, #tpu.memory_space<vmem>>
        %dma_start3A_167 = arith.constant 0 : i32
        %dma_start3A_168 = arith.constant 0 : i32
        %dma_start3A_169 = tpu.memref_slice %arg15[%dma_start3A_167, %dma_start3A_168] : memref<10240x128xf32, #tpu.memory_space<vmem_shared>> -> memref<10240x128xf32, #tpu.memory_space<vmem_shared>>
        tpu.enqueue_indirect_dma source(%arg12 : memref<128x128xf32, #tpu.memory_space<vmem>>) target(%dma_start3A_169 : memref<10240x128xf32, #tpu.memory_space<vmem_shared>>) offsets(%dma_start3A_166 : memref<128xi32, #tpu.memory_space<vmem>>) semaphore(%run_scoped3A_163 : memref<!tpu.dma_semaphore, #tpu.memory_space<semaphore_mem>>) {add = true}
        %dma_wait3A_170 = arith.constant 0 : i32
        %dma_wait3A_171 = tpu.memref_slice %arg9[%run_scoped3A_139, %dma_wait3A_170] : memref<8x128xi32, #tpu.memory_space<vmem>> -> memref<1x128xi32, #tpu.memory_space<vmem>>
        %dma_wait3A_172 = tpu.memref_squeeze %dma_wait3A_171 : memref<1x128xi32, #tpu.memory_space<vmem>> -> memref<128xi32, #tpu.memory_space<vmem>>
        %dma_wait3A_173 = arith.constant 0 : i32
        %dma_wait3A_174 = arith.constant 0 : i32
        %dma_wait3A_175 = tpu.memref_slice %arg15[%dma_wait3A_173, %dma_wait3A_174] : memref<10240x128xf32, #tpu.memory_space<vmem_shared>> -> memref<10240x128xf32, #tpu.memory_space<vmem_shared>>
        tpu.wait_indirect_dma semaphore(%run_scoped3A_163 : memref<!tpu.dma_semaphore, #tpu.memory_space<semaphore_mem>>) src(%arg12 : memref<128x128xf32, #tpu.memory_space<vmem>>) dst(%dma_wait3A_175 : memref<10240x128xf32, #tpu.memory_space<vmem_shared>>)
        tpu.yield
      }) : () -> ()
      %dma_start3A_140 = arith.constant 7 : i32
      %dma_start3A_141 = arith.constant 0 : i32
      %dma_start3A_142 = tpu.memref_slice %arg8[%dma_start3A_140, %dma_start3A_141] : memref<8x128xi32, #tpu.memory_space<vmem>> -> memref<1x128xi32, #tpu.memory_space<vmem>>
      %dma_start3A_143 = tpu.memref_squeeze %dma_start3A_142 : memref<1x128xi32, #tpu.memory_space<vmem>> -> memref<128xi32, #tpu.memory_space<vmem>>
      %dma_start3A_144 = arith.constant 0 : i32
      %dma_start3A_145 = arith.constant 0 : i32
      %dma_start3A_146 = tpu.memref_slice %arg2[%dma_start3A_144, %dma_start3A_145] : memref<10000x128xf32, #tpu.memory_space<hbm>> -> memref<10000x128xf32, #tpu.memory_space<hbm>>
      tpu.enqueue_indirect_dma source(%dma_start3A_146 : memref<10000x128xf32, #tpu.memory_space<hbm>>) target(%arg12 : memref<128x128xf32, #tpu.memory_space<vmem>>) offsets(%dma_start3A_143 : memref<128xi32, #tpu.memory_space<vmem>>) semaphore(%arg14 : memref<!tpu.dma_semaphore, #tpu.memory_space<semaphore_mem>>)
      %dma_wait3A_147 = arith.constant 6 : i32
      %dma_wait3A_148 = arith.constant 0 : i32
      %dma_wait3A_149 = tpu.memref_slice %arg8[%dma_wait3A_147, %dma_wait3A_148] : memref<8x128xi32, #tpu.memory_space<vmem>> -> memref<1x128xi32, #tpu.memory_space<vmem>>
      %dma_wait3A_150 = tpu.memref_squeeze %dma_wait3A_149 : memref<1x128xi32, #tpu.memory_space<vmem>> -> memref<128xi32, #tpu.memory_space<vmem>>
      %dma_wait3A_151 = arith.constant 0 : i32
      %dma_wait3A_152 = arith.constant 0 : i32
      %dma_wait3A_153 = tpu.memref_slice %arg2[%dma_wait3A_151, %dma_wait3A_152] : memref<10000x128xf32, #tpu.memory_space<hbm>> -> memref<10000x128xf32, #tpu.memory_space<hbm>>
      tpu.wait_indirect_dma semaphore(%arg13 : memref<!tpu.dma_semaphore, #tpu.memory_space<semaphore_mem>>) src(%dma_wait3A_153 : memref<10000x128xf32, #tpu.memory_space<hbm>>) dst(%arg11 : memref<128x128xf32, #tpu.memory_space<vmem>>)
      %run_scoped3A_154 = arith.constant 6 : i32
      "tpu.region"() ({
        %run_scoped3A_163 = tpu.sem_alloc : memref<!tpu.dma_semaphore, #tpu.memory_space<semaphore_mem>>
        %dma_start3A_164 = arith.constant 0 : i32
        %dma_start3A_165 = tpu.memref_slice %arg9[%run_scoped3A_154, %dma_start3A_164] : memref<8x128xi32, #tpu.memory_space<vmem>> -> memref<1x128xi32, #tpu.memory_space<vmem>>
        %dma_start3A_166 = tpu.memref_squeeze %dma_start3A_165 : memref<1x128xi32, #tpu.memory_space<vmem>> -> memref<128xi32, #tpu.memory_space<vmem>>
        %dma_start3A_167 = arith.constant 0 : i32
        %dma_start3A_168 = arith.constant 0 : i32
        %dma_start3A_169 = tpu.memref_slice %arg15[%dma_start3A_167, %dma_start3A_168] : memref<10240x128xf32, #tpu.memory_space<vmem_shared>> -> memref<10240x128xf32, #tpu.memory_space<vmem_shared>>
        tpu.enqueue_indirect_dma source(%arg11 : memref<128x128xf32, #tpu.memory_space<vmem>>) target(%dma_start3A_169 : memref<10240x128xf32, #tpu.memory_space<vmem_shared>>) offsets(%dma_start3A_166 : memref<128xi32, #tpu.memory_space<vmem>>) semaphore(%run_scoped3A_163 : memref<!tpu.dma_semaphore, #tpu.memory_space<semaphore_mem>>) {add = true}
        %dma_wait3A_170 = arith.constant 0 : i32
        %dma_wait3A_171 = tpu.memref_slice %arg9[%run_scoped3A_154, %dma_wait3A_170] : memref<8x128xi32, #tpu.memory_space<vmem>> -> memref<1x128xi32, #tpu.memory_space<vmem>>
        %dma_wait3A_172 = tpu.memref_squeeze %dma_wait3A_171 : memref<1x128xi32, #tpu.memory_space<vmem>> -> memref<128xi32, #tpu.memory_space<vmem>>
        %dma_wait3A_173 = arith.constant 0 : i32
        %dma_wait3A_174 = arith.constant 0 : i32
        %dma_wait3A_175 = tpu.memref_slice %arg15[%dma_wait3A_173, %dma_wait3A_174] : memref<10240x128xf32, #tpu.memory_space<vmem_shared>> -> memref<10240x128xf32, #tpu.memory_space<vmem_shared>>
        tpu.wait_indirect_dma semaphore(%run_scoped3A_163 : memref<!tpu.dma_semaphore, #tpu.memory_space<semaphore_mem>>) src(%arg11 : memref<128x128xf32, #tpu.memory_space<vmem>>) dst(%dma_wait3A_175 : memref<10240x128xf32, #tpu.memory_space<vmem_shared>>)
        tpu.yield
      }) : () -> ()
      %dma_wait3A_155 = arith.constant 7 : i32
      %dma_wait3A_156 = arith.constant 0 : i32
      %dma_wait3A_157 = tpu.memref_slice %arg8[%dma_wait3A_155, %dma_wait3A_156] : memref<8x128xi32, #tpu.memory_space<vmem>> -> memref<1x128xi32, #tpu.memory_space<vmem>>
      %dma_wait3A_158 = tpu.memref_squeeze %dma_wait3A_157 : memref<1x128xi32, #tpu.memory_space<vmem>> -> memref<128xi32, #tpu.memory_space<vmem>>
      %dma_wait3A_159 = arith.constant 0 : i32
      %dma_wait3A_160 = arith.constant 0 : i32
      %dma_wait3A_161 = tpu.memref_slice %arg2[%dma_wait3A_159, %dma_wait3A_160] : memref<10000x128xf32, #tpu.memory_space<hbm>> -> memref<10000x128xf32, #tpu.memory_space<hbm>>
      tpu.wait_indirect_dma semaphore(%arg14 : memref<!tpu.dma_semaphore, #tpu.memory_space<semaphore_mem>>) src(%dma_wait3A_161 : memref<10000x128xf32, #tpu.memory_space<hbm>>) dst(%arg12 : memref<128x128xf32, #tpu.memory_space<vmem>>)
      %run_scoped3A_162 = arith.constant 7 : i32
      "tpu.region"() ({
        %run_scoped3A_163 = tpu.sem_alloc : memref<!tpu.dma_semaphore, #tpu.memory_space<semaphore_mem>>
        %dma_start3A_164 = arith.constant 0 : i32
        %dma_start3A_165 = tpu.memref_slice %arg9[%run_scoped3A_162, %dma_start3A_164] : memref<8x128xi32, #tpu.memory_space<vmem>> -> memref<1x128xi32, #tpu.memory_space<vmem>>
        %dma_start3A_166 = tpu.memref_squeeze %dma_start3A_165 : memref<1x128xi32, #tpu.memory_space<vmem>> -> memref<128xi32, #tpu.memory_space<vmem>>
        %dma_start3A_167 = arith.constant 0 : i32
        %dma_start3A_168 = arith.constant 0 : i32
        %dma_start3A_169 = tpu.memref_slice %arg15[%dma_start3A_167, %dma_start3A_168] : memref<10240x128xf32, #tpu.memory_space<vmem_shared>> -> memref<10240x128xf32, #tpu.memory_space<vmem_shared>>
        tpu.enqueue_indirect_dma source(%arg12 : memref<128x128xf32, #tpu.memory_space<vmem>>) target(%dma_start3A_169 : memref<10240x128xf32, #tpu.memory_space<vmem_shared>>) offsets(%dma_start3A_166 : memref<128xi32, #tpu.memory_space<vmem>>) semaphore(%run_scoped3A_163 : memref<!tpu.dma_semaphore, #tpu.memory_space<semaphore_mem>>) {add = true}
        %dma_wait3A_170 = arith.constant 0 : i32
        %dma_wait3A_171 = tpu.memref_slice %arg9[%run_scoped3A_162, %dma_wait3A_170] : memref<8x128xi32, #tpu.memory_space<vmem>> -> memref<1x128xi32, #tpu.memory_space<vmem>>
        %dma_wait3A_172 = tpu.memref_squeeze %dma_wait3A_171 : memref<1x128xi32, #tpu.memory_space<vmem>> -> memref<128xi32, #tpu.memory_space<vmem>>
        %dma_wait3A_173 = arith.constant 0 : i32
        %dma_wait3A_174 = arith.constant 0 : i32
        %dma_wait3A_175 = tpu.memref_slice %arg15[%dma_wait3A_173, %dma_wait3A_174] : memref<10240x128xf32, #tpu.memory_space<vmem_shared>> -> memref<10240x128xf32, #tpu.memory_space<vmem_shared>>
        tpu.wait_indirect_dma semaphore(%run_scoped3A_163 : memref<!tpu.dma_semaphore, #tpu.memory_space<semaphore_mem>>) src(%arg12 : memref<128x128xf32, #tpu.memory_space<vmem>>) dst(%dma_wait3A_175 : memref<10240x128xf32, #tpu.memory_space<vmem_shared>>)
        tpu.yield
      }) : () -> ()
    }
    %scan3A_17 = arith.constant 10 : i32
    %barrier3A_18 = arith.constant 0 : index
    tpu.barrier barrier_id(%barrier3A_18)
    %add3A_19 = arith.constant 0 : i32
    %add3A_20 = arith.addi %mul3A_2, %add3A_19 : i32
    "tpu.region"() ({
      %run_scoped3A = tpu.sem_alloc : memref<!tpu.dma_semaphore, #tpu.memory_space<semaphore_mem>>
      %dma_start3A = tpu.memref_slice %arg6[%add3A_20] : memref<10240xi32, #tpu.memory_space<hbm>> -> memref<128xi32, #tpu.memory_space<hbm>>
      %dma_start3A_39 = tpu.memref_slice %arg6[%add3A_20] : memref<10240xi32, #tpu.memory_space<hbm>> -> memref<128xi32, #tpu.memory_space<hbm>>
      tpu.enqueue_dma source(%dma_start3A_39 : memref<128xi32, #tpu.memory_space<hbm>>) target(%arg10 : memref<128xi32, #tpu.memory_space<vmem>>) target_semaphore(%run_scoped3A : memref<!tpu.dma_semaphore, #tpu.memory_space<semaphore_mem>>)
      %dma_wait3A = tpu.memref_slice %arg6[%add3A_20] : memref<10240xi32, #tpu.memory_space<hbm>> -> memref<128xi32, #tpu.memory_space<hbm>>
      %dma_wait3A_40 = tpu.memref_slice %arg6[%add3A_20] : memref<10240xi32, #tpu.memory_space<hbm>> -> memref<128xi32, #tpu.memory_space<hbm>>
      tpu.wait_dma2 semaphore(%run_scoped3A : memref<!tpu.dma_semaphore, #tpu.memory_space<semaphore_mem>>) src(%dma_wait3A_40 : memref<128xi32, #tpu.memory_space<hbm>>) dst(%arg10 : memref<128xi32, #tpu.memory_space<vmem>>)
      tpu.yield
    }) : () -> ()
    "tpu.region"() ({
      %run_scoped3A = tpu.sem_alloc : memref<!tpu.dma_semaphore, #tpu.memory_space<semaphore_mem>>
      %dma_start3A = arith.constant 0 : i32
      %dma_start3A_39 = arith.constant 0 : i32
      %dma_start3A_40 = tpu.memref_slice %arg15[%dma_start3A, %dma_start3A_39] : memref<10240x128xf32, #tpu.memory_space<vmem_shared>> -> memref<10240x128xf32, #tpu.memory_space<vmem_shared>>
      tpu.enqueue_indirect_dma source(%dma_start3A_40 : memref<10240x128xf32, #tpu.memory_space<vmem_shared>>) target(%arg11 : memref<128x128xf32, #tpu.memory_space<vmem>>) offsets(%arg10 : memref<128xi32, #tpu.memory_space<vmem>>) semaphore(%run_scoped3A : memref<!tpu.dma_semaphore, #tpu.memory_space<semaphore_mem>>)
      %dma_wait3A = arith.constant 0 : i32
      %dma_wait3A_41 = arith.constant 0 : i32
      %dma_wait3A_42 = tpu.memref_slice %arg15[%dma_wait3A, %dma_wait3A_41] : memref<10240x128xf32, #tpu.memory_space<vmem_shared>> -> memref<10240x128xf32, #tpu.memory_space<vmem_shared>>
      tpu.wait_indirect_dma semaphore(%run_scoped3A : memref<!tpu.dma_semaphore, #tpu.memory_space<semaphore_mem>>) src(%dma_wait3A_42 : memref<10240x128xf32, #tpu.memory_space<vmem_shared>>) dst(%arg11 : memref<128x128xf32, #tpu.memory_space<vmem>>)
      tpu.yield
    }) : () -> ()
    %add3A_21 = arith.constant 0 : i32
    %add3A_22 = arith.addi %mul3A_2, %add3A_21 : i32
    "tpu.region"() ({
      %run_scoped3A = tpu.sem_alloc : memref<!tpu.dma_semaphore, #tpu.memory_space<semaphore_mem>>
      %dma_start3A = arith.constant 0 : i32
      %dma_start3A_39 = tpu.memref_slice %arg7[%arg0, %add3A_22, %dma_start3A] : memref<2x10240x128xf32, #tpu.memory_space<hbm>> -> memref<1x128x128xf32, #tpu.memory_space<hbm>>
      %dma_start3A_40 = tpu.memref_squeeze %dma_start3A_39 : memref<1x128x128xf32, #tpu.memory_space<hbm>> -> memref<128x128xf32, #tpu.memory_space<hbm>>
      %dma_start3A_41 = arith.constant 0 : i32
      %dma_start3A_42 = tpu.memref_slice %arg7[%arg0, %add3A_22, %dma_start3A_41] : memref<2x10240x128xf32, #tpu.memory_space<hbm>> -> memref<1x128x128xf32, #tpu.memory_space<hbm>>
      %dma_start3A_43 = tpu.memref_squeeze %dma_start3A_42 : memref<1x128x128xf32, #tpu.memory_space<hbm>> -> memref<128x128xf32, #tpu.memory_space<hbm>>
      tpu.enqueue_dma source(%arg11 : memref<128x128xf32, #tpu.memory_space<vmem>>) target(%dma_start3A_43 : memref<128x128xf32, #tpu.memory_space<hbm>>) target_semaphore(%run_scoped3A : memref<!tpu.dma_semaphore, #tpu.memory_space<semaphore_mem>>)
      %dma_wait3A = arith.constant 0 : i32
      %dma_wait3A_44 = tpu.memref_slice %arg7[%arg0, %add3A_22, %dma_wait3A] : memref<2x10240x128xf32, #tpu.memory_space<hbm>> -> memref<1x128x128xf32, #tpu.memory_space<hbm>>
      %dma_wait3A_45 = tpu.memref_squeeze %dma_wait3A_44 : memref<1x128x128xf32, #tpu.memory_space<hbm>> -> memref<128x128xf32, #tpu.memory_space<hbm>>
      %dma_wait3A_46 = arith.constant 0 : i32
      %dma_wait3A_47 = tpu.memref_slice %arg7[%arg0, %add3A_22, %dma_wait3A_46] : memref<2x10240x128xf32, #tpu.memory_space<hbm>> -> memref<1x128x128xf32, #tpu.memory_space<hbm>>
      %dma_wait3A_48 = tpu.memref_squeeze %dma_wait3A_47 : memref<1x128x128xf32, #tpu.memory_space<hbm>> -> memref<128x128xf32, #tpu.memory_space<hbm>>
      tpu.wait_dma2 semaphore(%run_scoped3A : memref<!tpu.dma_semaphore, #tpu.memory_space<semaphore_mem>>) src(%arg11 : memref<128x128xf32, #tpu.memory_space<vmem>>) dst(%dma_wait3A_48 : memref<128x128xf32, #tpu.memory_space<hbm>>)
      tpu.yield
    }) : () -> ()
    %add3A_23 = arith.constant 128 : i32
    %add3A_24 = arith.addi %mul3A_2, %add3A_23 : i32
    "tpu.region"() ({
      %run_scoped3A = tpu.sem_alloc : memref<!tpu.dma_semaphore, #tpu.memory_space<semaphore_mem>>
      %dma_start3A = tpu.memref_slice %arg6[%add3A_24] : memref<10240xi32, #tpu.memory_space<hbm>> -> memref<128xi32, #tpu.memory_space<hbm>>
      %dma_start3A_39 = tpu.memref_slice %arg6[%add3A_24] : memref<10240xi32, #tpu.memory_space<hbm>> -> memref<128xi32, #tpu.memory_space<hbm>>
      tpu.enqueue_dma source(%dma_start3A_39 : memref<128xi32, #tpu.memory_space<hbm>>) target(%arg10 : memref<128xi32, #tpu.memory_space<vmem>>) target_semaphore(%run_scoped3A : memref<!tpu.dma_semaphore, #tpu.memory_space<semaphore_mem>>)
      %dma_wait3A = tpu.memref_slice %arg6[%add3A_24] : memref<10240xi32, #tpu.memory_space<hbm>> -> memref<128xi32, #tpu.memory_space<hbm>>
      %dma_wait3A_40 = tpu.memref_slice %arg6[%add3A_24] : memref<10240xi32, #tpu.memory_space<hbm>> -> memref<128xi32, #tpu.memory_space<hbm>>
      tpu.wait_dma2 semaphore(%run_scoped3A : memref<!tpu.dma_semaphore, #tpu.memory_space<semaphore_mem>>) src(%dma_wait3A_40 : memref<128xi32, #tpu.memory_space<hbm>>) dst(%arg10 : memref<128xi32, #tpu.memory_space<vmem>>)
      tpu.yield
    }) : () -> ()
    "tpu.region"() ({
      %run_scoped3A = tpu.sem_alloc : memref<!tpu.dma_semaphore, #tpu.memory_space<semaphore_mem>>
      %dma_start3A = arith.constant 0 : i32
      %dma_start3A_39 = arith.constant 0 : i32
      %dma_start3A_40 = tpu.memref_slice %arg15[%dma_start3A, %dma_start3A_39] : memref<10240x128xf32, #tpu.memory_space<vmem_shared>> -> memref<10240x128xf32, #tpu.memory_space<vmem_shared>>
      tpu.enqueue_indirect_dma source(%dma_start3A_40 : memref<10240x128xf32, #tpu.memory_space<vmem_shared>>) target(%arg11 : memref<128x128xf32, #tpu.memory_space<vmem>>) offsets(%arg10 : memref<128xi32, #tpu.memory_space<vmem>>) semaphore(%run_scoped3A : memref<!tpu.dma_semaphore, #tpu.memory_space<semaphore_mem>>)
      %dma_wait3A = arith.constant 0 : i32
      %dma_wait3A_41 = arith.constant 0 : i32
      %dma_wait3A_42 = tpu.memref_slice %arg15[%dma_wait3A, %dma_wait3A_41] : memref<10240x128xf32, #tpu.memory_space<vmem_shared>> -> memref<10240x128xf32, #tpu.memory_space<vmem_shared>>
      tpu.wait_indirect_dma semaphore(%run_scoped3A : memref<!tpu.dma_semaphore, #tpu.memory_space<semaphore_mem>>) src(%dma_wait3A_42 : memref<10240x128xf32, #tpu.memory_space<vmem_shared>>) dst(%arg11 : memref<128x128xf32, #tpu.memory_space<vmem>>)
      tpu.yield
    }) : () -> ()
    %add3A_25 = arith.constant 128 : i32
    %add3A_26 = arith.addi %mul3A_2, %add3A_25 : i32
    "tpu.region"() ({
      %run_scoped3A = tpu.sem_alloc : memref<!tpu.dma_semaphore, #tpu.memory_space<semaphore_mem>>
      %dma_start3A = arith.constant 0 : i32
      %dma_start3A_39 = tpu.memref_slice %arg7[%arg0, %add3A_26, %dma_start3A] : memref<2x10240x128xf32, #tpu.memory_space<hbm>> -> memref<1x128x128xf32, #tpu.memory_space<hbm>>
      %dma_start3A_40 = tpu.memref_squeeze %dma_start3A_39 : memref<1x128x128xf32, #tpu.memory_space<hbm>> -> memref<128x128xf32, #tpu.memory_space<hbm>>
      %dma_start3A_41 = arith.constant 0 : i32
      %dma_start3A_42 = tpu.memref_slice %arg7[%arg0, %add3A_26, %dma_start3A_41] : memref<2x10240x128xf32, #tpu.memory_space<hbm>> -> memref<1x128x128xf32, #tpu.memory_space<hbm>>
      %dma_start3A_43 = tpu.memref_squeeze %dma_start3A_42 : memref<1x128x128xf32, #tpu.memory_space<hbm>> -> memref<128x128xf32, #tpu.memory_space<hbm>>
      tpu.enqueue_dma source(%arg11 : memref<128x128xf32, #tpu.memory_space<vmem>>) target(%dma_start3A_43 : memref<128x128xf32, #tpu.memory_space<hbm>>) target_semaphore(%run_scoped3A : memref<!tpu.dma_semaphore, #tpu.memory_space<semaphore_mem>>)
      %dma_wait3A = arith.constant 0 : i32
      %dma_wait3A_44 = tpu.memref_slice %arg7[%arg0, %add3A_26, %dma_wait3A] : memref<2x10240x128xf32, #tpu.memory_space<hbm>> -> memref<1x128x128xf32, #tpu.memory_space<hbm>>
      %dma_wait3A_45 = tpu.memref_squeeze %dma_wait3A_44 : memref<1x128x128xf32, #tpu.memory_space<hbm>> -> memref<128x128xf32, #tpu.memory_space<hbm>>
      %dma_wait3A_46 = arith.constant 0 : i32
      %dma_wait3A_47 = tpu.memref_slice %arg7[%arg0, %add3A_26, %dma_wait3A_46] : memref<2x10240x128xf32, #tpu.memory_space<hbm>> -> memref<1x128x128xf32, #tpu.memory_space<hbm>>
      %dma_wait3A_48 = tpu.memref_squeeze %dma_wait3A_47 : memref<1x128x128xf32, #tpu.memory_space<hbm>> -> memref<128x128xf32, #tpu.memory_space<hbm>>
      tpu.wait_dma2 semaphore(%run_scoped3A : memref<!tpu.dma_semaphore, #tpu.memory_space<semaphore_mem>>) src(%arg11 : memref<128x128xf32, #tpu.memory_space<vmem>>) dst(%dma_wait3A_48 : memref<128x128xf32, #tpu.memory_space<hbm>>)
      tpu.yield
    }) : () -> ()
    %add3A_27 = arith.constant 256 : i32
    %add3A_28 = arith.addi %mul3A_2, %add3A_27 : i32
    "tpu.region"() ({
      %run_scoped3A = tpu.sem_alloc : memref<!tpu.dma_semaphore, #tpu.memory_space<semaphore_mem>>
      %dma_start3A = tpu.memref_slice %arg6[%add3A_28] : memref<10240xi32, #tpu.memory_space<hbm>> -> memref<128xi32, #tpu.memory_space<hbm>>
      %dma_start3A_39 = tpu.memref_slice %arg6[%add3A_28] : memref<10240xi32, #tpu.memory_space<hbm>> -> memref<128xi32, #tpu.memory_space<hbm>>
      tpu.enqueue_dma source(%dma_start3A_39 : memref<128xi32, #tpu.memory_space<hbm>>) target(%arg10 : memref<128xi32, #tpu.memory_space<vmem>>) target_semaphore(%run_scoped3A : memref<!tpu.dma_semaphore, #tpu.memory_space<semaphore_mem>>)
      %dma_wait3A = tpu.memref_slice %arg6[%add3A_28] : memref<10240xi32, #tpu.memory_space<hbm>> -> memref<128xi32, #tpu.memory_space<hbm>>
      %dma_wait3A_40 = tpu.memref_slice %arg6[%add3A_28] : memref<10240xi32, #tpu.memory_space<hbm>> -> memref<128xi32, #tpu.memory_space<hbm>>
      tpu.wait_dma2 semaphore(%run_scoped3A : memref<!tpu.dma_semaphore, #tpu.memory_space<semaphore_mem>>) src(%dma_wait3A_40 : memref<128xi32, #tpu.memory_space<hbm>>) dst(%arg10 : memref<128xi32, #tpu.memory_space<vmem>>)
      tpu.yield
    }) : () -> ()
    "tpu.region"() ({
      %run_scoped3A = tpu.sem_alloc : memref<!tpu.dma_semaphore, #tpu.memory_space<semaphore_mem>>
      %dma_start3A = arith.constant 0 : i32
      %dma_start3A_39 = arith.constant 0 : i32
      %dma_start3A_40 = tpu.memref_slice %arg15[%dma_start3A, %dma_start3A_39] : memref<10240x128xf32, #tpu.memory_space<vmem_shared>> -> memref<10240x128xf32, #tpu.memory_space<vmem_shared>>
      tpu.enqueue_indirect_dma source(%dma_start3A_40 : memref<10240x128xf32, #tpu.memory_space<vmem_shared>>) target(%arg11 : memref<128x128xf32, #tpu.memory_space<vmem>>) offsets(%arg10 : memref<128xi32, #tpu.memory_space<vmem>>) semaphore(%run_scoped3A : memref<!tpu.dma_semaphore, #tpu.memory_space<semaphore_mem>>)
      %dma_wait3A = arith.constant 0 : i32
      %dma_wait3A_41 = arith.constant 0 : i32
      %dma_wait3A_42 = tpu.memref_slice %arg15[%dma_wait3A, %dma_wait3A_41] : memref<10240x128xf32, #tpu.memory_space<vmem_shared>> -> memref<10240x128xf32, #tpu.memory_space<vmem_shared>>
      tpu.wait_indirect_dma semaphore(%run_scoped3A : memref<!tpu.dma_semaphore, #tpu.memory_space<semaphore_mem>>) src(%dma_wait3A_42 : memref<10240x128xf32, #tpu.memory_space<vmem_shared>>) dst(%arg11 : memref<128x128xf32, #tpu.memory_space<vmem>>)
      tpu.yield
    }) : () -> ()
    %add3A_29 = arith.constant 256 : i32
    %add3A_30 = arith.addi %mul3A_2, %add3A_29 : i32
    "tpu.region"() ({
      %run_scoped3A = tpu.sem_alloc : memref<!tpu.dma_semaphore, #tpu.memory_space<semaphore_mem>>
      %dma_start3A = arith.constant 0 : i32
      %dma_start3A_39 = tpu.memref_slice %arg7[%arg0, %add3A_30, %dma_start3A] : memref<2x10240x128xf32, #tpu.memory_space<hbm>> -> memref<1x128x128xf32, #tpu.memory_space<hbm>>
      %dma_start3A_40 = tpu.memref_squeeze %dma_start3A_39 : memref<1x128x128xf32, #tpu.memory_space<hbm>> -> memref<128x128xf32, #tpu.memory_space<hbm>>
      %dma_start3A_41 = arith.constant 0 : i32
      %dma_start3A_42 = tpu.memref_slice %arg7[%arg0, %add3A_30, %dma_start3A_41] : memref<2x10240x128xf32, #tpu.memory_space<hbm>> -> memref<1x128x128xf32, #tpu.memory_space<hbm>>
      %dma_start3A_43 = tpu.memref_squeeze %dma_start3A_42 : memref<1x128x128xf32, #tpu.memory_space<hbm>> -> memref<128x128xf32, #tpu.memory_space<hbm>>
      tpu.enqueue_dma source(%arg11 : memref<128x128xf32, #tpu.memory_space<vmem>>) target(%dma_start3A_43 : memref<128x128xf32, #tpu.memory_space<hbm>>) target_semaphore(%run_scoped3A : memref<!tpu.dma_semaphore, #tpu.memory_space<semaphore_mem>>)
      %dma_wait3A = arith.constant 0 : i32
      %dma_wait3A_44 = tpu.memref_slice %arg7[%arg0, %add3A_30, %dma_wait3A] : memref<2x10240x128xf32, #tpu.memory_space<hbm>> -> memref<1x128x128xf32, #tpu.memory_space<hbm>>
      %dma_wait3A_45 = tpu.memref_squeeze %dma_wait3A_44 : memref<1x128x128xf32, #tpu.memory_space<hbm>> -> memref<128x128xf32, #tpu.memory_space<hbm>>
      %dma_wait3A_46 = arith.constant 0 : i32
      %dma_wait3A_47 = tpu.memref_slice %arg7[%arg0, %add3A_30, %dma_wait3A_46] : memref<2x10240x128xf32, #tpu.memory_space<hbm>> -> memref<1x128x128xf32, #tpu.memory_space<hbm>>
      %dma_wait3A_48 = tpu.memref_squeeze %dma_wait3A_47 : memref<1x128x128xf32, #tpu.memory_space<hbm>> -> memref<128x128xf32, #tpu.memory_space<hbm>>
      tpu.wait_dma2 semaphore(%run_scoped3A : memref<!tpu.dma_semaphore, #tpu.memory_space<semaphore_mem>>) src(%arg11 : memref<128x128xf32, #tpu.memory_space<vmem>>) dst(%dma_wait3A_48 : memref<128x128xf32, #tpu.memory_space<hbm>>)
      tpu.yield
    }) : () -> ()
    %add3A_31 = arith.constant 384 : i32
    %add3A_32 = arith.addi %mul3A_2, %add3A_31 : i32
    "tpu.region"() ({
      %run_scoped3A = tpu.sem_alloc : memref<!tpu.dma_semaphore, #tpu.memory_space<semaphore_mem>>
      %dma_start3A = tpu.memref_slice %arg6[%add3A_32] : memref<10240xi32, #tpu.memory_space<hbm>> -> memref<128xi32, #tpu.memory_space<hbm>>
      %dma_start3A_39 = tpu.memref_slice %arg6[%add3A_32] : memref<10240xi32, #tpu.memory_space<hbm>> -> memref<128xi32, #tpu.memory_space<hbm>>
      tpu.enqueue_dma source(%dma_start3A_39 : memref<128xi32, #tpu.memory_space<hbm>>) target(%arg10 : memref<128xi32, #tpu.memory_space<vmem>>) target_semaphore(%run_scoped3A : memref<!tpu.dma_semaphore, #tpu.memory_space<semaphore_mem>>)
      %dma_wait3A = tpu.memref_slice %arg6[%add3A_32] : memref<10240xi32, #tpu.memory_space<hbm>> -> memref<128xi32, #tpu.memory_space<hbm>>
      %dma_wait3A_40 = tpu.memref_slice %arg6[%add3A_32] : memref<10240xi32, #tpu.memory_space<hbm>> -> memref<128xi32, #tpu.memory_space<hbm>>
      tpu.wait_dma2 semaphore(%run_scoped3A : memref<!tpu.dma_semaphore, #tpu.memory_space<semaphore_mem>>) src(%dma_wait3A_40 : memref<128xi32, #tpu.memory_space<hbm>>) dst(%arg10 : memref<128xi32, #tpu.memory_space<vmem>>)
      tpu.yield
    }) : () -> ()
    "tpu.region"() ({
      %run_scoped3A = tpu.sem_alloc : memref<!tpu.dma_semaphore, #tpu.memory_space<semaphore_mem>>
      %dma_start3A = arith.constant 0 : i32
      %dma_start3A_39 = arith.constant 0 : i32
      %dma_start3A_40 = tpu.memref_slice %arg15[%dma_start3A, %dma_start3A_39] : memref<10240x128xf32, #tpu.memory_space<vmem_shared>> -> memref<10240x128xf32, #tpu.memory_space<vmem_shared>>
      tpu.enqueue_indirect_dma source(%dma_start3A_40 : memref<10240x128xf32, #tpu.memory_space<vmem_shared>>) target(%arg11 : memref<128x128xf32, #tpu.memory_space<vmem>>) offsets(%arg10 : memref<128xi32, #tpu.memory_space<vmem>>) semaphore(%run_scoped3A : memref<!tpu.dma_semaphore, #tpu.memory_space<semaphore_mem>>)
      %dma_wait3A = arith.constant 0 : i32
      %dma_wait3A_41 = arith.constant 0 : i32
      %dma_wait3A_42 = tpu.memref_slice %arg15[%dma_wait3A, %dma_wait3A_41] : memref<10240x128xf32, #tpu.memory_space<vmem_shared>> -> memref<10240x128xf32, #tpu.memory_space<vmem_shared>>
      tpu.wait_indirect_dma semaphore(%run_scoped3A : memref<!tpu.dma_semaphore, #tpu.memory_space<semaphore_mem>>) src(%dma_wait3A_42 : memref<10240x128xf32, #tpu.memory_space<vmem_shared>>) dst(%arg11 : memref<128x128xf32, #tpu.memory_space<vmem>>)
      tpu.yield
    }) : () -> ()
    %add3A_33 = arith.constant 384 : i32
    %add3A_34 = arith.addi %mul3A_2, %add3A_33 : i32
    "tpu.region"() ({
      %run_scoped3A = tpu.sem_alloc : memref<!tpu.dma_semaphore, #tpu.memory_space<semaphore_mem>>
      %dma_start3A = arith.constant 0 : i32
      %dma_start3A_39 = tpu.memref_slice %arg7[%arg0, %add3A_34, %dma_start3A] : memref<2x10240x128xf32, #tpu.memory_space<hbm>> -> memref<1x128x128xf32, #tpu.memory_space<hbm>>
      %dma_start3A_40 = tpu.memref_squeeze %dma_start3A_39 : memref<1x128x128xf32, #tpu.memory_space<hbm>> -> memref<128x128xf32, #tpu.memory_space<hbm>>
      %dma_start3A_41 = arith.constant 0 : i32
      %dma_start3A_42 = tpu.memref_slice %arg7[%arg0, %add3A_34, %dma_start3A_41] : memref<2x10240x128xf32, #tpu.memory_space<hbm>> -> memref<1x128x128xf32, #tpu.memory_space<hbm>>
      %dma_start3A_43 = tpu.memref_squeeze %dma_start3A_42 : memref<1x128x128xf32, #tpu.memory_space<hbm>> -> memref<128x128xf32, #tpu.memory_space<hbm>>
      tpu.enqueue_dma source(%arg11 : memref<128x128xf32, #tpu.memory_space<vmem>>) target(%dma_start3A_43 : memref<128x128xf32, #tpu.memory_space<hbm>>) target_semaphore(%run_scoped3A : memref<!tpu.dma_semaphore, #tpu.memory_space<semaphore_mem>>)
      %dma_wait3A = arith.constant 0 : i32
      %dma_wait3A_44 = tpu.memref_slice %arg7[%arg0, %add3A_34, %dma_wait3A] : memref<2x10240x128xf32, #tpu.memory_space<hbm>> -> memref<1x128x128xf32, #tpu.memory_space<hbm>>
      %dma_wait3A_45 = tpu.memref_squeeze %dma_wait3A_44 : memref<1x128x128xf32, #tpu.memory_space<hbm>> -> memref<128x128xf32, #tpu.memory_space<hbm>>
      %dma_wait3A_46 = arith.constant 0 : i32
      %dma_wait3A_47 = tpu.memref_slice %arg7[%arg0, %add3A_34, %dma_wait3A_46] : memref<2x10240x128xf32, #tpu.memory_space<hbm>> -> memref<1x128x128xf32, #tpu.memory_space<hbm>>
      %dma_wait3A_48 = tpu.memref_squeeze %dma_wait3A_47 : memref<1x128x128xf32, #tpu.memory_space<hbm>> -> memref<128x128xf32, #tpu.memory_space<hbm>>
      tpu.wait_dma2 semaphore(%run_scoped3A : memref<!tpu.dma_semaphore, #tpu.memory_space<semaphore_mem>>) src(%arg11 : memref<128x128xf32, #tpu.memory_space<vmem>>) dst(%dma_wait3A_48 : memref<128x128xf32, #tpu.memory_space<hbm>>)
      tpu.yield
    }) : () -> ()
    %add3A_35 = arith.constant 512 : i32
    %add3A_36 = arith.addi %mul3A_2, %add3A_35 : i32
    "tpu.region"() ({
      %run_scoped3A = tpu.sem_alloc : memref<!tpu.dma_semaphore, #tpu.memory_space<semaphore_mem>>
      %dma_start3A = tpu.memref_slice %arg6[%add3A_36] : memref<10240xi32, #tpu.memory_space<hbm>> -> memref<128xi32, #tpu.memory_space<hbm>>
      %dma_start3A_39 = tpu.memref_slice %arg6[%add3A_36] : memref<10240xi32, #tpu.memory_space<hbm>> -> memref<128xi32, #tpu.memory_space<hbm>>
      tpu.enqueue_dma source(%dma_start3A_39 : memref<128xi32, #tpu.memory_space<hbm>>) target(%arg10 : memref<128xi32, #tpu.memory_space<vmem>>) target_semaphore(%run_scoped3A : memref<!tpu.dma_semaphore, #tpu.memory_space<semaphore_mem>>)
      %dma_wait3A = tpu.memref_slice %arg6[%add3A_36] : memref<10240xi32, #tpu.memory_space<hbm>> -> memref<128xi32, #tpu.memory_space<hbm>>
      %dma_wait3A_40 = tpu.memref_slice %arg6[%add3A_36] : memref<10240xi32, #tpu.memory_space<hbm>> -> memref<128xi32, #tpu.memory_space<hbm>>
      tpu.wait_dma2 semaphore(%run_scoped3A : memref<!tpu.dma_semaphore, #tpu.memory_space<semaphore_mem>>) src(%dma_wait3A_40 : memref<128xi32, #tpu.memory_space<hbm>>) dst(%arg10 : memref<128xi32, #tpu.memory_space<vmem>>)
      tpu.yield
    }) : () -> ()
    "tpu.region"() ({
      %run_scoped3A = tpu.sem_alloc : memref<!tpu.dma_semaphore, #tpu.memory_space<semaphore_mem>>
      %dma_start3A = arith.constant 0 : i32
      %dma_start3A_39 = arith.constant 0 : i32
      %dma_start3A_40 = tpu.memref_slice %arg15[%dma_start3A, %dma_start3A_39] : memref<10240x128xf32, #tpu.memory_space<vmem_shared>> -> memref<10240x128xf32, #tpu.memory_space<vmem_shared>>
      tpu.enqueue_indirect_dma source(%dma_start3A_40 : memref<10240x128xf32, #tpu.memory_space<vmem_shared>>) target(%arg11 : memref<128x128xf32, #tpu.memory_space<vmem>>) offsets(%arg10 : memref<128xi32, #tpu.memory_space<vmem>>) semaphore(%run_scoped3A : memref<!tpu.dma_semaphore, #tpu.memory_space<semaphore_mem>>)
      %dma_wait3A = arith.constant 0 : i32
      %dma_wait3A_41 = arith.constant 0 : i32
      %dma_wait3A_42 = tpu.memref_slice %arg15[%dma_wait3A, %dma_wait3A_41] : memref<10240x128xf32, #tpu.memory_space<vmem_shared>> -> memref<10240x128xf32, #tpu.memory_space<vmem_shared>>
      tpu.wait_indirect_dma semaphore(%run_scoped3A : memref<!tpu.dma_semaphore, #tpu.memory_space<semaphore_mem>>) src(%dma_wait3A_42 : memref<10240x128xf32, #tpu.memory_space<vmem_shared>>) dst(%arg11 : memref<128x128xf32, #tpu.memory_space<vmem>>)
      tpu.yield
    }) : () -> ()
    %add3A_37 = arith.constant 512 : i32
    %add3A_38 = arith.addi %mul3A_2, %add3A_37 : i32
    "tpu.region"() ({
      %run_scoped3A = tpu.sem_alloc : memref<!tpu.dma_semaphore, #tpu.memory_space<semaphore_mem>>
      %dma_start3A = arith.constant 0 : i32
      %dma_start3A_39 = tpu.memref_slice %arg7[%arg0, %add3A_38, %dma_start3A] : memref<2x10240x128xf32, #tpu.memory_space<hbm>> -> memref<1x128x128xf32, #tpu.memory_space<hbm>>
      %dma_start3A_40 = tpu.memref_squeeze %dma_start3A_39 : memref<1x128x128xf32, #tpu.memory_space<hbm>> -> memref<128x128xf32, #tpu.memory_space<hbm>>
      %dma_start3A_41 = arith.constant 0 : i32
      %dma_start3A_42 = tpu.memref_slice %arg7[%arg0, %add3A_38, %dma_start3A_41] : memref<2x10240x128xf32, #tpu.memory_space<hbm>> -> memref<1x128x128xf32, #tpu.memory_space<hbm>>
      %dma_start3A_43 = tpu.memref_squeeze %dma_start3A_42 : memref<1x128x128xf32, #tpu.memory_space<hbm>> -> memref<128x128xf32, #tpu.memory_space<hbm>>
      tpu.enqueue_dma source(%arg11 : memref<128x128xf32, #tpu.memory_space<vmem>>) target(%dma_start3A_43 : memref<128x128xf32, #tpu.memory_space<hbm>>) target_semaphore(%run_scoped3A : memref<!tpu.dma_semaphore, #tpu.memory_space<semaphore_mem>>)
      %dma_wait3A = arith.constant 0 : i32
      %dma_wait3A_44 = tpu.memref_slice %arg7[%arg0, %add3A_38, %dma_wait3A] : memref<2x10240x128xf32, #tpu.memory_space<hbm>> -> memref<1x128x128xf32, #tpu.memory_space<hbm>>
      %dma_wait3A_45 = tpu.memref_squeeze %dma_wait3A_44 : memref<1x128x128xf32, #tpu.memory_space<hbm>> -> memref<128x128xf32, #tpu.memory_space<hbm>>
      %dma_wait3A_46 = arith.constant 0 : i32
      %dma_wait3A_47 = tpu.memref_slice %arg7[%arg0, %add3A_38, %dma_wait3A_46] : memref<2x10240x128xf32, #tpu.memory_space<hbm>> -> memref<1x128x128xf32, #tpu.memory_space<hbm>>
      %dma_wait3A_48 = tpu.memref_squeeze %dma_wait3A_47 : memref<1x128x128xf32, #tpu.memory_space<hbm>> -> memref<128x128xf32, #tpu.memory_space<hbm>>
      tpu.wait_dma2 semaphore(%run_scoped3A : memref<!tpu.dma_semaphore, #tpu.memory_space<semaphore_mem>>) src(%arg11 : memref<128x128xf32, #tpu.memory_space<vmem>>) dst(%dma_wait3A_48 : memref<128x128xf32, #tpu.memory_space<hbm>>)
      tpu.yield
    }) : () -> ()
    return
  }
}

#map = affine_map<(d0, d1) -> (0, 0, 0)>
#map1 = affine_map<(d0, d1) -> (0, 0)>
#map2 = affine_map<(d0, d1) -> (0)>
module attributes {stable_mosaic.version = 14 : i64} {
  func.func @body(%arg0: i32, %arg1: i32, %arg2: memref<320x8x128xi32, #tpu.memory_space<hbm>>, %arg3: memref<128x128xf32, #tpu.memory_space<hbm>>, %arg4: memref<128x128xf32, #tpu.memory_space<hbm>>, %arg5: memref<10240xi32, #tpu.memory_space<hbm>>, %arg6: memref<2x10240x128xf32, #tpu.memory_space<hbm>>, %arg7: memref<8x128xi32, #tpu.memory_space<vmem>>, %arg8: memref<128xi32, #tpu.memory_space<vmem>>, %arg9: memref<128x128xf32, #tpu.memory_space<vmem>>, %arg10: memref<!tpu.dma_semaphore, #tpu.memory_space<semaphore_mem>>, %arg11: memref<10240x128xf32, #tpu.memory_space<vmem_shared>>) attributes {dimension_semantics = [#tpu.dimension_semantics<core_parallel>, #tpu.dimension_semantics<subcore_parallel>], iteration_bounds = array<i64: 2, 16>, scalar_prefetch = 0 : i64, scratch_operands = 5 : i64, tpu.core_type = #tpu.core_type<sc_vector_subcore>, window_params = [{transform_indices = #map}, {transform_indices = #map1}, {transform_indices = #map1}, {transform_indices = #map2}, {transform_indices = #map}]} {
    %mul3A = arith.constant 16 : i32
    %mul3A_0 = arith.muli %arg0, %mul3A : i32
    %add3A = arith.addi %mul3A_0, %arg1 : i32
    %mul3A_1 = arith.constant 640 : i32
    %mul3A_2 = arith.muli %arg1, %mul3A_1 : i32
    "tpu.region"() ({
      %run_scoped3A = tpu.sem_alloc : memref<!tpu.dma_semaphore, #tpu.memory_space<semaphore_mem>>
      tpu.enqueue_dma source(%arg3 : memref<128x128xf32, #tpu.memory_space<hbm>>) target(%arg9 : memref<128x128xf32, #tpu.memory_space<vmem>>) target_semaphore(%run_scoped3A : memref<!tpu.dma_semaphore, #tpu.memory_space<semaphore_mem>>)
      tpu.wait_dma2 semaphore(%run_scoped3A : memref<!tpu.dma_semaphore, #tpu.memory_space<semaphore_mem>>) src(%arg3 : memref<128x128xf32, #tpu.memory_space<hbm>>) dst(%arg9 : memref<128x128xf32, #tpu.memory_space<vmem>>)
      tpu.yield
    }) : () -> ()
    %add3A_3 = arith.constant 0 : i32
    %add3A_4 = arith.addi %mul3A_2, %add3A_3 : i32
    "tpu.region"() ({
      %run_scoped3A = tpu.sem_alloc : memref<!tpu.dma_semaphore, #tpu.memory_space<semaphore_mem>>
      %dma_start3A = tpu.memref_slice %arg5[%add3A_4] : memref<10240xi32, #tpu.memory_space<hbm>> -> memref<128xi32, #tpu.memory_space<hbm>>
      %dma_start3A_39 = tpu.memref_slice %arg5[%add3A_4] : memref<10240xi32, #tpu.memory_space<hbm>> -> memref<128xi32, #tpu.memory_space<hbm>>
      tpu.enqueue_dma source(%dma_start3A_39 : memref<128xi32, #tpu.memory_space<hbm>>) target(%arg8 : memref<128xi32, #tpu.memory_space<vmem>>) target_semaphore(%run_scoped3A : memref<!tpu.dma_semaphore, #tpu.memory_space<semaphore_mem>>)
      %dma_wait3A = tpu.memref_slice %arg5[%add3A_4] : memref<10240xi32, #tpu.memory_space<hbm>> -> memref<128xi32, #tpu.memory_space<hbm>>
      %dma_wait3A_40 = tpu.memref_slice %arg5[%add3A_4] : memref<10240xi32, #tpu.memory_space<hbm>> -> memref<128xi32, #tpu.memory_space<hbm>>
      tpu.wait_dma2 semaphore(%run_scoped3A : memref<!tpu.dma_semaphore, #tpu.memory_space<semaphore_mem>>) src(%dma_wait3A_40 : memref<128xi32, #tpu.memory_space<hbm>>) dst(%arg8 : memref<128xi32, #tpu.memory_space<vmem>>)
      tpu.yield
    }) : () -> ()
    "tpu.region"() ({
      %run_scoped3A = tpu.sem_alloc : memref<!tpu.dma_semaphore, #tpu.memory_space<semaphore_mem>>
      %dma_start3A = arith.constant 0 : i32
      %dma_start3A_39 = arith.constant 0 : i32
      %dma_start3A_40 = tpu.memref_slice %arg11[%dma_start3A, %dma_start3A_39] : memref<10240x128xf32, #tpu.memory_space<vmem_shared>> -> memref<10240x128xf32, #tpu.memory_space<vmem_shared>>
      tpu.enqueue_indirect_dma source(%arg9 : memref<128x128xf32, #tpu.memory_space<vmem>>) target(%dma_start3A_40 : memref<10240x128xf32, #tpu.memory_space<vmem_shared>>) offsets(%arg8 : memref<128xi32, #tpu.memory_space<vmem>>) semaphore(%run_scoped3A : memref<!tpu.dma_semaphore, #tpu.memory_space<semaphore_mem>>)
      %dma_wait3A = arith.constant 0 : i32
      %dma_wait3A_41 = arith.constant 0 : i32
      %dma_wait3A_42 = tpu.memref_slice %arg11[%dma_wait3A, %dma_wait3A_41] : memref<10240x128xf32, #tpu.memory_space<vmem_shared>> -> memref<10240x128xf32, #tpu.memory_space<vmem_shared>>
      tpu.wait_indirect_dma semaphore(%run_scoped3A : memref<!tpu.dma_semaphore, #tpu.memory_space<semaphore_mem>>) src(%arg9 : memref<128x128xf32, #tpu.memory_space<vmem>>) dst(%dma_wait3A_42 : memref<10240x128xf32, #tpu.memory_space<vmem_shared>>)
      tpu.yield
    }) : () -> ()
    %add3A_5 = arith.constant 128 : i32
    %add3A_6 = arith.addi %mul3A_2, %add3A_5 : i32
    "tpu.region"() ({
      %run_scoped3A = tpu.sem_alloc : memref<!tpu.dma_semaphore, #tpu.memory_space<semaphore_mem>>
      %dma_start3A = tpu.memref_slice %arg5[%add3A_6] : memref<10240xi32, #tpu.memory_space<hbm>> -> memref<128xi32, #tpu.memory_space<hbm>>
      %dma_start3A_39 = tpu.memref_slice %arg5[%add3A_6] : memref<10240xi32, #tpu.memory_space<hbm>> -> memref<128xi32, #tpu.memory_space<hbm>>
      tpu.enqueue_dma source(%dma_start3A_39 : memref<128xi32, #tpu.memory_space<hbm>>) target(%arg8 : memref<128xi32, #tpu.memory_space<vmem>>) target_semaphore(%run_scoped3A : memref<!tpu.dma_semaphore, #tpu.memory_space<semaphore_mem>>)
      %dma_wait3A = tpu.memref_slice %arg5[%add3A_6] : memref<10240xi32, #tpu.memory_space<hbm>> -> memref<128xi32, #tpu.memory_space<hbm>>
      %dma_wait3A_40 = tpu.memref_slice %arg5[%add3A_6] : memref<10240xi32, #tpu.memory_space<hbm>> -> memref<128xi32, #tpu.memory_space<hbm>>
      tpu.wait_dma2 semaphore(%run_scoped3A : memref<!tpu.dma_semaphore, #tpu.memory_space<semaphore_mem>>) src(%dma_wait3A_40 : memref<128xi32, #tpu.memory_space<hbm>>) dst(%arg8 : memref<128xi32, #tpu.memory_space<vmem>>)
      tpu.yield
    }) : () -> ()
    "tpu.region"() ({
      %run_scoped3A = tpu.sem_alloc : memref<!tpu.dma_semaphore, #tpu.memory_space<semaphore_mem>>
      %dma_start3A = arith.constant 0 : i32
      %dma_start3A_39 = arith.constant 0 : i32
      %dma_start3A_40 = tpu.memref_slice %arg11[%dma_start3A, %dma_start3A_39] : memref<10240x128xf32, #tpu.memory_space<vmem_shared>> -> memref<10240x128xf32, #tpu.memory_space<vmem_shared>>
      tpu.enqueue_indirect_dma source(%arg9 : memref<128x128xf32, #tpu.memory_space<vmem>>) target(%dma_start3A_40 : memref<10240x128xf32, #tpu.memory_space<vmem_shared>>) offsets(%arg8 : memref<128xi32, #tpu.memory_space<vmem>>) semaphore(%run_scoped3A : memref<!tpu.dma_semaphore, #tpu.memory_space<semaphore_mem>>)
      %dma_wait3A = arith.constant 0 : i32
      %dma_wait3A_41 = arith.constant 0 : i32
      %dma_wait3A_42 = tpu.memref_slice %arg11[%dma_wait3A, %dma_wait3A_41] : memref<10240x128xf32, #tpu.memory_space<vmem_shared>> -> memref<10240x128xf32, #tpu.memory_space<vmem_shared>>
      tpu.wait_indirect_dma semaphore(%run_scoped3A : memref<!tpu.dma_semaphore, #tpu.memory_space<semaphore_mem>>) src(%arg9 : memref<128x128xf32, #tpu.memory_space<vmem>>) dst(%dma_wait3A_42 : memref<10240x128xf32, #tpu.memory_space<vmem_shared>>)
      tpu.yield
    }) : () -> ()
    %add3A_7 = arith.constant 256 : i32
    %add3A_8 = arith.addi %mul3A_2, %add3A_7 : i32
    "tpu.region"() ({
      %run_scoped3A = tpu.sem_alloc : memref<!tpu.dma_semaphore, #tpu.memory_space<semaphore_mem>>
      %dma_start3A = tpu.memref_slice %arg5[%add3A_8] : memref<10240xi32, #tpu.memory_space<hbm>> -> memref<128xi32, #tpu.memory_space<hbm>>
      %dma_start3A_39 = tpu.memref_slice %arg5[%add3A_8] : memref<10240xi32, #tpu.memory_space<hbm>> -> memref<128xi32, #tpu.memory_space<hbm>>
      tpu.enqueue_dma source(%dma_start3A_39 : memref<128xi32, #tpu.memory_space<hbm>>) target(%arg8 : memref<128xi32, #tpu.memory_space<vmem>>) target_semaphore(%run_scoped3A : memref<!tpu.dma_semaphore, #tpu.memory_space<semaphore_mem>>)
      %dma_wait3A = tpu.memref_slice %arg5[%add3A_8] : memref<10240xi32, #tpu.memory_space<hbm>> -> memref<128xi32, #tpu.memory_space<hbm>>
      %dma_wait3A_40 = tpu.memref_slice %arg5[%add3A_8] : memref<10240xi32, #tpu.memory_space<hbm>> -> memref<128xi32, #tpu.memory_space<hbm>>
      tpu.wait_dma2 semaphore(%run_scoped3A : memref<!tpu.dma_semaphore, #tpu.memory_space<semaphore_mem>>) src(%dma_wait3A_40 : memref<128xi32, #tpu.memory_space<hbm>>) dst(%arg8 : memref<128xi32, #tpu.memory_space<vmem>>)
      tpu.yield
    }) : () -> ()
    "tpu.region"() ({
      %run_scoped3A = tpu.sem_alloc : memref<!tpu.dma_semaphore, #tpu.memory_space<semaphore_mem>>
      %dma_start3A = arith.constant 0 : i32
      %dma_start3A_39 = arith.constant 0 : i32
      %dma_start3A_40 = tpu.memref_slice %arg11[%dma_start3A, %dma_start3A_39] : memref<10240x128xf32, #tpu.memory_space<vmem_shared>> -> memref<10240x128xf32, #tpu.memory_space<vmem_shared>>
      tpu.enqueue_indirect_dma source(%arg9 : memref<128x128xf32, #tpu.memory_space<vmem>>) target(%dma_start3A_40 : memref<10240x128xf32, #tpu.memory_space<vmem_shared>>) offsets(%arg8 : memref<128xi32, #tpu.memory_space<vmem>>) semaphore(%run_scoped3A : memref<!tpu.dma_semaphore, #tpu.memory_space<semaphore_mem>>)
      %dma_wait3A = arith.constant 0 : i32
      %dma_wait3A_41 = arith.constant 0 : i32
      %dma_wait3A_42 = tpu.memref_slice %arg11[%dma_wait3A, %dma_wait3A_41] : memref<10240x128xf32, #tpu.memory_space<vmem_shared>> -> memref<10240x128xf32, #tpu.memory_space<vmem_shared>>
      tpu.wait_indirect_dma semaphore(%run_scoped3A : memref<!tpu.dma_semaphore, #tpu.memory_space<semaphore_mem>>) src(%arg9 : memref<128x128xf32, #tpu.memory_space<vmem>>) dst(%dma_wait3A_42 : memref<10240x128xf32, #tpu.memory_space<vmem_shared>>)
      tpu.yield
    }) : () -> ()
    %add3A_9 = arith.constant 384 : i32
    %add3A_10 = arith.addi %mul3A_2, %add3A_9 : i32
    "tpu.region"() ({
      %run_scoped3A = tpu.sem_alloc : memref<!tpu.dma_semaphore, #tpu.memory_space<semaphore_mem>>
      %dma_start3A = tpu.memref_slice %arg5[%add3A_10] : memref<10240xi32, #tpu.memory_space<hbm>> -> memref<128xi32, #tpu.memory_space<hbm>>
      %dma_start3A_39 = tpu.memref_slice %arg5[%add3A_10] : memref<10240xi32, #tpu.memory_space<hbm>> -> memref<128xi32, #tpu.memory_space<hbm>>
      tpu.enqueue_dma source(%dma_start3A_39 : memref<128xi32, #tpu.memory_space<hbm>>) target(%arg8 : memref<128xi32, #tpu.memory_space<vmem>>) target_semaphore(%run_scoped3A : memref<!tpu.dma_semaphore, #tpu.memory_space<semaphore_mem>>)
      %dma_wait3A = tpu.memref_slice %arg5[%add3A_10] : memref<10240xi32, #tpu.memory_space<hbm>> -> memref<128xi32, #tpu.memory_space<hbm>>
      %dma_wait3A_40 = tpu.memref_slice %arg5[%add3A_10] : memref<10240xi32, #tpu.memory_space<hbm>> -> memref<128xi32, #tpu.memory_space<hbm>>
      tpu.wait_dma2 semaphore(%run_scoped3A : memref<!tpu.dma_semaphore, #tpu.memory_space<semaphore_mem>>) src(%dma_wait3A_40 : memref<128xi32, #tpu.memory_space<hbm>>) dst(%arg8 : memref<128xi32, #tpu.memory_space<vmem>>)
      tpu.yield
    }) : () -> ()
    "tpu.region"() ({
      %run_scoped3A = tpu.sem_alloc : memref<!tpu.dma_semaphore, #tpu.memory_space<semaphore_mem>>
      %dma_start3A = arith.constant 0 : i32
      %dma_start3A_39 = arith.constant 0 : i32
      %dma_start3A_40 = tpu.memref_slice %arg11[%dma_start3A, %dma_start3A_39] : memref<10240x128xf32, #tpu.memory_space<vmem_shared>> -> memref<10240x128xf32, #tpu.memory_space<vmem_shared>>
      tpu.enqueue_indirect_dma source(%arg9 : memref<128x128xf32, #tpu.memory_space<vmem>>) target(%dma_start3A_40 : memref<10240x128xf32, #tpu.memory_space<vmem_shared>>) offsets(%arg8 : memref<128xi32, #tpu.memory_space<vmem>>) semaphore(%run_scoped3A : memref<!tpu.dma_semaphore, #tpu.memory_space<semaphore_mem>>)
      %dma_wait3A = arith.constant 0 : i32
      %dma_wait3A_41 = arith.constant 0 : i32
      %dma_wait3A_42 = tpu.memref_slice %arg11[%dma_wait3A, %dma_wait3A_41] : memref<10240x128xf32, #tpu.memory_space<vmem_shared>> -> memref<10240x128xf32, #tpu.memory_space<vmem_shared>>
      tpu.wait_indirect_dma semaphore(%run_scoped3A : memref<!tpu.dma_semaphore, #tpu.memory_space<semaphore_mem>>) src(%arg9 : memref<128x128xf32, #tpu.memory_space<vmem>>) dst(%dma_wait3A_42 : memref<10240x128xf32, #tpu.memory_space<vmem_shared>>)
      tpu.yield
    }) : () -> ()
    %add3A_11 = arith.constant 512 : i32
    %add3A_12 = arith.addi %mul3A_2, %add3A_11 : i32
    "tpu.region"() ({
      %run_scoped3A = tpu.sem_alloc : memref<!tpu.dma_semaphore, #tpu.memory_space<semaphore_mem>>
      %dma_start3A = tpu.memref_slice %arg5[%add3A_12] : memref<10240xi32, #tpu.memory_space<hbm>> -> memref<128xi32, #tpu.memory_space<hbm>>
      %dma_start3A_39 = tpu.memref_slice %arg5[%add3A_12] : memref<10240xi32, #tpu.memory_space<hbm>> -> memref<128xi32, #tpu.memory_space<hbm>>
      tpu.enqueue_dma source(%dma_start3A_39 : memref<128xi32, #tpu.memory_space<hbm>>) target(%arg8 : memref<128xi32, #tpu.memory_space<vmem>>) target_semaphore(%run_scoped3A : memref<!tpu.dma_semaphore, #tpu.memory_space<semaphore_mem>>)
      %dma_wait3A = tpu.memref_slice %arg5[%add3A_12] : memref<10240xi32, #tpu.memory_space<hbm>> -> memref<128xi32, #tpu.memory_space<hbm>>
      %dma_wait3A_40 = tpu.memref_slice %arg5[%add3A_12] : memref<10240xi32, #tpu.memory_space<hbm>> -> memref<128xi32, #tpu.memory_space<hbm>>
      tpu.wait_dma2 semaphore(%run_scoped3A : memref<!tpu.dma_semaphore, #tpu.memory_space<semaphore_mem>>) src(%dma_wait3A_40 : memref<128xi32, #tpu.memory_space<hbm>>) dst(%arg8 : memref<128xi32, #tpu.memory_space<vmem>>)
      tpu.yield
    }) : () -> ()
    "tpu.region"() ({
      %run_scoped3A = tpu.sem_alloc : memref<!tpu.dma_semaphore, #tpu.memory_space<semaphore_mem>>
      %dma_start3A = arith.constant 0 : i32
      %dma_start3A_39 = arith.constant 0 : i32
      %dma_start3A_40 = tpu.memref_slice %arg11[%dma_start3A, %dma_start3A_39] : memref<10240x128xf32, #tpu.memory_space<vmem_shared>> -> memref<10240x128xf32, #tpu.memory_space<vmem_shared>>
      tpu.enqueue_indirect_dma source(%arg9 : memref<128x128xf32, #tpu.memory_space<vmem>>) target(%dma_start3A_40 : memref<10240x128xf32, #tpu.memory_space<vmem_shared>>) offsets(%arg8 : memref<128xi32, #tpu.memory_space<vmem>>) semaphore(%run_scoped3A : memref<!tpu.dma_semaphore, #tpu.memory_space<semaphore_mem>>)
      %dma_wait3A = arith.constant 0 : i32
      %dma_wait3A_41 = arith.constant 0 : i32
      %dma_wait3A_42 = tpu.memref_slice %arg11[%dma_wait3A, %dma_wait3A_41] : memref<10240x128xf32, #tpu.memory_space<vmem_shared>> -> memref<10240x128xf32, #tpu.memory_space<vmem_shared>>
      tpu.wait_indirect_dma semaphore(%run_scoped3A : memref<!tpu.dma_semaphore, #tpu.memory_space<semaphore_mem>>) src(%arg9 : memref<128x128xf32, #tpu.memory_space<vmem>>) dst(%dma_wait3A_42 : memref<10240x128xf32, #tpu.memory_space<vmem_shared>>)
      tpu.yield
    }) : () -> ()
    "tpu.region"() ({
      %run_scoped3A = tpu.sem_alloc : memref<!tpu.dma_semaphore, #tpu.memory_space<semaphore_mem>>
      tpu.enqueue_dma source(%arg4 : memref<128x128xf32, #tpu.memory_space<hbm>>) target(%arg9 : memref<128x128xf32, #tpu.memory_space<vmem>>) target_semaphore(%run_scoped3A : memref<!tpu.dma_semaphore, #tpu.memory_space<semaphore_mem>>)
      tpu.wait_dma2 semaphore(%run_scoped3A : memref<!tpu.dma_semaphore, #tpu.memory_space<semaphore_mem>>) src(%arg4 : memref<128x128xf32, #tpu.memory_space<hbm>>) dst(%arg9 : memref<128x128xf32, #tpu.memory_space<vmem>>)
      tpu.yield
    }) : () -> ()
    %barrier3A = arith.constant 0 : index
    tpu.barrier barrier_id(%barrier3A)
    %scan3A = arith.constant 0 : i32
    %scan3A_13 = arith.constant 0 : i32
    %scan3A_14 = arith.constant 10 : i32
    %scan3A_15 = arith.addi %scan3A_13, %scan3A_14 : i32
    %scan3A_16 = arith.constant 1 : i32
    scf.for %scan3A_39 = %scan3A_13 to %scan3A_15 step %scan3A_16  : i32 {
      %mul3A_40 = arith.constant 10 : i32
      %mul3A_41 = arith.muli %add3A, %mul3A_40 : i32
      %add3A_42 = arith.addi %mul3A_41, %scan3A_39 : i32
      "tpu.region"() ({
        %run_scoped3A = tpu.sem_alloc : memref<!tpu.dma_semaphore, #tpu.memory_space<semaphore_mem>>
        %dma_start3A_153 = arith.constant 0 : i32
        %dma_start3A_154 = arith.constant 0 : i32
        %dma_start3A_155 = tpu.memref_slice %arg2[%add3A_42, %dma_start3A_153, %dma_start3A_154] : memref<320x8x128xi32, #tpu.memory_space<hbm>> -> memref<1x8x128xi32, #tpu.memory_space<hbm>>
        %dma_start3A_156 = tpu.memref_squeeze %dma_start3A_155 : memref<1x8x128xi32, #tpu.memory_space<hbm>> -> memref<8x128xi32, #tpu.memory_space<hbm>>
        %dma_start3A_157 = arith.constant 0 : i32
        %dma_start3A_158 = arith.constant 0 : i32
        %dma_start3A_159 = tpu.memref_slice %arg2[%add3A_42, %dma_start3A_157, %dma_start3A_158] : memref<320x8x128xi32, #tpu.memory_space<hbm>> -> memref<1x8x128xi32, #tpu.memory_space<hbm>>
        %dma_start3A_160 = tpu.memref_squeeze %dma_start3A_159 : memref<1x8x128xi32, #tpu.memory_space<hbm>> -> memref<8x128xi32, #tpu.memory_space<hbm>>
        tpu.enqueue_dma source(%dma_start3A_160 : memref<8x128xi32, #tpu.memory_space<hbm>>) target(%arg7 : memref<8x128xi32, #tpu.memory_space<vmem>>) target_semaphore(%run_scoped3A : memref<!tpu.dma_semaphore, #tpu.memory_space<semaphore_mem>>)
        %dma_wait3A_161 = arith.constant 0 : i32
        %dma_wait3A_162 = arith.constant 0 : i32
        %dma_wait3A_163 = tpu.memref_slice %arg2[%add3A_42, %dma_wait3A_161, %dma_wait3A_162] : memref<320x8x128xi32, #tpu.memory_space<hbm>> -> memref<1x8x128xi32, #tpu.memory_space<hbm>>
        %dma_wait3A_164 = tpu.memref_squeeze %dma_wait3A_163 : memref<1x8x128xi32, #tpu.memory_space<hbm>> -> memref<8x128xi32, #tpu.memory_space<hbm>>
        %dma_wait3A_165 = arith.constant 0 : i32
        %dma_wait3A_166 = arith.constant 0 : i32
        %dma_wait3A_167 = tpu.memref_slice %arg2[%add3A_42, %dma_wait3A_165, %dma_wait3A_166] : memref<320x8x128xi32, #tpu.memory_space<hbm>> -> memref<1x8x128xi32, #tpu.memory_space<hbm>>
        %dma_wait3A_168 = tpu.memref_squeeze %dma_wait3A_167 : memref<1x8x128xi32, #tpu.memory_space<hbm>> -> memref<8x128xi32, #tpu.memory_space<hbm>>
        tpu.wait_dma2 semaphore(%run_scoped3A : memref<!tpu.dma_semaphore, #tpu.memory_space<semaphore_mem>>) src(%dma_wait3A_168 : memref<8x128xi32, #tpu.memory_space<hbm>>) dst(%arg7 : memref<8x128xi32, #tpu.memory_space<vmem>>)
        tpu.yield
      }) : () -> ()
      %dma_start3A = arith.constant 0 : i32
      %dma_start3A_43 = arith.constant 0 : i32
      %dma_start3A_44 = tpu.memref_slice %arg7[%dma_start3A, %dma_start3A_43] : memref<8x128xi32, #tpu.memory_space<vmem>> -> memref<1x128xi32, #tpu.memory_space<vmem>>
      %dma_start3A_45 = tpu.memref_squeeze %dma_start3A_44 : memref<1x128xi32, #tpu.memory_space<vmem>> -> memref<128xi32, #tpu.memory_space<vmem>>
      %dma_start3A_46 = arith.constant 0 : i32
      %dma_start3A_47 = arith.constant 0 : i32
      %dma_start3A_48 = tpu.memref_slice %arg11[%dma_start3A_46, %dma_start3A_47] : memref<10240x128xf32, #tpu.memory_space<vmem_shared>> -> memref<10240x128xf32, #tpu.memory_space<vmem_shared>>
      tpu.enqueue_indirect_dma source(%arg9 : memref<128x128xf32, #tpu.memory_space<vmem>>) target(%dma_start3A_48 : memref<10240x128xf32, #tpu.memory_space<vmem_shared>>) offsets(%dma_start3A_45 : memref<128xi32, #tpu.memory_space<vmem>>) semaphore(%arg10 : memref<!tpu.dma_semaphore, #tpu.memory_space<semaphore_mem>>) {add = true}
      %dma_start3A_49 = arith.constant 1 : i32
      %dma_start3A_50 = arith.constant 0 : i32
      %dma_start3A_51 = tpu.memref_slice %arg7[%dma_start3A_49, %dma_start3A_50] : memref<8x128xi32, #tpu.memory_space<vmem>> -> memref<1x128xi32, #tpu.memory_space<vmem>>
      %dma_start3A_52 = tpu.memref_squeeze %dma_start3A_51 : memref<1x128xi32, #tpu.memory_space<vmem>> -> memref<128xi32, #tpu.memory_space<vmem>>
      %dma_start3A_53 = arith.constant 0 : i32
      %dma_start3A_54 = arith.constant 0 : i32
      %dma_start3A_55 = tpu.memref_slice %arg11[%dma_start3A_53, %dma_start3A_54] : memref<10240x128xf32, #tpu.memory_space<vmem_shared>> -> memref<10240x128xf32, #tpu.memory_space<vmem_shared>>
      tpu.enqueue_indirect_dma source(%arg9 : memref<128x128xf32, #tpu.memory_space<vmem>>) target(%dma_start3A_55 : memref<10240x128xf32, #tpu.memory_space<vmem_shared>>) offsets(%dma_start3A_52 : memref<128xi32, #tpu.memory_space<vmem>>) semaphore(%arg10 : memref<!tpu.dma_semaphore, #tpu.memory_space<semaphore_mem>>) {add = true}
      %dma_start3A_56 = arith.constant 2 : i32
      %dma_start3A_57 = arith.constant 0 : i32
      %dma_start3A_58 = tpu.memref_slice %arg7[%dma_start3A_56, %dma_start3A_57] : memref<8x128xi32, #tpu.memory_space<vmem>> -> memref<1x128xi32, #tpu.memory_space<vmem>>
      %dma_start3A_59 = tpu.memref_squeeze %dma_start3A_58 : memref<1x128xi32, #tpu.memory_space<vmem>> -> memref<128xi32, #tpu.memory_space<vmem>>
      %dma_start3A_60 = arith.constant 0 : i32
      %dma_start3A_61 = arith.constant 0 : i32
      %dma_start3A_62 = tpu.memref_slice %arg11[%dma_start3A_60, %dma_start3A_61] : memref<10240x128xf32, #tpu.memory_space<vmem_shared>> -> memref<10240x128xf32, #tpu.memory_space<vmem_shared>>
      tpu.enqueue_indirect_dma source(%arg9 : memref<128x128xf32, #tpu.memory_space<vmem>>) target(%dma_start3A_62 : memref<10240x128xf32, #tpu.memory_space<vmem_shared>>) offsets(%dma_start3A_59 : memref<128xi32, #tpu.memory_space<vmem>>) semaphore(%arg10 : memref<!tpu.dma_semaphore, #tpu.memory_space<semaphore_mem>>) {add = true}
      %dma_start3A_63 = arith.constant 3 : i32
      %dma_start3A_64 = arith.constant 0 : i32
      %dma_start3A_65 = tpu.memref_slice %arg7[%dma_start3A_63, %dma_start3A_64] : memref<8x128xi32, #tpu.memory_space<vmem>> -> memref<1x128xi32, #tpu.memory_space<vmem>>
      %dma_start3A_66 = tpu.memref_squeeze %dma_start3A_65 : memref<1x128xi32, #tpu.memory_space<vmem>> -> memref<128xi32, #tpu.memory_space<vmem>>
      %dma_start3A_67 = arith.constant 0 : i32
      %dma_start3A_68 = arith.constant 0 : i32
      %dma_start3A_69 = tpu.memref_slice %arg11[%dma_start3A_67, %dma_start3A_68] : memref<10240x128xf32, #tpu.memory_space<vmem_shared>> -> memref<10240x128xf32, #tpu.memory_space<vmem_shared>>
      tpu.enqueue_indirect_dma source(%arg9 : memref<128x128xf32, #tpu.memory_space<vmem>>) target(%dma_start3A_69 : memref<10240x128xf32, #tpu.memory_space<vmem_shared>>) offsets(%dma_start3A_66 : memref<128xi32, #tpu.memory_space<vmem>>) semaphore(%arg10 : memref<!tpu.dma_semaphore, #tpu.memory_space<semaphore_mem>>) {add = true}
      %dma_start3A_70 = arith.constant 4 : i32
      %dma_start3A_71 = arith.constant 0 : i32
      %dma_start3A_72 = tpu.memref_slice %arg7[%dma_start3A_70, %dma_start3A_71] : memref<8x128xi32, #tpu.memory_space<vmem>> -> memref<1x128xi32, #tpu.memory_space<vmem>>
      %dma_start3A_73 = tpu.memref_squeeze %dma_start3A_72 : memref<1x128xi32, #tpu.memory_space<vmem>> -> memref<128xi32, #tpu.memory_space<vmem>>
      %dma_start3A_74 = arith.constant 0 : i32
      %dma_start3A_75 = arith.constant 0 : i32
      %dma_start3A_76 = tpu.memref_slice %arg11[%dma_start3A_74, %dma_start3A_75] : memref<10240x128xf32, #tpu.memory_space<vmem_shared>> -> memref<10240x128xf32, #tpu.memory_space<vmem_shared>>
      tpu.enqueue_indirect_dma source(%arg9 : memref<128x128xf32, #tpu.memory_space<vmem>>) target(%dma_start3A_76 : memref<10240x128xf32, #tpu.memory_space<vmem_shared>>) offsets(%dma_start3A_73 : memref<128xi32, #tpu.memory_space<vmem>>) semaphore(%arg10 : memref<!tpu.dma_semaphore, #tpu.memory_space<semaphore_mem>>) {add = true}
      %dma_start3A_77 = arith.constant 5 : i32
      %dma_start3A_78 = arith.constant 0 : i32
      %dma_start3A_79 = tpu.memref_slice %arg7[%dma_start3A_77, %dma_start3A_78] : memref<8x128xi32, #tpu.memory_space<vmem>> -> memref<1x128xi32, #tpu.memory_space<vmem>>
      %dma_start3A_80 = tpu.memref_squeeze %dma_start3A_79 : memref<1x128xi32, #tpu.memory_space<vmem>> -> memref<128xi32, #tpu.memory_space<vmem>>
      %dma_start3A_81 = arith.constant 0 : i32
      %dma_start3A_82 = arith.constant 0 : i32
      %dma_start3A_83 = tpu.memref_slice %arg11[%dma_start3A_81, %dma_start3A_82] : memref<10240x128xf32, #tpu.memory_space<vmem_shared>> -> memref<10240x128xf32, #tpu.memory_space<vmem_shared>>
      tpu.enqueue_indirect_dma source(%arg9 : memref<128x128xf32, #tpu.memory_space<vmem>>) target(%dma_start3A_83 : memref<10240x128xf32, #tpu.memory_space<vmem_shared>>) offsets(%dma_start3A_80 : memref<128xi32, #tpu.memory_space<vmem>>) semaphore(%arg10 : memref<!tpu.dma_semaphore, #tpu.memory_space<semaphore_mem>>) {add = true}
      %dma_start3A_84 = arith.constant 6 : i32
      %dma_start3A_85 = arith.constant 0 : i32
      %dma_start3A_86 = tpu.memref_slice %arg7[%dma_start3A_84, %dma_start3A_85] : memref<8x128xi32, #tpu.memory_space<vmem>> -> memref<1x128xi32, #tpu.memory_space<vmem>>
      %dma_start3A_87 = tpu.memref_squeeze %dma_start3A_86 : memref<1x128xi32, #tpu.memory_space<vmem>> -> memref<128xi32, #tpu.memory_space<vmem>>
      %dma_start3A_88 = arith.constant 0 : i32
      %dma_start3A_89 = arith.constant 0 : i32
      %dma_start3A_90 = tpu.memref_slice %arg11[%dma_start3A_88, %dma_start3A_89] : memref<10240x128xf32, #tpu.memory_space<vmem_shared>> -> memref<10240x128xf32, #tpu.memory_space<vmem_shared>>
      tpu.enqueue_indirect_dma source(%arg9 : memref<128x128xf32, #tpu.memory_space<vmem>>) target(%dma_start3A_90 : memref<10240x128xf32, #tpu.memory_space<vmem_shared>>) offsets(%dma_start3A_87 : memref<128xi32, #tpu.memory_space<vmem>>) semaphore(%arg10 : memref<!tpu.dma_semaphore, #tpu.memory_space<semaphore_mem>>) {add = true}
      %dma_start3A_91 = arith.constant 7 : i32
      %dma_start3A_92 = arith.constant 0 : i32
      %dma_start3A_93 = tpu.memref_slice %arg7[%dma_start3A_91, %dma_start3A_92] : memref<8x128xi32, #tpu.memory_space<vmem>> -> memref<1x128xi32, #tpu.memory_space<vmem>>
      %dma_start3A_94 = tpu.memref_squeeze %dma_start3A_93 : memref<1x128xi32, #tpu.memory_space<vmem>> -> memref<128xi32, #tpu.memory_space<vmem>>
      %dma_start3A_95 = arith.constant 0 : i32
      %dma_start3A_96 = arith.constant 0 : i32
      %dma_start3A_97 = tpu.memref_slice %arg11[%dma_start3A_95, %dma_start3A_96] : memref<10240x128xf32, #tpu.memory_space<vmem_shared>> -> memref<10240x128xf32, #tpu.memory_space<vmem_shared>>
      tpu.enqueue_indirect_dma source(%arg9 : memref<128x128xf32, #tpu.memory_space<vmem>>) target(%dma_start3A_97 : memref<10240x128xf32, #tpu.memory_space<vmem_shared>>) offsets(%dma_start3A_94 : memref<128xi32, #tpu.memory_space<vmem>>) semaphore(%arg10 : memref<!tpu.dma_semaphore, #tpu.memory_space<semaphore_mem>>) {add = true}
      %dma_wait3A = arith.constant 0 : i32
      %dma_wait3A_98 = arith.constant 0 : i32
      %dma_wait3A_99 = tpu.memref_slice %arg7[%dma_wait3A, %dma_wait3A_98] : memref<8x128xi32, #tpu.memory_space<vmem>> -> memref<1x128xi32, #tpu.memory_space<vmem>>
      %dma_wait3A_100 = tpu.memref_squeeze %dma_wait3A_99 : memref<1x128xi32, #tpu.memory_space<vmem>> -> memref<128xi32, #tpu.memory_space<vmem>>
      %dma_wait3A_101 = arith.constant 0 : i32
      %dma_wait3A_102 = arith.constant 0 : i32
      %dma_wait3A_103 = tpu.memref_slice %arg11[%dma_wait3A_101, %dma_wait3A_102] : memref<10240x128xf32, #tpu.memory_space<vmem_shared>> -> memref<10240x128xf32, #tpu.memory_space<vmem_shared>>
      tpu.wait_indirect_dma semaphore(%arg10 : memref<!tpu.dma_semaphore, #tpu.memory_space<semaphore_mem>>) src(%arg9 : memref<128x128xf32, #tpu.memory_space<vmem>>) dst(%dma_wait3A_103 : memref<10240x128xf32, #tpu.memory_space<vmem_shared>>)
      %dma_wait3A_104 = arith.constant 1 : i32
      %dma_wait3A_105 = arith.constant 0 : i32
      %dma_wait3A_106 = tpu.memref_slice %arg7[%dma_wait3A_104, %dma_wait3A_105] : memref<8x128xi32, #tpu.memory_space<vmem>> -> memref<1x128xi32, #tpu.memory_space<vmem>>
      %dma_wait3A_107 = tpu.memref_squeeze %dma_wait3A_106 : memref<1x128xi32, #tpu.memory_space<vmem>> -> memref<128xi32, #tpu.memory_space<vmem>>
      %dma_wait3A_108 = arith.constant 0 : i32
      %dma_wait3A_109 = arith.constant 0 : i32
      %dma_wait3A_110 = tpu.memref_slice %arg11[%dma_wait3A_108, %dma_wait3A_109] : memref<10240x128xf32, #tpu.memory_space<vmem_shared>> -> memref<10240x128xf32, #tpu.memory_space<vmem_shared>>
      tpu.wait_indirect_dma semaphore(%arg10 : memref<!tpu.dma_semaphore, #tpu.memory_space<semaphore_mem>>) src(%arg9 : memref<128x128xf32, #tpu.memory_space<vmem>>) dst(%dma_wait3A_110 : memref<10240x128xf32, #tpu.memory_space<vmem_shared>>)
      %dma_wait3A_111 = arith.constant 2 : i32
      %dma_wait3A_112 = arith.constant 0 : i32
      %dma_wait3A_113 = tpu.memref_slice %arg7[%dma_wait3A_111, %dma_wait3A_112] : memref<8x128xi32, #tpu.memory_space<vmem>> -> memref<1x128xi32, #tpu.memory_space<vmem>>
      %dma_wait3A_114 = tpu.memref_squeeze %dma_wait3A_113 : memref<1x128xi32, #tpu.memory_space<vmem>> -> memref<128xi32, #tpu.memory_space<vmem>>
      %dma_wait3A_115 = arith.constant 0 : i32
      %dma_wait3A_116 = arith.constant 0 : i32
      %dma_wait3A_117 = tpu.memref_slice %arg11[%dma_wait3A_115, %dma_wait3A_116] : memref<10240x128xf32, #tpu.memory_space<vmem_shared>> -> memref<10240x128xf32, #tpu.memory_space<vmem_shared>>
      tpu.wait_indirect_dma semaphore(%arg10 : memref<!tpu.dma_semaphore, #tpu.memory_space<semaphore_mem>>) src(%arg9 : memref<128x128xf32, #tpu.memory_space<vmem>>) dst(%dma_wait3A_117 : memref<10240x128xf32, #tpu.memory_space<vmem_shared>>)
      %dma_wait3A_118 = arith.constant 3 : i32
      %dma_wait3A_119 = arith.constant 0 : i32
      %dma_wait3A_120 = tpu.memref_slice %arg7[%dma_wait3A_118, %dma_wait3A_119] : memref<8x128xi32, #tpu.memory_space<vmem>> -> memref<1x128xi32, #tpu.memory_space<vmem>>
      %dma_wait3A_121 = tpu.memref_squeeze %dma_wait3A_120 : memref<1x128xi32, #tpu.memory_space<vmem>> -> memref<128xi32, #tpu.memory_space<vmem>>
      %dma_wait3A_122 = arith.constant 0 : i32
      %dma_wait3A_123 = arith.constant 0 : i32
      %dma_wait3A_124 = tpu.memref_slice %arg11[%dma_wait3A_122, %dma_wait3A_123] : memref<10240x128xf32, #tpu.memory_space<vmem_shared>> -> memref<10240x128xf32, #tpu.memory_space<vmem_shared>>
      tpu.wait_indirect_dma semaphore(%arg10 : memref<!tpu.dma_semaphore, #tpu.memory_space<semaphore_mem>>) src(%arg9 : memref<128x128xf32, #tpu.memory_space<vmem>>) dst(%dma_wait3A_124 : memref<10240x128xf32, #tpu.memory_space<vmem_shared>>)
      %dma_wait3A_125 = arith.constant 4 : i32
      %dma_wait3A_126 = arith.constant 0 : i32
      %dma_wait3A_127 = tpu.memref_slice %arg7[%dma_wait3A_125, %dma_wait3A_126] : memref<8x128xi32, #tpu.memory_space<vmem>> -> memref<1x128xi32, #tpu.memory_space<vmem>>
      %dma_wait3A_128 = tpu.memref_squeeze %dma_wait3A_127 : memref<1x128xi32, #tpu.memory_space<vmem>> -> memref<128xi32, #tpu.memory_space<vmem>>
      %dma_wait3A_129 = arith.constant 0 : i32
      %dma_wait3A_130 = arith.constant 0 : i32
      %dma_wait3A_131 = tpu.memref_slice %arg11[%dma_wait3A_129, %dma_wait3A_130] : memref<10240x128xf32, #tpu.memory_space<vmem_shared>> -> memref<10240x128xf32, #tpu.memory_space<vmem_shared>>
      tpu.wait_indirect_dma semaphore(%arg10 : memref<!tpu.dma_semaphore, #tpu.memory_space<semaphore_mem>>) src(%arg9 : memref<128x128xf32, #tpu.memory_space<vmem>>) dst(%dma_wait3A_131 : memref<10240x128xf32, #tpu.memory_space<vmem_shared>>)
      %dma_wait3A_132 = arith.constant 5 : i32
      %dma_wait3A_133 = arith.constant 0 : i32
      %dma_wait3A_134 = tpu.memref_slice %arg7[%dma_wait3A_132, %dma_wait3A_133] : memref<8x128xi32, #tpu.memory_space<vmem>> -> memref<1x128xi32, #tpu.memory_space<vmem>>
      %dma_wait3A_135 = tpu.memref_squeeze %dma_wait3A_134 : memref<1x128xi32, #tpu.memory_space<vmem>> -> memref<128xi32, #tpu.memory_space<vmem>>
      %dma_wait3A_136 = arith.constant 0 : i32
      %dma_wait3A_137 = arith.constant 0 : i32
      %dma_wait3A_138 = tpu.memref_slice %arg11[%dma_wait3A_136, %dma_wait3A_137] : memref<10240x128xf32, #tpu.memory_space<vmem_shared>> -> memref<10240x128xf32, #tpu.memory_space<vmem_shared>>
      tpu.wait_indirect_dma semaphore(%arg10 : memref<!tpu.dma_semaphore, #tpu.memory_space<semaphore_mem>>) src(%arg9 : memref<128x128xf32, #tpu.memory_space<vmem>>) dst(%dma_wait3A_138 : memref<10240x128xf32, #tpu.memory_space<vmem_shared>>)
      %dma_wait3A_139 = arith.constant 6 : i32
      %dma_wait3A_140 = arith.constant 0 : i32
      %dma_wait3A_141 = tpu.memref_slice %arg7[%dma_wait3A_139, %dma_wait3A_140] : memref<8x128xi32, #tpu.memory_space<vmem>> -> memref<1x128xi32, #tpu.memory_space<vmem>>
      %dma_wait3A_142 = tpu.memref_squeeze %dma_wait3A_141 : memref<1x128xi32, #tpu.memory_space<vmem>> -> memref<128xi32, #tpu.memory_space<vmem>>
      %dma_wait3A_143 = arith.constant 0 : i32
      %dma_wait3A_144 = arith.constant 0 : i32
      %dma_wait3A_145 = tpu.memref_slice %arg11[%dma_wait3A_143, %dma_wait3A_144] : memref<10240x128xf32, #tpu.memory_space<vmem_shared>> -> memref<10240x128xf32, #tpu.memory_space<vmem_shared>>
      tpu.wait_indirect_dma semaphore(%arg10 : memref<!tpu.dma_semaphore, #tpu.memory_space<semaphore_mem>>) src(%arg9 : memref<128x128xf32, #tpu.memory_space<vmem>>) dst(%dma_wait3A_145 : memref<10240x128xf32, #tpu.memory_space<vmem_shared>>)
      %dma_wait3A_146 = arith.constant 7 : i32
      %dma_wait3A_147 = arith.constant 0 : i32
      %dma_wait3A_148 = tpu.memref_slice %arg7[%dma_wait3A_146, %dma_wait3A_147] : memref<8x128xi32, #tpu.memory_space<vmem>> -> memref<1x128xi32, #tpu.memory_space<vmem>>
      %dma_wait3A_149 = tpu.memref_squeeze %dma_wait3A_148 : memref<1x128xi32, #tpu.memory_space<vmem>> -> memref<128xi32, #tpu.memory_space<vmem>>
      %dma_wait3A_150 = arith.constant 0 : i32
      %dma_wait3A_151 = arith.constant 0 : i32
      %dma_wait3A_152 = tpu.memref_slice %arg11[%dma_wait3A_150, %dma_wait3A_151] : memref<10240x128xf32, #tpu.memory_space<vmem_shared>> -> memref<10240x128xf32, #tpu.memory_space<vmem_shared>>
      tpu.wait_indirect_dma semaphore(%arg10 : memref<!tpu.dma_semaphore, #tpu.memory_space<semaphore_mem>>) src(%arg9 : memref<128x128xf32, #tpu.memory_space<vmem>>) dst(%dma_wait3A_152 : memref<10240x128xf32, #tpu.memory_space<vmem_shared>>)
    }
    %scan3A_17 = arith.constant 10 : i32
    %barrier3A_18 = arith.constant 0 : index
    tpu.barrier barrier_id(%barrier3A_18)
    %add3A_19 = arith.constant 0 : i32
    %add3A_20 = arith.addi %mul3A_2, %add3A_19 : i32
    "tpu.region"() ({
      %run_scoped3A = tpu.sem_alloc : memref<!tpu.dma_semaphore, #tpu.memory_space<semaphore_mem>>
      %dma_start3A = tpu.memref_slice %arg5[%add3A_20] : memref<10240xi32, #tpu.memory_space<hbm>> -> memref<128xi32, #tpu.memory_space<hbm>>
      %dma_start3A_39 = tpu.memref_slice %arg5[%add3A_20] : memref<10240xi32, #tpu.memory_space<hbm>> -> memref<128xi32, #tpu.memory_space<hbm>>
      tpu.enqueue_dma source(%dma_start3A_39 : memref<128xi32, #tpu.memory_space<hbm>>) target(%arg8 : memref<128xi32, #tpu.memory_space<vmem>>) target_semaphore(%run_scoped3A : memref<!tpu.dma_semaphore, #tpu.memory_space<semaphore_mem>>)
      %dma_wait3A = tpu.memref_slice %arg5[%add3A_20] : memref<10240xi32, #tpu.memory_space<hbm>> -> memref<128xi32, #tpu.memory_space<hbm>>
      %dma_wait3A_40 = tpu.memref_slice %arg5[%add3A_20] : memref<10240xi32, #tpu.memory_space<hbm>> -> memref<128xi32, #tpu.memory_space<hbm>>
      tpu.wait_dma2 semaphore(%run_scoped3A : memref<!tpu.dma_semaphore, #tpu.memory_space<semaphore_mem>>) src(%dma_wait3A_40 : memref<128xi32, #tpu.memory_space<hbm>>) dst(%arg8 : memref<128xi32, #tpu.memory_space<vmem>>)
      tpu.yield
    }) : () -> ()
    "tpu.region"() ({
      %run_scoped3A = tpu.sem_alloc : memref<!tpu.dma_semaphore, #tpu.memory_space<semaphore_mem>>
      %dma_start3A = arith.constant 0 : i32
      %dma_start3A_39 = arith.constant 0 : i32
      %dma_start3A_40 = tpu.memref_slice %arg11[%dma_start3A, %dma_start3A_39] : memref<10240x128xf32, #tpu.memory_space<vmem_shared>> -> memref<10240x128xf32, #tpu.memory_space<vmem_shared>>
      tpu.enqueue_indirect_dma source(%dma_start3A_40 : memref<10240x128xf32, #tpu.memory_space<vmem_shared>>) target(%arg9 : memref<128x128xf32, #tpu.memory_space<vmem>>) offsets(%arg8 : memref<128xi32, #tpu.memory_space<vmem>>) semaphore(%run_scoped3A : memref<!tpu.dma_semaphore, #tpu.memory_space<semaphore_mem>>)
      %dma_wait3A = arith.constant 0 : i32
      %dma_wait3A_41 = arith.constant 0 : i32
      %dma_wait3A_42 = tpu.memref_slice %arg11[%dma_wait3A, %dma_wait3A_41] : memref<10240x128xf32, #tpu.memory_space<vmem_shared>> -> memref<10240x128xf32, #tpu.memory_space<vmem_shared>>
      tpu.wait_indirect_dma semaphore(%run_scoped3A : memref<!tpu.dma_semaphore, #tpu.memory_space<semaphore_mem>>) src(%dma_wait3A_42 : memref<10240x128xf32, #tpu.memory_space<vmem_shared>>) dst(%arg9 : memref<128x128xf32, #tpu.memory_space<vmem>>)
      tpu.yield
    }) : () -> ()
    %add3A_21 = arith.constant 0 : i32
    %add3A_22 = arith.addi %mul3A_2, %add3A_21 : i32
    "tpu.region"() ({
      %run_scoped3A = tpu.sem_alloc : memref<!tpu.dma_semaphore, #tpu.memory_space<semaphore_mem>>
      %dma_start3A = arith.constant 0 : i32
      %dma_start3A_39 = tpu.memref_slice %arg6[%arg0, %add3A_22, %dma_start3A] : memref<2x10240x128xf32, #tpu.memory_space<hbm>> -> memref<1x128x128xf32, #tpu.memory_space<hbm>>
      %dma_start3A_40 = tpu.memref_squeeze %dma_start3A_39 : memref<1x128x128xf32, #tpu.memory_space<hbm>> -> memref<128x128xf32, #tpu.memory_space<hbm>>
      %dma_start3A_41 = arith.constant 0 : i32
      %dma_start3A_42 = tpu.memref_slice %arg6[%arg0, %add3A_22, %dma_start3A_41] : memref<2x10240x128xf32, #tpu.memory_space<hbm>> -> memref<1x128x128xf32, #tpu.memory_space<hbm>>
      %dma_start3A_43 = tpu.memref_squeeze %dma_start3A_42 : memref<1x128x128xf32, #tpu.memory_space<hbm>> -> memref<128x128xf32, #tpu.memory_space<hbm>>
      tpu.enqueue_dma source(%arg9 : memref<128x128xf32, #tpu.memory_space<vmem>>) target(%dma_start3A_43 : memref<128x128xf32, #tpu.memory_space<hbm>>) target_semaphore(%run_scoped3A : memref<!tpu.dma_semaphore, #tpu.memory_space<semaphore_mem>>)
      %dma_wait3A = arith.constant 0 : i32
      %dma_wait3A_44 = tpu.memref_slice %arg6[%arg0, %add3A_22, %dma_wait3A] : memref<2x10240x128xf32, #tpu.memory_space<hbm>> -> memref<1x128x128xf32, #tpu.memory_space<hbm>>
      %dma_wait3A_45 = tpu.memref_squeeze %dma_wait3A_44 : memref<1x128x128xf32, #tpu.memory_space<hbm>> -> memref<128x128xf32, #tpu.memory_space<hbm>>
      %dma_wait3A_46 = arith.constant 0 : i32
      %dma_wait3A_47 = tpu.memref_slice %arg6[%arg0, %add3A_22, %dma_wait3A_46] : memref<2x10240x128xf32, #tpu.memory_space<hbm>> -> memref<1x128x128xf32, #tpu.memory_space<hbm>>
      %dma_wait3A_48 = tpu.memref_squeeze %dma_wait3A_47 : memref<1x128x128xf32, #tpu.memory_space<hbm>> -> memref<128x128xf32, #tpu.memory_space<hbm>>
      tpu.wait_dma2 semaphore(%run_scoped3A : memref<!tpu.dma_semaphore, #tpu.memory_space<semaphore_mem>>) src(%arg9 : memref<128x128xf32, #tpu.memory_space<vmem>>) dst(%dma_wait3A_48 : memref<128x128xf32, #tpu.memory_space<hbm>>)
      tpu.yield
    }) : () -> ()
    %add3A_23 = arith.constant 128 : i32
    %add3A_24 = arith.addi %mul3A_2, %add3A_23 : i32
    "tpu.region"() ({
      %run_scoped3A = tpu.sem_alloc : memref<!tpu.dma_semaphore, #tpu.memory_space<semaphore_mem>>
      %dma_start3A = tpu.memref_slice %arg5[%add3A_24] : memref<10240xi32, #tpu.memory_space<hbm>> -> memref<128xi32, #tpu.memory_space<hbm>>
      %dma_start3A_39 = tpu.memref_slice %arg5[%add3A_24] : memref<10240xi32, #tpu.memory_space<hbm>> -> memref<128xi32, #tpu.memory_space<hbm>>
      tpu.enqueue_dma source(%dma_start3A_39 : memref<128xi32, #tpu.memory_space<hbm>>) target(%arg8 : memref<128xi32, #tpu.memory_space<vmem>>) target_semaphore(%run_scoped3A : memref<!tpu.dma_semaphore, #tpu.memory_space<semaphore_mem>>)
      %dma_wait3A = tpu.memref_slice %arg5[%add3A_24] : memref<10240xi32, #tpu.memory_space<hbm>> -> memref<128xi32, #tpu.memory_space<hbm>>
      %dma_wait3A_40 = tpu.memref_slice %arg5[%add3A_24] : memref<10240xi32, #tpu.memory_space<hbm>> -> memref<128xi32, #tpu.memory_space<hbm>>
      tpu.wait_dma2 semaphore(%run_scoped3A : memref<!tpu.dma_semaphore, #tpu.memory_space<semaphore_mem>>) src(%dma_wait3A_40 : memref<128xi32, #tpu.memory_space<hbm>>) dst(%arg8 : memref<128xi32, #tpu.memory_space<vmem>>)
      tpu.yield
    }) : () -> ()
    "tpu.region"() ({
      %run_scoped3A = tpu.sem_alloc : memref<!tpu.dma_semaphore, #tpu.memory_space<semaphore_mem>>
      %dma_start3A = arith.constant 0 : i32
      %dma_start3A_39 = arith.constant 0 : i32
      %dma_start3A_40 = tpu.memref_slice %arg11[%dma_start3A, %dma_start3A_39] : memref<10240x128xf32, #tpu.memory_space<vmem_shared>> -> memref<10240x128xf32, #tpu.memory_space<vmem_shared>>
      tpu.enqueue_indirect_dma source(%dma_start3A_40 : memref<10240x128xf32, #tpu.memory_space<vmem_shared>>) target(%arg9 : memref<128x128xf32, #tpu.memory_space<vmem>>) offsets(%arg8 : memref<128xi32, #tpu.memory_space<vmem>>) semaphore(%run_scoped3A : memref<!tpu.dma_semaphore, #tpu.memory_space<semaphore_mem>>)
      %dma_wait3A = arith.constant 0 : i32
      %dma_wait3A_41 = arith.constant 0 : i32
      %dma_wait3A_42 = tpu.memref_slice %arg11[%dma_wait3A, %dma_wait3A_41] : memref<10240x128xf32, #tpu.memory_space<vmem_shared>> -> memref<10240x128xf32, #tpu.memory_space<vmem_shared>>
      tpu.wait_indirect_dma semaphore(%run_scoped3A : memref<!tpu.dma_semaphore, #tpu.memory_space<semaphore_mem>>) src(%dma_wait3A_42 : memref<10240x128xf32, #tpu.memory_space<vmem_shared>>) dst(%arg9 : memref<128x128xf32, #tpu.memory_space<vmem>>)
      tpu.yield
    }) : () -> ()
    %add3A_25 = arith.constant 128 : i32
    %add3A_26 = arith.addi %mul3A_2, %add3A_25 : i32
    "tpu.region"() ({
      %run_scoped3A = tpu.sem_alloc : memref<!tpu.dma_semaphore, #tpu.memory_space<semaphore_mem>>
      %dma_start3A = arith.constant 0 : i32
      %dma_start3A_39 = tpu.memref_slice %arg6[%arg0, %add3A_26, %dma_start3A] : memref<2x10240x128xf32, #tpu.memory_space<hbm>> -> memref<1x128x128xf32, #tpu.memory_space<hbm>>
      %dma_start3A_40 = tpu.memref_squeeze %dma_start3A_39 : memref<1x128x128xf32, #tpu.memory_space<hbm>> -> memref<128x128xf32, #tpu.memory_space<hbm>>
      %dma_start3A_41 = arith.constant 0 : i32
      %dma_start3A_42 = tpu.memref_slice %arg6[%arg0, %add3A_26, %dma_start3A_41] : memref<2x10240x128xf32, #tpu.memory_space<hbm>> -> memref<1x128x128xf32, #tpu.memory_space<hbm>>
      %dma_start3A_43 = tpu.memref_squeeze %dma_start3A_42 : memref<1x128x128xf32, #tpu.memory_space<hbm>> -> memref<128x128xf32, #tpu.memory_space<hbm>>
      tpu.enqueue_dma source(%arg9 : memref<128x128xf32, #tpu.memory_space<vmem>>) target(%dma_start3A_43 : memref<128x128xf32, #tpu.memory_space<hbm>>) target_semaphore(%run_scoped3A : memref<!tpu.dma_semaphore, #tpu.memory_space<semaphore_mem>>)
      %dma_wait3A = arith.constant 0 : i32
      %dma_wait3A_44 = tpu.memref_slice %arg6[%arg0, %add3A_26, %dma_wait3A] : memref<2x10240x128xf32, #tpu.memory_space<hbm>> -> memref<1x128x128xf32, #tpu.memory_space<hbm>>
      %dma_wait3A_45 = tpu.memref_squeeze %dma_wait3A_44 : memref<1x128x128xf32, #tpu.memory_space<hbm>> -> memref<128x128xf32, #tpu.memory_space<hbm>>
      %dma_wait3A_46 = arith.constant 0 : i32
      %dma_wait3A_47 = tpu.memref_slice %arg6[%arg0, %add3A_26, %dma_wait3A_46] : memref<2x10240x128xf32, #tpu.memory_space<hbm>> -> memref<1x128x128xf32, #tpu.memory_space<hbm>>
      %dma_wait3A_48 = tpu.memref_squeeze %dma_wait3A_47 : memref<1x128x128xf32, #tpu.memory_space<hbm>> -> memref<128x128xf32, #tpu.memory_space<hbm>>
      tpu.wait_dma2 semaphore(%run_scoped3A : memref<!tpu.dma_semaphore, #tpu.memory_space<semaphore_mem>>) src(%arg9 : memref<128x128xf32, #tpu.memory_space<vmem>>) dst(%dma_wait3A_48 : memref<128x128xf32, #tpu.memory_space<hbm>>)
      tpu.yield
    }) : () -> ()
    %add3A_27 = arith.constant 256 : i32
    %add3A_28 = arith.addi %mul3A_2, %add3A_27 : i32
    "tpu.region"() ({
      %run_scoped3A = tpu.sem_alloc : memref<!tpu.dma_semaphore, #tpu.memory_space<semaphore_mem>>
      %dma_start3A = tpu.memref_slice %arg5[%add3A_28] : memref<10240xi32, #tpu.memory_space<hbm>> -> memref<128xi32, #tpu.memory_space<hbm>>
      %dma_start3A_39 = tpu.memref_slice %arg5[%add3A_28] : memref<10240xi32, #tpu.memory_space<hbm>> -> memref<128xi32, #tpu.memory_space<hbm>>
      tpu.enqueue_dma source(%dma_start3A_39 : memref<128xi32, #tpu.memory_space<hbm>>) target(%arg8 : memref<128xi32, #tpu.memory_space<vmem>>) target_semaphore(%run_scoped3A : memref<!tpu.dma_semaphore, #tpu.memory_space<semaphore_mem>>)
      %dma_wait3A = tpu.memref_slice %arg5[%add3A_28] : memref<10240xi32, #tpu.memory_space<hbm>> -> memref<128xi32, #tpu.memory_space<hbm>>
      %dma_wait3A_40 = tpu.memref_slice %arg5[%add3A_28] : memref<10240xi32, #tpu.memory_space<hbm>> -> memref<128xi32, #tpu.memory_space<hbm>>
      tpu.wait_dma2 semaphore(%run_scoped3A : memref<!tpu.dma_semaphore, #tpu.memory_space<semaphore_mem>>) src(%dma_wait3A_40 : memref<128xi32, #tpu.memory_space<hbm>>) dst(%arg8 : memref<128xi32, #tpu.memory_space<vmem>>)
      tpu.yield
    }) : () -> ()
    "tpu.region"() ({
      %run_scoped3A = tpu.sem_alloc : memref<!tpu.dma_semaphore, #tpu.memory_space<semaphore_mem>>
      %dma_start3A = arith.constant 0 : i32
      %dma_start3A_39 = arith.constant 0 : i32
      %dma_start3A_40 = tpu.memref_slice %arg11[%dma_start3A, %dma_start3A_39] : memref<10240x128xf32, #tpu.memory_space<vmem_shared>> -> memref<10240x128xf32, #tpu.memory_space<vmem_shared>>
      tpu.enqueue_indirect_dma source(%dma_start3A_40 : memref<10240x128xf32, #tpu.memory_space<vmem_shared>>) target(%arg9 : memref<128x128xf32, #tpu.memory_space<vmem>>) offsets(%arg8 : memref<128xi32, #tpu.memory_space<vmem>>) semaphore(%run_scoped3A : memref<!tpu.dma_semaphore, #tpu.memory_space<semaphore_mem>>)
      %dma_wait3A = arith.constant 0 : i32
      %dma_wait3A_41 = arith.constant 0 : i32
      %dma_wait3A_42 = tpu.memref_slice %arg11[%dma_wait3A, %dma_wait3A_41] : memref<10240x128xf32, #tpu.memory_space<vmem_shared>> -> memref<10240x128xf32, #tpu.memory_space<vmem_shared>>
      tpu.wait_indirect_dma semaphore(%run_scoped3A : memref<!tpu.dma_semaphore, #tpu.memory_space<semaphore_mem>>) src(%dma_wait3A_42 : memref<10240x128xf32, #tpu.memory_space<vmem_shared>>) dst(%arg9 : memref<128x128xf32, #tpu.memory_space<vmem>>)
      tpu.yield
    }) : () -> ()
    %add3A_29 = arith.constant 256 : i32
    %add3A_30 = arith.addi %mul3A_2, %add3A_29 : i32
    "tpu.region"() ({
      %run_scoped3A = tpu.sem_alloc : memref<!tpu.dma_semaphore, #tpu.memory_space<semaphore_mem>>
      %dma_start3A = arith.constant 0 : i32
      %dma_start3A_39 = tpu.memref_slice %arg6[%arg0, %add3A_30, %dma_start3A] : memref<2x10240x128xf32, #tpu.memory_space<hbm>> -> memref<1x128x128xf32, #tpu.memory_space<hbm>>
      %dma_start3A_40 = tpu.memref_squeeze %dma_start3A_39 : memref<1x128x128xf32, #tpu.memory_space<hbm>> -> memref<128x128xf32, #tpu.memory_space<hbm>>
      %dma_start3A_41 = arith.constant 0 : i32
      %dma_start3A_42 = tpu.memref_slice %arg6[%arg0, %add3A_30, %dma_start3A_41] : memref<2x10240x128xf32, #tpu.memory_space<hbm>> -> memref<1x128x128xf32, #tpu.memory_space<hbm>>
      %dma_start3A_43 = tpu.memref_squeeze %dma_start3A_42 : memref<1x128x128xf32, #tpu.memory_space<hbm>> -> memref<128x128xf32, #tpu.memory_space<hbm>>
      tpu.enqueue_dma source(%arg9 : memref<128x128xf32, #tpu.memory_space<vmem>>) target(%dma_start3A_43 : memref<128x128xf32, #tpu.memory_space<hbm>>) target_semaphore(%run_scoped3A : memref<!tpu.dma_semaphore, #tpu.memory_space<semaphore_mem>>)
      %dma_wait3A = arith.constant 0 : i32
      %dma_wait3A_44 = tpu.memref_slice %arg6[%arg0, %add3A_30, %dma_wait3A] : memref<2x10240x128xf32, #tpu.memory_space<hbm>> -> memref<1x128x128xf32, #tpu.memory_space<hbm>>
      %dma_wait3A_45 = tpu.memref_squeeze %dma_wait3A_44 : memref<1x128x128xf32, #tpu.memory_space<hbm>> -> memref<128x128xf32, #tpu.memory_space<hbm>>
      %dma_wait3A_46 = arith.constant 0 : i32
      %dma_wait3A_47 = tpu.memref_slice %arg6[%arg0, %add3A_30, %dma_wait3A_46] : memref<2x10240x128xf32, #tpu.memory_space<hbm>> -> memref<1x128x128xf32, #tpu.memory_space<hbm>>
      %dma_wait3A_48 = tpu.memref_squeeze %dma_wait3A_47 : memref<1x128x128xf32, #tpu.memory_space<hbm>> -> memref<128x128xf32, #tpu.memory_space<hbm>>
      tpu.wait_dma2 semaphore(%run_scoped3A : memref<!tpu.dma_semaphore, #tpu.memory_space<semaphore_mem>>) src(%arg9 : memref<128x128xf32, #tpu.memory_space<vmem>>) dst(%dma_wait3A_48 : memref<128x128xf32, #tpu.memory_space<hbm>>)
      tpu.yield
    }) : () -> ()
    %add3A_31 = arith.constant 384 : i32
    %add3A_32 = arith.addi %mul3A_2, %add3A_31 : i32
    "tpu.region"() ({
      %run_scoped3A = tpu.sem_alloc : memref<!tpu.dma_semaphore, #tpu.memory_space<semaphore_mem>>
      %dma_start3A = tpu.memref_slice %arg5[%add3A_32] : memref<10240xi32, #tpu.memory_space<hbm>> -> memref<128xi32, #tpu.memory_space<hbm>>
      %dma_start3A_39 = tpu.memref_slice %arg5[%add3A_32] : memref<10240xi32, #tpu.memory_space<hbm>> -> memref<128xi32, #tpu.memory_space<hbm>>
      tpu.enqueue_dma source(%dma_start3A_39 : memref<128xi32, #tpu.memory_space<hbm>>) target(%arg8 : memref<128xi32, #tpu.memory_space<vmem>>) target_semaphore(%run_scoped3A : memref<!tpu.dma_semaphore, #tpu.memory_space<semaphore_mem>>)
      %dma_wait3A = tpu.memref_slice %arg5[%add3A_32] : memref<10240xi32, #tpu.memory_space<hbm>> -> memref<128xi32, #tpu.memory_space<hbm>>
      %dma_wait3A_40 = tpu.memref_slice %arg5[%add3A_32] : memref<10240xi32, #tpu.memory_space<hbm>> -> memref<128xi32, #tpu.memory_space<hbm>>
      tpu.wait_dma2 semaphore(%run_scoped3A : memref<!tpu.dma_semaphore, #tpu.memory_space<semaphore_mem>>) src(%dma_wait3A_40 : memref<128xi32, #tpu.memory_space<hbm>>) dst(%arg8 : memref<128xi32, #tpu.memory_space<vmem>>)
      tpu.yield
    }) : () -> ()
    "tpu.region"() ({
      %run_scoped3A = tpu.sem_alloc : memref<!tpu.dma_semaphore, #tpu.memory_space<semaphore_mem>>
      %dma_start3A = arith.constant 0 : i32
      %dma_start3A_39 = arith.constant 0 : i32
      %dma_start3A_40 = tpu.memref_slice %arg11[%dma_start3A, %dma_start3A_39] : memref<10240x128xf32, #tpu.memory_space<vmem_shared>> -> memref<10240x128xf32, #tpu.memory_space<vmem_shared>>
      tpu.enqueue_indirect_dma source(%dma_start3A_40 : memref<10240x128xf32, #tpu.memory_space<vmem_shared>>) target(%arg9 : memref<128x128xf32, #tpu.memory_space<vmem>>) offsets(%arg8 : memref<128xi32, #tpu.memory_space<vmem>>) semaphore(%run_scoped3A : memref<!tpu.dma_semaphore, #tpu.memory_space<semaphore_mem>>)
      %dma_wait3A = arith.constant 0 : i32
      %dma_wait3A_41 = arith.constant 0 : i32
      %dma_wait3A_42 = tpu.memref_slice %arg11[%dma_wait3A, %dma_wait3A_41] : memref<10240x128xf32, #tpu.memory_space<vmem_shared>> -> memref<10240x128xf32, #tpu.memory_space<vmem_shared>>
      tpu.wait_indirect_dma semaphore(%run_scoped3A : memref<!tpu.dma_semaphore, #tpu.memory_space<semaphore_mem>>) src(%dma_wait3A_42 : memref<10240x128xf32, #tpu.memory_space<vmem_shared>>) dst(%arg9 : memref<128x128xf32, #tpu.memory_space<vmem>>)
      tpu.yield
    }) : () -> ()
    %add3A_33 = arith.constant 384 : i32
    %add3A_34 = arith.addi %mul3A_2, %add3A_33 : i32
    "tpu.region"() ({
      %run_scoped3A = tpu.sem_alloc : memref<!tpu.dma_semaphore, #tpu.memory_space<semaphore_mem>>
      %dma_start3A = arith.constant 0 : i32
      %dma_start3A_39 = tpu.memref_slice %arg6[%arg0, %add3A_34, %dma_start3A] : memref<2x10240x128xf32, #tpu.memory_space<hbm>> -> memref<1x128x128xf32, #tpu.memory_space<hbm>>
      %dma_start3A_40 = tpu.memref_squeeze %dma_start3A_39 : memref<1x128x128xf32, #tpu.memory_space<hbm>> -> memref<128x128xf32, #tpu.memory_space<hbm>>
      %dma_start3A_41 = arith.constant 0 : i32
      %dma_start3A_42 = tpu.memref_slice %arg6[%arg0, %add3A_34, %dma_start3A_41] : memref<2x10240x128xf32, #tpu.memory_space<hbm>> -> memref<1x128x128xf32, #tpu.memory_space<hbm>>
      %dma_start3A_43 = tpu.memref_squeeze %dma_start3A_42 : memref<1x128x128xf32, #tpu.memory_space<hbm>> -> memref<128x128xf32, #tpu.memory_space<hbm>>
      tpu.enqueue_dma source(%arg9 : memref<128x128xf32, #tpu.memory_space<vmem>>) target(%dma_start3A_43 : memref<128x128xf32, #tpu.memory_space<hbm>>) target_semaphore(%run_scoped3A : memref<!tpu.dma_semaphore, #tpu.memory_space<semaphore_mem>>)
      %dma_wait3A = arith.constant 0 : i32
      %dma_wait3A_44 = tpu.memref_slice %arg6[%arg0, %add3A_34, %dma_wait3A] : memref<2x10240x128xf32, #tpu.memory_space<hbm>> -> memref<1x128x128xf32, #tpu.memory_space<hbm>>
      %dma_wait3A_45 = tpu.memref_squeeze %dma_wait3A_44 : memref<1x128x128xf32, #tpu.memory_space<hbm>> -> memref<128x128xf32, #tpu.memory_space<hbm>>
      %dma_wait3A_46 = arith.constant 0 : i32
      %dma_wait3A_47 = tpu.memref_slice %arg6[%arg0, %add3A_34, %dma_wait3A_46] : memref<2x10240x128xf32, #tpu.memory_space<hbm>> -> memref<1x128x128xf32, #tpu.memory_space<hbm>>
      %dma_wait3A_48 = tpu.memref_squeeze %dma_wait3A_47 : memref<1x128x128xf32, #tpu.memory_space<hbm>> -> memref<128x128xf32, #tpu.memory_space<hbm>>
      tpu.wait_dma2 semaphore(%run_scoped3A : memref<!tpu.dma_semaphore, #tpu.memory_space<semaphore_mem>>) src(%arg9 : memref<128x128xf32, #tpu.memory_space<vmem>>) dst(%dma_wait3A_48 : memref<128x128xf32, #tpu.memory_space<hbm>>)
      tpu.yield
    }) : () -> ()
    %add3A_35 = arith.constant 512 : i32
    %add3A_36 = arith.addi %mul3A_2, %add3A_35 : i32
    "tpu.region"() ({
      %run_scoped3A = tpu.sem_alloc : memref<!tpu.dma_semaphore, #tpu.memory_space<semaphore_mem>>
      %dma_start3A = tpu.memref_slice %arg5[%add3A_36] : memref<10240xi32, #tpu.memory_space<hbm>> -> memref<128xi32, #tpu.memory_space<hbm>>
      %dma_start3A_39 = tpu.memref_slice %arg5[%add3A_36] : memref<10240xi32, #tpu.memory_space<hbm>> -> memref<128xi32, #tpu.memory_space<hbm>>
      tpu.enqueue_dma source(%dma_start3A_39 : memref<128xi32, #tpu.memory_space<hbm>>) target(%arg8 : memref<128xi32, #tpu.memory_space<vmem>>) target_semaphore(%run_scoped3A : memref<!tpu.dma_semaphore, #tpu.memory_space<semaphore_mem>>)
      %dma_wait3A = tpu.memref_slice %arg5[%add3A_36] : memref<10240xi32, #tpu.memory_space<hbm>> -> memref<128xi32, #tpu.memory_space<hbm>>
      %dma_wait3A_40 = tpu.memref_slice %arg5[%add3A_36] : memref<10240xi32, #tpu.memory_space<hbm>> -> memref<128xi32, #tpu.memory_space<hbm>>
      tpu.wait_dma2 semaphore(%run_scoped3A : memref<!tpu.dma_semaphore, #tpu.memory_space<semaphore_mem>>) src(%dma_wait3A_40 : memref<128xi32, #tpu.memory_space<hbm>>) dst(%arg8 : memref<128xi32, #tpu.memory_space<vmem>>)
      tpu.yield
    }) : () -> ()
    "tpu.region"() ({
      %run_scoped3A = tpu.sem_alloc : memref<!tpu.dma_semaphore, #tpu.memory_space<semaphore_mem>>
      %dma_start3A = arith.constant 0 : i32
      %dma_start3A_39 = arith.constant 0 : i32
      %dma_start3A_40 = tpu.memref_slice %arg11[%dma_start3A, %dma_start3A_39] : memref<10240x128xf32, #tpu.memory_space<vmem_shared>> -> memref<10240x128xf32, #tpu.memory_space<vmem_shared>>
      tpu.enqueue_indirect_dma source(%dma_start3A_40 : memref<10240x128xf32, #tpu.memory_space<vmem_shared>>) target(%arg9 : memref<128x128xf32, #tpu.memory_space<vmem>>) offsets(%arg8 : memref<128xi32, #tpu.memory_space<vmem>>) semaphore(%run_scoped3A : memref<!tpu.dma_semaphore, #tpu.memory_space<semaphore_mem>>)
      %dma_wait3A = arith.constant 0 : i32
      %dma_wait3A_41 = arith.constant 0 : i32
      %dma_wait3A_42 = tpu.memref_slice %arg11[%dma_wait3A, %dma_wait3A_41] : memref<10240x128xf32, #tpu.memory_space<vmem_shared>> -> memref<10240x128xf32, #tpu.memory_space<vmem_shared>>
      tpu.wait_indirect_dma semaphore(%run_scoped3A : memref<!tpu.dma_semaphore, #tpu.memory_space<semaphore_mem>>) src(%dma_wait3A_42 : memref<10240x128xf32, #tpu.memory_space<vmem_shared>>) dst(%arg9 : memref<128x128xf32, #tpu.memory_space<vmem>>)
      tpu.yield
    }) : () -> ()
    %add3A_37 = arith.constant 512 : i32
    %add3A_38 = arith.addi %mul3A_2, %add3A_37 : i32
    "tpu.region"() ({
      %run_scoped3A = tpu.sem_alloc : memref<!tpu.dma_semaphore, #tpu.memory_space<semaphore_mem>>
      %dma_start3A = arith.constant 0 : i32
      %dma_start3A_39 = tpu.memref_slice %arg6[%arg0, %add3A_38, %dma_start3A] : memref<2x10240x128xf32, #tpu.memory_space<hbm>> -> memref<1x128x128xf32, #tpu.memory_space<hbm>>
      %dma_start3A_40 = tpu.memref_squeeze %dma_start3A_39 : memref<1x128x128xf32, #tpu.memory_space<hbm>> -> memref<128x128xf32, #tpu.memory_space<hbm>>
      %dma_start3A_41 = arith.constant 0 : i32
      %dma_start3A_42 = tpu.memref_slice %arg6[%arg0, %add3A_38, %dma_start3A_41] : memref<2x10240x128xf32, #tpu.memory_space<hbm>> -> memref<1x128x128xf32, #tpu.memory_space<hbm>>
      %dma_start3A_43 = tpu.memref_squeeze %dma_start3A_42 : memref<1x128x128xf32, #tpu.memory_space<hbm>> -> memref<128x128xf32, #tpu.memory_space<hbm>>
      tpu.enqueue_dma source(%arg9 : memref<128x128xf32, #tpu.memory_space<vmem>>) target(%dma_start3A_43 : memref<128x128xf32, #tpu.memory_space<hbm>>) target_semaphore(%run_scoped3A : memref<!tpu.dma_semaphore, #tpu.memory_space<semaphore_mem>>)
      %dma_wait3A = arith.constant 0 : i32
      %dma_wait3A_44 = tpu.memref_slice %arg6[%arg0, %add3A_38, %dma_wait3A] : memref<2x10240x128xf32, #tpu.memory_space<hbm>> -> memref<1x128x128xf32, #tpu.memory_space<hbm>>
      %dma_wait3A_45 = tpu.memref_squeeze %dma_wait3A_44 : memref<1x128x128xf32, #tpu.memory_space<hbm>> -> memref<128x128xf32, #tpu.memory_space<hbm>>
      %dma_wait3A_46 = arith.constant 0 : i32
      %dma_wait3A_47 = tpu.memref_slice %arg6[%arg0, %add3A_38, %dma_wait3A_46] : memref<2x10240x128xf32, #tpu.memory_space<hbm>> -> memref<1x128x128xf32, #tpu.memory_space<hbm>>
      %dma_wait3A_48 = tpu.memref_squeeze %dma_wait3A_47 : memref<1x128x128xf32, #tpu.memory_space<hbm>> -> memref<128x128xf32, #tpu.memory_space<hbm>>
      tpu.wait_dma2 semaphore(%run_scoped3A : memref<!tpu.dma_semaphore, #tpu.memory_space<semaphore_mem>>) src(%arg9 : memref<128x128xf32, #tpu.memory_space<vmem>>) dst(%dma_wait3A_48 : memref<128x128xf32, #tpu.memory_space<hbm>>)
      tpu.yield
    }) : () -> ()
    return
  }
}

module attributes {stable_mosaic.version = 14 : i64} {
  func.func @_tc_dense_body(%arg0: i32, %arg1: memref<2x1000x128xf32, #tpu.memory_space<vmem>>, %arg2: memref<2x1000x128xf32, #tpu.memory_space<vmem>>, %arg3: memref<1000x128xf32, #tpu.memory_space<vmem>>, %arg4: memref<128x128xf32, #tpu.memory_space<vmem>>, %arg5: memref<128x128xf32, #tpu.memory_space<vmem>>, %arg6: memref<1x128xf32, #tpu.memory_space<vmem>>, %arg7: memref<1000x128xf32, #tpu.memory_space<vmem>>) attributes {dimension_semantics = [#tpu.dimension_semantics<arbitrary>], iteration_bounds = array<i64: 10>, scalar_prefetch = 0 : i64, scratch_operands = 0 : i64, tpu.core_type = #tpu.core_type<tc>, window_params = [{transform_indices = @transform_0, window_bounds = array<i64: 2, 1000, 128>}, {transform_indices = @transform_1, window_bounds = array<i64: 2, 1000, 128>}, {transform_indices = @transform_2, window_bounds = array<i64: 1000, 128>}, {pipeline_mode = #tpu.pipeline_mode<synchronous>, transform_indices = @transform_3, window_bounds = array<i64: 128, 128>}, {pipeline_mode = #tpu.pipeline_mode<synchronous>, transform_indices = @transform_4, window_bounds = array<i64: 128, 128>}, {pipeline_mode = #tpu.pipeline_mode<synchronous>, transform_indices = @transform_5, window_bounds = array<i64: 1, 128>}, {transform_indices = @transform_6, window_bounds = array<i64: 1000, 128>}]} {
    %get3A = arith.constant 0 : index
    %get3A_0 = arith.constant 0 : index
    %get3A_1 = arith.constant 0 : index
    %get3A_2 = vector.load %arg1[%get3A, %get3A_0, %get3A_1] : memref<2x1000x128xf32, #tpu.memory_space<vmem>>, vector<1x1000x128xf32>
    %get3A_3 = vector.shape_cast %get3A_2 : vector<1x1000x128xf32> to vector<1000x128xf32>
    %get3A_4 = arith.constant 1 : index
    %get3A_5 = arith.constant 0 : index
    %get3A_6 = arith.constant 0 : index
    %get3A_7 = vector.load %arg1[%get3A_4, %get3A_5, %get3A_6] : memref<2x1000x128xf32, #tpu.memory_space<vmem>>, vector<1x1000x128xf32>
    %get3A_8 = vector.shape_cast %get3A_7 : vector<1x1000x128xf32> to vector<1000x128xf32>
    %add3A = arith.addf %get3A_3, %get3A_8 : vector<1000x128xf32>
    %get3A_9 = arith.constant 0 : index
    %get3A_10 = arith.constant 0 : index
    %get3A_11 = arith.constant 0 : index
    %get3A_12 = vector.load %arg2[%get3A_9, %get3A_10, %get3A_11] : memref<2x1000x128xf32, #tpu.memory_space<vmem>>, vector<1x1000x1xf32>
    %get3A_13 = vector.shape_cast %get3A_12 : vector<1x1000x1xf32> to vector<1000x1xf32>
    %get3A_14 = arith.constant 1 : index
    %get3A_15 = arith.constant 0 : index
    %get3A_16 = arith.constant 0 : index
    %get3A_17 = vector.load %arg2[%get3A_14, %get3A_15, %get3A_16] : memref<2x1000x128xf32, #tpu.memory_space<vmem>>, vector<1x1000x1xf32>
    %get3A_18 = vector.shape_cast %get3A_17 : vector<1x1000x1xf32> to vector<1000x1xf32>
    %add3A_19 = arith.addf %get3A_13, %get3A_18 : vector<1000x1xf32>
    %max3A = arith.constant 1.000000e+00 : f32
    %max3A_20 = vector.broadcast %max3A : f32 to vector<1000x1xf32>
    %max3A_21 = arith.maximumf %add3A_19, %max3A_20 : vector<1000x1xf32>
    %div3A = vector.broadcast %max3A_21 : vector<1000x1xf32> to vector<1000x128xf32>
    %div3A_22 = arith.divf %add3A, %div3A : vector<1000x128xf32>
    %get3A_23 = arith.constant 0 : index
    %get3A_24 = arith.constant 0 : index
    %get3A_25 = vector.load %arg4[%get3A_23, %get3A_24] : memref<128x128xf32, #tpu.memory_space<vmem>>, vector<128x128xf32>
    %dot_general3A = arith.constant dense<0.000000e+00> : vector<1000x128xf32>
    %dot_general3A_26 = tpu.matmul %div3A_22, %get3A_25, %dot_general3A {dimension_numbers = #tpu.dot_dimension_numbers<[1], [0], [0], [1], [0, 0, 1, 1], [], []>, transpose_lhs_hint = false} : vector<1000x128xf32>, vector<128x128xf32>, vector<1000x128xf32> -> vector<1000x128xf32>
    %get3A_27 = arith.constant 0 : index
    %get3A_28 = arith.constant 0 : index
    %get3A_29 = vector.load %arg3[%get3A_27, %get3A_28] : memref<1000x128xf32, #tpu.memory_space<vmem>>, vector<1000x128xf32>
    %get3A_30 = arith.constant 0 : index
    %get3A_31 = arith.constant 0 : index
    %get3A_32 = vector.load %arg5[%get3A_30, %get3A_31] : memref<128x128xf32, #tpu.memory_space<vmem>>, vector<128x128xf32>
    %dot_general3A_33 = arith.constant dense<0.000000e+00> : vector<1000x128xf32>
    %dot_general3A_34 = tpu.matmul %get3A_29, %get3A_32, %dot_general3A_33 {dimension_numbers = #tpu.dot_dimension_numbers<[1], [0], [0], [1], [0, 0, 1, 1], [], []>, transpose_lhs_hint = false} : vector<1000x128xf32>, vector<128x128xf32>, vector<1000x128xf32> -> vector<1000x128xf32>
    %add3A_35 = arith.addf %dot_general3A_26, %dot_general3A_34 : vector<1000x128xf32>
    %get3A_36 = arith.constant 0 : index
    %get3A_37 = arith.constant 0 : index
    %get3A_38 = vector.load %arg6[%get3A_36, %get3A_37] : memref<1x128xf32, #tpu.memory_space<vmem>>, vector<1x128xf32>
    %add3A_39 = vector.broadcast %get3A_38 : vector<1x128xf32> to vector<1000x128xf32>
    %add3A_40 = arith.addf %add3A_35, %add3A_39 : vector<1000x128xf32>
    %max3A_41 = arith.constant 0.000000e+00 : f32
    %max3A_42 = vector.broadcast %max3A_41 : f32 to vector<1000x128xf32>
    %max3A_43 = arith.maximumf %add3A_40, %max3A_42 : vector<1000x128xf32>
    %swap3A = arith.constant 0 : index
    %swap3A_44 = arith.constant 0 : index
    %swap3A_45 = vector.load %arg7[%swap3A, %swap3A_44] : memref<1000x128xf32, #tpu.memory_space<vmem>>, vector<1000x128xf32>
    tpu.vector_store %arg7[%swap3A, %swap3A_44], %max3A_43 {strides = array<i32>} : memref<1000x128xf32, #tpu.memory_space<vmem>>, vector<1000x128xf32>,
    return
  }
  func.func @transform_0(%arg0: i32) -> (i32, i32, i32) {
    %c0_i32 = arith.constant 0 : i32
    %c0_i32_0 = arith.constant 0 : i32
    %c0_i32_1 = arith.constant 0 : i32
    return %c0_i32, %arg0, %c0_i32_0 : i32, i32, i32
  }
  func.func @transform_1(%arg0: i32) -> (i32, i32, i32) {
    %c0_i32 = arith.constant 0 : i32
    %c0_i32_0 = arith.constant 0 : i32
    %c0_i32_1 = arith.constant 0 : i32
    return %c0_i32, %arg0, %c0_i32_0 : i32, i32, i32
  }
  func.func @transform_2(%arg0: i32) -> (i32, i32) {
    %c0_i32 = arith.constant 0 : i32
    %c0_i32_0 = arith.constant 0 : i32
    return %arg0, %c0_i32 : i32, i32
  }
  func.func @transform_3(%arg0: i32) -> (i32, i32) {
    %c0_i32 = arith.constant 0 : i32
    %c0_i32_0 = arith.constant 0 : i32
    %c0_i32_1 = arith.constant 0 : i32
    return %c0_i32, %c0_i32_0 : i32, i32
  }
  func.func @transform_4(%arg0: i32) -> (i32, i32) {
    %c0_i32 = arith.constant 0 : i32
    %c0_i32_0 = arith.constant 0 : i32
    %c0_i32_1 = arith.constant 0 : i32
    return %c0_i32, %c0_i32_0 : i32, i32
  }
  func.func @transform_5(%arg0: i32) -> (i32, i32) {
    %c0_i32 = arith.constant 0 : i32
    %c0_i32_0 = arith.constant 0 : i32
    %c0_i32_1 = arith.constant 0 : i32
    return %c0_i32, %c0_i32_0 : i32, i32
  }
  func.func @transform_6(%arg0: i32) -> (i32, i32) {
    %c0_i32 = arith.constant 0 : i32
    %c0_i32_0 = arith.constant 0 : i32
    return %arg0, %c0_i32 : i32, i32
  }
}

module attributes {stable_mosaic.version = 14 : i64} {
  func.func @_tc_dense_body(%arg0: i32, %arg1: memref<2x1000x128xf32, #tpu.memory_space<vmem>>, %arg2: memref<2x1000x128xf32, #tpu.memory_space<vmem>>, %arg3: memref<1000x128xf32, #tpu.memory_space<vmem>>, %arg4: memref<128x128xf32, #tpu.memory_space<vmem>>, %arg5: memref<128x128xf32, #tpu.memory_space<vmem>>, %arg6: memref<1x128xf32, #tpu.memory_space<vmem>>, %arg7: memref<1000x128xf32, #tpu.memory_space<vmem>>) attributes {dimension_semantics = [#tpu.dimension_semantics<arbitrary>], iteration_bounds = array<i64: 10>, scalar_prefetch = 0 : i64, scratch_operands = 0 : i64, tpu.core_type = #tpu.core_type<tc>, window_params = [{transform_indices = @transform_0, window_bounds = array<i64: 2, 1000, 128>}, {transform_indices = @transform_1, window_bounds = array<i64: 2, 1000, 128>}, {transform_indices = @transform_2, window_bounds = array<i64: 1000, 128>}, {pipeline_mode = #tpu.pipeline_mode<synchronous>, transform_indices = @transform_3, window_bounds = array<i64: 128, 128>}, {pipeline_mode = #tpu.pipeline_mode<synchronous>, transform_indices = @transform_4, window_bounds = array<i64: 128, 128>}, {pipeline_mode = #tpu.pipeline_mode<synchronous>, transform_indices = @transform_5, window_bounds = array<i64: 1, 128>}, {transform_indices = @transform_6, window_bounds = array<i64: 1000, 128>}]} {
    %get3A = arith.constant 0 : index
    %get3A_0 = arith.constant 0 : index
    %get3A_1 = arith.constant 0 : index
    %get3A_2 = vector.load %arg1[%get3A, %get3A_0, %get3A_1] : memref<2x1000x128xf32, #tpu.memory_space<vmem>>, vector<1x1000x128xf32>
    %get3A_3 = vector.shape_cast %get3A_2 : vector<1x1000x128xf32> to vector<1000x128xf32>
    %get3A_4 = arith.constant 1 : index
    %get3A_5 = arith.constant 0 : index
    %get3A_6 = arith.constant 0 : index
    %get3A_7 = vector.load %arg1[%get3A_4, %get3A_5, %get3A_6] : memref<2x1000x128xf32, #tpu.memory_space<vmem>>, vector<1x1000x128xf32>
    %get3A_8 = vector.shape_cast %get3A_7 : vector<1x1000x128xf32> to vector<1000x128xf32>
    %add3A = arith.addf %get3A_3, %get3A_8 : vector<1000x128xf32>
    %get3A_9 = arith.constant 0 : index
    %get3A_10 = arith.constant 0 : index
    %get3A_11 = arith.constant 0 : index
    %get3A_12 = vector.load %arg2[%get3A_9, %get3A_10, %get3A_11] : memref<2x1000x128xf32, #tpu.memory_space<vmem>>, vector<1x1000x1xf32>
    %get3A_13 = vector.shape_cast %get3A_12 : vector<1x1000x1xf32> to vector<1000x1xf32>
    %get3A_14 = arith.constant 1 : index
    %get3A_15 = arith.constant 0 : index
    %get3A_16 = arith.constant 0 : index
    %get3A_17 = vector.load %arg2[%get3A_14, %get3A_15, %get3A_16] : memref<2x1000x128xf32, #tpu.memory_space<vmem>>, vector<1x1000x1xf32>
    %get3A_18 = vector.shape_cast %get3A_17 : vector<1x1000x1xf32> to vector<1000x1xf32>
    %add3A_19 = arith.addf %get3A_13, %get3A_18 : vector<1000x1xf32>
    %max3A = arith.constant 1.000000e+00 : f32
    %max3A_20 = vector.broadcast %max3A : f32 to vector<1000x1xf32>
    %max3A_21 = arith.maximumf %add3A_19, %max3A_20 : vector<1000x1xf32>
    %div3A = vector.broadcast %max3A_21 : vector<1000x1xf32> to vector<1000x128xf32>
    %div3A_22 = arith.divf %add3A, %div3A : vector<1000x128xf32>
    %get3A_23 = arith.constant 0 : index
    %get3A_24 = arith.constant 0 : index
    %get3A_25 = vector.load %arg4[%get3A_23, %get3A_24] : memref<128x128xf32, #tpu.memory_space<vmem>>, vector<128x128xf32>
    %dot_general3A = arith.constant dense<0.000000e+00> : vector<1000x128xf32>
    %dot_general3A_26 = tpu.matmul %div3A_22, %get3A_25, %dot_general3A {dimension_numbers = #tpu.dot_dimension_numbers<[1], [0], [0], [1], [0, 0, 1, 1], [], []>, transpose_lhs_hint = false} : vector<1000x128xf32>, vector<128x128xf32>, vector<1000x128xf32> -> vector<1000x128xf32>
    %get3A_27 = arith.constant 0 : index
    %get3A_28 = arith.constant 0 : index
    %get3A_29 = vector.load %arg3[%get3A_27, %get3A_28] : memref<1000x128xf32, #tpu.memory_space<vmem>>, vector<1000x128xf32>
    %get3A_30 = arith.constant 0 : index
    %get3A_31 = arith.constant 0 : index
    %get3A_32 = vector.load %arg5[%get3A_30, %get3A_31] : memref<128x128xf32, #tpu.memory_space<vmem>>, vector<128x128xf32>
    %dot_general3A_33 = arith.constant dense<0.000000e+00> : vector<1000x128xf32>
    %dot_general3A_34 = tpu.matmul %get3A_29, %get3A_32, %dot_general3A_33 {dimension_numbers = #tpu.dot_dimension_numbers<[1], [0], [0], [1], [0, 0, 1, 1], [], []>, transpose_lhs_hint = false} : vector<1000x128xf32>, vector<128x128xf32>, vector<1000x128xf32> -> vector<1000x128xf32>
    %add3A_35 = arith.addf %dot_general3A_26, %dot_general3A_34 : vector<1000x128xf32>
    %get3A_36 = arith.constant 0 : index
    %get3A_37 = arith.constant 0 : index
    %get3A_38 = vector.load %arg6[%get3A_36, %get3A_37] : memref<1x128xf32, #tpu.memory_space<vmem>>, vector<1x128xf32>
    %add3A_39 = vector.broadcast %get3A_38 : vector<1x128xf32> to vector<1000x128xf32>
    %add3A_40 = arith.addf %add3A_35, %add3A_39 : vector<1000x128xf32>
    %swap3A = arith.constant 0 : index
    %swap3A_41 = arith.constant 0 : index
    %swap3A_42 = vector.load %arg7[%swap3A, %swap3A_41] : memref<1000x128xf32, #tpu.memory_space<vmem>>, vector<1000x128xf32>
    tpu.vector_store %arg7[%swap3A, %swap3A_41], %add3A_40 {strides = array<i32>} : memref<1000x128xf32, #tpu.memory_space<vmem>>, vector<1000x128xf32>,
    return
  }
  func.func @transform_0(%arg0: i32) -> (i32, i32, i32) {
    %c0_i32 = arith.constant 0 : i32
    %c0_i32_0 = arith.constant 0 : i32
    %c0_i32_1 = arith.constant 0 : i32
    return %c0_i32, %arg0, %c0_i32_0 : i32, i32, i32
  }
  func.func @transform_1(%arg0: i32) -> (i32, i32, i32) {
    %c0_i32 = arith.constant 0 : i32
    %c0_i32_0 = arith.constant 0 : i32
    %c0_i32_1 = arith.constant 0 : i32
    return %c0_i32, %arg0, %c0_i32_0 : i32, i32, i32
  }
  func.func @transform_2(%arg0: i32) -> (i32, i32) {
    %c0_i32 = arith.constant 0 : i32
    %c0_i32_0 = arith.constant 0 : i32
    return %arg0, %c0_i32 : i32, i32
  }
  func.func @transform_3(%arg0: i32) -> (i32, i32) {
    %c0_i32 = arith.constant 0 : i32
    %c0_i32_0 = arith.constant 0 : i32
    %c0_i32_1 = arith.constant 0 : i32
    return %c0_i32, %c0_i32_0 : i32, i32
  }
  func.func @transform_4(%arg0: i32) -> (i32, i32) {
    %c0_i32 = arith.constant 0 : i32
    %c0_i32_0 = arith.constant 0 : i32
    %c0_i32_1 = arith.constant 0 : i32
    return %c0_i32, %c0_i32_0 : i32, i32
  }
  func.func @transform_5(%arg0: i32) -> (i32, i32) {
    %c0_i32 = arith.constant 0 : i32
    %c0_i32_0 = arith.constant 0 : i32
    %c0_i32_1 = arith.constant 0 : i32
    return %c0_i32, %c0_i32_0 : i32, i32
  }
  func.func @transform_6(%arg0: i32) -> (i32, i32) {
    %c0_i32 = arith.constant 0 : i32
    %c0_i32_0 = arith.constant 0 : i32
    return %arg0, %c0_i32 : i32, i32
  }
}

</mosaic_0001>

<sc_bundles>
// kernel: kernel.10.cloned.1.call-start
scs
__scs_entry_jumppad:
0x0: {  	(pc) =	sbr.rel $0x88, $3  }
0x1: {  	(tag) =	ssettag $0x0;
	lr =	simm.s32 $0x1  }
0x2: {  	[smem:$0x3F99] =	sst lr;
	_ =	strace $0xD0000000  }
0x3: {  	_ = 	snop  }
0x4: {  	_ = 	snop  }
0x5: {  	_ = 	snop  }
0x6: {  	_ = 	snop  }
0x7: {  	_ = 	snop  }
__scs_overlays_trampoline_lowered:
0x8: {  	[smem:$0x3FA8] =	sst s0  }
0x9: {  	[smem:$0x3FA9] =	sst s1  }
0xa: {  	[smem:$0x3FAA] =	sst s2  }
0xb: {  	[smem:$0x3FAB] =	sst s3  }
0xc: {  	[smem:$0x3FAC] =	sst s4  }
0xd: {  	[smem:$0x3FAD] =	sst s5  }
0xe: {  	[smem:$0x3FAE] =	sst s6  }
0xf: {  	[smem:$0x3FAF] =	sst s7  }
0x10: {  	[smem:$0x3FB0] =	sst s8  }
0x11: {  	[smem:$0x3FB1] =	sst s9;
	s0 =	simm.s32 @!p0 $0x0  }
0x12: {  	s1 =	sld [smem:$0x3F97];
	s0 =	simm.s32 @p0 $0x1  }
0x13: {  	[smem:$0x3FB2] =	sst s0;
	s0 =	simm.s32 @!p1 $0x0  }
0x14: {  	s2 =	sld [smem:$0x3F96];
	s0 =	simm.s32 @p1 $0x1  }
0x15: {  	[smem:$0x3FB3] =	sst s0;
	s0 =	simm.s32 @!p2 $0x0  }
0x16: {  	s3 =	sld [smem:$0x3FDB];
	s0 =	simm.s32 @p2 $0x1  }
0x17: {  	s4 =	simm.s32 $0x1BF5;
	[smem:$0x3FB5] =	sst s0  }
0x18: {  	s0 =	sld [smem:$0x3F98];
	_ =	swait.ge [sflag:s4], $0x0  }
0x19: {  	s7 =	sld [smem:$0x3F99]  }
0x1a: {  	s8 =	sadd.s32 $0xFFFFE003, lr  }
0x1b: {  	s9 =	sadd.s32 $0xFFFFFEF7, lr;
	s5 =	simm.s32 $0xFFFFFFFF;
	p2 =	slt.u32 s8, $0xFFFFF086  }
0x1c: {  	p1 =	slt.u32 s9, $0xF7A;
	s5 =	simm.s32 @!p2 $0x0  }
0x1d: {  	s5 =	simm.s32 @p1 $0x1;
	p0 =	seq.s32 s7, s2  }
0x1e: {  	s7 =	smul.u32 @!p0 $0xF7A, s2;
	p2 =	seq.s32 @!p0 s5, $0x0  }
0x1f: {  	s9 =	smul.u32 $0xF7A, s1;
	s8 =	simm.s32 @!p0 $0x1BF5;
	p2 =	por !p2, p0  }
0x20: {  	[sflag:s8] =	ssyncset.s32 @!p0 $0xFFFFF086;
	s6 =	sadd.s32 @!p0 s3, s7;
	s7 =	simm.s32 @!p0 $0x108  }
0x21: {  	s3 =	sadd.s32 s3, s9;
	s6 =	sadd.s32 @!p0 $0x88, s6;
	s7 =	simm.s32 @p2 $0x1082  }
0x22: {  	[simem:s7], [sflag:s8] =	dma.local @!p0 [hbm:s6], $0xF7A  }
0x23: {  	s9 =	sor.u32 $0xD0000000, s2;
	s6 =	simm.s32 $0x108;
	_ =	swait.ge @!p0 [sflag:s8], $0x0  }
0x24: {  	s3 =	sadd.s32 $0x88, s3;
	s6 =	simm.s32 @!p1 $0x1082;
	[sflag:s4] =	ssyncset.s32 $0xFFFFF086  }
0x25: {  	[simem:s6], [sflag:s4] =	dma.local [hbm:s3], $0xF7A  }
0x26: {  	[smem:$0x3F99] =	sst s1;
	(tag) =	ssettag s2;
	_ =	strace s9  }
0x27: {  	s1 =	sld [smem:$0x3FA9]  }
0x28: {  	s2 =	sld [smem:$0x3FAA]  }
0x29: {  	s4 =	sld [smem:$0x3FAC]  }
0x2a: {  	p0 =	seq.s32 s5, $0x0;
	s5 =	sld [smem:$0x3FAD]  }
0x2b: {  	s6 =	sld [smem:$0x3FAE]  }
0x2c: {  	s7 =	sld [smem:$0x3FAF]  }
0x2d: {  	s3 =	simm.s32 $0x108;
	s8 =	sld [smem:$0x3FB0]  }
0x2e: {  	s3 =	simm.s32 @!p0 $0x1082;
	s9 =	sld [smem:$0x3FB1]  }
0x2f: {  	lr =	sadd.s32 s0, s3;
	s0 =	sld [smem:$0x3FA8]  }
0x30: {  	s3 =	sld [smem:$0x3FAB]  }
0x31: {  	[smem:$0x3FB4] =	sst s10  }
0x32: {  	s10 =	sld [smem:$0x3FB2];
	_ =	sdelay $0x3  }
0x33: {  	p0 =	seq.s32 s10, $0x1;
	s10 =	sld [smem:$0x3FB4];
	_ =	sdelay $0x3  }
0x34: {  	[smem:$0x3FB4] =	sst s10  }
0x35: {  	s10 =	sld [smem:$0x3FB3];
	_ =	sdelay $0x3  }
0x36: {  	p1 =	seq.s32 s10, $0x1;
	s10 =	sld [smem:$0x3FB4];
	_ =	sdelay $0x3  }
0x37: {  	[smem:$0x3FB4] =	sst s10  }
0x38: {  	s10 =	sld [smem:$0x3FB5]  }
0x39: {  	_ = 	snop;
	(pc) =	sbr.ind lr, $3  }
0x3a: {  	_ = 	snop  }
0x3b: {  	_ = 	snop  }
0x3c: {  	p2 =	seq.s32 s10, $0x1;
	s10 =	sld [smem:$0x3FB4]  }
0x3d: {  	_ =	shalt  }
0x3e: {  	_ =	shalt  }
0x3f: {  	_ =	shalt  }
0x40: {  	_ =	shalt  }
0x41: {  	_ =	shalt  }
0x42: {  	_ =	shalt  }
0x43: {  	_ =	shalt  }
0x44: {  	_ =	shalt  }
0x45: {  	_ =	shalt  }
0x46: {  	_ =	shalt  }
0x47: {  	_ =	shalt  }
0x48: {  	_ =	shalt  }
0x49: {  	_ =	shalt  }
0x4a: {  	_ =	shalt  }
0x4b: {  	_ =	shalt  }
0x4c: {  	_ =	shalt  }
0x4d: {  	_ =	shalt  }
0x4e: {  	_ =	shalt  }
0x4f: {  	_ =	shalt  }
0x50: {  	_ =	shalt  }
0x51: {  	_ =	shalt  }
0x52: {  	_ =	shalt  }
0x53: {  	_ =	shalt  }
0x54: {  	_ =	shalt  }
0x55: {  	_ =	shalt  }
0x56: {  	_ =	shalt  }
0x57: {  	_ =	shalt  }
0x58: {  	_ =	shalt  }
0x59: {  	_ =	shalt  }
0x5a: {  	_ =	shalt  }
0x5b: {  	_ =	shalt  }
0x5c: {  	_ =	shalt  }
0x5d: {  	_ =	shalt  }
0x5e: {  	_ =	shalt  }
0x5f: {  	_ =	shalt  }
0x60: {  	_ =	shalt  }
0x61: {  	_ =	shalt  }
0x62: {  	_ =	shalt  }
0x63: {  	_ =	shalt  }
0x64: {  	_ =	shalt  }
0x65: {  	_ =	shalt  }
0x66: {  	_ =	shalt  }
0x67: {  	_ =	shalt  }
0x68: {  	_ =	shalt  }
0x69: {  	_ =	shalt  }
0x6a: {  	_ =	shalt  }
0x6b: {  	_ =	shalt  }
0x6c: {  	_ =	shalt  }
0x6d: {  	_ =	shalt  }
0x6e: {  	_ =	shalt  }
0x6f: {  	_ =	shalt  }
0x70: {  	_ =	shalt  }
0x71: {  	_ =	shalt  }
0x72: {  	_ =	shalt  }
0x73: {  	_ =	shalt  }
0x74: {  	_ =	shalt  }
0x75: {  	_ =	shalt  }
0x76: {  	_ =	shalt  }
0x77: {  	_ =	shalt  }
0x78: {  	_ =	shalt  }
0x79: {  	_ =	shalt  }
0x7a: {  	_ =	shalt  }
0x7b: {  	_ =	shalt  }
0x7c: {  	_ =	shalt  }
0x7d: {  	_ =	shalt  }
0x7e: {  	_ =	shalt  }
0x7f: {  	_ =	shalt  }
0x80: {  	_ =	shalt  }
0x81: {  	_ =	shalt  }
0x82: {  	_ =	shalt  }
0x83: {  	_ =	shalt  }
0x84: {  	_ =	shalt  }
0x85: {  	_ =	shalt  }
0x86: {  	_ =	shalt  }
0x87: {  	_ =	shalt  }
.Lfunc_end0:
.L_simem_size_0:
called_computation.1_lowered:
.L_overlay_start_0:
0x88: {  	s2 =	sld [smem:$0x3FD9]  }
0x89: {  	s3 =	sld [smem:$0x3FFE];
	_ =	sdelay $0x1  }
0x8a: {  	s1 =	srdreg.scid  }
0x8b: {  	s0 =	sand.u32 $0x1, s1  }
0x8c: {  	s17 =	sshll.u32 s0, $0xA;
	s2 =	sadd.s32 s3, s2  }
0x8d: {  	s2 =	sadd.s32 s2, s17  }
0x8e: {  	[smem:$0x3FC0] =	sst s2  }
0x8f: {  	_ = 	snop  }
0x90: {  	s2 =	sld [smem:$0x3FC9];
	(tm) =	ssettm $0x1  }
0x91: {  	s18 =	sld [smem:$0x3FFB];
	_ =	sdelay $0x3  }
0x92: {  	_ =	strace s18  }
0x93: {  	s3 =	sld [smem:$0x3FFC];
	_ =	sdelay $0x3  }
0x94: {  	_ =	strace s3  }
0x95: {  	s3 =	sld [smem:$0x3FFD];
	_ =	sdelay $0x3  }
0x96: {  	_ =	strace s3  }
0x97: {  	_ =	strace $0x8FFFFFFF  }
0x98: {  	s19 =	sld [smem:$0x3FDB];
	_ =	sdelay $0x1  }
0x99: {  	s4 =	simm.s32 $_scs_section_size  }
0x9a: {  	s5 =	simm.s32 $_size__tile_overlayer_lowered;
	s6 =	simm.s32 $_tile_overlayer_lowered  }
0x9b: {  	s22 =	simm.s32 $0x1BFF;
	s21 =	sshll.u32 s6, $0x1;
	s3 =	sadd.s32 s4, s19  }
0x9c: {  	s7 =	simm.s32 $0x0;
	s20 =	sshll.u32 s5, $0x1;
	s5 =	sadd.s32 s21, s3  }
0x9d: {  	[timem:s7], [sflag:s22] =	dma.local [hbm:s5], s20  }
0x9e: {  	_ =	swait.ge [sflag:s22], s20  }
0x9f: {  	s4 =	ssub.s32 $0x0, s20;
	[sflag:s22] =	ssyncset.done $0x0  }
0xa0: {  	[sflag:s22] =	ssyncadd.s32 s4;
	_ =	sdelay $0x1  }
0xa1: {  	s23 =	simm.s32 $0x1B8B  }
0xa2: {  	_ =	swait.ge [sflag:s23], $0x1  }
0xa3: {  	[sflag:s23] =	ssyncset.done $0x0  }
0xa4: {  	s25 =	simm.s32 $0x1B8E;
	s24 =	sld [smem:$0x3FFE];
	[sflag:s23] =	ssyncadd.s32 $0xFFFFFFFF  }
0xa5: {  	s26 =	simm.s32 $execute0_lowered;
	[smem:$0x3FD2] =	sst s25  }
0xa6: {  	s5 =	sshll.u32 s26, $0x1;
	_ =	strace $0x80000046;
	[dreg:$0x1] =	wrdreg $0xFFFFFFFF  }
0xa7: {  	s28 =	simm.s32 $_size_execute0_lowered;
	s3 =	sadd.s32 s3, s5;
	[dreg:$0x0] =	wrdreg $0x0  }
0xa8: {  	s5 =	sshll.u32 s28, $0x1;
	[dreg:$0x2] =	wrdreg s3  }
0xa9: {  	[dreg:$0x3] =	wrdreg s5  }
0xaa: {  	[dreg:$0x4] =	wrdreg $0xC0  }
0xab: {  	_ =	task [dreg:s7], $0x5FFFF  }
0xac: {  	[dreg:$0x1] =	wrdreg $0xFFFFFFFF  }
0xad: {  	[dreg:$0x0] =	wrdreg $0x60  }
0xae: {  	[dreg:$0x2] =	wrdreg s2  }
0xaf: {  	[dreg:$0x3] =	wrdreg s24  }
0xb0: {  	[dreg:$0x4] =	wrdreg $0x88800  }
0xb1: {  	[dreg:$0x5] =	wrdreg $0xA  }
0xb2: {  	_ =	task.clear_ibuf [dreg:s7], $0x6FFFF;
	_ =	strace $0x90000046  }
0xb3: {  	s29 =	simm.s32 $0xA;
	_ =	strace $0x80000048  }
0xb4: {  	_ =	swait.ge [sflag:s29], $0x1  }
0xb5: {  	[sflag:s29] =	ssyncadd.s32 $0xFFFFFFFF  }
0xb6: {  	_ =	strace $0x90000048  }
0xb7: {  	_ =	sfence  }
0xb8: {  	s30 =	sld [smem:$0x0];
	_ =	sdelay $0x2  }
0xb9: {  	s31 =	sshll.u32 s1, $0xD;
	s1 =	sshrl.u32 s1, $0x2  }
0xba: {  	s3 =	sand.u32 $0x4000, s31;
	s1 =	sadd.s32 s1, s30  }
0xbb: {  	s0 =	sor.u32 s3, s0;
	s1 =	sshll.u32 s1, $0x11  }
0xbc: {  	s0 =	sor.u32 s1, s0  }
0xbd: {  	s0 =	sadd.s32 $0x8F2B, s0  }
0xbe: {  	[sflag:s0] =	ssyncadd.remote.s32 $0x1  }
0xbf: {  	_ =	sfence.sel $0xFFFF  }
0xc0: {  	[dreg:$0x0] =	wrdreg $0xFFFFFFFF;
	(pc) =	sbr.abs _section_cstart, $3  }
0xc1: {  	[dreg:$0x1] =	wrdreg $0xFFFFFFFF  }
0xc2: {  	_ =	task.clear_ibuf [dreg:s7], $0x2FFFF;
	_ =	strace $0x9FFFFFFF  }
0xc3: {  	(tm) =	ssettm $0x7FFFFFFF  }
tec
execute0_lowered:
.L_overlay_start_1:
0x0: {  	(tag) =	ssettag $0x1  }
0x1: {  	s1 =	rddreg [dreg:$0x0]  }
0x2: {  	s0 =	rddreg [dreg:$0x1]  }
0x3: {  	s2 =	rddreg [dreg:$0x2]  }
0x4: {  	s3 =	simm.s32 $0x0;
	s4 =	srdreg.scid;
	s15 =	stileid.u32  }
0x5: {  	s28 =	simm.s32 $0x2;
	s29 =	simm.s32 $0x480;
	s30 =	simm.s32 $0x180  }
0x6: {  	s31 =	simm.s32 $0x500;
	[smem:$0x7FF] =	sst s3;
	s6 =	smul.u32 $0x280, s15  }
0x7: {  	s4 =	sand.u32 $0x1, s4;
	s7 =	sadd.s32 $0x16800, s0;
	s14 =	smul.u32 $0x14000, s15  }
0x8: {  	s21 =	sadd.s32 $0x16200, s0;
	s5 =	smul.u32 $0x5000, s4;
	_ =	strace $0x80000047  }
0x9: {  	[dreg:$0x4] =	wrdreg s7;
	s8 =	ssub.s32 $0x2, s4;
	s4 =	smul.u32 $0x140000, s4  }
0xa: {  	s9 =	sadd.s32 $0x80, s6;
	s10 =	sshrl.u32 s8, $0x1;
	s11 =	sshrl.u32 s6, $0x3  }
0xb: {  	s22 =	sadd.s32 $0x100, s6;
	s5 =	sadd.s32 s5, s0;
	s0 =	sadd.s32 $0x17000, s0  }
0xc: {  	s12 =	sshrl.u32 s9, $0x3;
	s8 =	ssub.s32 s8, s10;
	s16 =	sadd.s32 s21, s11  }
0xd: {  	s23 =	sshrl.u32 s22, $0x3;
	s26 =	sadd.s32 s14, s4;
	s9 =	sshll.u32 s9, $0x7  }
0xe: {  	s20 =	sshll.u32 s22, $0x7;
	s10 =	simm.s32 $0x800;
	s11 =	simm.s32 $0x600  }
0xf: {  	s17 =	sadd.s32 s21, s12;
	s12 =	sadd.s32 $0x180, s6;
	s18 =	sadd.s32 s21, s23  }
0x10: {  	s6 =	sadd.s32 $0x200, s6;
	s14 =	sshrl.u32 s26, $0x3;
	s9 =	sadd.s32 s4, s9  }
0x11: {  	s22 =	sadd.s32 s4, s20;
	s20 =	simm.s32 $0x3;
	s13 =	sshrl.u32 s12, $0x3  }
0x12: {  	s25 =	sshrl.u32 s6, $0x3;
	s7 =	sadd.s32 s0, s14;
	s19 =	sshrl.u32 s9, $0x3  }
0x13: {  	s23 =	sshll.u32 s12, $0x7;
	s6 =	sshll.u32 s6, $0x7;
	s12 =	simm.s32 $0x300  }
0x14: {  	s14 =	simm.s32 $0x380;
	s24 =	sadd.s32 s21, s13;
	s21 =	sadd.s32 s21, s25  }
0x15: {  	[dreg:$0xa] =	wrdreg s7;
	s7 =	sadd.s32 s0, s19;
	s9 =	sadd.s32 s4, s23  }
0x16: {  	s4 =	sadd.s32 s4, s6;
	s25 =	smax.u32 s8, $0x1;
	s8 =	smov.u32 s17  }
0x17: {  	s19 =	simm.s32 $0x880;
	s23 =	simm.s32 $0x400;
	[dreg:$0x8] =	wrdreg s24  }
0x18: {  	s13 =	simm.s32 $0x680;
	s6 =	simm.s32 $0x0;
	[dreg:$0xb] =	wrdreg s7  }
0x19: {  	s7 =	sshrl.u32 s22, $0x3;
	s9 =	sshrl.u32 s9, $0x3;
	[dreg:$0xf] =	wrdreg s25  }
0x1a: {  	s24 =	smul.u32 $0x500, s15;
	s4 =	sshrl.u32 s4, $0x3;
	[dreg:$0x10] =	wrdreg s6  }
0x1b: {  	s22 =	simm.s32 $0x80;
	s25 =	simm.s32 $0x1;
	[dreg:$0x6] =	wrdreg s8  }
0x1c: {  	s15 =	simm.s32 $0x700;
	[dreg:$0x9] =	wrdreg s21;
	s7 =	sadd.s32 s0, s7  }
0x1d: {  	s9 =	sadd.s32 s0, s9;
	s0 =	sadd.s32 s0, s4;
	[dreg:$0xc] =	wrdreg s7  }
0x1e: {  	s4 =	simm.s32 $0x580;
	s7 =	smov.u32 s16;
	[dreg:$0xd] =	wrdreg s9  }
0x1f: {  	s9 =	smov.u32 s18;
	[dreg:$0xe] =	wrdreg s0;
	s26 =	sadd.s32 s24, s5  }
0x20: {  	s24 =	simm.s32 $0x4880;
	s0 =	simm.s32 $0x200;
	s5 =	simm.s32 $0x280  }
0x21: {  	s16 =	simm.s32 $0x780;
	s17 =	sadd.s32 $0xC200, s26;
	[dreg:$0x5] =	wrdreg s7  }
0x22: {  	s18 =	sadd.s32 $0x2200, s26;
	s26 =	simm.s32 $0x100;
	[dreg:$0x7] =	wrdreg s9  }
.LBB2_1:
0x23: {  	s6 =	rddreg [dreg:$0x4]  }
0x24: {  	[tilespmem:s19], [sflag:$0x3] =	stream.linear.gather [hbm4b:s6+s3], $0x4000, $0x38;
	[tilespmem:$0x1C880] =	vst v63  }
0x25: {  	_ =	swait.ge [sflag:s20], $0x4000  }
0x26: {  	[sflag:s20] =	ssyncset.done $0x0  }
0x27: {  	[sflag:s20] =	ssyncadd.s32 $0xFFFFC000  }
0x28: {  	[tilespmem:s10], [sflag:$0x3] =	stream.linear.gather [hbm4b:s7+s3], $0x80, $0x38;
	[tilespmem:$0x1C880] =	vst v63  }
0x29: {  	_ =	swait.ge [sflag:s20], $0x80  }
0x2a: {  	[sflag:s20] =	ssyncset.done $0x0  }
0x2b: {  	[sflag:s20] =	ssyncadd.s32 $0xFFFFFF80  }
0x2c: {  	[spmem:s2] =	stream.indirect.scatter [tilespmem:s19], [sflag:$0x3], $0x80, s10, s22, $0xb8;
	[tilespmem:$0x1C880] =	vst v63  }
0x2d: {  	_ =	swait.ge [sflag:s20], $0x4000  }
0x2e: {  	[sflag:s20] =	ssyncset.done $0x0  }
0x2f: {  	[sflag:s20] =	ssyncadd.s32 $0xFFFFC000  }
0x30: {  	[tilespmem:s10], [sflag:$0x3] =	stream.linear.gather [hbm4b:s8+s3], $0x80, $0x38;
	[tilespmem:$0x1C880] =	vst v63  }
0x31: {  	_ =	swait.ge [sflag:s20], $0x80  }
0x32: {  	[sflag:s20] =	ssyncset.done $0x0  }
0x33: {  	[sflag:s20] =	ssyncadd.s32 $0xFFFFFF80  }
0x34: {  	[spmem:s2] =	stream.indirect.scatter [tilespmem:s19], [sflag:$0x3], $0x80, s10, s22, $0xb8;
	[tilespmem:$0x1C880] =	vst v63  }
0x35: {  	_ =	swait.ge [sflag:s20], $0x4000  }
0x36: {  	[sflag:s20] =	ssyncset.done $0x0  }
0x37: {  	[sflag:s20] =	ssyncadd.s32 $0xFFFFC000  }
0x38: {  	[tilespmem:s10], [sflag:$0x3] =	stream.linear.gather [hbm4b:s9+s3], $0x80, $0x38;
	[tilespmem:$0x1C880] =	vst v63  }
0x39: {  	_ =	swait.ge [sflag:s20], $0x80  }
0x3a: {  	[sflag:s20] =	ssyncset.done $0x0  }
0x3b: {  	[sflag:s20] =	ssyncadd.s32 $0xFFFFFF80  }
0x3c: {  	[spmem:s2] =	stream.indirect.scatter [tilespmem:s19], [sflag:$0x3], $0x80, s10, s22, $0xb8;
	[tilespmem:$0x1C880] =	vst v63  }
0x3d: {  	_ =	swait.ge [sflag:s20], $0x4000  }
0x3e: {  	[sflag:s20] =	ssyncset.done $0x0  }
0x3f: {  	s9 =	rddreg [dreg:$0x8];
	[sflag:s20] =	ssyncadd.s32 $0xFFFFC000  }
0x40: {  	[tilespmem:s10], [sflag:$0x3] =	stream.linear.gather [hbm4b:s9+s3], $0x80, $0x38;
	[tilespmem:$0x1C880] =	vst v63  }
0x41: {  	_ =	swait.ge [sflag:s20], $0x80  }
0x42: {  	[sflag:s20] =	ssyncset.done $0x0  }
0x43: {  	[sflag:s20] =	ssyncadd.s32 $0xFFFFFF80  }
0x44: {  	[spmem:s2] =	stream.indirect.scatter [tilespmem:s19], [sflag:$0x3], $0x80, s10, s22, $0xb8;
	[tilespmem:$0x1C880] =	vst v63  }
0x45: {  	_ =	swait.ge [sflag:s20], $0x4000  }
0x46: {  	[sflag:s20] =	ssyncset.done $0x0  }
0x47: {  	[sflag:s20] =	ssyncadd.s32 $0xFFFFC000  }
0x48: {  	[tilespmem:s10], [sflag:$0x3] =	stream.linear.gather [hbm4b:s21+s3], $0x80, $0x38;
	[tilespmem:$0x1C880] =	vst v63  }
0x49: {  	_ =	swait.ge [sflag:s20], $0x80  }
0x4a: {  	[sflag:s20] =	ssyncset.done $0x0  }
0x4b: {  	[sflag:s20] =	ssyncadd.s32 $0xFFFFFF80  }
0x4c: {  	[spmem:s2] =	stream.indirect.scatter [tilespmem:s19], [sflag:$0x3], $0x80, s10, s22, $0xb8;
	[tilespmem:$0x1C880] =	vst v63  }
0x4d: {  	_ =	swait.ge [sflag:s20], $0x4000  }
0x4e: {  	[sflag:s20] =	ssyncset.done $0x0  }
0x4f: {  	[sflag:s20] =	ssyncadd.s32 $0xFFFFC000  }
0x50: {  	s10 =	sadd.s32 $0x0, s18;
	[bflag:$0x0] =	sbarrier.arrive $0xFFFF  }
0x51: {  	[tilespmem:s3], [sflag:$0x3] =	stream.linear.gather [hbm4b:s10+s3], $0x400, $0x38;
	[tilespmem:$0x1C880] =	vst v63  }
0x52: {  	_ =	swait.ge [sflag:s20], $0x400  }
0x53: {  	[sflag:s20] =	ssyncset.done $0x0  }
0x54: {  	s21 =	sadd.s32 $0x0, s17;
	[sflag:s20] =	ssyncadd.s32 $0xFFFFFC00  }
0x55: {  	[tilespmem:s23], [sflag:$0x3] =	stream.linear.gather [hbm4b:s21+s3], $0x400, $0x38;
	[tilespmem:$0x1C880] =	vst v63  }
0x56: {  	_ =	swait.ge [sflag:s20], $0x400  }
0x57: {  	[sflag:s20] =	ssyncset.done $0x0  }
0x58: {  	[sflag:s20] =	ssyncadd.s32 $0xFFFFFC00  }
0x59: {  	[tilespmem:s19], [sflag:$0x1] =	stream.indirect.gather [hbm4b:s1+s22], $0x80, s3, s22, $0xb8;
	[tilespmem:$0x1C880] =	vst v63  }
0x5a: {  	_ = 	snop  }
0x5b: {  	[tilespmem:s24], [sflag:$0x2] =	stream.indirect.gather [hbm4b:s1+s22], $0x80, s22, s22, $0xb8;
	[tilespmem:$0x1C880] =	vst v63  }
0x5c: {  	_ =	swait.ge [sflag:s25], $0x4000  }
0x5d: {  	[sflag:s25] =	ssyncset.done $0x0  }
0x5e: {  	[sflag:s25] =	ssyncadd.s32 $0xFFFFC000  }
0x5f: {  	[spmem:s2] =	stream.indirect.scatter.add.f32 [tilespmem:s19], [sflag:$0x3], $0x80, s23, s22, $0xb8;
	[tilespmem:$0x1C880] =	vst v63  }
0x60: {  	_ =	swait.ge [sflag:s20], $0x4000  }
0x61: {  	[sflag:s20] =	ssyncset.done $0x0  }
0x62: {  	[sflag:s20] =	ssyncadd.s32 $0xFFFFC000  }
0x63: {  	[tilespmem:s19], [sflag:$0x1] =	stream.indirect.gather [hbm4b:s1+s22], $0x80, s26, s22, $0xb8;
	[tilespmem:$0x1C880] =	vst v63  }
0x64: {  	_ =	swait.ge [sflag:s28], $0x4000  }
0x65: {  	[sflag:s28] =	ssyncset.done $0x0  }
0x66: {  	[sflag:s28] =	ssyncadd.s32 $0xFFFFC000  }
0x67: {  	[spmem:s2] =	stream.indirect.scatter.add.f32 [tilespmem:s24], [sflag:$0x3], $0x80, s29, s22, $0xb8;
	[tilespmem:$0x1C880] =	vst v63  }
0x68: {  	_ =	swait.ge [sflag:s20], $0x4000  }
0x69: {  	[sflag:s20] =	ssyncset.done $0x0  }
0x6a: {  	[sflag:s20] =	ssyncadd.s32 $0xFFFFC000  }
0x6b: {  	[tilespmem:s24], [sflag:$0x2] =	stream.indirect.gather [hbm4b:s1+s22], $0x80, s30, s22, $0xb8;
	[tilespmem:$0x1C880] =	vst v63  }
0x6c: {  	_ =	swait.ge [sflag:s25], $0x4000  }
0x6d: {  	[sflag:s25] =	ssyncset.done $0x0  }
0x6e: {  	[sflag:s25] =	ssyncadd.s32 $0xFFFFC000  }
0x6f: {  	[spmem:s2] =	stream.indirect.scatter.add.f32 [tilespmem:s19], [sflag:$0x3], $0x80, s31, s22, $0xb8;
	[tilespmem:$0x1C880] =	vst v63  }
0x70: {  	_ =	swait.ge [sflag:s20], $0x4000  }
0x71: {  	[sflag:s20] =	ssyncset.done $0x0  }
0x72: {  	[sflag:s20] =	ssyncadd.s32 $0xFFFFC000  }
0x73: {  	[tilespmem:s19], [sflag:$0x1] =	stream.indirect.gather [hbm4b:s1+s22], $0x80, s0, s22, $0xb8;
	[tilespmem:$0x1C880] =	vst v63  }
0x74: {  	_ =	swait.ge [sflag:s28], $0x4000  }
0x75: {  	[sflag:s28] =	ssyncset.done $0x0  }
0x76: {  	[sflag:s28] =	ssyncadd.s32 $0xFFFFC000  }
0x77: {  	[spmem:s2] =	stream.indirect.scatter.add.f32 [tilespmem:s24], [sflag:$0x3], $0x80, s4, s22, $0xb8;
	[tilespmem:$0x1C880] =	vst v63  }
0x78: {  	_ =	swait.ge [sflag:s20], $0x4000  }
0x79: {  	[sflag:s20] =	ssyncset.done $0x0  }
0x7a: {  	[sflag:s20] =	ssyncadd.s32 $0xFFFFC000  }
0x7b: {  	[tilespmem:s24], [sflag:$0x2] =	stream.indirect.gather [hbm4b:s1+s22], $0x80, s5, s22, $0xb8;
	[tilespmem:$0x1C880] =	vst v63  }
0x7c: {  	_ =	swait.ge [sflag:s25], $0x4000  }
0x7d: {  	[sflag:s25] =	ssyncset.done $0x0  }
0x7e: {  	[sflag:s25] =	ssyncadd.s32 $0xFFFFC000  }
0x7f: {  	[spmem:s2] =	stream.indirect.scatter.add.f32 [tilespmem:s19], [sflag:$0x3], $0x80, s11, s22, $0xb8;
	[tilespmem:$0x1C880] =	vst v63  }
0x80: {  	_ =	swait.ge [sflag:s20], $0x4000  }
0x81: {  	[sflag:s20] =	ssyncset.done $0x0  }
0x82: {  	[sflag:s20] =	ssyncadd.s32 $0xFFFFC000  }
0x83: {  	[tilespmem:s19], [sflag:$0x1] =	stream.indirect.gather [hbm4b:s1+s22], $0x80, s12, s22, $0xb8;
	[tilespmem:$0x1C880] =	vst v63  }
0x84: {  	_ =	swait.ge [sflag:s28], $0x4000  }
0x85: {  	[sflag:s28] =	ssyncset.done $0x0  }
0x86: {  	[sflag:s28] =	ssyncadd.s32 $0xFFFFC000  }
0x87: {  	[spmem:s2] =	stream.indirect.scatter.add.f32 [tilespmem:s24], [sflag:$0x3], $0x80, s13, s22, $0xb8;
	[tilespmem:$0x1C880] =	vst v63  }
0x88: {  	_ =	swait.ge [sflag:s20], $0x4000  }
0x89: {  	[sflag:s20] =	ssyncset.done $0x0  }
0x8a: {  	[sflag:s20] =	ssyncadd.s32 $0xFFFFC000  }
0x8b: {  	[tilespmem:s24], [sflag:$0x2] =	stream.indirect.gather [hbm4b:s1+s22], $0x80, s14, s22, $0xb8;
	[tilespmem:$0x1C880] =	vst v63  }
0x8c: {  	_ =	swait.ge [sflag:s25], $0x4000  }
0x8d: {  	[sflag:s25] =	ssyncset.done $0x0  }
0x8e: {  	[sflag:s25] =	ssyncadd.s32 $0xFFFFC000  }
0x8f: {  	[spmem:s2] =	stream.indirect.scatter.add.f32 [tilespmem:s19], [sflag:$0x3], $0x80, s15, s22, $0xb8;
	[tilespmem:$0x1C880] =	vst v63  }
0x90: {  	_ =	swait.ge [sflag:s20], $0x4000  }
0x91: {  	[sflag:s20] =	ssyncset.done $0x0  }
0x92: {  	[sflag:s20] =	ssyncadd.s32 $0xFFFFC000  }
0x93: {  	_ =	swait.ge [sflag:s28], $0x4000  }
0x94: {  	[sflag:s28] =	ssyncset.done $0x0  }
0x95: {  	[sflag:s28] =	ssyncadd.s32 $0xFFFFC000  }
0x96: {  	[spmem:s2] =	stream.indirect.scatter.add.f32 [tilespmem:s24], [sflag:$0x3], $0x80, s16, s22, $0xb8;
	[tilespmem:$0x1C880] =	vst v63  }
0x97: {  	s7 =	simm.s32 $0x80;
	_ =	swait.ge [sflag:s20], $0x4000  }
0x98: {  	s8 =	simm.s32 $0x100;
	s21 =	simm.s32 $0x800;
	[sflag:s20] =	ssyncset.done $0x0  }
.LBB2_2:
0x99: {  	s10 =	sadd.s32 s7, s18  }
0x9a: {  	[sflag:s20] =	ssyncadd.s32 $0xFFFFC000;
	s6 =	smov.u32 s8;
	s9 =	sadd.s32 $0x80, s8  }
0x9b: {  	[tilespmem:s3], [sflag:$0x3] =	stream.linear.gather [hbm4b:s10+s3], $0x400, $0x38;
	[tilespmem:$0x1C880] =	vst v63  }
0x9c: {  	p0 =	sne.s32 s8, $0x480;
	_ =	swait.ge [sflag:s20], $0x400  }
0x9d: {  	[sflag:s20] =	ssyncset.done $0x0  }
0x9e: {  	s8 =	sadd.s32 s7, s17;
	s7 =	smov.u32 s6;
	[sflag:s20] =	ssyncadd.s32 $0xFFFFFC00  }
0x9f: {  	[tilespmem:s23], [sflag:$0x3] =	stream.linear.gather [hbm4b:s8+s3], $0x400, $0x38;
	[tilespmem:$0x1C880] =	vst v63  }
0xa0: {  	_ =	swait.ge [sflag:s20], $0x400  }
0xa1: {  	[sflag:s20] =	ssyncset.done $0x0  }
0xa2: {  	[sflag:s20] =	ssyncadd.s32 $0xFFFFFC00  }
0xa3: {  	[tilespmem:s19], [sflag:$0x1] =	stream.indirect.gather [hbm4b:s1+s22], $0x80, s3, s22, $0xb8;
	[tilespmem:$0x1C880] =	vst v63  }
0xa4: {  	_ = 	snop  }
0xa5: {  	[tilespmem:s24], [sflag:$0x2] =	stream.indirect.gather [hbm4b:s1+s22], $0x80, s22, s22, $0xb8;
	[tilespmem:$0x1C880] =	vst v63  }
0xa6: {  	_ =	swait.ge [sflag:s25], $0x4000  }
0xa7: {  	[sflag:s25] =	ssyncset.done $0x0  }
0xa8: {  	[sflag:s25] =	ssyncadd.s32 $0xFFFFC000  }
0xa9: {  	[spmem:s2] =	stream.indirect.scatter.add.f32 [tilespmem:s19], [sflag:$0x3], $0x80, s23, s22, $0xb8;
	[tilespmem:$0x1C880] =	vst v63  }
0xaa: {  	_ =	swait.ge [sflag:s20], $0x4000  }
0xab: {  	[sflag:s20] =	ssyncset.done $0x0  }
0xac: {  	[sflag:s20] =	ssyncadd.s32 $0xFFFFC000  }
0xad: {  	[tilespmem:s19], [sflag:$0x1] =	stream.indirect.gather [hbm4b:s1+s22], $0x80, s26, s22, $0xb8;
	[tilespmem:$0x1C880] =	vst v63  }
0xae: {  	_ =	swait.ge [sflag:s28], $0x4000  }
0xaf: {  	[sflag:s28] =	ssyncset.done $0x0  }
0xb0: {  	[sflag:s28] =	ssyncadd.s32 $0xFFFFC000  }
0xb1: {  	[spmem:s2] =	stream.indirect.scatter.add.f32 [tilespmem:s24], [sflag:$0x3], $0x80, s29, s22, $0xb8;
	[tilespmem:$0x1C880] =	vst v63  }
0xb2: {  	_ =	swait.ge [sflag:s20], $0x4000  }
0xb3: {  	[sflag:s20] =	ssyncset.done $0x0  }
0xb4: {  	[sflag:s20] =	ssyncadd.s32 $0xFFFFC000  }
0xb5: {  	[tilespmem:s24], [sflag:$0x2] =	stream.indirect.gather [hbm4b:s1+s22], $0x80, s30, s22, $0xb8;
	[tilespmem:$0x1C880] =	vst v63  }
0xb6: {  	_ =	swait.ge [sflag:s25], $0x4000  }
0xb7: {  	[sflag:s25] =	ssyncset.done $0x0  }
0xb8: {  	[sflag:s25] =	ssyncadd.s32 $0xFFFFC000  }
0xb9: {  	[spmem:s2] =	stream.indirect.scatter.add.f32 [tilespmem:s19], [sflag:$0x3], $0x80, s31, s22, $0xb8;
	[tilespmem:$0x1C880] =	vst v63  }
0xba: {  	_ =	swait.ge [sflag:s20], $0x4000  }
0xbb: {  	[sflag:s20] =	ssyncset.done $0x0  }
0xbc: {  	[sflag:s20] =	ssyncadd.s32 $0xFFFFC000  }
0xbd: {  	[tilespmem:s19], [sflag:$0x1] =	stream.indirect.gather [hbm4b:s1+s22], $0x80, s0, s22, $0xb8;
	[tilespmem:$0x1C880] =	vst v63  }
0xbe: {  	_ =	swait.ge [sflag:s28], $0x4000  }
0xbf: {  	[sflag:s28] =	ssyncset.done $0x0  }
0xc0: {  	[sflag:s28] =	ssyncadd.s32 $0xFFFFC000  }
0xc1: {  	[spmem:s2] =	stream.indirect.scatter.add.f32 [tilespmem:s24], [sflag:$0x3], $0x80, s4, s22, $0xb8;
	[tilespmem:$0x1C880] =	vst v63  }
0xc2: {  	_ =	swait.ge [sflag:s20], $0x4000  }
0xc3: {  	[sflag:s20] =	ssyncset.done $0x0  }
0xc4: {  	[sflag:s20] =	ssyncadd.s32 $0xFFFFC000  }
0xc5: {  	[tilespmem:s24], [sflag:$0x2] =	stream.indirect.gather [hbm4b:s1+s22], $0x80, s5, s22, $0xb8;
	[tilespmem:$0x1C880] =	vst v63  }
0xc6: {  	_ =	swait.ge [sflag:s25], $0x4000  }
0xc7: {  	[sflag:s25] =	ssyncset.done $0x0  }
0xc8: {  	[sflag:s25] =	ssyncadd.s32 $0xFFFFC000  }
0xc9: {  	[spmem:s2] =	stream.indirect.scatter.add.f32 [tilespmem:s19], [sflag:$0x3], $0x80, s11, s22, $0xb8;
	[tilespmem:$0x1C880] =	vst v63  }
0xca: {  	_ =	swait.ge [sflag:s20], $0x4000  }
0xcb: {  	[sflag:s20] =	ssyncset.done $0x0  }
0xcc: {  	[sflag:s20] =	ssyncadd.s32 $0xFFFFC000  }
0xcd: {  	[tilespmem:s19], [sflag:$0x1] =	stream.indirect.gather [hbm4b:s1+s22], $0x80, s12, s22, $0xb8;
	[tilespmem:$0x1C880] =	vst v63  }
0xce: {  	_ =	swait.ge [sflag:s28], $0x4000  }
0xcf: {  	[sflag:s28] =	ssyncset.done $0x0  }
0xd0: {  	[sflag:s28] =	ssyncadd.s32 $0xFFFFC000  }
0xd1: {  	[spmem:s2] =	stream.indirect.scatter.add.f32 [tilespmem:s24], [sflag:$0x3], $0x80, s13, s22, $0xb8;
	[tilespmem:$0x1C880] =	vst v63  }
0xd2: {  	_ =	swait.ge [sflag:s20], $0x4000  }
0xd3: {  	[sflag:s20] =	ssyncset.done $0x0  }
0xd4: {  	[sflag:s20] =	ssyncadd.s32 $0xFFFFC000  }
0xd5: {  	[tilespmem:s24], [sflag:$0x2] =	stream.indirect.gather [hbm4b:s1+s22], $0x80, s14, s22, $0xb8;
	[tilespmem:$0x1C880] =	vst v63  }
0xd6: {  	_ =	swait.ge [sflag:s25], $0x4000  }
0xd7: {  	[sflag:s25] =	ssyncset.done $0x0  }
0xd8: {  	[sflag:s25] =	ssyncadd.s32 $0xFFFFC000  }
0xd9: {  	[spmem:s2] =	stream.indirect.scatter.add.f32 [tilespmem:s19], [sflag:$0x3], $0x80, s15, s22, $0xb8;
	[tilespmem:$0x1C880] =	vst v63  }
0xda: {  	_ =	swait.ge [sflag:s20], $0x4000  }
0xdb: {  	[sflag:s20] =	ssyncset.done $0x0  }
0xdc: {  	[sflag:s20] =	ssyncadd.s32 $0xFFFFC000  }
0xdd: {  	_ =	swait.ge [sflag:s28], $0x4000  }
.Ltmp0:
0xde: {  	[sflag:s28] =	ssyncset.done $0x0;
	(pc) =	sbr.rel @p0 .LBB2_2-.Ltmp0, $4  }
0xdf: {  	[sflag:s28] =	ssyncadd.s32 $0xFFFFC000  }
0xe0: {  	[spmem:s2] =	stream.indirect.scatter.add.f32 [tilespmem:s24], [sflag:$0x3], $0x80, s16, s22, $0xb8;
	[tilespmem:$0x1C880] =	vst v63  }
0xe1: {  	_ =	swait.ge [sflag:s20], $0x4000  }
0xe2: {  	s8 =	smov.u32 s9;
	[sflag:s20] =	ssyncset.done $0x0  }
0xe3: {  	s6 =	sadd.s32 s7, s18;
	[sflag:s20] =	ssyncadd.s32 $0xFFFFC000  }
0xe4: {  	[tilespmem:s3], [sflag:$0x3] =	stream.linear.gather [hbm4b:s6+s3], $0x400, $0x38;
	[tilespmem:$0x1C880] =	vst v63  }
0xe5: {  	_ =	swait.ge [sflag:s20], $0x400  }
0xe6: {  	[sflag:s20] =	ssyncset.done $0x0  }
0xe7: {  	s7 =	sadd.s32 s7, s17;
	[sflag:s20] =	ssyncadd.s32 $0xFFFFFC00  }
0xe8: {  	[tilespmem:s23], [sflag:$0x3] =	stream.linear.gather [hbm4b:s7+s3], $0x400, $0x38;
	[tilespmem:$0x1C880] =	vst v63  }
0xe9: {  	_ =	swait.ge [sflag:s20], $0x400  }
0xea: {  	[sflag:s20] =	ssyncset.done $0x0  }
0xeb: {  	[sflag:s20] =	ssyncadd.s32 $0xFFFFFC00  }
0xec: {  	[tilespmem:s19], [sflag:$0x1] =	stream.indirect.gather [hbm4b:s1+s22], $0x80, s3, s22, $0xb8;
	[tilespmem:$0x1C880] =	vst v63  }
0xed: {  	_ = 	snop  }
0xee: {  	[tilespmem:s24], [sflag:$0x2] =	stream.indirect.gather [hbm4b:s1+s22], $0x80, s22, s22, $0xb8;
	[tilespmem:$0x1C880] =	vst v63  }
0xef: {  	_ =	swait.ge [sflag:s25], $0x4000  }
0xf0: {  	[sflag:s25] =	ssyncset.done $0x0  }
0xf1: {  	[sflag:s25] =	ssyncadd.s32 $0xFFFFC000  }
0xf2: {  	[spmem:s2] =	stream.indirect.scatter.add.f32 [tilespmem:s19], [sflag:$0x3], $0x80, s23, s22, $0xb8;
	[tilespmem:$0x1C880] =	vst v63  }
0xf3: {  	_ =	swait.ge [sflag:s20], $0x4000  }
0xf4: {  	[sflag:s20] =	ssyncset.done $0x0  }
0xf5: {  	[sflag:s20] =	ssyncadd.s32 $0xFFFFC000  }
0xf6: {  	[tilespmem:s19], [sflag:$0x1] =	stream.indirect.gather [hbm4b:s1+s22], $0x80, s26, s22, $0xb8;
	[tilespmem:$0x1C880] =	vst v63  }
0xf7: {  	_ =	swait.ge [sflag:s28], $0x4000  }
0xf8: {  	[sflag:s28] =	ssyncset.done $0x0  }
0xf9: {  	[sflag:s28] =	ssyncadd.s32 $0xFFFFC000  }
0xfa: {  	[spmem:s2] =	stream.indirect.scatter.add.f32 [tilespmem:s24], [sflag:$0x3], $0x80, s29, s22, $0xb8;
	[tilespmem:$0x1C880] =	vst v63  }
0xfb: {  	_ =	swait.ge [sflag:s20], $0x4000  }
0xfc: {  	[sflag:s20] =	ssyncset.done $0x0  }
0xfd: {  	[sflag:s20] =	ssyncadd.s32 $0xFFFFC000  }
0xfe: {  	[tilespmem:s24], [sflag:$0x2] =	stream.indirect.gather [hbm4b:s1+s22], $0x80, s30, s22, $0xb8;
	[tilespmem:$0x1C880] =	vst v63  }
0xff: {  	_ =	swait.ge [sflag:s25], $0x4000  }
0x100: {  	[sflag:s25] =	ssyncset.done $0x0  }
0x101: {  	[sflag:s25] =	ssyncadd.s32 $0xFFFFC000  }
0x102: {  	[spmem:s2] =	stream.indirect.scatter.add.f32 [tilespmem:s19], [sflag:$0x3], $0x80, s31, s22, $0xb8;
	[tilespmem:$0x1C880] =	vst v63  }
0x103: {  	_ =	swait.ge [sflag:s20], $0x4000  }
0x104: {  	[sflag:s20] =	ssyncset.done $0x0  }
0x105: {  	[sflag:s20] =	ssyncadd.s32 $0xFFFFC000  }
0x106: {  	[tilespmem:s19], [sflag:$0x1] =	stream.indirect.gather [hbm4b:s1+s22], $0x80, s0, s22, $0xb8;
	[tilespmem:$0x1C880] =	vst v63  }
0x107: {  	_ =	swait.ge [sflag:s28], $0x4000  }
0x108: {  	[sflag:s28] =	ssyncset.done $0x0  }
0x109: {  	[sflag:s28] =	ssyncadd.s32 $0xFFFFC000  }
0x10a: {  	[spmem:s2] =	stream.indirect.scatter.add.f32 [tilespmem:s24], [sflag:$0x3], $0x80, s4, s22, $0xb8;
	[tilespmem:$0x1C880] =	vst v63  }
0x10b: {  	_ =	swait.ge [sflag:s20], $0x4000  }
0x10c: {  	[sflag:s20] =	ssyncset.done $0x0  }
0x10d: {  	[sflag:s20] =	ssyncadd.s32 $0xFFFFC000  }
0x10e: {  	[tilespmem:s24], [sflag:$0x2] =	stream.indirect.gather [hbm4b:s1+s22], $0x80, s5, s22, $0xb8;
	[tilespmem:$0x1C880] =	vst v63  }
0x10f: {  	_ =	swait.ge [sflag:s25], $0x4000  }
0x110: {  	[sflag:s25] =	ssyncset.done $0x0  }
0x111: {  	[sflag:s25] =	ssyncadd.s32 $0xFFFFC000  }
0x112: {  	[spmem:s2] =	stream.indirect.scatter.add.f32 [tilespmem:s19], [sflag:$0x3], $0x80, s11, s22, $0xb8;
	[tilespmem:$0x1C880] =	vst v63  }
0x113: {  	_ =	swait.ge [sflag:s20], $0x4000  }
0x114: {  	[sflag:s20] =	ssyncset.done $0x0  }
0x115: {  	[sflag:s20] =	ssyncadd.s32 $0xFFFFC000  }
0x116: {  	[tilespmem:s19], [sflag:$0x1] =	stream.indirect.gather [hbm4b:s1+s22], $0x80, s12, s22, $0xb8;
	[tilespmem:$0x1C880] =	vst v63  }
0x117: {  	_ =	swait.ge [sflag:s28], $0x4000  }
0x118: {  	[sflag:s28] =	ssyncset.done $0x0  }
0x119: {  	[sflag:s28] =	ssyncadd.s32 $0xFFFFC000  }
0x11a: {  	[spmem:s2] =	stream.indirect.scatter.add.f32 [tilespmem:s24], [sflag:$0x3], $0x80, s13, s22, $0xb8;
	[tilespmem:$0x1C880] =	vst v63  }
0x11b: {  	_ =	swait.ge [sflag:s20], $0x4000  }
0x11c: {  	[sflag:s20] =	ssyncset.done $0x0  }
0x11d: {  	[sflag:s20] =	ssyncadd.s32 $0xFFFFC000  }
0x11e: {  	[tilespmem:s24], [sflag:$0x2] =	stream.indirect.gather [hbm4b:s1+s22], $0x80, s14, s22, $0xb8;
	[tilespmem:$0x1C880] =	vst v63  }
0x11f: {  	_ =	swait.ge [sflag:s25], $0x4000  }
0x120: {  	[sflag:s25] =	ssyncset.done $0x0  }
0x121: {  	[sflag:s25] =	ssyncadd.s32 $0xFFFFC000  }
0x122: {  	[spmem:s2] =	stream.indirect.scatter.add.f32 [tilespmem:s19], [sflag:$0x3], $0x80, s15, s22, $0xb8;
	[tilespmem:$0x1C880] =	vst v63  }
0x123: {  	_ =	swait.ge [sflag:s20], $0x4000  }
0x124: {  	[sflag:s20] =	ssyncset.done $0x0  }
0x125: {  	[sflag:s20] =	ssyncadd.s32 $0xFFFFC000  }
0x126: {  	_ =	swait.ge [sflag:s28], $0x4000  }
0x127: {  	[sflag:s28] =	ssyncset.done $0x0  }
0x128: {  	[sflag:s28] =	ssyncadd.s32 $0xFFFFC000  }
0x129: {  	[spmem:s2] =	stream.indirect.scatter.add.f32 [tilespmem:s24], [sflag:$0x3], $0x80, s16, s22, $0xb8;
	[tilespmem:$0x1C880] =	vst v63  }
0x12a: {  	_ =	swait.ge [sflag:s20], $0x4000  }
0x12b: {  	[sflag:s20] =	ssyncset.done $0x0  }
0x12c: {  	[sflag:s20] =	ssyncadd.s32 $0xFFFFC000  }
0x12d: {  	[bflag:$0x0] =	sbarrier.arrive $0xFFFF  }
0x12e: {  	s8 =	rddreg [dreg:$0x5]  }
0x12f: {  	[tilespmem:s21], [sflag:$0x3] =	stream.linear.gather [hbm4b:s8+s3], $0x80, $0x38;
	[tilespmem:$0x1C880] =	vst v63  }
0x130: {  	_ =	swait.ge [sflag:s20], $0x80  }
0x131: {  	[sflag:s20] =	ssyncset.done $0x0  }
0x132: {  	[sflag:s20] =	ssyncadd.s32 $0xFFFFFF80  }
0x133: {  	[tilespmem:s19], [sflag:$0x3] =	stream.indirect.gather [spmem:s2], $0x80, s21, s22, $0xb8;
	[tilespmem:$0x1C880] =	vst v63  }
0x134: {  	_ =	swait.ge [sflag:s20], $0x4000  }
0x135: {  	[sflag:s20] =	ssyncset.done $0x0  }
0x136: {  	s9 =	rddreg [dreg:$0xa];
	[sflag:s20] =	ssyncadd.s32 $0xFFFFC000  }
0x137: {  	[hbm4b:s9+s3] =	stream.linear.scatter [tilespmem:s19], [sflag:$0x3], $0x4000, $0x38;
	[tilespmem:$0x1C880] =	vst v63  }
0x138: {  	_ =	swait.ge [sflag:s20], $0x4000  }
0x139: {  	[sflag:s20] =	ssyncset.done $0x0  }
0x13a: {  	s8 =	rddreg [dreg:$0x6];
	[sflag:s20] =	ssyncadd.s32 $0xFFFFC000  }
0x13b: {  	[tilespmem:s21], [sflag:$0x3] =	stream.linear.gather [hbm4b:s8+s3], $0x80, $0x38;
	[tilespmem:$0x1C880] =	vst v63  }
0x13c: {  	_ =	swait.ge [sflag:s20], $0x80  }
0x13d: {  	[sflag:s20] =	ssyncset.done $0x0  }
0x13e: {  	[sflag:s20] =	ssyncadd.s32 $0xFFFFFF80  }
0x13f: {  	[tilespmem:s19], [sflag:$0x3] =	stream.indirect.gather [spmem:s2], $0x80, s21, s22, $0xb8;
	[tilespmem:$0x1C880] =	vst v63  }
0x140: {  	_ =	swait.ge [sflag:s20], $0x4000  }
0x141: {  	[sflag:s20] =	ssyncset.done $0x0  }
0x142: {  	s10 =	rddreg [dreg:$0xb];
	[sflag:s20] =	ssyncadd.s32 $0xFFFFC000  }
0x143: {  	[hbm4b:s10+s3] =	stream.linear.scatter [tilespmem:s19], [sflag:$0x3], $0x4000, $0x38;
	[tilespmem:$0x1C880] =	vst v63  }
0x144: {  	_ =	swait.ge [sflag:s20], $0x4000  }
0x145: {  	[sflag:s20] =	ssyncset.done $0x0  }
0x146: {  	s9 =	rddreg [dreg:$0x7];
	[sflag:s20] =	ssyncadd.s32 $0xFFFFC000  }
0x147: {  	[tilespmem:s21], [sflag:$0x3] =	stream.linear.gather [hbm4b:s9+s3], $0x80, $0x38;
	[tilespmem:$0x1C880] =	vst v63  }
0x148: {  	_ =	swait.ge [sflag:s20], $0x80  }
0x149: {  	[sflag:s20] =	ssyncset.done $0x0  }
0x14a: {  	[sflag:s20] =	ssyncadd.s32 $0xFFFFFF80  }
0x14b: {  	[tilespmem:s19], [sflag:$0x3] =	stream.indirect.gather [spmem:s2], $0x80, s21, s22, $0xb8;
	[tilespmem:$0x1C880] =	vst v63  }
0x14c: {  	_ =	swait.ge [sflag:s20], $0x4000  }
0x14d: {  	[sflag:s20] =	ssyncset.done $0x0  }
0x14e: {  	s7 =	rddreg [dreg:$0xc];
	[sflag:s20] =	ssyncadd.s32 $0xFFFFC000  }
0x14f: {  	[hbm4b:s7+s3] =	stream.linear.scatter [tilespmem:s19], [sflag:$0x3], $0x4000, $0x38;
	[tilespmem:$0x1C880] =	vst v63  }
0x150: {  	_ =	swait.ge [sflag:s20], $0x4000  }
0x151: {  	[sflag:s20] =	ssyncset.done $0x0  }
0x152: {  	s10 =	rddreg [dreg:$0x8];
	[sflag:s20] =	ssyncadd.s32 $0xFFFFC000  }
0x153: {  	[tilespmem:s21], [sflag:$0x3] =	stream.linear.gather [hbm4b:s10+s3], $0x80, $0x38;
	[tilespmem:$0x1C880] =	vst v63  }
0x154: {  	_ =	swait.ge [sflag:s20], $0x80  }
0x155: {  	[sflag:s20] =	ssyncset.done $0x0  }
0x156: {  	[sflag:s20] =	ssyncadd.s32 $0xFFFFFF80  }
0x157: {  	[tilespmem:s19], [sflag:$0x3] =	stream.indirect.gather [spmem:s2], $0x80, s21, s22, $0xb8;
	[tilespmem:$0x1C880] =	vst v63  }
0x158: {  	_ =	swait.ge [sflag:s20], $0x4000  }
0x159: {  	[sflag:s20] =	ssyncset.done $0x0  }
0x15a: {  	s21 =	rddreg [dreg:$0xd];
	[sflag:s20] =	ssyncadd.s32 $0xFFFFC000  }
0x15b: {  	[hbm4b:s21+s3] =	stream.linear.scatter [tilespmem:s19], [sflag:$0x3], $0x4000, $0x38;
	[tilespmem:$0x1C880] =	vst v63  }
0x15c: {  	_ =	swait.ge [sflag:s20], $0x4000  }
0x15d: {  	[sflag:s20] =	ssyncset.done $0x0  }
0x15e: {  	s10 =	simm.s32 $0x800;
	s21 =	rddreg [dreg:$0x9];
	[sflag:s20] =	ssyncadd.s32 $0xFFFFC000  }
0x15f: {  	[tilespmem:s10], [sflag:$0x3] =	stream.linear.gather [hbm4b:s21+s3], $0x80, $0x38;
	[tilespmem:$0x1C880] =	vst v63  }
0x160: {  	_ =	swait.ge [sflag:s20], $0x80  }
0x161: {  	[sflag:s20] =	ssyncset.done $0x0  }
0x162: {  	[sflag:s20] =	ssyncadd.s32 $0xFFFFFF80  }
0x163: {  	[tilespmem:s19], [sflag:$0x3] =	stream.indirect.gather [spmem:s2], $0x80, s10, s22, $0xb8;
	[tilespmem:$0x1C880] =	vst v63  }
0x164: {  	_ =	swait.ge [sflag:s20], $0x4000  }
0x165: {  	[sflag:s20] =	ssyncset.done $0x0  }
0x166: {  	s7 =	rddreg [dreg:$0xe];
	[sflag:s20] =	ssyncadd.s32 $0xFFFFC000  }
0x167: {  	[hbm4b:s7+s3] =	stream.linear.scatter [tilespmem:s19], [sflag:$0x3], $0x4000, $0x38;
	[tilespmem:$0x1C880] =	vst v63  }
0x168: {  	_ =	swait.ge [sflag:s20], $0x4000  }
0x169: {  	s6 =	rddreg [dreg:$0x10]  }
0x16a: {  	s7 =	sadd.s32 $0x1, s6;
	s6 =	rddreg [dreg:$0xf]  }
0x16b: {  	p0 =	sne.s32 s7, s6  }
.Ltmp1:
0x16c: {  	_ = 	snop;
	(pc) =	sbr.rel @p0 .LBB2_1-.Ltmp1, $3  }
0x16d: {  	_ =	sdelay $0x1  }
0x16e: {  	[sflag:s20] =	ssyncset.done $0x0;
	[dreg:$0x10] =	wrdreg s7  }
0x16f: {  	[sflag:s20] =	ssyncadd.s32 $0xFFFFC000;
	s7 =	rddreg [dreg:$0x5]  }
0x170: {  	_ =	sfence.sel $0x180000  }
0x171: {  	[bflag:$0x0] =	sbarrier.arrive $0xFFFF  }
0x172: {  	_ =	strace $0x90000047  }
0x173: {  	s0 =	stileid.u32;
	[bflag:$0x2] =	sbarrier.arrive $0xFFFF  }
0x174: {  	p0 =	sne.s32 s0, $0x0;
	s0 =	rddreg [dreg:$0x3]  }
0x175: {  	s0 =	sadd.s32 @!p0 $0x100000, s0  }
0x176: {  	[sflag:s0] =	ssyncadd.tile.s32 @!p0 $0x1;
	_ =	shalt  }
.Lfunc_end2:
_tile_overlayer_lowered:
.L_overlay_start_2:
0x177: {  	(tag) =	ssettag $0x2  }
0x178: {  	s0 =	rddreg [dreg:$0x0];
	s2 =	stileid.u32  }
0x179: {  	s1 =	rddreg [dreg:$0x1];
	p0 =	sne.s32 s2, $0x0  }
0x17a: {  	s3 =	rddreg [dreg:$0x2];
	[bflag:$0x3] =	sbarrier.arrive $0xFFFF;
	s2 =	simm.s32 @!p0 $0x1C03  }
0x17b: {  	[timem:s3], [sflag:s2] =	dma.local @!p0 [hbm:s0], s1  }
0x17c: {  	s0 =	simm.s32 @!p0 $0x3  }
0x17d: {  	_ =	swait.ge @!p0 [sflag:s0], s1  }
0x17e: {  	s1 =	ssub.s32 @!p0 $0x0, s1;
	[sflag:s0] =	ssyncset.done @!p0 $0x0  }
0x17f: {  	[sflag:s0] =	ssyncadd.s32 @!p0 s1  }
0x180: {  	[bflag:$0x3] =	sbarrier.arrive $0xFFFF  }
0x181: {  	_ =	shalt  }

// kernel: kernel.13.cloned.1.call-start
scs
__scs_entry_jumppad:
0x0: {  	(pc) =	sbr.rel $0x88, $3  }
0x1: {  	(tag) =	ssettag $0x0;
	lr =	simm.s32 $0x1  }
0x2: {  	[smem:$0x3F99] =	sst lr;
	_ =	strace $0xD0000000  }
0x3: {  	_ = 	snop  }
0x4: {  	_ = 	snop  }
0x5: {  	_ = 	snop  }
0x6: {  	_ = 	snop  }
0x7: {  	_ = 	snop  }
__scs_overlays_trampoline_lowered:
0x8: {  	[smem:$0x3FA8] =	sst s0  }
0x9: {  	[smem:$0x3FA9] =	sst s1  }
0xa: {  	[smem:$0x3FAA] =	sst s2  }
0xb: {  	[smem:$0x3FAB] =	sst s3  }
0xc: {  	[smem:$0x3FAC] =	sst s4  }
0xd: {  	[smem:$0x3FAD] =	sst s5  }
0xe: {  	[smem:$0x3FAE] =	sst s6  }
0xf: {  	[smem:$0x3FAF] =	sst s7  }
0x10: {  	[smem:$0x3FB0] =	sst s8  }
0x11: {  	[smem:$0x3FB1] =	sst s9;
	s0 =	simm.s32 @!p0 $0x0  }
0x12: {  	s1 =	sld [smem:$0x3F97];
	s0 =	simm.s32 @p0 $0x1  }
0x13: {  	[smem:$0x3FB2] =	sst s0;
	s0 =	simm.s32 @!p1 $0x0  }
0x14: {  	s2 =	sld [smem:$0x3F96];
	s0 =	simm.s32 @p1 $0x1  }
0x15: {  	[smem:$0x3FB3] =	sst s0;
	s0 =	simm.s32 @!p2 $0x0  }
0x16: {  	s3 =	sld [smem:$0x3FDB];
	s0 =	simm.s32 @p2 $0x1  }
0x17: {  	s4 =	simm.s32 $0x1BF5;
	[smem:$0x3FB5] =	sst s0  }
0x18: {  	s0 =	sld [smem:$0x3F98];
	_ =	swait.ge [sflag:s4], $0x0  }
0x19: {  	s7 =	sld [smem:$0x3F99]  }
0x1a: {  	s8 =	sadd.s32 $0xFFFFE003, lr  }
0x1b: {  	s9 =	sadd.s32 $0xFFFFFEF7, lr;
	s5 =	simm.s32 $0xFFFFFFFF;
	p2 =	slt.u32 s8, $0xFFFFF086  }
0x1c: {  	p1 =	slt.u32 s9, $0xF7A;
	s5 =	simm.s32 @!p2 $0x0  }
0x1d: {  	s5 =	simm.s32 @p1 $0x1;
	p0 =	seq.s32 s7, s2  }
0x1e: {  	s7 =	smul.u32 @!p0 $0xF7A, s2;
	p2 =	seq.s32 @!p0 s5, $0x0  }
0x1f: {  	s9 =	smul.u32 $0xF7A, s1;
	s8 =	simm.s32 @!p0 $0x1BF5;
	p2 =	por !p2, p0  }
0x20: {  	[sflag:s8] =	ssyncset.s32 @!p0 $0xFFFFF086;
	s6 =	sadd.s32 @!p0 s3, s7;
	s7 =	simm.s32 @!p0 $0x108  }
0x21: {  	s3 =	sadd.s32 s3, s9;
	s6 =	sadd.s32 @!p0 $0x88, s6;
	s7 =	simm.s32 @p2 $0x1082  }
0x22: {  	[simem:s7], [sflag:s8] =	dma.local @!p0 [hbm:s6], $0xF7A  }
0x23: {  	s9 =	sor.u32 $0xD0000000, s2;
	s6 =	simm.s32 $0x108;
	_ =	swait.ge @!p0 [sflag:s8], $0x0  }
0x24: {  	s3 =	sadd.s32 $0x88, s3;
	s6 =	simm.s32 @!p1 $0x1082;
	[sflag:s4] =	ssyncset.s32 $0xFFFFF086  }
0x25: {  	[simem:s6], [sflag:s4] =	dma.local [hbm:s3], $0xF7A  }
0x26: {  	[smem:$0x3F99] =	sst s1;
	(tag) =	ssettag s2;
	_ =	strace s9  }
0x27: {  	s1 =	sld [smem:$0x3FA9]  }
0x28: {  	s2 =	sld [smem:$0x3FAA]  }
0x29: {  	s4 =	sld [smem:$0x3FAC]  }
0x2a: {  	p0 =	seq.s32 s5, $0x0;
	s5 =	sld [smem:$0x3FAD]  }
0x2b: {  	s6 =	sld [smem:$0x3FAE]  }
0x2c: {  	s7 =	sld [smem:$0x3FAF]  }
0x2d: {  	s3 =	simm.s32 $0x108;
	s8 =	sld [smem:$0x3FB0]  }
0x2e: {  	s3 =	simm.s32 @!p0 $0x1082;
	s9 =	sld [smem:$0x3FB1]  }
0x2f: {  	lr =	sadd.s32 s0, s3;
	s0 =	sld [smem:$0x3FA8]  }
0x30: {  	s3 =	sld [smem:$0x3FAB]  }
0x31: {  	[smem:$0x3FB4] =	sst s10  }
0x32: {  	s10 =	sld [smem:$0x3FB2];
	_ =	sdelay $0x3  }
0x33: {  	p0 =	seq.s32 s10, $0x1;
	s10 =	sld [smem:$0x3FB4];
	_ =	sdelay $0x3  }
0x34: {  	[smem:$0x3FB4] =	sst s10  }
0x35: {  	s10 =	sld [smem:$0x3FB3];
	_ =	sdelay $0x3  }
0x36: {  	p1 =	seq.s32 s10, $0x1;
	s10 =	sld [smem:$0x3FB4];
	_ =	sdelay $0x3  }
0x37: {  	[smem:$0x3FB4] =	sst s10  }
0x38: {  	s10 =	sld [smem:$0x3FB5]  }
0x39: {  	_ = 	snop;
	(pc) =	sbr.ind lr, $3  }
0x3a: {  	_ = 	snop  }
0x3b: {  	_ = 	snop  }
0x3c: {  	p2 =	seq.s32 s10, $0x1;
	s10 =	sld [smem:$0x3FB4]  }
0x3d: {  	_ =	shalt  }
0x3e: {  	_ =	shalt  }
0x3f: {  	_ =	shalt  }
0x40: {  	_ =	shalt  }
0x41: {  	_ =	shalt  }
0x42: {  	_ =	shalt  }
0x43: {  	_ =	shalt  }
0x44: {  	_ =	shalt  }
0x45: {  	_ =	shalt  }
0x46: {  	_ =	shalt  }
0x47: {  	_ =	shalt  }
0x48: {  	_ =	shalt  }
0x49: {  	_ =	shalt  }
0x4a: {  	_ =	shalt  }
0x4b: {  	_ =	shalt  }
0x4c: {  	_ =	shalt  }
0x4d: {  	_ =	shalt  }
0x4e: {  	_ =	shalt  }
0x4f: {  	_ =	shalt  }
0x50: {  	_ =	shalt  }
0x51: {  	_ =	shalt  }
0x52: {  	_ =	shalt  }
0x53: {  	_ =	shalt  }
0x54: {  	_ =	shalt  }
0x55: {  	_ =	shalt  }
0x56: {  	_ =	shalt  }
0x57: {  	_ =	shalt  }
0x58: {  	_ =	shalt  }
0x59: {  	_ =	shalt  }
0x5a: {  	_ =	shalt  }
0x5b: {  	_ =	shalt  }
0x5c: {  	_ =	shalt  }
0x5d: {  	_ =	shalt  }
0x5e: {  	_ =	shalt  }
0x5f: {  	_ =	shalt  }
0x60: {  	_ =	shalt  }
0x61: {  	_ =	shalt  }
0x62: {  	_ =	shalt  }
0x63: {  	_ =	shalt  }
0x64: {  	_ =	shalt  }
0x65: {  	_ =	shalt  }
0x66: {  	_ =	shalt  }
0x67: {  	_ =	shalt  }
0x68: {  	_ =	shalt  }
0x69: {  	_ =	shalt  }
0x6a: {  	_ =	shalt  }
0x6b: {  	_ =	shalt  }
0x6c: {  	_ =	shalt  }
0x6d: {  	_ =	shalt  }
0x6e: {  	_ =	shalt  }
0x6f: {  	_ =	shalt  }
0x70: {  	_ =	shalt  }
0x71: {  	_ =	shalt  }
0x72: {  	_ =	shalt  }
0x73: {  	_ =	shalt  }
0x74: {  	_ =	shalt  }
0x75: {  	_ =	shalt  }
0x76: {  	_ =	shalt  }
0x77: {  	_ =	shalt  }
0x78: {  	_ =	shalt  }
0x79: {  	_ =	shalt  }
0x7a: {  	_ =	shalt  }
0x7b: {  	_ =	shalt  }
0x7c: {  	_ =	shalt  }
0x7d: {  	_ =	shalt  }
0x7e: {  	_ =	shalt  }
0x7f: {  	_ =	shalt  }
0x80: {  	_ =	shalt  }
0x81: {  	_ =	shalt  }
0x82: {  	_ =	shalt  }
0x83: {  	_ =	shalt  }
0x84: {  	_ =	shalt  }
0x85: {  	_ =	shalt  }
0x86: {  	_ =	shalt  }
0x87: {  	_ =	shalt  }
.Lfunc_end0:
.L_simem_size_0:
called_computation.2_lowered:
.L_overlay_start_0:
0x88: {  	s2 =	sld [smem:$0x3FD9]  }
0x89: {  	s3 =	sld [smem:$0x3FFE];
	_ =	sdelay $0x1  }
0x8a: {  	s1 =	srdreg.scid  }
0x8b: {  	s0 =	sand.u32 $0x1, s1  }
0x8c: {  	s17 =	sshll.u32 s0, $0xA;
	s2 =	sadd.s32 s3, s2  }
0x8d: {  	s2 =	sadd.s32 s2, s17  }
0x8e: {  	[smem:$0x3FC0] =	sst s2  }
0x8f: {  	_ = 	snop  }
0x90: {  	s2 =	sld [smem:$0x3FD0];
	(tm) =	ssettm $0x1  }
0x91: {  	s18 =	sld [smem:$0x3FFB];
	_ =	sdelay $0x3  }
0x92: {  	_ =	strace s18  }
0x93: {  	s3 =	sld [smem:$0x3FFC];
	_ =	sdelay $0x3  }
0x94: {  	_ =	strace s3  }
0x95: {  	s3 =	sld [smem:$0x3FFD];
	_ =	sdelay $0x3  }
0x96: {  	_ =	strace s3  }
0x97: {  	_ =	strace $0x8FFFFFFF  }
0x98: {  	s19 =	sld [smem:$0x3FDB];
	_ =	sdelay $0x1  }
0x99: {  	s4 =	simm.s32 $_scs_section_size  }
0x9a: {  	s5 =	simm.s32 $_size__tile_overlayer_lowered;
	s6 =	simm.s32 $_tile_overlayer_lowered  }
0x9b: {  	s22 =	simm.s32 $0x1BFF;
	s21 =	sshll.u32 s6, $0x1;
	s3 =	sadd.s32 s4, s19  }
0x9c: {  	s7 =	simm.s32 $0x0;
	s20 =	sshll.u32 s5, $0x1;
	s5 =	sadd.s32 s21, s3  }
0x9d: {  	[timem:s7], [sflag:s22] =	dma.local [hbm:s5], s20  }
0x9e: {  	_ =	swait.ge [sflag:s22], s20  }
0x9f: {  	s4 =	ssub.s32 $0x0, s20;
	[sflag:s22] =	ssyncset.done $0x0  }
0xa0: {  	[sflag:s22] =	ssyncadd.s32 s4;
	_ =	sdelay $0x1  }
0xa1: {  	s23 =	simm.s32 $0x1B8B  }
0xa2: {  	_ =	swait.ge [sflag:s23], $0x1  }
0xa3: {  	[sflag:s23] =	ssyncset.done $0x0  }
0xa4: {  	s25 =	simm.s32 $0x1B8E;
	s24 =	sld [smem:$0x3FFE];
	[sflag:s23] =	ssyncadd.s32 $0xFFFFFFFF  }
0xa5: {  	s26 =	simm.s32 $execute0_lowered;
	[smem:$0x3FD2] =	sst s25  }
0xa6: {  	s5 =	sshll.u32 s26, $0x1;
	_ =	strace $0x8000004C;
	[dreg:$0x1] =	wrdreg $0xFFFFFFFF  }
0xa7: {  	s28 =	simm.s32 $_size_execute0_lowered;
	s3 =	sadd.s32 s3, s5;
	[dreg:$0x0] =	wrdreg $0x0  }
0xa8: {  	s5 =	sshll.u32 s28, $0x1;
	[dreg:$0x2] =	wrdreg s3  }
0xa9: {  	[dreg:$0x3] =	wrdreg s5  }
0xaa: {  	[dreg:$0x4] =	wrdreg $0xC0  }
0xab: {  	_ =	task [dreg:s7], $0x5FFFF  }
0xac: {  	[dreg:$0x1] =	wrdreg $0xFFFFFFFF  }
0xad: {  	[dreg:$0x0] =	wrdreg $0x60  }
0xae: {  	[dreg:$0x2] =	wrdreg s2  }
0xaf: {  	[dreg:$0x3] =	wrdreg s24  }
0xb0: {  	[dreg:$0x4] =	wrdreg $0x88800  }
0xb1: {  	[dreg:$0x5] =	wrdreg $0x9  }
0xb2: {  	_ =	task.clear_ibuf [dreg:s7], $0x6FFFF;
	_ =	strace $0x9000004C  }
0xb3: {  	s29 =	simm.s32 $0x9;
	_ =	strace $0x8000004E  }
0xb4: {  	_ =	swait.ge [sflag:s29], $0x1  }
0xb5: {  	[sflag:s29] =	ssyncadd.s32 $0xFFFFFFFF  }
0xb6: {  	_ =	strace $0x9000004E  }
0xb7: {  	_ =	sfence  }
0xb8: {  	s30 =	sld [smem:$0x0];
	_ =	sdelay $0x2  }
0xb9: {  	s31 =	sshll.u32 s1, $0xD;
	s1 =	sshrl.u32 s1, $0x2  }
0xba: {  	s3 =	sand.u32 $0x4000, s31;
	s1 =	sadd.s32 s1, s30  }
0xbb: {  	s0 =	sor.u32 s3, s0;
	s1 =	sshll.u32 s1, $0x11  }
0xbc: {  	s0 =	sor.u32 s1, s0  }
0xbd: {  	s0 =	sadd.s32 $0x8F2B, s0  }
0xbe: {  	[sflag:s0] =	ssyncadd.remote.s32 $0x1  }
0xbf: {  	_ =	sfence.sel $0xFFFF  }
0xc0: {  	[dreg:$0x0] =	wrdreg $0xFFFFFFFF;
	(pc) =	sbr.abs _section_cstart, $3  }
0xc1: {  	[dreg:$0x1] =	wrdreg $0xFFFFFFFF  }
0xc2: {  	_ =	task.clear_ibuf [dreg:s7], $0x2FFFF;
	_ =	strace $0x9FFFFFFF  }
0xc3: {  	(tm) =	ssettm $0x7FFFFFFF  }
tec
execute0_lowered:
.L_overlay_start_1:
0x0: {  	(tag) =	ssettag $0x1  }
0x1: {  	s1 =	rddreg [dreg:$0x0]  }
0x2: {  	s0 =	rddreg [dreg:$0x1]  }
0x3: {  	s2 =	rddreg [dreg:$0x2]  }
0x4: {  	s3 =	simm.s32 $0x0;
	s4 =	srdreg.scid;
	s15 =	stileid.u32  }
0x5: {  	s28 =	simm.s32 $0x2;
	s29 =	simm.s32 $0x480;
	s30 =	simm.s32 $0x180  }
0x6: {  	s31 =	simm.s32 $0x500;
	[smem:$0x7FF] =	sst s3;
	s6 =	smul.u32 $0x280, s15  }
0x7: {  	s4 =	sand.u32 $0x1, s4;
	s7 =	sadd.s32 $0x16800, s0;
	s14 =	smul.u32 $0x14000, s15  }
0x8: {  	s21 =	sadd.s32 $0x16200, s0;
	s5 =	smul.u32 $0x5000, s4;
	_ =	strace $0x8000004D  }
0x9: {  	[dreg:$0x4] =	wrdreg s7;
	s8 =	ssub.s32 $0x2, s4;
	s4 =	smul.u32 $0x140000, s4  }
0xa: {  	s9 =	sadd.s32 $0x80, s6;
	s10 =	sshrl.u32 s8, $0x1;
	s11 =	sshrl.u32 s6, $0x3  }
0xb: {  	s22 =	sadd.s32 $0x100, s6;
	s5 =	sadd.s32 s5, s0;
	s0 =	sadd.s32 $0x17000, s0  }
0xc: {  	s12 =	sshrl.u32 s9, $0x3;
	s8 =	ssub.s32 s8, s10;
	s16 =	sadd.s32 s21, s11  }
0xd: {  	s23 =	sshrl.u32 s22, $0x3;
	s26 =	sadd.s32 s14, s4;
	s9 =	sshll.u32 s9, $0x7  }
0xe: {  	s20 =	sshll.u32 s22, $0x7;
	s10 =	simm.s32 $0x800;
	s11 =	simm.s32 $0x600  }
0xf: {  	s17 =	sadd.s32 s21, s12;
	s12 =	sadd.s32 $0x180, s6;
	s18 =	sadd.s32 s21, s23  }
0x10: {  	s6 =	sadd.s32 $0x200, s6;
	s14 =	sshrl.u32 s26, $0x3;
	s9 =	sadd.s32 s4, s9  }
0x11: {  	s22 =	sadd.s32 s4, s20;
	s20 =	simm.s32 $0x3;
	s13 =	sshrl.u32 s12, $0x3  }
0x12: {  	s25 =	sshrl.u32 s6, $0x3;
	s7 =	sadd.s32 s0, s14;
	s19 =	sshrl.u32 s9, $0x3  }
0x13: {  	s23 =	sshll.u32 s12, $0x7;
	s6 =	sshll.u32 s6, $0x7;
	s12 =	simm.s32 $0x300  }
0x14: {  	s14 =	simm.s32 $0x380;
	s24 =	sadd.s32 s21, s13;
	s21 =	sadd.s32 s21, s25  }
0x15: {  	[dreg:$0xa] =	wrdreg s7;
	s7 =	sadd.s32 s0, s19;
	s9 =	sadd.s32 s4, s23  }
0x16: {  	s4 =	sadd.s32 s4, s6;
	s25 =	smax.u32 s8, $0x1;
	s8 =	smov.u32 s17  }
0x17: {  	s19 =	simm.s32 $0x880;
	s23 =	simm.s32 $0x400;
	[dreg:$0x8] =	wrdreg s24  }
0x18: {  	s13 =	simm.s32 $0x680;
	s6 =	simm.s32 $0x0;
	[dreg:$0xb] =	wrdreg s7  }
0x19: {  	s7 =	sshrl.u32 s22, $0x3;
	s9 =	sshrl.u32 s9, $0x3;
	[dreg:$0xf] =	wrdreg s25  }
0x1a: {  	s24 =	smul.u32 $0x500, s15;
	s4 =	sshrl.u32 s4, $0x3;
	[dreg:$0x10] =	wrdreg s6  }
0x1b: {  	s22 =	simm.s32 $0x80;
	s25 =	simm.s32 $0x1;
	[dreg:$0x6] =	wrdreg s8  }
0x1c: {  	s15 =	simm.s32 $0x700;
	[dreg:$0x9] =	wrdreg s21;
	s7 =	sadd.s32 s0, s7  }
0x1d: {  	s9 =	sadd.s32 s0, s9;
	s0 =	sadd.s32 s0, s4;
	[dreg:$0xc] =	wrdreg s7  }
0x1e: {  	s4 =	simm.s32 $0x580;
	s7 =	smov.u32 s16;
	[dreg:$0xd] =	wrdreg s9  }
0x1f: {  	s9 =	smov.u32 s18;
	[dreg:$0xe] =	wrdreg s0;
	s26 =	sadd.s32 s24, s5  }
0x20: {  	s24 =	simm.s32 $0x4880;
	s0 =	simm.s32 $0x200;
	s5 =	simm.s32 $0x280  }
0x21: {  	s16 =	simm.s32 $0x780;
	s17 =	sadd.s32 $0xC200, s26;
	[dreg:$0x5] =	wrdreg s7  }
0x22: {  	s18 =	sadd.s32 $0x2200, s26;
	s26 =	simm.s32 $0x100;
	[dreg:$0x7] =	wrdreg s9  }
.LBB2_1:
0x23: {  	s6 =	rddreg [dreg:$0x4]  }
0x24: {  	[tilespmem:s19], [sflag:$0x3] =	stream.linear.gather [hbm4b:s6+s3], $0x4000, $0x38;
	[tilespmem:$0x1C880] =	vst v63  }
0x25: {  	_ =	swait.ge [sflag:s20], $0x4000  }
0x26: {  	[sflag:s20] =	ssyncset.done $0x0  }
0x27: {  	[sflag:s20] =	ssyncadd.s32 $0xFFFFC000  }
0x28: {  	[tilespmem:s10], [sflag:$0x3] =	stream.linear.gather [hbm4b:s7+s3], $0x80, $0x38;
	[tilespmem:$0x1C880] =	vst v63  }
0x29: {  	_ =	swait.ge [sflag:s20], $0x80  }
0x2a: {  	[sflag:s20] =	ssyncset.done $0x0  }
0x2b: {  	[sflag:s20] =	ssyncadd.s32 $0xFFFFFF80  }
0x2c: {  	[spmem:s2] =	stream.indirect.scatter [tilespmem:s19], [sflag:$0x3], $0x80, s10, s22, $0xb8;
	[tilespmem:$0x1C880] =	vst v63  }
0x2d: {  	_ =	swait.ge [sflag:s20], $0x4000  }
0x2e: {  	[sflag:s20] =	ssyncset.done $0x0  }
0x2f: {  	[sflag:s20] =	ssyncadd.s32 $0xFFFFC000  }
0x30: {  	[tilespmem:s10], [sflag:$0x3] =	stream.linear.gather [hbm4b:s8+s3], $0x80, $0x38;
	[tilespmem:$0x1C880] =	vst v63  }
0x31: {  	_ =	swait.ge [sflag:s20], $0x80  }
0x32: {  	[sflag:s20] =	ssyncset.done $0x0  }
0x33: {  	[sflag:s20] =	ssyncadd.s32 $0xFFFFFF80  }
0x34: {  	[spmem:s2] =	stream.indirect.scatter [tilespmem:s19], [sflag:$0x3], $0x80, s10, s22, $0xb8;
	[tilespmem:$0x1C880] =	vst v63  }
0x35: {  	_ =	swait.ge [sflag:s20], $0x4000  }
0x36: {  	[sflag:s20] =	ssyncset.done $0x0  }
0x37: {  	[sflag:s20] =	ssyncadd.s32 $0xFFFFC000  }
0x38: {  	[tilespmem:s10], [sflag:$0x3] =	stream.linear.gather [hbm4b:s9+s3], $0x80, $0x38;
	[tilespmem:$0x1C880] =	vst v63  }
0x39: {  	_ =	swait.ge [sflag:s20], $0x80  }
0x3a: {  	[sflag:s20] =	ssyncset.done $0x0  }
0x3b: {  	[sflag:s20] =	ssyncadd.s32 $0xFFFFFF80  }
0x3c: {  	[spmem:s2] =	stream.indirect.scatter [tilespmem:s19], [sflag:$0x3], $0x80, s10, s22, $0xb8;
	[tilespmem:$0x1C880] =	vst v63  }
0x3d: {  	_ =	swait.ge [sflag:s20], $0x4000  }
0x3e: {  	[sflag:s20] =	ssyncset.done $0x0  }
0x3f: {  	s9 =	rddreg [dreg:$0x8];
	[sflag:s20] =	ssyncadd.s32 $0xFFFFC000  }
0x40: {  	[tilespmem:s10], [sflag:$0x3] =	stream.linear.gather [hbm4b:s9+s3], $0x80, $0x38;
	[tilespmem:$0x1C880] =	vst v63  }
0x41: {  	_ =	swait.ge [sflag:s20], $0x80  }
0x42: {  	[sflag:s20] =	ssyncset.done $0x0  }
0x43: {  	[sflag:s20] =	ssyncadd.s32 $0xFFFFFF80  }
0x44: {  	[spmem:s2] =	stream.indirect.scatter [tilespmem:s19], [sflag:$0x3], $0x80, s10, s22, $0xb8;
	[tilespmem:$0x1C880] =	vst v63  }
0x45: {  	_ =	swait.ge [sflag:s20], $0x4000  }
0x46: {  	[sflag:s20] =	ssyncset.done $0x0  }
0x47: {  	[sflag:s20] =	ssyncadd.s32 $0xFFFFC000  }
0x48: {  	[tilespmem:s10], [sflag:$0x3] =	stream.linear.gather [hbm4b:s21+s3], $0x80, $0x38;
	[tilespmem:$0x1C880] =	vst v63  }
0x49: {  	_ =	swait.ge [sflag:s20], $0x80  }
0x4a: {  	[sflag:s20] =	ssyncset.done $0x0  }
0x4b: {  	[sflag:s20] =	ssyncadd.s32 $0xFFFFFF80  }
0x4c: {  	[spmem:s2] =	stream.indirect.scatter [tilespmem:s19], [sflag:$0x3], $0x80, s10, s22, $0xb8;
	[tilespmem:$0x1C880] =	vst v63  }
0x4d: {  	_ =	swait.ge [sflag:s20], $0x4000  }
0x4e: {  	[sflag:s20] =	ssyncset.done $0x0  }
0x4f: {  	[sflag:s20] =	ssyncadd.s32 $0xFFFFC000  }
0x50: {  	s10 =	sadd.s32 $0x0, s18;
	[bflag:$0x0] =	sbarrier.arrive $0xFFFF  }
0x51: {  	[tilespmem:s3], [sflag:$0x3] =	stream.linear.gather [hbm4b:s10+s3], $0x400, $0x38;
	[tilespmem:$0x1C880] =	vst v63  }
0x52: {  	_ =	swait.ge [sflag:s20], $0x400  }
0x53: {  	[sflag:s20] =	ssyncset.done $0x0  }
0x54: {  	s21 =	sadd.s32 $0x0, s17;
	[sflag:s20] =	ssyncadd.s32 $0xFFFFFC00  }
0x55: {  	[tilespmem:s23], [sflag:$0x3] =	stream.linear.gather [hbm4b:s21+s3], $0x400, $0x38;
	[tilespmem:$0x1C880] =	vst v63  }
0x56: {  	_ =	swait.ge [sflag:s20], $0x400  }
0x57: {  	[sflag:s20] =	ssyncset.done $0x0  }
0x58: {  	[sflag:s20] =	ssyncadd.s32 $0xFFFFFC00  }
0x59: {  	[tilespmem:s19], [sflag:$0x1] =	stream.indirect.gather [hbm4b:s1+s22], $0x80, s3, s22, $0xb8;
	[tilespmem:$0x1C880] =	vst v63  }
0x5a: {  	_ = 	snop  }
0x5b: {  	[tilespmem:s24], [sflag:$0x2] =	stream.indirect.gather [hbm4b:s1+s22], $0x80, s22, s22, $0xb8;
	[tilespmem:$0x1C880] =	vst v63  }
0x5c: {  	_ =	swait.ge [sflag:s25], $0x4000  }
0x5d: {  	[sflag:s25] =	ssyncset.done $0x0  }
0x5e: {  	[sflag:s25] =	ssyncadd.s32 $0xFFFFC000  }
0x5f: {  	[spmem:s2] =	stream.indirect.scatter.add.f32 [tilespmem:s19], [sflag:$0x3], $0x80, s23, s22, $0xb8;
	[tilespmem:$0x1C880] =	vst v63  }
0x60: {  	_ =	swait.ge [sflag:s20], $0x4000  }
0x61: {  	[sflag:s20] =	ssyncset.done $0x0  }
0x62: {  	[sflag:s20] =	ssyncadd.s32 $0xFFFFC000  }
0x63: {  	[tilespmem:s19], [sflag:$0x1] =	stream.indirect.gather [hbm4b:s1+s22], $0x80, s26, s22, $0xb8;
	[tilespmem:$0x1C880] =	vst v63  }
0x64: {  	_ =	swait.ge [sflag:s28], $0x4000  }
0x65: {  	[sflag:s28] =	ssyncset.done $0x0  }
0x66: {  	[sflag:s28] =	ssyncadd.s32 $0xFFFFC000  }
0x67: {  	[spmem:s2] =	stream.indirect.scatter.add.f32 [tilespmem:s24], [sflag:$0x3], $0x80, s29, s22, $0xb8;
	[tilespmem:$0x1C880] =	vst v63  }
0x68: {  	_ =	swait.ge [sflag:s20], $0x4000  }
0x69: {  	[sflag:s20] =	ssyncset.done $0x0  }
0x6a: {  	[sflag:s20] =	ssyncadd.s32 $0xFFFFC000  }
0x6b: {  	[tilespmem:s24], [sflag:$0x2] =	stream.indirect.gather [hbm4b:s1+s22], $0x80, s30, s22, $0xb8;
	[tilespmem:$0x1C880] =	vst v63  }
0x6c: {  	_ =	swait.ge [sflag:s25], $0x4000  }
0x6d: {  	[sflag:s25] =	ssyncset.done $0x0  }
0x6e: {  	[sflag:s25] =	ssyncadd.s32 $0xFFFFC000  }
0x6f: {  	[spmem:s2] =	stream.indirect.scatter.add.f32 [tilespmem:s19], [sflag:$0x3], $0x80, s31, s22, $0xb8;
	[tilespmem:$0x1C880] =	vst v63  }
0x70: {  	_ =	swait.ge [sflag:s20], $0x4000  }
0x71: {  	[sflag:s20] =	ssyncset.done $0x0  }
0x72: {  	[sflag:s20] =	ssyncadd.s32 $0xFFFFC000  }
0x73: {  	[tilespmem:s19], [sflag:$0x1] =	stream.indirect.gather [hbm4b:s1+s22], $0x80, s0, s22, $0xb8;
	[tilespmem:$0x1C880] =	vst v63  }
0x74: {  	_ =	swait.ge [sflag:s28], $0x4000  }
0x75: {  	[sflag:s28] =	ssyncset.done $0x0  }
0x76: {  	[sflag:s28] =	ssyncadd.s32 $0xFFFFC000  }
0x77: {  	[spmem:s2] =	stream.indirect.scatter.add.f32 [tilespmem:s24], [sflag:$0x3], $0x80, s4, s22, $0xb8;
	[tilespmem:$0x1C880] =	vst v63  }
0x78: {  	_ =	swait.ge [sflag:s20], $0x4000  }
0x79: {  	[sflag:s20] =	ssyncset.done $0x0  }
0x7a: {  	[sflag:s20] =	ssyncadd.s32 $0xFFFFC000  }
0x7b: {  	[tilespmem:s24], [sflag:$0x2] =	stream.indirect.gather [hbm4b:s1+s22], $0x80, s5, s22, $0xb8;
	[tilespmem:$0x1C880] =	vst v63  }
0x7c: {  	_ =	swait.ge [sflag:s25], $0x4000  }
0x7d: {  	[sflag:s25] =	ssyncset.done $0x0  }
0x7e: {  	[sflag:s25] =	ssyncadd.s32 $0xFFFFC000  }
0x7f: {  	[spmem:s2] =	stream.indirect.scatter.add.f32 [tilespmem:s19], [sflag:$0x3], $0x80, s11, s22, $0xb8;
	[tilespmem:$0x1C880] =	vst v63  }
0x80: {  	_ =	swait.ge [sflag:s20], $0x4000  }
0x81: {  	[sflag:s20] =	ssyncset.done $0x0  }
0x82: {  	[sflag:s20] =	ssyncadd.s32 $0xFFFFC000  }
0x83: {  	[tilespmem:s19], [sflag:$0x1] =	stream.indirect.gather [hbm4b:s1+s22], $0x80, s12, s22, $0xb8;
	[tilespmem:$0x1C880] =	vst v63  }
0x84: {  	_ =	swait.ge [sflag:s28], $0x4000  }
0x85: {  	[sflag:s28] =	ssyncset.done $0x0  }
0x86: {  	[sflag:s28] =	ssyncadd.s32 $0xFFFFC000  }
0x87: {  	[spmem:s2] =	stream.indirect.scatter.add.f32 [tilespmem:s24], [sflag:$0x3], $0x80, s13, s22, $0xb8;
	[tilespmem:$0x1C880] =	vst v63  }
0x88: {  	_ =	swait.ge [sflag:s20], $0x4000  }
0x89: {  	[sflag:s20] =	ssyncset.done $0x0  }
0x8a: {  	[sflag:s20] =	ssyncadd.s32 $0xFFFFC000  }
0x8b: {  	[tilespmem:s24], [sflag:$0x2] =	stream.indirect.gather [hbm4b:s1+s22], $0x80, s14, s22, $0xb8;
	[tilespmem:$0x1C880] =	vst v63  }
0x8c: {  	_ =	swait.ge [sflag:s25], $0x4000  }
0x8d: {  	[sflag:s25] =	ssyncset.done $0x0  }
0x8e: {  	[sflag:s25] =	ssyncadd.s32 $0xFFFFC000  }
0x8f: {  	[spmem:s2] =	stream.indirect.scatter.add.f32 [tilespmem:s19], [sflag:$0x3], $0x80, s15, s22, $0xb8;
	[tilespmem:$0x1C880] =	vst v63  }
0x90: {  	_ =	swait.ge [sflag:s20], $0x4000  }
0x91: {  	[sflag:s20] =	ssyncset.done $0x0  }
0x92: {  	[sflag:s20] =	ssyncadd.s32 $0xFFFFC000  }
0x93: {  	_ =	swait.ge [sflag:s28], $0x4000  }
0x94: {  	[sflag:s28] =	ssyncset.done $0x0  }
0x95: {  	[sflag:s28] =	ssyncadd.s32 $0xFFFFC000  }
0x96: {  	[spmem:s2] =	stream.indirect.scatter.add.f32 [tilespmem:s24], [sflag:$0x3], $0x80, s16, s22, $0xb8;
	[tilespmem:$0x1C880] =	vst v63  }
0x97: {  	s7 =	simm.s32 $0x80;
	_ =	swait.ge [sflag:s20], $0x4000  }
0x98: {  	s8 =	simm.s32 $0x100;
	s21 =	simm.s32 $0x800;
	[sflag:s20] =	ssyncset.done $0x0  }
.LBB2_2:
0x99: {  	s10 =	sadd.s32 s7, s18  }
0x9a: {  	[sflag:s20] =	ssyncadd.s32 $0xFFFFC000;
	s6 =	smov.u32 s8;
	s9 =	sadd.s32 $0x80, s8  }
0x9b: {  	[tilespmem:s3], [sflag:$0x3] =	stream.linear.gather [hbm4b:s10+s3], $0x400, $0x38;
	[tilespmem:$0x1C880] =	vst v63  }
0x9c: {  	p0 =	sne.s32 s8, $0x480;
	_ =	swait.ge [sflag:s20], $0x400  }
0x9d: {  	[sflag:s20] =	ssyncset.done $0x0  }
0x9e: {  	s8 =	sadd.s32 s7, s17;
	s7 =	smov.u32 s6;
	[sflag:s20] =	ssyncadd.s32 $0xFFFFFC00  }
0x9f: {  	[tilespmem:s23], [sflag:$0x3] =	stream.linear.gather [hbm4b:s8+s3], $0x400, $0x38;
	[tilespmem:$0x1C880] =	vst v63  }
0xa0: {  	_ =	swait.ge [sflag:s20], $0x400  }
0xa1: {  	[sflag:s20] =	ssyncset.done $0x0  }
0xa2: {  	[sflag:s20] =	ssyncadd.s32 $0xFFFFFC00  }
0xa3: {  	[tilespmem:s19], [sflag:$0x1] =	stream.indirect.gather [hbm4b:s1+s22], $0x80, s3, s22, $0xb8;
	[tilespmem:$0x1C880] =	vst v63  }
0xa4: {  	_ = 	snop  }
0xa5: {  	[tilespmem:s24], [sflag:$0x2] =	stream.indirect.gather [hbm4b:s1+s22], $0x80, s22, s22, $0xb8;
	[tilespmem:$0x1C880] =	vst v63  }
0xa6: {  	_ =	swait.ge [sflag:s25], $0x4000  }
0xa7: {  	[sflag:s25] =	ssyncset.done $0x0  }
0xa8: {  	[sflag:s25] =	ssyncadd.s32 $0xFFFFC000  }
0xa9: {  	[spmem:s2] =	stream.indirect.scatter.add.f32 [tilespmem:s19], [sflag:$0x3], $0x80, s23, s22, $0xb8;
	[tilespmem:$0x1C880] =	vst v63  }
0xaa: {  	_ =	swait.ge [sflag:s20], $0x4000  }
0xab: {  	[sflag:s20] =	ssyncset.done $0x0  }
0xac: {  	[sflag:s20] =	ssyncadd.s32 $0xFFFFC000  }
0xad: {  	[tilespmem:s19], [sflag:$0x1] =	stream.indirect.gather [hbm4b:s1+s22], $0x80, s26, s22, $0xb8;
	[tilespmem:$0x1C880] =	vst v63  }
0xae: {  	_ =	swait.ge [sflag:s28], $0x4000  }
0xaf: {  	[sflag:s28] =	ssyncset.done $0x0  }
0xb0: {  	[sflag:s28] =	ssyncadd.s32 $0xFFFFC000  }
0xb1: {  	[spmem:s2] =	stream.indirect.scatter.add.f32 [tilespmem:s24], [sflag:$0x3], $0x80, s29, s22, $0xb8;
	[tilespmem:$0x1C880] =	vst v63  }
0xb2: {  	_ =	swait.ge [sflag:s20], $0x4000  }
0xb3: {  	[sflag:s20] =	ssyncset.done $0x0  }
0xb4: {  	[sflag:s20] =	ssyncadd.s32 $0xFFFFC000  }
0xb5: {  	[tilespmem:s24], [sflag:$0x2] =	stream.indirect.gather [hbm4b:s1+s22], $0x80, s30, s22, $0xb8;
	[tilespmem:$0x1C880] =	vst v63  }
0xb6: {  	_ =	swait.ge [sflag:s25], $0x4000  }
0xb7: {  	[sflag:s25] =	ssyncset.done $0x0  }
0xb8: {  	[sflag:s25] =	ssyncadd.s32 $0xFFFFC000  }
0xb9: {  	[spmem:s2] =	stream.indirect.scatter.add.f32 [tilespmem:s19], [sflag:$0x3], $0x80, s31, s22, $0xb8;
	[tilespmem:$0x1C880] =	vst v63  }
0xba: {  	_ =	swait.ge [sflag:s20], $0x4000  }
0xbb: {  	[sflag:s20] =	ssyncset.done $0x0  }
0xbc: {  	[sflag:s20] =	ssyncadd.s32 $0xFFFFC000  }
0xbd: {  	[tilespmem:s19], [sflag:$0x1] =	stream.indirect.gather [hbm4b:s1+s22], $0x80, s0, s22, $0xb8;
	[tilespmem:$0x1C880] =	vst v63  }
0xbe: {  	_ =	swait.ge [sflag:s28], $0x4000  }
0xbf: {  	[sflag:s28] =	ssyncset.done $0x0  }
0xc0: {  	[sflag:s28] =	ssyncadd.s32 $0xFFFFC000  }
0xc1: {  	[spmem:s2] =	stream.indirect.scatter.add.f32 [tilespmem:s24], [sflag:$0x3], $0x80, s4, s22, $0xb8;
	[tilespmem:$0x1C880] =	vst v63  }
0xc2: {  	_ =	swait.ge [sflag:s20], $0x4000  }
0xc3: {  	[sflag:s20] =	ssyncset.done $0x0  }
0xc4: {  	[sflag:s20] =	ssyncadd.s32 $0xFFFFC000  }
0xc5: {  	[tilespmem:s24], [sflag:$0x2] =	stream.indirect.gather [hbm4b:s1+s22], $0x80, s5, s22, $0xb8;
	[tilespmem:$0x1C880] =	vst v63  }
0xc6: {  	_ =	swait.ge [sflag:s25], $0x4000  }
0xc7: {  	[sflag:s25] =	ssyncset.done $0x0  }
0xc8: {  	[sflag:s25] =	ssyncadd.s32 $0xFFFFC000  }
0xc9: {  	[spmem:s2] =	stream.indirect.scatter.add.f32 [tilespmem:s19], [sflag:$0x3], $0x80, s11, s22, $0xb8;
	[tilespmem:$0x1C880] =	vst v63  }
0xca: {  	_ =	swait.ge [sflag:s20], $0x4000  }
0xcb: {  	[sflag:s20] =	ssyncset.done $0x0  }
0xcc: {  	[sflag:s20] =	ssyncadd.s32 $0xFFFFC000  }
0xcd: {  	[tilespmem:s19], [sflag:$0x1] =	stream.indirect.gather [hbm4b:s1+s22], $0x80, s12, s22, $0xb8;
	[tilespmem:$0x1C880] =	vst v63  }
0xce: {  	_ =	swait.ge [sflag:s28], $0x4000  }
0xcf: {  	[sflag:s28] =	ssyncset.done $0x0  }
0xd0: {  	[sflag:s28] =	ssyncadd.s32 $0xFFFFC000  }
0xd1: {  	[spmem:s2] =	stream.indirect.scatter.add.f32 [tilespmem:s24], [sflag:$0x3], $0x80, s13, s22, $0xb8;
	[tilespmem:$0x1C880] =	vst v63  }
0xd2: {  	_ =	swait.ge [sflag:s20], $0x4000  }
0xd3: {  	[sflag:s20] =	ssyncset.done $0x0  }
0xd4: {  	[sflag:s20] =	ssyncadd.s32 $0xFFFFC000  }
0xd5: {  	[tilespmem:s24], [sflag:$0x2] =	stream.indirect.gather [hbm4b:s1+s22], $0x80, s14, s22, $0xb8;
	[tilespmem:$0x1C880] =	vst v63  }
0xd6: {  	_ =	swait.ge [sflag:s25], $0x4000  }
0xd7: {  	[sflag:s25] =	ssyncset.done $0x0  }
0xd8: {  	[sflag:s25] =	ssyncadd.s32 $0xFFFFC000  }
0xd9: {  	[spmem:s2] =	stream.indirect.scatter.add.f32 [tilespmem:s19], [sflag:$0x3], $0x80, s15, s22, $0xb8;
	[tilespmem:$0x1C880] =	vst v63  }
0xda: {  	_ =	swait.ge [sflag:s20], $0x4000  }
0xdb: {  	[sflag:s20] =	ssyncset.done $0x0  }
0xdc: {  	[sflag:s20] =	ssyncadd.s32 $0xFFFFC000  }
0xdd: {  	_ =	swait.ge [sflag:s28], $0x4000  }
.Ltmp0:
0xde: {  	[sflag:s28] =	ssyncset.done $0x0;
	(pc) =	sbr.rel @p0 .LBB2_2-.Ltmp0, $4  }
0xdf: {  	[sflag:s28] =	ssyncadd.s32 $0xFFFFC000  }
0xe0: {  	[spmem:s2] =	stream.indirect.scatter.add.f32 [tilespmem:s24], [sflag:$0x3], $0x80, s16, s22, $0xb8;
	[tilespmem:$0x1C880] =	vst v63  }
0xe1: {  	_ =	swait.ge [sflag:s20], $0x4000  }
0xe2: {  	s8 =	smov.u32 s9;
	[sflag:s20] =	ssyncset.done $0x0  }
0xe3: {  	s6 =	sadd.s32 s7, s18;
	[sflag:s20] =	ssyncadd.s32 $0xFFFFC000  }
0xe4: {  	[tilespmem:s3], [sflag:$0x3] =	stream.linear.gather [hbm4b:s6+s3], $0x400, $0x38;
	[tilespmem:$0x1C880] =	vst v63  }
0xe5: {  	_ =	swait.ge [sflag:s20], $0x400  }
0xe6: {  	[sflag:s20] =	ssyncset.done $0x0  }
0xe7: {  	s7 =	sadd.s32 s7, s17;
	[sflag:s20] =	ssyncadd.s32 $0xFFFFFC00  }
0xe8: {  	[tilespmem:s23], [sflag:$0x3] =	stream.linear.gather [hbm4b:s7+s3], $0x400, $0x38;
	[tilespmem:$0x1C880] =	vst v63  }
0xe9: {  	_ =	swait.ge [sflag:s20], $0x400  }
0xea: {  	[sflag:s20] =	ssyncset.done $0x0  }
0xeb: {  	[sflag:s20] =	ssyncadd.s32 $0xFFFFFC00  }
0xec: {  	[tilespmem:s19], [sflag:$0x1] =	stream.indirect.gather [hbm4b:s1+s22], $0x80, s3, s22, $0xb8;
	[tilespmem:$0x1C880] =	vst v63  }
0xed: {  	_ = 	snop  }
0xee: {  	[tilespmem:s24], [sflag:$0x2] =	stream.indirect.gather [hbm4b:s1+s22], $0x80, s22, s22, $0xb8;
	[tilespmem:$0x1C880] =	vst v63  }
0xef: {  	_ =	swait.ge [sflag:s25], $0x4000  }
0xf0: {  	[sflag:s25] =	ssyncset.done $0x0  }
0xf1: {  	[sflag:s25] =	ssyncadd.s32 $0xFFFFC000  }
0xf2: {  	[spmem:s2] =	stream.indirect.scatter.add.f32 [tilespmem:s19], [sflag:$0x3], $0x80, s23, s22, $0xb8;
	[tilespmem:$0x1C880] =	vst v63  }
0xf3: {  	_ =	swait.ge [sflag:s20], $0x4000  }
0xf4: {  	[sflag:s20] =	ssyncset.done $0x0  }
0xf5: {  	[sflag:s20] =	ssyncadd.s32 $0xFFFFC000  }
0xf6: {  	[tilespmem:s19], [sflag:$0x1] =	stream.indirect.gather [hbm4b:s1+s22], $0x80, s26, s22, $0xb8;
	[tilespmem:$0x1C880] =	vst v63  }
0xf7: {  	_ =	swait.ge [sflag:s28], $0x4000  }
0xf8: {  	[sflag:s28] =	ssyncset.done $0x0  }
0xf9: {  	[sflag:s28] =	ssyncadd.s32 $0xFFFFC000  }
0xfa: {  	[spmem:s2] =	stream.indirect.scatter.add.f32 [tilespmem:s24], [sflag:$0x3], $0x80, s29, s22, $0xb8;
	[tilespmem:$0x1C880] =	vst v63  }
0xfb: {  	_ =	swait.ge [sflag:s20], $0x4000  }
0xfc: {  	[sflag:s20] =	ssyncset.done $0x0  }
0xfd: {  	[sflag:s20] =	ssyncadd.s32 $0xFFFFC000  }
0xfe: {  	[tilespmem:s24], [sflag:$0x2] =	stream.indirect.gather [hbm4b:s1+s22], $0x80, s30, s22, $0xb8;
	[tilespmem:$0x1C880] =	vst v63  }
0xff: {  	_ =	swait.ge [sflag:s25], $0x4000  }
0x100: {  	[sflag:s25] =	ssyncset.done $0x0  }
0x101: {  	[sflag:s25] =	ssyncadd.s32 $0xFFFFC000  }
0x102: {  	[spmem:s2] =	stream.indirect.scatter.add.f32 [tilespmem:s19], [sflag:$0x3], $0x80, s31, s22, $0xb8;
	[tilespmem:$0x1C880] =	vst v63  }
0x103: {  	_ =	swait.ge [sflag:s20], $0x4000  }
0x104: {  	[sflag:s20] =	ssyncset.done $0x0  }
0x105: {  	[sflag:s20] =	ssyncadd.s32 $0xFFFFC000  }
0x106: {  	[tilespmem:s19], [sflag:$0x1] =	stream.indirect.gather [hbm4b:s1+s22], $0x80, s0, s22, $0xb8;
	[tilespmem:$0x1C880] =	vst v63  }
0x107: {  	_ =	swait.ge [sflag:s28], $0x4000  }
0x108: {  	[sflag:s28] =	ssyncset.done $0x0  }
0x109: {  	[sflag:s28] =	ssyncadd.s32 $0xFFFFC000  }
0x10a: {  	[spmem:s2] =	stream.indirect.scatter.add.f32 [tilespmem:s24], [sflag:$0x3], $0x80, s4, s22, $0xb8;
	[tilespmem:$0x1C880] =	vst v63  }
0x10b: {  	_ =	swait.ge [sflag:s20], $0x4000  }
0x10c: {  	[sflag:s20] =	ssyncset.done $0x0  }
0x10d: {  	[sflag:s20] =	ssyncadd.s32 $0xFFFFC000  }
0x10e: {  	[tilespmem:s24], [sflag:$0x2] =	stream.indirect.gather [hbm4b:s1+s22], $0x80, s5, s22, $0xb8;
	[tilespmem:$0x1C880] =	vst v63  }
0x10f: {  	_ =	swait.ge [sflag:s25], $0x4000  }
0x110: {  	[sflag:s25] =	ssyncset.done $0x0  }
0x111: {  	[sflag:s25] =	ssyncadd.s32 $0xFFFFC000  }
0x112: {  	[spmem:s2] =	stream.indirect.scatter.add.f32 [tilespmem:s19], [sflag:$0x3], $0x80, s11, s22, $0xb8;
	[tilespmem:$0x1C880] =	vst v63  }
0x113: {  	_ =	swait.ge [sflag:s20], $0x4000  }
0x114: {  	[sflag:s20] =	ssyncset.done $0x0  }
0x115: {  	[sflag:s20] =	ssyncadd.s32 $0xFFFFC000  }
0x116: {  	[tilespmem:s19], [sflag:$0x1] =	stream.indirect.gather [hbm4b:s1+s22], $0x80, s12, s22, $0xb8;
	[tilespmem:$0x1C880] =	vst v63  }
0x117: {  	_ =	swait.ge [sflag:s28], $0x4000  }
0x118: {  	[sflag:s28] =	ssyncset.done $0x0  }
0x119: {  	[sflag:s28] =	ssyncadd.s32 $0xFFFFC000  }
0x11a: {  	[spmem:s2] =	stream.indirect.scatter.add.f32 [tilespmem:s24], [sflag:$0x3], $0x80, s13, s22, $0xb8;
	[tilespmem:$0x1C880] =	vst v63  }
0x11b: {  	_ =	swait.ge [sflag:s20], $0x4000  }
0x11c: {  	[sflag:s20] =	ssyncset.done $0x0  }
0x11d: {  	[sflag:s20] =	ssyncadd.s32 $0xFFFFC000  }
0x11e: {  	[tilespmem:s24], [sflag:$0x2] =	stream.indirect.gather [hbm4b:s1+s22], $0x80, s14, s22, $0xb8;
	[tilespmem:$0x1C880] =	vst v63  }
0x11f: {  	_ =	swait.ge [sflag:s25], $0x4000  }
0x120: {  	[sflag:s25] =	ssyncset.done $0x0  }
0x121: {  	[sflag:s25] =	ssyncadd.s32 $0xFFFFC000  }
0x122: {  	[spmem:s2] =	stream.indirect.scatter.add.f32 [tilespmem:s19], [sflag:$0x3], $0x80, s15, s22, $0xb8;
	[tilespmem:$0x1C880] =	vst v63  }
0x123: {  	_ =	swait.ge [sflag:s20], $0x4000  }
0x124: {  	[sflag:s20] =	ssyncset.done $0x0  }
0x125: {  	[sflag:s20] =	ssyncadd.s32 $0xFFFFC000  }
0x126: {  	_ =	swait.ge [sflag:s28], $0x4000  }
0x127: {  	[sflag:s28] =	ssyncset.done $0x0  }
0x128: {  	[sflag:s28] =	ssyncadd.s32 $0xFFFFC000  }
0x129: {  	[spmem:s2] =	stream.indirect.scatter.add.f32 [tilespmem:s24], [sflag:$0x3], $0x80, s16, s22, $0xb8;
	[tilespmem:$0x1C880] =	vst v63  }
0x12a: {  	_ =	swait.ge [sflag:s20], $0x4000  }
0x12b: {  	[sflag:s20] =	ssyncset.done $0x0  }
0x12c: {  	[sflag:s20] =	ssyncadd.s32 $0xFFFFC000  }
0x12d: {  	[bflag:$0x0] =	sbarrier.arrive $0xFFFF  }
0x12e: {  	s8 =	rddreg [dreg:$0x5]  }
0x12f: {  	[tilespmem:s21], [sflag:$0x3] =	stream.linear.gather [hbm4b:s8+s3], $0x80, $0x38;
	[tilespmem:$0x1C880] =	vst v63  }
0x130: {  	_ =	swait.ge [sflag:s20], $0x80  }
0x131: {  	[sflag:s20] =	ssyncset.done $0x0  }
0x132: {  	[sflag:s20] =	ssyncadd.s32 $0xFFFFFF80  }
0x133: {  	[tilespmem:s19], [sflag:$0x3] =	stream.indirect.gather [spmem:s2], $0x80, s21, s22, $0xb8;
	[tilespmem:$0x1C880] =	vst v63  }
0x134: {  	_ =	swait.ge [sflag:s20], $0x4000  }
0x135: {  	[sflag:s20] =	ssyncset.done $0x0  }
0x136: {  	s9 =	rddreg [dreg:$0xa];
	[sflag:s20] =	ssyncadd.s32 $0xFFFFC000  }
0x137: {  	[hbm4b:s9+s3] =	stream.linear.scatter [tilespmem:s19], [sflag:$0x3], $0x4000, $0x38;
	[tilespmem:$0x1C880] =	vst v63  }
0x138: {  	_ =	swait.ge [sflag:s20], $0x4000  }
0x139: {  	[sflag:s20] =	ssyncset.done $0x0  }
0x13a: {  	s8 =	rddreg [dreg:$0x6];
	[sflag:s20] =	ssyncadd.s32 $0xFFFFC000  }
0x13b: {  	[tilespmem:s21], [sflag:$0x3] =	stream.linear.gather [hbm4b:s8+s3], $0x80, $0x38;
	[tilespmem:$0x1C880] =	vst v63  }
0x13c: {  	_ =	swait.ge [sflag:s20], $0x80  }
0x13d: {  	[sflag:s20] =	ssyncset.done $0x0  }
0x13e: {  	[sflag:s20] =	ssyncadd.s32 $0xFFFFFF80  }
0x13f: {  	[tilespmem:s19], [sflag:$0x3] =	stream.indirect.gather [spmem:s2], $0x80, s21, s22, $0xb8;
	[tilespmem:$0x1C880] =	vst v63  }
0x140: {  	_ =	swait.ge [sflag:s20], $0x4000  }
0x141: {  	[sflag:s20] =	ssyncset.done $0x0  }
0x142: {  	s10 =	rddreg [dreg:$0xb];
	[sflag:s20] =	ssyncadd.s32 $0xFFFFC000  }
0x143: {  	[hbm4b:s10+s3] =	stream.linear.scatter [tilespmem:s19], [sflag:$0x3], $0x4000, $0x38;
	[tilespmem:$0x1C880] =	vst v63  }
0x144: {  	_ =	swait.ge [sflag:s20], $0x4000  }
0x145: {  	[sflag:s20] =	ssyncset.done $0x0  }
0x146: {  	s9 =	rddreg [dreg:$0x7];
	[sflag:s20] =	ssyncadd.s32 $0xFFFFC000  }
0x147: {  	[tilespmem:s21], [sflag:$0x3] =	stream.linear.gather [hbm4b:s9+s3], $0x80, $0x38;
	[tilespmem:$0x1C880] =	vst v63  }
0x148: {  	_ =	swait.ge [sflag:s20], $0x80  }
0x149: {  	[sflag:s20] =	ssyncset.done $0x0  }
0x14a: {  	[sflag:s20] =	ssyncadd.s32 $0xFFFFFF80  }
0x14b: {  	[tilespmem:s19], [sflag:$0x3] =	stream.indirect.gather [spmem:s2], $0x80, s21, s22, $0xb8;
	[tilespmem:$0x1C880] =	vst v63  }
0x14c: {  	_ =	swait.ge [sflag:s20], $0x4000  }
0x14d: {  	[sflag:s20] =	ssyncset.done $0x0  }
0x14e: {  	s7 =	rddreg [dreg:$0xc];
	[sflag:s20] =	ssyncadd.s32 $0xFFFFC000  }
0x14f: {  	[hbm4b:s7+s3] =	stream.linear.scatter [tilespmem:s19], [sflag:$0x3], $0x4000, $0x38;
	[tilespmem:$0x1C880] =	vst v63  }
0x150: {  	_ =	swait.ge [sflag:s20], $0x4000  }
0x151: {  	[sflag:s20] =	ssyncset.done $0x0  }
0x152: {  	s10 =	rddreg [dreg:$0x8];
	[sflag:s20] =	ssyncadd.s32 $0xFFFFC000  }
0x153: {  	[tilespmem:s21], [sflag:$0x3] =	stream.linear.gather [hbm4b:s10+s3], $0x80, $0x38;
	[tilespmem:$0x1C880] =	vst v63  }
0x154: {  	_ =	swait.ge [sflag:s20], $0x80  }
0x155: {  	[sflag:s20] =	ssyncset.done $0x0  }
0x156: {  	[sflag:s20] =	ssyncadd.s32 $0xFFFFFF80  }
0x157: {  	[tilespmem:s19], [sflag:$0x3] =	stream.indirect.gather [spmem:s2], $0x80, s21, s22, $0xb8;
	[tilespmem:$0x1C880] =	vst v63  }
0x158: {  	_ =	swait.ge [sflag:s20], $0x4000  }
0x159: {  	[sflag:s20] =	ssyncset.done $0x0  }
0x15a: {  	s21 =	rddreg [dreg:$0xd];
	[sflag:s20] =	ssyncadd.s32 $0xFFFFC000  }
0x15b: {  	[hbm4b:s21+s3] =	stream.linear.scatter [tilespmem:s19], [sflag:$0x3], $0x4000, $0x38;
	[tilespmem:$0x1C880] =	vst v63  }
0x15c: {  	_ =	swait.ge [sflag:s20], $0x4000  }
0x15d: {  	[sflag:s20] =	ssyncset.done $0x0  }
0x15e: {  	s10 =	simm.s32 $0x800;
	s21 =	rddreg [dreg:$0x9];
	[sflag:s20] =	ssyncadd.s32 $0xFFFFC000  }
0x15f: {  	[tilespmem:s10], [sflag:$0x3] =	stream.linear.gather [hbm4b:s21+s3], $0x80, $0x38;
	[tilespmem:$0x1C880] =	vst v63  }
0x160: {  	_ =	swait.ge [sflag:s20], $0x80  }
0x161: {  	[sflag:s20] =	ssyncset.done $0x0  }
0x162: {  	[sflag:s20] =	ssyncadd.s32 $0xFFFFFF80  }
0x163: {  	[tilespmem:s19], [sflag:$0x3] =	stream.indirect.gather [spmem:s2], $0x80, s10, s22, $0xb8;
	[tilespmem:$0x1C880] =	vst v63  }
0x164: {  	_ =	swait.ge [sflag:s20], $0x4000  }
0x165: {  	[sflag:s20] =	ssyncset.done $0x0  }
0x166: {  	s7 =	rddreg [dreg:$0xe];
	[sflag:s20] =	ssyncadd.s32 $0xFFFFC000  }
0x167: {  	[hbm4b:s7+s3] =	stream.linear.scatter [tilespmem:s19], [sflag:$0x3], $0x4000, $0x38;
	[tilespmem:$0x1C880] =	vst v63  }
0x168: {  	_ =	swait.ge [sflag:s20], $0x4000  }
0x169: {  	s6 =	rddreg [dreg:$0x10]  }
0x16a: {  	s7 =	sadd.s32 $0x1, s6;
	s6 =	rddreg [dreg:$0xf]  }
0x16b: {  	p0 =	sne.s32 s7, s6  }
.Ltmp1:
0x16c: {  	_ = 	snop;
	(pc) =	sbr.rel @p0 .LBB2_1-.Ltmp1, $3  }
0x16d: {  	_ =	sdelay $0x1  }
0x16e: {  	[sflag:s20] =	ssyncset.done $0x0;
	[dreg:$0x10] =	wrdreg s7  }
0x16f: {  	[sflag:s20] =	ssyncadd.s32 $0xFFFFC000;
	s7 =	rddreg [dreg:$0x5]  }
0x170: {  	_ =	sfence.sel $0x180000  }
0x171: {  	[bflag:$0x0] =	sbarrier.arrive $0xFFFF  }
0x172: {  	_ =	strace $0x9000004D  }
0x173: {  	s0 =	stileid.u32;
	[bflag:$0x2] =	sbarrier.arrive $0xFFFF  }
0x174: {  	p0 =	sne.s32 s0, $0x0;
	s0 =	rddreg [dreg:$0x3]  }
0x175: {  	s0 =	sadd.s32 @!p0 $0x100000, s0  }
0x176: {  	[sflag:s0] =	ssyncadd.tile.s32 @!p0 $0x1;
	_ =	shalt  }
.Lfunc_end2:
_tile_overlayer_lowered:
.L_overlay_start_2:
0x177: {  	(tag) =	ssettag $0x2  }
0x178: {  	s0 =	rddreg [dreg:$0x0];
	s2 =	stileid.u32  }
0x179: {  	s1 =	rddreg [dreg:$0x1];
	p0 =	sne.s32 s2, $0x0  }
0x17a: {  	s3 =	rddreg [dreg:$0x2];
	[bflag:$0x3] =	sbarrier.arrive $0xFFFF;
	s2 =	simm.s32 @!p0 $0x1C03  }
0x17b: {  	[timem:s3], [sflag:s2] =	dma.local @!p0 [hbm:s0], s1  }
0x17c: {  	s0 =	simm.s32 @!p0 $0x3  }
0x17d: {  	_ =	swait.ge @!p0 [sflag:s0], s1  }
0x17e: {  	s1 =	ssub.s32 @!p0 $0x0, s1;
	[sflag:s0] =	ssyncset.done @!p0 $0x0  }
0x17f: {  	[sflag:s0] =	ssyncadd.s32 @!p0 s1  }
0x180: {  	[bflag:$0x3] =	sbarrier.arrive $0xFFFF  }
0x181: {  	_ =	shalt  }

// kernel: kernel.7.cloned.1.call-start
scs
__scs_entry_jumppad:
0x0: {  	(pc) =	sbr.rel $0x88, $3  }
0x1: {  	(tag) =	ssettag $0x0;
	lr =	simm.s32 $0x1  }
0x2: {  	[smem:$0x3F99] =	sst lr;
	_ =	strace $0xD0000000  }
0x3: {  	_ = 	snop  }
0x4: {  	_ = 	snop  }
0x5: {  	_ = 	snop  }
0x6: {  	_ = 	snop  }
0x7: {  	_ = 	snop  }
__scs_overlays_trampoline_lowered:
0x8: {  	[smem:$0x3FA8] =	sst s0  }
0x9: {  	[smem:$0x3FA9] =	sst s1  }
0xa: {  	[smem:$0x3FAA] =	sst s2  }
0xb: {  	[smem:$0x3FAB] =	sst s3  }
0xc: {  	[smem:$0x3FAC] =	sst s4  }
0xd: {  	[smem:$0x3FAD] =	sst s5  }
0xe: {  	[smem:$0x3FAE] =	sst s6  }
0xf: {  	[smem:$0x3FAF] =	sst s7  }
0x10: {  	[smem:$0x3FB0] =	sst s8  }
0x11: {  	[smem:$0x3FB1] =	sst s9;
	s0 =	simm.s32 @!p0 $0x0  }
0x12: {  	s1 =	sld [smem:$0x3F97];
	s0 =	simm.s32 @p0 $0x1  }
0x13: {  	[smem:$0x3FB2] =	sst s0;
	s0 =	simm.s32 @!p1 $0x0  }
0x14: {  	s2 =	sld [smem:$0x3F96];
	s0 =	simm.s32 @p1 $0x1  }
0x15: {  	[smem:$0x3FB3] =	sst s0;
	s0 =	simm.s32 @!p2 $0x0  }
0x16: {  	s3 =	sld [smem:$0x3FDB];
	s0 =	simm.s32 @p2 $0x1  }
0x17: {  	s4 =	simm.s32 $0x1BF5;
	[smem:$0x3FB5] =	sst s0  }
0x18: {  	s0 =	sld [smem:$0x3F98];
	_ =	swait.ge [sflag:s4], $0x0  }
0x19: {  	s7 =	sld [smem:$0x3F99]  }
0x1a: {  	s8 =	sadd.s32 $0xFFFFE003, lr  }
0x1b: {  	s9 =	sadd.s32 $0xFFFFFEF7, lr;
	s5 =	simm.s32 $0xFFFFFFFF;
	p2 =	slt.u32 s8, $0xFFFFF086  }
0x1c: {  	p1 =	slt.u32 s9, $0xF7A;
	s5 =	simm.s32 @!p2 $0x0  }
0x1d: {  	s5 =	simm.s32 @p1 $0x1;
	p0 =	seq.s32 s7, s2  }
0x1e: {  	s7 =	smul.u32 @!p0 $0xF7A, s2;
	p2 =	seq.s32 @!p0 s5, $0x0  }
0x1f: {  	s9 =	smul.u32 $0xF7A, s1;
	s8 =	simm.s32 @!p0 $0x1BF5;
	p2 =	por !p2, p0  }
0x20: {  	[sflag:s8] =	ssyncset.s32 @!p0 $0xFFFFF086;
	s6 =	sadd.s32 @!p0 s3, s7;
	s7 =	simm.s32 @!p0 $0x108  }
0x21: {  	s3 =	sadd.s32 s3, s9;
	s6 =	sadd.s32 @!p0 $0x88, s6;
	s7 =	simm.s32 @p2 $0x1082  }
0x22: {  	[simem:s7], [sflag:s8] =	dma.local @!p0 [hbm:s6], $0xF7A  }
0x23: {  	s9 =	sor.u32 $0xD0000000, s2;
	s6 =	simm.s32 $0x108;
	_ =	swait.ge @!p0 [sflag:s8], $0x0  }
0x24: {  	s3 =	sadd.s32 $0x88, s3;
	s6 =	simm.s32 @!p1 $0x1082;
	[sflag:s4] =	ssyncset.s32 $0xFFFFF086  }
0x25: {  	[simem:s6], [sflag:s4] =	dma.local [hbm:s3], $0xF7A  }
0x26: {  	[smem:$0x3F99] =	sst s1;
	(tag) =	ssettag s2;
	_ =	strace s9  }
0x27: {  	s1 =	sld [smem:$0x3FA9]  }
0x28: {  	s2 =	sld [smem:$0x3FAA]  }
0x29: {  	s4 =	sld [smem:$0x3FAC]  }
0x2a: {  	p0 =	seq.s32 s5, $0x0;
	s5 =	sld [smem:$0x3FAD]  }
0x2b: {  	s6 =	sld [smem:$0x3FAE]  }
0x2c: {  	s7 =	sld [smem:$0x3FAF]  }
0x2d: {  	s3 =	simm.s32 $0x108;
	s8 =	sld [smem:$0x3FB0]  }
0x2e: {  	s3 =	simm.s32 @!p0 $0x1082;
	s9 =	sld [smem:$0x3FB1]  }
0x2f: {  	lr =	sadd.s32 s0, s3;
	s0 =	sld [smem:$0x3FA8]  }
0x30: {  	s3 =	sld [smem:$0x3FAB]  }
0x31: {  	[smem:$0x3FB4] =	sst s10  }
0x32: {  	s10 =	sld [smem:$0x3FB2];
	_ =	sdelay $0x3  }
0x33: {  	p0 =	seq.s32 s10, $0x1;
	s10 =	sld [smem:$0x3FB4];
	_ =	sdelay $0x3  }
0x34: {  	[smem:$0x3FB4] =	sst s10  }
0x35: {  	s10 =	sld [smem:$0x3FB3];
	_ =	sdelay $0x3  }
0x36: {  	p1 =	seq.s32 s10, $0x1;
	s10 =	sld [smem:$0x3FB4];
	_ =	sdelay $0x3  }
0x37: {  	[smem:$0x3FB4] =	sst s10  }
0x38: {  	s10 =	sld [smem:$0x3FB5]  }
0x39: {  	_ = 	snop;
	(pc) =	sbr.ind lr, $3  }
0x3a: {  	_ = 	snop  }
0x3b: {  	_ = 	snop  }
0x3c: {  	p2 =	seq.s32 s10, $0x1;
	s10 =	sld [smem:$0x3FB4]  }
0x3d: {  	_ =	shalt  }
0x3e: {  	_ =	shalt  }
0x3f: {  	_ =	shalt  }
0x40: {  	_ =	shalt  }
0x41: {  	_ =	shalt  }
0x42: {  	_ =	shalt  }
0x43: {  	_ =	shalt  }
0x44: {  	_ =	shalt  }
0x45: {  	_ =	shalt  }
0x46: {  	_ =	shalt  }
0x47: {  	_ =	shalt  }
0x48: {  	_ =	shalt  }
0x49: {  	_ =	shalt  }
0x4a: {  	_ =	shalt  }
0x4b: {  	_ =	shalt  }
0x4c: {  	_ =	shalt  }
0x4d: {  	_ =	shalt  }
0x4e: {  	_ =	shalt  }
0x4f: {  	_ =	shalt  }
0x50: {  	_ =	shalt  }
0x51: {  	_ =	shalt  }
0x52: {  	_ =	shalt  }
0x53: {  	_ =	shalt  }
0x54: {  	_ =	shalt  }
0x55: {  	_ =	shalt  }
0x56: {  	_ =	shalt  }
0x57: {  	_ =	shalt  }
0x58: {  	_ =	shalt  }
0x59: {  	_ =	shalt  }
0x5a: {  	_ =	shalt  }
0x5b: {  	_ =	shalt  }
0x5c: {  	_ =	shalt  }
0x5d: {  	_ =	shalt  }
0x5e: {  	_ =	shalt  }
0x5f: {  	_ =	shalt  }
0x60: {  	_ =	shalt  }
0x61: {  	_ =	shalt  }
0x62: {  	_ =	shalt  }
0x63: {  	_ =	shalt  }
0x64: {  	_ =	shalt  }
0x65: {  	_ =	shalt  }
0x66: {  	_ =	shalt  }
0x67: {  	_ =	shalt  }
0x68: {  	_ =	shalt  }
0x69: {  	_ =	shalt  }
0x6a: {  	_ =	shalt  }
0x6b: {  	_ =	shalt  }
0x6c: {  	_ =	shalt  }
0x6d: {  	_ =	shalt  }
0x6e: {  	_ =	shalt  }
0x6f: {  	_ =	shalt  }
0x70: {  	_ =	shalt  }
0x71: {  	_ =	shalt  }
0x72: {  	_ =	shalt  }
0x73: {  	_ =	shalt  }
0x74: {  	_ =	shalt  }
0x75: {  	_ =	shalt  }
0x76: {  	_ =	shalt  }
0x77: {  	_ =	shalt  }
0x78: {  	_ =	shalt  }
0x79: {  	_ =	shalt  }
0x7a: {  	_ =	shalt  }
0x7b: {  	_ =	shalt  }
0x7c: {  	_ =	shalt  }
0x7d: {  	_ =	shalt  }
0x7e: {  	_ =	shalt  }
0x7f: {  	_ =	shalt  }
0x80: {  	_ =	shalt  }
0x81: {  	_ =	shalt  }
0x82: {  	_ =	shalt  }
0x83: {  	_ =	shalt  }
0x84: {  	_ =	shalt  }
0x85: {  	_ =	shalt  }
0x86: {  	_ =	shalt  }
0x87: {  	_ =	shalt  }
.Lfunc_end0:
.L_simem_size_0:
called_computation_lowered:
.L_overlay_start_0:
0x88: {  	s2 =	sld [smem:$0x3FD9]  }
0x89: {  	s3 =	sld [smem:$0x3FFE];
	_ =	sdelay $0x1  }
0x8a: {  	s1 =	srdreg.scid  }
0x8b: {  	s0 =	sand.u32 $0x1, s1  }
0x8c: {  	s17 =	sshll.u32 s0, $0xA;
	s2 =	sadd.s32 s3, s2  }
0x8d: {  	s2 =	sadd.s32 s2, s17  }
0x8e: {  	[smem:$0x3FC0] =	sst s2  }
0x8f: {  	_ = 	snop  }
0x90: {  	s18 =	sld [smem:$0x3FD0];
	(tm) =	ssettm $0x1  }
0x91: {  	s19 =	sld [smem:$0x3FFB];
	_ =	sdelay $0x3  }
0x92: {  	_ =	strace s19  }
0x93: {  	s2 =	sld [smem:$0x3FFC];
	_ =	sdelay $0x3  }
0x94: {  	_ =	strace s2  }
0x95: {  	s2 =	sld [smem:$0x3FFD];
	_ =	sdelay $0x3  }
0x96: {  	_ =	strace s2  }
0x97: {  	_ =	strace $0x8FFFFFFF  }
0x98: {  	s20 =	sld [smem:$0x3FDB];
	_ =	sdelay $0x1  }
0x99: {  	s4 =	simm.s32 $_scs_section_size  }
0x9a: {  	s5 =	simm.s32 $_size__tile_overlayer_lowered;
	s6 =	simm.s32 $_tile_overlayer_lowered  }
0x9b: {  	s7 =	simm.s32 $0x1BFF;
	s21 =	sshll.u32 s6, $0x1;
	s4 =	sadd.s32 s4, s20  }
0x9c: {  	s22 =	simm.s32 $0x0;
	s5 =	sshll.u32 s5, $0x1;
	s6 =	sadd.s32 s21, s4  }
0x9d: {  	[timem:s22], [sflag:s7] =	dma.local [hbm:s6], s5  }
0x9e: {  	_ =	swait.ge [sflag:s7], s5  }
0x9f: {  	s5 =	ssub.s32 $0x0, s5;
	[sflag:s7] =	ssyncset.done $0x0  }
0xa0: {  	[sflag:s7] =	ssyncadd.s32 s5;
	_ =	sdelay $0x1  }
0xa1: {  	s23 =	simm.s32 $0x1B8B  }
0xa2: {  	_ =	swait.ge [sflag:s23], $0x1  }
0xa3: {  	[sflag:s23] =	ssyncset.done $0x0  }
0xa4: {  	[sflag:s23] =	ssyncadd.s32 $0xFFFFFFFF  }
0xa5: {  	s5 =	sld [smem:$0x0]  }
0xa6: {  	s6 =	sand.u32 $0xFFFFFFFE, s1  }
0xa7: {  	p0 =	sne.s32 s1, s6  }
0xa8: {  	s6 =	sshll.u32 @p0 s6, $0xE  }
0xa9: {  	s6 =	sadd.s32 @p0 $0x11B8D, s6;
	s7 =	sshll.u32 @p0 s5, $0x11  }
0xaa: {  	s6 =	sor.u32 @p0 s7, s6  }
0xab: {  	[sflag:s6] =	ssyncadd.remote.s32 @p0 $0x1;
	_ =	sdelay $0x1  }
0xac: {  	s6 =	simm.s32 @p0 $0x1B8D  }
0xad: {  	_ =	swait.eq @p0 [sflag:s6], $0x1  }
0xae: {  	[sflag:s6] =	ssyncadd.s32 @p0 $0xFFFFFFFF  }
0xaf: {  	s7 =	sshll.u32 @!p0 s1, $0xE  }
0xb0: {  	s7 =	sor.u32 @!p0 $0x4000, s7;
	s6 =	simm.s32 @!p0 $0x1B8D  }
0xb1: {  	s5 =	sshll.u32 @!p0 s5, $0x11;
	s7 =	sadd.s32 @!p0 $0x11B8D, s7;
	_ =	swait.eq @!p0 [sflag:s6], $0x1  }
0xb2: {  	s5 =	sor.u32 @!p0 s5, s7;
	[sflag:s6] =	ssyncadd.s32 @!p0 $0xFFFFFFFF  }
0xb3: {  	s25 =	simm.s32 $0x1B8E;
	s24 =	sld [smem:$0x3FFE];
	[sflag:s5] =	ssyncadd.remote.s32 @!p0 $0x1  }
0xb4: {  	s26 =	simm.s32 $execute0_lowered;
	[smem:$0x3FD2] =	sst s25  }
0xb5: {  	s6 =	sshll.u32 s26, $0x1;
	_ =	strace $0x80000049;
	[dreg:$0x1] =	wrdreg $0xFFFFFFFF  }
0xb6: {  	s28 =	simm.s32 $_size_execute0_lowered;
	s4 =	sadd.s32 s4, s6;
	[dreg:$0x0] =	wrdreg $0x0  }
0xb7: {  	s6 =	sshll.u32 s28, $0x1;
	[dreg:$0x2] =	wrdreg s4  }
0xb8: {  	[dreg:$0x3] =	wrdreg s6  }
0xb9: {  	[dreg:$0x4] =	wrdreg $0xC0  }
0xba: {  	_ =	task [dreg:s22], $0x5FFFF  }
0xbb: {  	[dreg:$0x1] =	wrdreg $0xFFFFFFFF  }
0xbc: {  	[dreg:$0x0] =	wrdreg $0x60  }
0xbd: {  	[dreg:$0x2] =	wrdreg s24  }
0xbe: {  	[dreg:$0x3] =	wrdreg s18  }
0xbf: {  	[dreg:$0x4] =	wrdreg $0x44800  }
0xc0: {  	[dreg:$0x5] =	wrdreg $0x9  }
0xc1: {  	_ =	task.clear_ibuf [dreg:s22], $0x6FFFF;
	_ =	strace $0x90000049  }
0xc2: {  	s29 =	simm.s32 $0x9;
	_ =	strace $0x8000004B  }
0xc3: {  	_ =	swait.ge [sflag:s29], $0x1  }
0xc4: {  	[sflag:s29] =	ssyncadd.s32 $0xFFFFFFFF  }
0xc5: {  	_ =	strace $0x9000004B  }
0xc6: {  	_ =	sfence  }
0xc7: {  	s30 =	sld [smem:$0x0];
	_ =	sdelay $0x2  }
0xc8: {  	s31 =	sshll.u32 s1, $0xD;
	s1 =	sshrl.u32 s1, $0x2  }
0xc9: {  	s4 =	sand.u32 $0x4000, s31;
	s1 =	sadd.s32 s1, s30  }
0xca: {  	s0 =	sor.u32 s4, s0;
	s1 =	sshll.u32 s1, $0x11  }
0xcb: {  	s0 =	sor.u32 s1, s0  }
0xcc: {  	s0 =	sadd.s32 $0x8F2B, s0  }
0xcd: {  	[sflag:s0] =	ssyncadd.remote.s32 $0x1  }
0xce: {  	_ =	sfence.sel $0xFFFF  }
0xcf: {  	[dreg:$0x0] =	wrdreg $0xFFFFFFFF;
	(pc) =	sbr.abs _section_cstart, $3  }
0xd0: {  	[dreg:$0x1] =	wrdreg $0xFFFFFFFF  }
0xd1: {  	_ =	task.clear_ibuf [dreg:s22], $0x2FFFF;
	_ =	strace $0x9FFFFFFF  }
0xd2: {  	(tm) =	ssettm $0x7FFFFFFF  }
0xd3: {  	_ =	shalt  }
tec
execute0_lowered:
.L_overlay_start_1:
0x0: {  	(tag) =	ssettag $0x1  }
0x1: {  	s0 =	rddreg [dreg:$0x0];
	s3 =	srdreg.scid  }
0x2: {  	s2 =	rddreg [dreg:$0x2];
	s4 =	simm.s32 $0x0;
	s1 =	stileid.u32  }
0x3: {  	s28 =	simm.s32 $0x380;
	s29 =	simm.s32 $0x1;
	s30 =	simm.s32 $0x0  }
0x4: {  	s3 =	sand.u32 $0x1, s3;
	[smem:$0x7FF] =	sst s4;
	s8 =	smul.u32 $0x280, s1  }
0x5: {  	s10 =	sadd.s32 $0x16200, s0;
	s5 =	smul.u32 $0x5000, s3;
	s6 =	ssub.s32 $0x2, s3  }
0x6: {  	_ =	strace $0x8000004A;
	s3 =	smul.u32 $0x140000, s3;
	s7 =	sshrl.u32 s6, $0x1  }
0x7: {  	s11 =	sadd.s32 $0x80, s8;
	s17 =	sshrl.u32 s8, $0x3;
	s12 =	sadd.s32 $0x100, s8  }
0x8: {  	s13 =	sadd.s32 $0x180, s8;
	s15 =	sadd.s32 s5, s0;
	s5 =	sadd.s32 $0x16800, s0  }
0x9: {  	s0 =	sadd.s32 $0x67000, s0;
	s16 =	ssub.s32 s6, s7;
	s18 =	sshrl.u32 s11, $0x3  }
0xa: {  	s6 =	sadd.s32 s10, s17;
	s9 =	sshrl.u32 s12, $0x3;
	s14 =	sshrl.u32 s13, $0x3  }
0xb: {  	s17 =	sadd.s32 $0x200, s8;
	s11 =	sshll.u32 s11, $0x7;
	s12 =	sshll.u32 s12, $0x7  }
0xc: {  	s13 =	sshll.u32 s13, $0x7;
	s7 =	sadd.s32 s10, s18;
	s18 =	smul.u32 $0x14000, s1  }
0xd: {  	s8 =	sadd.s32 s10, s9;
	s9 =	sadd.s32 s10, s14;
	s19 =	sshrl.u32 s17, $0x3  }
0xe: {  	s21 =	sadd.s32 s3, s11;
	s23 =	sadd.s32 s3, s12;
	s25 =	sadd.s32 s3, s13  }
0xf: {  	s17 =	sshll.u32 s17, $0x7;
	s16 =	smax.u32 s16, $0x1;
	s10 =	sadd.s32 s10, s19  }
0x10: {  	s22 =	sshrl.u32 s21, $0x3;
	s24 =	sshrl.u32 s23, $0x3;
	s19 =	smul.u32 $0x500, s1  }
0x11: {  	s26 =	sshrl.u32 s25, $0x3;
	s21 =	simm.s32 $0x80;
	s23 =	simm.s32 $0x180  }
0x12: {  	s25 =	simm.s32 $0x280;
	s20 =	sadd.s32 s18, s3;
	s12 =	sadd.s32 s0, s22  }
0x13: {  	s13 =	sadd.s32 s0, s24;
	s3 =	sadd.s32 s3, s17;
	s18 =	simm.s32 $0x480  }
0x14: {  	s22 =	simm.s32 $0x100;
	s24 =	simm.s32 $0x200;
	s14 =	sshrl.u32 s20, $0x3  }
0x15: {  	s3 =	sshrl.u32 s3, $0x3;
	s31 =	sadd.s32 s19, s15;
	s19 =	simm.s32 $0x2  }
0x16: {  	s20 =	simm.s32 $0x400;
	s11 =	sadd.s32 s0, s14;
	s14 =	sadd.s32 s0, s26  }
0x17: {  	s15 =	sadd.s32 s0, s3;
	s17 =	sadd.s32 $0xC200, s31;
	s26 =	simm.s32 $0x300  }
.LBB2_1:
0x18: {  	[tilespmem:s18], [sflag:$0x2] =	stream.linear.gather [hbm4b:s5+s4], $0x4000, $0x38;
	[tilespmem:$0x18480] =	vst v63  }
0x19: {  	_ =	swait.ge [sflag:s19], $0x4000  }
0x1a: {  	[sflag:s19] =	ssyncset.done $0x0  }
0x1b: {  	[sflag:s19] =	ssyncadd.s32 $0xFFFFC000  }
0x1c: {  	[tilespmem:s20], [sflag:$0x2] =	stream.linear.gather [hbm4b:s6+s4], $0x80, $0x38;
	[tilespmem:$0x18480] =	vst v63  }
0x1d: {  	_ =	swait.ge [sflag:s19], $0x80  }
0x1e: {  	[sflag:s19] =	ssyncset.done $0x0  }
0x1f: {  	[sflag:s19] =	ssyncadd.s32 $0xFFFFFF80  }
0x20: {  	[spmem:s2] =	stream.indirect.scatter [tilespmem:s18], [sflag:$0x2], $0x80, s20, s21, $0xb8;
	[tilespmem:$0x18480] =	vst v63  }
0x21: {  	_ =	swait.ge [sflag:s19], $0x4000  }
0x22: {  	[sflag:s19] =	ssyncset.done $0x0  }
0x23: {  	[sflag:s19] =	ssyncadd.s32 $0xFFFFC000  }
0x24: {  	[tilespmem:s20], [sflag:$0x2] =	stream.linear.gather [hbm4b:s7+s4], $0x80, $0x38;
	[tilespmem:$0x18480] =	vst v63  }
0x25: {  	_ =	swait.ge [sflag:s19], $0x80  }
0x26: {  	[sflag:s19] =	ssyncset.done $0x0  }
0x27: {  	[sflag:s19] =	ssyncadd.s32 $0xFFFFFF80  }
0x28: {  	[spmem:s2] =	stream.indirect.scatter [tilespmem:s18], [sflag:$0x2], $0x80, s20, s21, $0xb8;
	[tilespmem:$0x18480] =	vst v63  }
0x29: {  	_ =	swait.ge [sflag:s19], $0x4000  }
0x2a: {  	[sflag:s19] =	ssyncset.done $0x0  }
0x2b: {  	[sflag:s19] =	ssyncadd.s32 $0xFFFFC000  }
0x2c: {  	[tilespmem:s20], [sflag:$0x2] =	stream.linear.gather [hbm4b:s8+s4], $0x80, $0x38;
	[tilespmem:$0x18480] =	vst v63  }
0x2d: {  	_ =	swait.ge [sflag:s19], $0x80  }
0x2e: {  	[sflag:s19] =	ssyncset.done $0x0  }
0x2f: {  	[sflag:s19] =	ssyncadd.s32 $0xFFFFFF80  }
0x30: {  	[spmem:s2] =	stream.indirect.scatter [tilespmem:s18], [sflag:$0x2], $0x80, s20, s21, $0xb8;
	[tilespmem:$0x18480] =	vst v63  }
0x31: {  	_ =	swait.ge [sflag:s19], $0x4000  }
0x32: {  	[sflag:s19] =	ssyncset.done $0x0  }
0x33: {  	[sflag:s19] =	ssyncadd.s32 $0xFFFFC000  }
0x34: {  	[tilespmem:s20], [sflag:$0x2] =	stream.linear.gather [hbm4b:s9+s4], $0x80, $0x38;
	[tilespmem:$0x18480] =	vst v63  }
0x35: {  	_ =	swait.ge [sflag:s19], $0x80  }
0x36: {  	[sflag:s19] =	ssyncset.done $0x0  }
0x37: {  	[sflag:s19] =	ssyncadd.s32 $0xFFFFFF80  }
0x38: {  	[spmem:s2] =	stream.indirect.scatter [tilespmem:s18], [sflag:$0x2], $0x80, s20, s21, $0xb8;
	[tilespmem:$0x18480] =	vst v63  }
0x39: {  	_ =	swait.ge [sflag:s19], $0x4000  }
0x3a: {  	[sflag:s19] =	ssyncset.done $0x0  }
0x3b: {  	[sflag:s19] =	ssyncadd.s32 $0xFFFFC000  }
0x3c: {  	[tilespmem:s20], [sflag:$0x2] =	stream.linear.gather [hbm4b:s10+s4], $0x80, $0x38;
	[tilespmem:$0x18480] =	vst v63  }
0x3d: {  	_ =	swait.ge [sflag:s19], $0x80  }
0x3e: {  	[sflag:s19] =	ssyncset.done $0x0  }
0x3f: {  	[sflag:s19] =	ssyncadd.s32 $0xFFFFFF80  }
0x40: {  	[spmem:s2] =	stream.indirect.scatter [tilespmem:s18], [sflag:$0x2], $0x80, s20, s21, $0xb8;
	[tilespmem:$0x18480] =	vst v63  }
0x41: {  	_ =	swait.ge [sflag:s19], $0x4000  }
0x42: {  	[sflag:s19] =	ssyncset.done $0x0  }
0x43: {  	[sflag:s19] =	ssyncadd.s32 $0xFFFFC000  }
0x44: {  	s0 =	rddreg [dreg:$0x1]  }
0x45: {  	[tilespmem:s18], [sflag:$0x2] =	stream.linear.gather [hbm4b:s0+s4], $0x4000, $0x38;
	[tilespmem:$0x18480] =	vst v63  }
0x46: {  	_ =	swait.ge [sflag:s19], $0x4000  }
0x47: {  	[sflag:s19] =	ssyncset.done $0x0  }
0x48: {  	[sflag:s19] =	ssyncadd.s32 $0xFFFFC000  }
0x49: {  	s3 =	sadd.s32 $0x0, s17;
	[bflag:$0x0] =	sbarrier.arrive $0xFFFF  }
0x4a: {  	[tilespmem:s4], [sflag:$0x2] =	stream.linear.gather [hbm4b:s3+s4], $0x400, $0x38;
	[tilespmem:$0x18480] =	vst v63  }
0x4b: {  	_ =	swait.ge [sflag:s19], $0x400  }
0x4c: {  	[sflag:s19] =	ssyncset.done $0x0  }
0x4d: {  	[sflag:s19] =	ssyncadd.s32 $0xFFFFFC00  }
0x4e: {  	[spmem:s2] =	stream.indirect.scatter.add.f32 [tilespmem:s18], [sflag:$0x1], $0x80, s4, s21, $0xb8;
	[tilespmem:$0x18480] =	vst v63  }
0x4f: {  	_ = 	snop  }
0x50: {  	[spmem:s2] =	stream.indirect.scatter.add.f32 [tilespmem:s18], [sflag:$0x1], $0x80, s21, s21, $0xb8;
	[tilespmem:$0x18480] =	vst v63  }
0x51: {  	_ = 	snop  }
0x52: {  	[spmem:s2] =	stream.indirect.scatter.add.f32 [tilespmem:s18], [sflag:$0x1], $0x80, s22, s21, $0xb8;
	[tilespmem:$0x18480] =	vst v63  }
0x53: {  	_ = 	snop  }
0x54: {  	[spmem:s2] =	stream.indirect.scatter.add.f32 [tilespmem:s18], [sflag:$0x1], $0x80, s23, s21, $0xb8;
	[tilespmem:$0x18480] =	vst v63  }
0x55: {  	_ = 	snop  }
0x56: {  	[spmem:s2] =	stream.indirect.scatter.add.f32 [tilespmem:s18], [sflag:$0x1], $0x80, s24, s21, $0xb8;
	[tilespmem:$0x18480] =	vst v63  }
0x57: {  	_ = 	snop  }
0x58: {  	[spmem:s2] =	stream.indirect.scatter.add.f32 [tilespmem:s18], [sflag:$0x1], $0x80, s25, s21, $0xb8;
	[tilespmem:$0x18480] =	vst v63  }
0x59: {  	_ = 	snop  }
0x5a: {  	[spmem:s2] =	stream.indirect.scatter.add.f32 [tilespmem:s18], [sflag:$0x1], $0x80, s26, s21, $0xb8;
	[tilespmem:$0x18480] =	vst v63  }
0x5b: {  	_ = 	snop  }
0x5c: {  	[spmem:s2] =	stream.indirect.scatter.add.f32 [tilespmem:s18], [sflag:$0x1], $0x80, s28, s21, $0xb8;
	[tilespmem:$0x18480] =	vst v63  }
0x5d: {  	_ =	swait.ge [sflag:s29], $0x4000  }
0x5e: {  	[sflag:s29] =	ssyncset.done $0x0  }
0x5f: {  	[sflag:s29] =	ssyncadd.s32 $0xFFFFC000  }
0x60: {  	_ =	swait.ge [sflag:s29], $0x4000  }
0x61: {  	[sflag:s29] =	ssyncset.done $0x0  }
0x62: {  	[sflag:s29] =	ssyncadd.s32 $0xFFFFC000  }
0x63: {  	_ =	swait.ge [sflag:s29], $0x4000  }
0x64: {  	[sflag:s29] =	ssyncset.done $0x0  }
0x65: {  	[sflag:s29] =	ssyncadd.s32 $0xFFFFC000  }
0x66: {  	_ =	swait.ge [sflag:s29], $0x4000  }
0x67: {  	[sflag:s29] =	ssyncset.done $0x0  }
0x68: {  	[sflag:s29] =	ssyncadd.s32 $0xFFFFC000  }
0x69: {  	_ =	swait.ge [sflag:s29], $0x4000  }
0x6a: {  	[sflag:s29] =	ssyncset.done $0x0  }
0x6b: {  	[sflag:s29] =	ssyncadd.s32 $0xFFFFC000  }
0x6c: {  	_ =	swait.ge [sflag:s29], $0x4000  }
0x6d: {  	[sflag:s29] =	ssyncset.done $0x0  }
0x6e: {  	[sflag:s29] =	ssyncadd.s32 $0xFFFFC000  }
0x6f: {  	_ =	swait.ge [sflag:s29], $0x4000  }
0x70: {  	[sflag:s29] =	ssyncset.done $0x0  }
0x71: {  	[sflag:s29] =	ssyncadd.s32 $0xFFFFC000  }
0x72: {  	_ =	swait.ge [sflag:s29], $0x4000  }
0x73: {  	s31 =	simm.s32 $0x80;
	s0 =	simm.s32 $0x100;
	[sflag:s29] =	ssyncset.done $0x0  }
.LBB2_2:
0x74: {  	s1 =	sadd.s32 s31, s17  }
0x75: {  	[sflag:s29] =	ssyncadd.s32 $0xFFFFC000;
	s31 =	smov.u32 s0;
	s3 =	sadd.s32 $0x80, s0  }
0x76: {  	[tilespmem:s4], [sflag:$0x2] =	stream.linear.gather [hbm4b:s1+s4], $0x400, $0x38;
	[tilespmem:$0x18480] =	vst v63  }
0x77: {  	p0 =	sne.s32 s0, $0x480;
	_ =	swait.ge [sflag:s19], $0x400  }
0x78: {  	[sflag:s19] =	ssyncset.done $0x0  }
0x79: {  	[sflag:s19] =	ssyncadd.s32 $0xFFFFFC00  }
0x7a: {  	[spmem:s2] =	stream.indirect.scatter.add.f32 [tilespmem:s18], [sflag:$0x1], $0x80, s4, s21, $0xb8;
	[tilespmem:$0x18480] =	vst v63  }
0x7b: {  	_ = 	snop  }
0x7c: {  	[spmem:s2] =	stream.indirect.scatter.add.f32 [tilespmem:s18], [sflag:$0x1], $0x80, s21, s21, $0xb8;
	[tilespmem:$0x18480] =	vst v63  }
0x7d: {  	_ = 	snop  }
0x7e: {  	[spmem:s2] =	stream.indirect.scatter.add.f32 [tilespmem:s18], [sflag:$0x1], $0x80, s22, s21, $0xb8;
	[tilespmem:$0x18480] =	vst v63  }
0x7f: {  	_ = 	snop  }
0x80: {  	[spmem:s2] =	stream.indirect.scatter.add.f32 [tilespmem:s18], [sflag:$0x1], $0x80, s23, s21, $0xb8;
	[tilespmem:$0x18480] =	vst v63  }
0x81: {  	_ = 	snop  }
0x82: {  	[spmem:s2] =	stream.indirect.scatter.add.f32 [tilespmem:s18], [sflag:$0x1], $0x80, s24, s21, $0xb8;
	[tilespmem:$0x18480] =	vst v63  }
0x83: {  	_ = 	snop  }
0x84: {  	[spmem:s2] =	stream.indirect.scatter.add.f32 [tilespmem:s18], [sflag:$0x1], $0x80, s25, s21, $0xb8;
	[tilespmem:$0x18480] =	vst v63  }
0x85: {  	_ = 	snop  }
0x86: {  	[spmem:s2] =	stream.indirect.scatter.add.f32 [tilespmem:s18], [sflag:$0x1], $0x80, s26, s21, $0xb8;
	[tilespmem:$0x18480] =	vst v63  }
0x87: {  	_ = 	snop  }
0x88: {  	[spmem:s2] =	stream.indirect.scatter.add.f32 [tilespmem:s18], [sflag:$0x1], $0x80, s28, s21, $0xb8;
	[tilespmem:$0x18480] =	vst v63  }
0x89: {  	_ =	swait.ge [sflag:s29], $0x4000  }
0x8a: {  	[sflag:s29] =	ssyncset.done $0x0  }
0x8b: {  	[sflag:s29] =	ssyncadd.s32 $0xFFFFC000  }
0x8c: {  	_ =	swait.ge [sflag:s29], $0x4000  }
0x8d: {  	[sflag:s29] =	ssyncset.done $0x0  }
0x8e: {  	[sflag:s29] =	ssyncadd.s32 $0xFFFFC000  }
0x8f: {  	_ =	swait.ge [sflag:s29], $0x4000  }
0x90: {  	[sflag:s29] =	ssyncset.done $0x0  }
0x91: {  	[sflag:s29] =	ssyncadd.s32 $0xFFFFC000  }
0x92: {  	_ =	swait.ge [sflag:s29], $0x4000  }
0x93: {  	[sflag:s29] =	ssyncset.done $0x0  }
0x94: {  	[sflag:s29] =	ssyncadd.s32 $0xFFFFC000  }
0x95: {  	_ =	swait.ge [sflag:s29], $0x4000  }
0x96: {  	[sflag:s29] =	ssyncset.done $0x0  }
0x97: {  	[sflag:s29] =	ssyncadd.s32 $0xFFFFC000  }
0x98: {  	_ =	swait.ge [sflag:s29], $0x4000  }
0x99: {  	[sflag:s29] =	ssyncset.done $0x0  }
0x9a: {  	[sflag:s29] =	ssyncadd.s32 $0xFFFFC000  }
.Ltmp0:
0x9b: {  	_ =	swait.ge [sflag:s29], $0x4000;
	(pc) =	sbr.rel @p0 .LBB2_2-.Ltmp0, $4  }
0x9c: {  	[sflag:s29] =	ssyncset.done $0x0  }
0x9d: {  	[sflag:s29] =	ssyncadd.s32 $0xFFFFC000  }
0x9e: {  	_ =	swait.ge [sflag:s29], $0x4000  }
0x9f: {  	s0 =	smov.u32 s3;
	[sflag:s29] =	ssyncset.done $0x0  }
0xa0: {  	s0 =	sadd.s32 s31, s17;
	[sflag:s29] =	ssyncadd.s32 $0xFFFFC000  }
0xa1: {  	[tilespmem:s4], [sflag:$0x2] =	stream.linear.gather [hbm4b:s0+s4], $0x400, $0x38;
	[tilespmem:$0x18480] =	vst v63  }
0xa2: {  	_ =	swait.ge [sflag:s19], $0x400  }
0xa3: {  	[sflag:s19] =	ssyncset.done $0x0  }
0xa4: {  	[sflag:s19] =	ssyncadd.s32 $0xFFFFFC00  }
0xa5: {  	[spmem:s2] =	stream.indirect.scatter.add.f32 [tilespmem:s18], [sflag:$0x1], $0x80, s4, s21, $0xb8;
	[tilespmem:$0x18480] =	vst v63  }
0xa6: {  	_ = 	snop  }
0xa7: {  	[spmem:s2] =	stream.indirect.scatter.add.f32 [tilespmem:s18], [sflag:$0x1], $0x80, s21, s21, $0xb8;
	[tilespmem:$0x18480] =	vst v63  }
0xa8: {  	_ = 	snop  }
0xa9: {  	[spmem:s2] =	stream.indirect.scatter.add.f32 [tilespmem:s18], [sflag:$0x1], $0x80, s22, s21, $0xb8;
	[tilespmem:$0x18480] =	vst v63  }
0xaa: {  	_ = 	snop  }
0xab: {  	[spmem:s2] =	stream.indirect.scatter.add.f32 [tilespmem:s18], [sflag:$0x1], $0x80, s23, s21, $0xb8;
	[tilespmem:$0x18480] =	vst v63  }
0xac: {  	_ = 	snop  }
0xad: {  	[spmem:s2] =	stream.indirect.scatter.add.f32 [tilespmem:s18], [sflag:$0x1], $0x80, s24, s21, $0xb8;
	[tilespmem:$0x18480] =	vst v63  }
0xae: {  	_ = 	snop  }
0xaf: {  	[spmem:s2] =	stream.indirect.scatter.add.f32 [tilespmem:s18], [sflag:$0x1], $0x80, s25, s21, $0xb8;
	[tilespmem:$0x18480] =	vst v63  }
0xb0: {  	_ = 	snop  }
0xb1: {  	[spmem:s2] =	stream.indirect.scatter.add.f32 [tilespmem:s18], [sflag:$0x1], $0x80, s26, s21, $0xb8;
	[tilespmem:$0x18480] =	vst v63  }
0xb2: {  	_ = 	snop  }
0xb3: {  	[spmem:s2] =	stream.indirect.scatter.add.f32 [tilespmem:s18], [sflag:$0x1], $0x80, s28, s21, $0xb8;
	[tilespmem:$0x18480] =	vst v63  }
0xb4: {  	_ =	swait.ge [sflag:s29], $0x4000  }
0xb5: {  	[sflag:s29] =	ssyncset.done $0x0  }
0xb6: {  	[sflag:s29] =	ssyncadd.s32 $0xFFFFC000  }
0xb7: {  	_ =	swait.ge [sflag:s29], $0x4000  }
0xb8: {  	[sflag:s29] =	ssyncset.done $0x0  }
0xb9: {  	[sflag:s29] =	ssyncadd.s32 $0xFFFFC000  }
0xba: {  	_ =	swait.ge [sflag:s29], $0x4000  }
0xbb: {  	[sflag:s29] =	ssyncset.done $0x0  }
0xbc: {  	[sflag:s29] =	ssyncadd.s32 $0xFFFFC000  }
0xbd: {  	_ =	swait.ge [sflag:s29], $0x4000  }
0xbe: {  	[sflag:s29] =	ssyncset.done $0x0  }
0xbf: {  	[sflag:s29] =	ssyncadd.s32 $0xFFFFC000  }
0xc0: {  	_ =	swait.ge [sflag:s29], $0x4000  }
0xc1: {  	[sflag:s29] =	ssyncset.done $0x0  }
0xc2: {  	[sflag:s29] =	ssyncadd.s32 $0xFFFFC000  }
0xc3: {  	_ =	swait.ge [sflag:s29], $0x4000  }
0xc4: {  	[sflag:s29] =	ssyncset.done $0x0  }
0xc5: {  	[sflag:s29] =	ssyncadd.s32 $0xFFFFC000  }
0xc6: {  	_ =	swait.ge [sflag:s29], $0x4000  }
0xc7: {  	[sflag:s29] =	ssyncset.done $0x0  }
0xc8: {  	[sflag:s29] =	ssyncadd.s32 $0xFFFFC000  }
0xc9: {  	_ =	swait.ge [sflag:s29], $0x4000  }
0xca: {  	[sflag:s29] =	ssyncset.done $0x0  }
0xcb: {  	[sflag:s29] =	ssyncadd.s32 $0xFFFFC000  }
0xcc: {  	[bflag:$0x0] =	sbarrier.arrive $0xFFFF  }
0xcd: {  	[tilespmem:s20], [sflag:$0x2] =	stream.linear.gather [hbm4b:s6+s4], $0x80, $0x38;
	[tilespmem:$0x18480] =	vst v63  }
0xce: {  	_ =	swait.ge [sflag:s19], $0x80  }
0xcf: {  	[sflag:s19] =	ssyncset.done $0x0  }
0xd0: {  	[sflag:s19] =	ssyncadd.s32 $0xFFFFFF80  }
0xd1: {  	[tilespmem:s18], [sflag:$0x2] =	stream.indirect.gather [spmem:s2], $0x80, s20, s21, $0xb8;
	[tilespmem:$0x18480] =	vst v63  }
0xd2: {  	_ =	swait.ge [sflag:s19], $0x4000  }
0xd3: {  	[sflag:s19] =	ssyncset.done $0x0  }
0xd4: {  	[sflag:s19] =	ssyncadd.s32 $0xFFFFC000  }
0xd5: {  	[hbm4b:s11+s4] =	stream.linear.scatter [tilespmem:s18], [sflag:$0x2], $0x4000, $0x38;
	[tilespmem:$0x18480] =	vst v63  }
0xd6: {  	_ =	swait.ge [sflag:s19], $0x4000  }
0xd7: {  	[sflag:s19] =	ssyncset.done $0x0  }
0xd8: {  	[sflag:s19] =	ssyncadd.s32 $0xFFFFC000  }
0xd9: {  	[tilespmem:s20], [sflag:$0x2] =	stream.linear.gather [hbm4b:s7+s4], $0x80, $0x38;
	[tilespmem:$0x18480] =	vst v63  }
0xda: {  	_ =	swait.ge [sflag:s19], $0x80  }
0xdb: {  	[sflag:s19] =	ssyncset.done $0x0  }
0xdc: {  	[sflag:s19] =	ssyncadd.s32 $0xFFFFFF80  }
0xdd: {  	[tilespmem:s18], [sflag:$0x2] =	stream.indirect.gather [spmem:s2], $0x80, s20, s21, $0xb8;
	[tilespmem:$0x18480] =	vst v63  }
0xde: {  	_ =	swait.ge [sflag:s19], $0x4000  }
0xdf: {  	[sflag:s19] =	ssyncset.done $0x0  }
0xe0: {  	[sflag:s19] =	ssyncadd.s32 $0xFFFFC000  }
0xe1: {  	[hbm4b:s12+s4] =	stream.linear.scatter [tilespmem:s18], [sflag:$0x2], $0x4000, $0x38;
	[tilespmem:$0x18480] =	vst v63  }
0xe2: {  	_ =	swait.ge [sflag:s19], $0x4000  }
0xe3: {  	[sflag:s19] =	ssyncset.done $0x0  }
0xe4: {  	[sflag:s19] =	ssyncadd.s32 $0xFFFFC000  }
0xe5: {  	[tilespmem:s20], [sflag:$0x2] =	stream.linear.gather [hbm4b:s8+s4], $0x80, $0x38;
	[tilespmem:$0x18480] =	vst v63  }
0xe6: {  	_ =	swait.ge [sflag:s19], $0x80  }
0xe7: {  	[sflag:s19] =	ssyncset.done $0x0  }
0xe8: {  	[sflag:s19] =	ssyncadd.s32 $0xFFFFFF80  }
0xe9: {  	[tilespmem:s18], [sflag:$0x2] =	stream.indirect.gather [spmem:s2], $0x80, s20, s21, $0xb8;
	[tilespmem:$0x18480] =	vst v63  }
0xea: {  	_ =	swait.ge [sflag:s19], $0x4000  }
0xeb: {  	[sflag:s19] =	ssyncset.done $0x0  }
0xec: {  	[sflag:s19] =	ssyncadd.s32 $0xFFFFC000  }
0xed: {  	[hbm4b:s13+s4] =	stream.linear.scatter [tilespmem:s18], [sflag:$0x2], $0x4000, $0x38;
	[tilespmem:$0x18480] =	vst v63  }
0xee: {  	_ =	swait.ge [sflag:s19], $0x4000  }
0xef: {  	[sflag:s19] =	ssyncset.done $0x0  }
0xf0: {  	[sflag:s19] =	ssyncadd.s32 $0xFFFFC000  }
0xf1: {  	[tilespmem:s20], [sflag:$0x2] =	stream.linear.gather [hbm4b:s9+s4], $0x80, $0x38;
	[tilespmem:$0x18480] =	vst v63  }
0xf2: {  	_ =	swait.ge [sflag:s19], $0x80  }
0xf3: {  	[sflag:s19] =	ssyncset.done $0x0  }
0xf4: {  	[sflag:s19] =	ssyncadd.s32 $0xFFFFFF80  }
0xf5: {  	[tilespmem:s18], [sflag:$0x2] =	stream.indirect.gather [spmem:s2], $0x80, s20, s21, $0xb8;
	[tilespmem:$0x18480] =	vst v63  }
0xf6: {  	_ =	swait.ge [sflag:s19], $0x4000  }
0xf7: {  	[sflag:s19] =	ssyncset.done $0x0  }
0xf8: {  	[sflag:s19] =	ssyncadd.s32 $0xFFFFC000  }
0xf9: {  	[hbm4b:s14+s4] =	stream.linear.scatter [tilespmem:s18], [sflag:$0x2], $0x4000, $0x38;
	[tilespmem:$0x18480] =	vst v63  }
0xfa: {  	_ =	swait.ge [sflag:s19], $0x4000  }
0xfb: {  	[sflag:s19] =	ssyncset.done $0x0  }
0xfc: {  	[sflag:s19] =	ssyncadd.s32 $0xFFFFC000  }
0xfd: {  	[tilespmem:s20], [sflag:$0x2] =	stream.linear.gather [hbm4b:s10+s4], $0x80, $0x38;
	[tilespmem:$0x18480] =	vst v63  }
0xfe: {  	_ =	swait.ge [sflag:s19], $0x80  }
0xff: {  	[sflag:s19] =	ssyncset.done $0x0  }
0x100: {  	[sflag:s19] =	ssyncadd.s32 $0xFFFFFF80  }
0x101: {  	[tilespmem:s18], [sflag:$0x2] =	stream.indirect.gather [spmem:s2], $0x80, s20, s21, $0xb8;
	[tilespmem:$0x18480] =	vst v63  }
0x102: {  	s30 =	sadd.s32 $0x1, s30;
	_ =	swait.ge [sflag:s19], $0x4000  }
0x103: {  	p0 =	sne.s32 s30, s16;
	[sflag:s19] =	ssyncset.done $0x0  }
.Ltmp1:
0x104: {  	[sflag:s19] =	ssyncadd.s32 $0xFFFFC000;
	(pc) =	sbr.rel @p0 .LBB2_1-.Ltmp1, $4  }
0x105: {  	[hbm4b:s15+s4] =	stream.linear.scatter [tilespmem:s18], [sflag:$0x2], $0x4000, $0x38;
	[tilespmem:$0x18480] =	vst v63  }
0x106: {  	_ =	swait.ge [sflag:s19], $0x4000  }
0x107: {  	[sflag:s19] =	ssyncset.done $0x0  }
0x108: {  	[sflag:s19] =	ssyncadd.s32 $0xFFFFC000  }
0x109: {  	_ =	sfence.sel $0x180000  }
0x10a: {  	[bflag:$0x0] =	sbarrier.arrive $0xFFFF  }
0x10b: {  	_ =	strace $0x9000004A  }
0x10c: {  	s0 =	stileid.u32;
	[bflag:$0x2] =	sbarrier.arrive $0xFFFF  }
0x10d: {  	p0 =	sne.s32 s0, $0x0;
	s0 =	rddreg [dreg:$0x3]  }
0x10e: {  	s0 =	sadd.s32 @!p0 $0x100000, s0  }
0x10f: {  	[sflag:s0] =	ssyncadd.tile.s32 @!p0 $0x1;
	_ =	shalt  }
.Lfunc_end2:
_tile_overlayer_lowered:
.L_overlay_start_2:
0x110: {  	(tag) =	ssettag $0x2  }
0x111: {  	s0 =	rddreg [dreg:$0x0];
	s2 =	stileid.u32  }
0x112: {  	s1 =	rddreg [dreg:$0x1];
	p0 =	sne.s32 s2, $0x0  }
0x113: {  	s3 =	rddreg [dreg:$0x2];
	[bflag:$0x3] =	sbarrier.arrive $0xFFFF;
	s2 =	simm.s32 @!p0 $0x1C02  }
0x114: {  	[timem:s3], [sflag:s2] =	dma.local @!p0 [hbm:s0], s1  }
0x115: {  	s0 =	simm.s32 @!p0 $0x2  }
0x116: {  	_ =	swait.ge @!p0 [sflag:s0], s1  }
0x117: {  	s1 =	ssub.s32 @!p0 $0x0, s1;
	[sflag:s0] =	ssyncset.done @!p0 $0x0  }
0x118: {  	[sflag:s0] =	ssyncadd.s32 @!p0 s1  }
0x119: {  	[bflag:$0x3] =	sbarrier.arrive $0xFFFF  }
0x11a: {  	_ =	shalt  }

</sc_bundles>
